<compile_context>
chip_gen: v7x
topology: tpu7x:2x2x1
jax: 0.10.2.dev20260603
libtpu: 0.0.44.dev20260713+nightly
codegen_flags: <defaults>
</compile_context>

<pallas_src>
import functools

import jax
import jax.numpy as jnp
from jax import lax
from jax.experimental import pallas as pl
from jax.experimental.pallas import tpu as pltpu
from jax.experimental.pallas import tpu_sc as plsc

_BATCH = 16384
_DIM = 128
_NC = 2
_NS = 16
_L = 16
_NW = _NC * _NS
_TOT = 2 * _BATCH
_PER_W = _TOT // _NW
_CHUNK = 128
_NCHUNK = _PER_W // _CHUNK
_SLOTS = 3
_DEPTH = 2
_GROUPS = _CHUNK // _L
_UNROLL = 8
_NACC = 4


def _sqrt16(x):
    xg = jnp.maximum(x, jnp.float32(1e-30))
    i = plsc.bitcast(xg, jnp.int32)
    i = jnp.int32(0x5F3759DF) - lax.shift_right_arithmetic(i, jnp.int32(1))
    y = plsc.bitcast(i, jnp.float32)
    half = jnp.float32(0.5) * xg
    for _ in range(3):
        y = y * (jnp.float32(1.5) - half * y * y)
    return xg * y


def _tec_body(hid_hbm, rid_hbm, tid_hbm, ent_hbm, rel_hbm, out_hbm,
              hidx, ridx, tidx, hbufs, tbufs, scr, obuf, hsems, tsems, isem):
    wid = lax.axis_index("s") * _NC + lax.axis_index("c")
    lane = lax.iota(jnp.int32, _L)
    wbase = wid * _PER_W

    i1 = pltpu.async_copy(hid_hbm.at[pl.ds(wbase, _PER_W)], hidx, isem)
    i2 = pltpu.async_copy(rid_hbm.at[pl.ds(wbase, _PER_W)], ridx, isem)
    i3 = pltpu.async_copy(tid_hbm.at[pl.ds(wbase, _PER_W)], tidx, isem)
    i1.wait()
    i2.wait()
    i3.wait()

    def fetch(c, slot):
        sl = pl.ds(c * _CHUNK, _CHUNK)
        return (pltpu.async_copy(ent_hbm.at[hidx.at[sl]], hbufs.at[slot], hsems[slot]),
                pltpu.async_copy(ent_hbm.at[tidx.at[sl]], tbufs.at[slot], tsems[slot]))

    def fetch_add(c, slot):
        sl = pl.ds(c * _CHUNK, _CHUNK)
        return (pltpu.async_copy(rel_hbm.at[ridx.at[sl]], hbufs.at[slot], hsems[slot],
                                 add=True),)

    pending = [fetch(c, c) for c in range(_DEPTH)]
    adds = []
    for c in range(_DEPTH - 1):
        pending[c][0].wait()
        adds.append(fetch_add(c, c))
    for c in range(_NCHUNK):
        slot = c % _SLOTS
        if c + _DEPTH - 1 < _NCHUNK:
            pending[c + _DEPTH - 1][0].wait()
            adds.append(fetch_add(c + _DEPTH - 1, (c + _DEPTH - 1) % _SLOTS))
        adds[c][0].wait()
        pending[c][1].wait()
        if c + _DEPTH < _NCHUNK:
            pending.append(fetch(c + _DEPTH, (c + _DEPTH) % _SLOTS))
        else:
            pending.append(None)
        hbuf = hbufs.at[slot]
        tbuf = tbufs.at[slot]

        def block_body(b, _):
            def row_body(r, _):
                row = b * _L + r
                accs = [jnp.zeros((_L,), jnp.float32) for _ in range(_NACC)]
                for q in range(_DIM // _L):
                    sl = pl.ds(q * _L, _L)
                    hv = hbuf[row, sl]
                    tv = tbuf[row, sl]
                    d = hv - tv
                    accs[q % _NACC] = accs[q % _NACC] + d * d
                scr[r, pl.ds(0, _L)] = (accs[0] + accs[1]) + (accs[2] + accs[3])
                return 0

            lax.fori_loop(0, _L, row_body, 0)
            red = jnp.zeros((_L,), jnp.float32)
            for j in range(_L):
                cols = jnp.full((_L,), j, jnp.int32)
                red = red + plsc.load_gather(scr, [lane, cols])
            obuf[pl.ds(c * _CHUNK + b * _L, _L)] = _sqrt16(red)
            return 0

        lax.fori_loop(0, _GROUPS, block_body, 0)

    pltpu.sync_copy(obuf, out_hbm.at[pl.ds(wbase, _PER_W)])


@jax.jit
def _transe_distances(heads, rels, tails, entities_emb, relations_emb):
    mesh = plsc.VectorSubcoreMesh(core_axis_name="c", subcore_axis_name="s",
                                  num_cores=_NC, num_subcores=_NS)
    run = functools.partial(
        pl.kernel,
        out_type=jax.ShapeDtypeStruct((_TOT,), jnp.float32),
        mesh=mesh,
        scratch_types=[
            pltpu.VMEM((_PER_W,), jnp.int32),
            pltpu.VMEM((_PER_W,), jnp.int32),
            pltpu.VMEM((_PER_W,), jnp.int32),
            pltpu.VMEM((_SLOTS, _CHUNK, _DIM), jnp.float32),
            pltpu.VMEM((_SLOTS, _CHUNK, _DIM), jnp.float32),
            pltpu.VMEM((_L, _L + 1), jnp.float32),
            pltpu.VMEM((_PER_W,), jnp.float32),
            [pltpu.SemaphoreType.DMA] * _SLOTS,
            [pltpu.SemaphoreType.DMA] * _SLOTS,
            pltpu.SemaphoreType.DMA,
        ],
        compiler_params=pltpu.CompilerParams(needs_layout_passes=False),
    )(_tec_body)
    return run(heads, rels, tails, entities_emb, relations_emb)


def kernel(positive_triplets, negative_triplets, entities_emb, relations_emb):
    heads = jnp.concatenate([positive_triplets[:, 0], negative_triplets[:, 0]])
    rels = jnp.concatenate([positive_triplets[:, 1], negative_triplets[:, 1]])
    tails = jnp.concatenate([positive_triplets[:, 2], negative_triplets[:, 2]])
    out = _transe_distances(heads, rels, tails, entities_emb, relations_emb)
    return out[:_BATCH], out[_BATCH:]

# --- scband reference (transcript-rebuilt; emitter-appended) ---
"""Pipeline reference for scband-trans-e-11398843204106 (READ-ONLY COPY).

The authoritative reference and input builder live on the scoring server;
editing this copy changes nothing except your own understanding.
"""

import jax, jax.numpy as jnp
import numpy as np

ENTITY_COUNT = 1000000
RELATION_COUNT = 100000
DIM = 128
BATCH = 16384
NORM = 2


def _init_emb(key, num_embeddings, dim):
    uniform_range = 6.0 / np.sqrt(dim)
    w = jax.random.uniform(key, (num_embeddings, dim), minval=-uniform_range, maxval=uniform_range, dtype=jnp.float32)
    w = w / jnp.linalg.norm(w, ord=2, axis=1, keepdims=True)
    return w


def setup_inputs(seed: int = 0) -> dict:
    key = jax.random.key(seed)
    k1, k2, k3, k4 = jax.random.split(key, 4)
    positive_triplets = jax.random.randint(k1, (BATCH, 3), 0, RELATION_COUNT, dtype=jnp.int32)
    negative_triplets = jax.random.randint(k2, (BATCH, 3), 0, RELATION_COUNT, dtype=jnp.int32)
    entities_emb = _init_emb(k3, ENTITY_COUNT, DIM)
    relations_emb = _init_emb(k4, RELATION_COUNT, DIM)
    return {
        "positive_triplets": positive_triplets,
        "negative_triplets": negative_triplets,
        "entities_emb": entities_emb,
        "relations_emb": relations_emb,
    }


def _distance(triplets, entities_emb, relations_emb, p):
    heads = jnp.take(entities_emb, triplets[:, 0], axis=0)
    relations = jnp.take(relations_emb, triplets[:, 1], axis=0)
    tails = jnp.take(entities_emb, triplets[:, 2], axis=0)
    d = heads + relations - tails
    return jnp.power(jnp.sum(jnp.power(jnp.abs(d), p), axis=1), 1.0 / p)


def reference(positive_triplets, negative_triplets, entities_emb, relations_emb):
    positive_distances = _distance(positive_triplets, entities_emb, relations_emb, NORM)
    negative_distances = _distance(negative_triplets, entities_emb, relations_emb, NORM)
    return (positive_distances, negative_distances)

if __name__ == "__main__":
    import jax
    _d = setup_inputs()
    print(jax.jit(kernel)(*tuple(_d.values())))

</pallas_src>

<mosaic_0001>
#map = affine_map<(d0, d1) -> (0)>
#map1 = affine_map<(d0, d1) -> (0, 0)>
module attributes {stable_mosaic.version = 14 : i64} {
  func.func @_tec_body(%arg0: i32, %arg1: i32, %arg2: memref<32768xi32, #tpu.memory_space<hbm>>, %arg3: memref<32768xi32, #tpu.memory_space<hbm>>, %arg4: memref<32768xi32, #tpu.memory_space<hbm>>, %arg5: memref<1000000x128xf32, #tpu.memory_space<hbm>>, %arg6: memref<100000x128xf32, #tpu.memory_space<hbm>>, %arg7: memref<32768xf32, #tpu.memory_space<hbm>>, %arg8: memref<1024xi32, #tpu.memory_space<vmem>>, %arg9: memref<1024xi32, #tpu.memory_space<vmem>>, %arg10: memref<1024xi32, #tpu.memory_space<vmem>>, %arg11: memref<3x128x128xf32, #tpu.memory_space<vmem>>, %arg12: memref<3x128x128xf32, #tpu.memory_space<vmem>>, %arg13: memref<16x17xf32, #tpu.memory_space<vmem>>, %arg14: memref<1024xf32, #tpu.memory_space<vmem>>, %arg15: memref<!tpu.dma_semaphore, #tpu.memory_space<semaphore_mem>>, %arg16: memref<!tpu.dma_semaphore, #tpu.memory_space<semaphore_mem>>, %arg17: memref<!tpu.dma_semaphore, #tpu.memory_space<semaphore_mem>>, %arg18: memref<!tpu.dma_semaphore, #tpu.memory_space<semaphore_mem>>, %arg19: memref<!tpu.dma_semaphore, #tpu.memory_space<semaphore_mem>>, %arg20: memref<!tpu.dma_semaphore, #tpu.memory_space<semaphore_mem>>, %arg21: memref<!tpu.dma_semaphore, #tpu.memory_space<semaphore_mem>>) attributes {dimension_semantics = [#tpu.dimension_semantics<core_parallel>, #tpu.dimension_semantics<subcore_parallel>], iteration_bounds = array<i64: 2, 16>, scalar_prefetch = 0 : i64, scratch_operands = 14 : i64, tpu.core_type = #tpu.core_type<sc_vector_subcore>, window_params = [{transform_indices = #map}, {transform_indices = #map}, {transform_indices = #map}, {transform_indices = #map1}, {transform_indices = #map1}, {transform_indices = #map}]} {
    %mul3A = arith.constant 2 : i32
    %mul3A_0 = arith.muli %arg1, %mul3A : i32
    %add3A = arith.addi %mul3A_0, %arg0 : i32
    %iota3A = tpu.iota {dimensions = array<i32: 0>} : vector<16xi32>
    %mul3A_1 = arith.constant 1024 : i32
    %mul3A_2 = arith.muli %add3A, %mul3A_1 : i32
    %dma_start3A = tpu.memref_slice %arg2[%mul3A_2] : memref<32768xi32, #tpu.memory_space<hbm>> -> memref<1024xi32, #tpu.memory_space<hbm>>
    %dma_start3A_3 = tpu.memref_slice %arg2[%mul3A_2] : memref<32768xi32, #tpu.memory_space<hbm>> -> memref<1024xi32, #tpu.memory_space<hbm>>
    tpu.enqueue_dma source(%dma_start3A_3 : memref<1024xi32, #tpu.memory_space<hbm>>) target(%arg8 : memref<1024xi32, #tpu.memory_space<vmem>>) target_semaphore(%arg21 : memref<!tpu.dma_semaphore, #tpu.memory_space<semaphore_mem>>)
    %dma_start3A_4 = tpu.memref_slice %arg3[%mul3A_2] : memref<32768xi32, #tpu.memory_space<hbm>> -> memref<1024xi32, #tpu.memory_space<hbm>>
    %dma_start3A_5 = tpu.memref_slice %arg3[%mul3A_2] : memref<32768xi32, #tpu.memory_space<hbm>> -> memref<1024xi32, #tpu.memory_space<hbm>>
    tpu.enqueue_dma source(%dma_start3A_5 : memref<1024xi32, #tpu.memory_space<hbm>>) target(%arg9 : memref<1024xi32, #tpu.memory_space<vmem>>) target_semaphore(%arg21 : memref<!tpu.dma_semaphore, #tpu.memory_space<semaphore_mem>>)
    %dma_start3A_6 = tpu.memref_slice %arg4[%mul3A_2] : memref<32768xi32, #tpu.memory_space<hbm>> -> memref<1024xi32, #tpu.memory_space<hbm>>
    %dma_start3A_7 = tpu.memref_slice %arg4[%mul3A_2] : memref<32768xi32, #tpu.memory_space<hbm>> -> memref<1024xi32, #tpu.memory_space<hbm>>
    tpu.enqueue_dma source(%dma_start3A_7 : memref<1024xi32, #tpu.memory_space<hbm>>) target(%arg10 : memref<1024xi32, #tpu.memory_space<vmem>>) target_semaphore(%arg21 : memref<!tpu.dma_semaphore, #tpu.memory_space<semaphore_mem>>)
    %dma_wait3A = tpu.memref_slice %arg2[%mul3A_2] : memref<32768xi32, #tpu.memory_space<hbm>> -> memref<1024xi32, #tpu.memory_space<hbm>>
    %dma_wait3A_8 = tpu.memref_slice %arg2[%mul3A_2] : memref<32768xi32, #tpu.memory_space<hbm>> -> memref<1024xi32, #tpu.memory_space<hbm>>
    tpu.wait_dma2 semaphore(%arg21 : memref<!tpu.dma_semaphore, #tpu.memory_space<semaphore_mem>>) src(%dma_wait3A_8 : memref<1024xi32, #tpu.memory_space<hbm>>) dst(%arg8 : memref<1024xi32, #tpu.memory_space<vmem>>)
    %dma_wait3A_9 = tpu.memref_slice %arg3[%mul3A_2] : memref<32768xi32, #tpu.memory_space<hbm>> -> memref<1024xi32, #tpu.memory_space<hbm>>
    %dma_wait3A_10 = tpu.memref_slice %arg3[%mul3A_2] : memref<32768xi32, #tpu.memory_space<hbm>> -> memref<1024xi32, #tpu.memory_space<hbm>>
    tpu.wait_dma2 semaphore(%arg21 : memref<!tpu.dma_semaphore, #tpu.memory_space<semaphore_mem>>) src(%dma_wait3A_10 : memref<1024xi32, #tpu.memory_space<hbm>>) dst(%arg9 : memref<1024xi32, #tpu.memory_space<vmem>>)
    %dma_wait3A_11 = tpu.memref_slice %arg4[%mul3A_2] : memref<32768xi32, #tpu.memory_space<hbm>> -> memref<1024xi32, #tpu.memory_space<hbm>>
    %dma_wait3A_12 = tpu.memref_slice %arg4[%mul3A_2] : memref<32768xi32, #tpu.memory_space<hbm>> -> memref<1024xi32, #tpu.memory_space<hbm>>
    tpu.wait_dma2 semaphore(%arg21 : memref<!tpu.dma_semaphore, #tpu.memory_space<semaphore_mem>>) src(%dma_wait3A_12 : memref<1024xi32, #tpu.memory_space<hbm>>) dst(%arg10 : memref<1024xi32, #tpu.memory_space<vmem>>)
    %dma_start3A_13 = arith.constant 0 : i32
    %dma_start3A_14 = arith.constant 0 : i32
    %dma_start3A_15 = arith.constant 0 : i32
    %dma_start3A_16 = tpu.memref_slice %arg11[%dma_start3A_13, %dma_start3A_14, %dma_start3A_15] : memref<3x128x128xf32, #tpu.memory_space<vmem>> -> memref<1x128x128xf32, #tpu.memory_space<vmem>>
    %dma_start3A_17 = tpu.memref_squeeze %dma_start3A_16 : memref<1x128x128xf32, #tpu.memory_space<vmem>> -> memref<128x128xf32, #tpu.memory_space<vmem>>
    %dma_start3A_18 = arith.constant 0 : i32
    %dma_start3A_19 = tpu.memref_slice %arg8[%dma_start3A_18] : memref<1024xi32, #tpu.memory_space<vmem>> -> memref<128xi32, #tpu.memory_space<vmem>>
    %dma_start3A_20 = arith.constant 0 : i32
    %dma_start3A_21 = arith.constant 0 : i32
    %dma_start3A_22 = tpu.memref_slice %arg5[%dma_start3A_20, %dma_start3A_21] : memref<1000000x128xf32, #tpu.memory_space<hbm>> -> memref<1000000x128xf32, #tpu.memory_space<hbm>>
    tpu.enqueue_indirect_dma source(%dma_start3A_22 : memref<1000000x128xf32, #tpu.memory_space<hbm>>) target(%dma_start3A_17 : memref<128x128xf32, #tpu.memory_space<vmem>>) offsets(%dma_start3A_19 : memref<128xi32, #tpu.memory_space<vmem>>) semaphore(%arg15 : memref<!tpu.dma_semaphore, #tpu.memory_space<semaphore_mem>>)
    %dma_start3A_23 = arith.constant 0 : i32
    %dma_start3A_24 = arith.constant 0 : i32
    %dma_start3A_25 = arith.constant 0 : i32
    %dma_start3A_26 = tpu.memref_slice %arg12[%dma_start3A_23, %dma_start3A_24, %dma_start3A_25] : memref<3x128x128xf32, #tpu.memory_space<vmem>> -> memref<1x128x128xf32, #tpu.memory_space<vmem>>
    %dma_start3A_27 = tpu.memref_squeeze %dma_start3A_26 : memref<1x128x128xf32, #tpu.memory_space<vmem>> -> memref<128x128xf32, #tpu.memory_space<vmem>>
    %dma_start3A_28 = arith.constant 0 : i32
    %dma_start3A_29 = tpu.memref_slice %arg10[%dma_start3A_28] : memref<1024xi32, #tpu.memory_space<vmem>> -> memref<128xi32, #tpu.memory_space<vmem>>
    %dma_start3A_30 = arith.constant 0 : i32
    %dma_start3A_31 = arith.constant 0 : i32
    %dma_start3A_32 = tpu.memref_slice %arg5[%dma_start3A_30, %dma_start3A_31] : memref<1000000x128xf32, #tpu.memory_space<hbm>> -> memref<1000000x128xf32, #tpu.memory_space<hbm>>
    tpu.enqueue_indirect_dma source(%dma_start3A_32 : memref<1000000x128xf32, #tpu.memory_space<hbm>>) target(%dma_start3A_27 : memref<128x128xf32, #tpu.memory_space<vmem>>) offsets(%dma_start3A_29 : memref<128xi32, #tpu.memory_space<vmem>>) semaphore(%arg18 : memref<!tpu.dma_semaphore, #tpu.memory_space<semaphore_mem>>)
    %dma_start3A_33 = arith.constant 1 : i32
    %dma_start3A_34 = arith.constant 0 : i32
    %dma_start3A_35 = arith.constant 0 : i32
    %dma_start3A_36 = tpu.memref_slice %arg11[%dma_start3A_33, %dma_start3A_34, %dma_start3A_35] : memref<3x128x128xf32, #tpu.memory_space<vmem>> -> memref<1x128x128xf32, #tpu.memory_space<vmem>>
    %dma_start3A_37 = tpu.memref_squeeze %dma_start3A_36 : memref<1x128x128xf32, #tpu.memory_space<vmem>> -> memref<128x128xf32, #tpu.memory_space<vmem>>
    %dma_start3A_38 = arith.constant 128 : i32
    %dma_start3A_39 = tpu.memref_slice %arg8[%dma_start3A_38] : memref<1024xi32, #tpu.memory_space<vmem>> -> memref<128xi32, #tpu.memory_space<vmem>>
    %dma_start3A_40 = arith.constant 0 : i32
    %dma_start3A_41 = arith.constant 0 : i32
    %dma_start3A_42 = tpu.memref_slice %arg5[%dma_start3A_40, %dma_start3A_41] : memref<1000000x128xf32, #tpu.memory_space<hbm>> -> memref<1000000x128xf32, #tpu.memory_space<hbm>>
    tpu.enqueue_indirect_dma source(%dma_start3A_42 : memref<1000000x128xf32, #tpu.memory_space<hbm>>) target(%dma_start3A_37 : memref<128x128xf32, #tpu.memory_space<vmem>>) offsets(%dma_start3A_39 : memref<128xi32, #tpu.memory_space<vmem>>) semaphore(%arg16 : memref<!tpu.dma_semaphore, #tpu.memory_space<semaphore_mem>>)
    %dma_start3A_43 = arith.constant 1 : i32
    %dma_start3A_44 = arith.constant 0 : i32
    %dma_start3A_45 = arith.constant 0 : i32
    %dma_start3A_46 = tpu.memref_slice %arg12[%dma_start3A_43, %dma_start3A_44, %dma_start3A_45] : memref<3x128x128xf32, #tpu.memory_space<vmem>> -> memref<1x128x128xf32, #tpu.memory_space<vmem>>
    %dma_start3A_47 = tpu.memref_squeeze %dma_start3A_46 : memref<1x128x128xf32, #tpu.memory_space<vmem>> -> memref<128x128xf32, #tpu.memory_space<vmem>>
    %dma_start3A_48 = arith.constant 128 : i32
    %dma_start3A_49 = tpu.memref_slice %arg10[%dma_start3A_48] : memref<1024xi32, #tpu.memory_space<vmem>> -> memref<128xi32, #tpu.memory_space<vmem>>
    %dma_start3A_50 = arith.constant 0 : i32
    %dma_start3A_51 = arith.constant 0 : i32
    %dma_start3A_52 = tpu.memref_slice %arg5[%dma_start3A_50, %dma_start3A_51] : memref<1000000x128xf32, #tpu.memory_space<hbm>> -> memref<1000000x128xf32, #tpu.memory_space<hbm>>
    tpu.enqueue_indirect_dma source(%dma_start3A_52 : memref<1000000x128xf32, #tpu.memory_space<hbm>>) target(%dma_start3A_47 : memref<128x128xf32, #tpu.memory_space<vmem>>) offsets(%dma_start3A_49 : memref<128xi32, #tpu.memory_space<vmem>>) semaphore(%arg19 : memref<!tpu.dma_semaphore, #tpu.memory_space<semaphore_mem>>)
    %dma_wait3A_53 = arith.constant 0 : i32
    %dma_wait3A_54 = arith.constant 0 : i32
    %dma_wait3A_55 = arith.constant 0 : i32
    %dma_wait3A_56 = tpu.memref_slice %arg11[%dma_wait3A_53, %dma_wait3A_54, %dma_wait3A_55] : memref<3x128x128xf32, #tpu.memory_space<vmem>> -> memref<1x128x128xf32, #tpu.memory_space<vmem>>
    %dma_wait3A_57 = tpu.memref_squeeze %dma_wait3A_56 : memref<1x128x128xf32, #tpu.memory_space<vmem>> -> memref<128x128xf32, #tpu.memory_space<vmem>>
    %dma_wait3A_58 = arith.constant 0 : i32
    %dma_wait3A_59 = tpu.memref_slice %arg8[%dma_wait3A_58] : memref<1024xi32, #tpu.memory_space<vmem>> -> memref<128xi32, #tpu.memory_space<vmem>>
    %dma_wait3A_60 = arith.constant 0 : i32
    %dma_wait3A_61 = arith.constant 0 : i32
    %dma_wait3A_62 = tpu.memref_slice %arg5[%dma_wait3A_60, %dma_wait3A_61] : memref<1000000x128xf32, #tpu.memory_space<hbm>> -> memref<1000000x128xf32, #tpu.memory_space<hbm>>
    tpu.wait_indirect_dma semaphore(%arg15 : memref<!tpu.dma_semaphore, #tpu.memory_space<semaphore_mem>>) src(%dma_wait3A_62 : memref<1000000x128xf32, #tpu.memory_space<hbm>>) dst(%dma_wait3A_57 : memref<128x128xf32, #tpu.memory_space<vmem>>)
    %dma_start3A_63 = arith.constant 0 : i32
    %dma_start3A_64 = arith.constant 0 : i32
    %dma_start3A_65 = arith.constant 0 : i32
    %dma_start3A_66 = tpu.memref_slice %arg11[%dma_start3A_63, %dma_start3A_64, %dma_start3A_65] : memref<3x128x128xf32, #tpu.memory_space<vmem>> -> memref<1x128x128xf32, #tpu.memory_space<vmem>>
    %dma_start3A_67 = tpu.memref_squeeze %dma_start3A_66 : memref<1x128x128xf32, #tpu.memory_space<vmem>> -> memref<128x128xf32, #tpu.memory_space<vmem>>
    %dma_start3A_68 = arith.constant 0 : i32
    %dma_start3A_69 = tpu.memref_slice %arg9[%dma_start3A_68] : memref<1024xi32, #tpu.memory_space<vmem>> -> memref<128xi32, #tpu.memory_space<vmem>>
    %dma_start3A_70 = arith.constant 0 : i32
    %dma_start3A_71 = arith.constant 0 : i32
    %dma_start3A_72 = tpu.memref_slice %arg6[%dma_start3A_70, %dma_start3A_71] : memref<100000x128xf32, #tpu.memory_space<hbm>> -> memref<100000x128xf32, #tpu.memory_space<hbm>>
    tpu.enqueue_indirect_dma source(%dma_start3A_72 : memref<100000x128xf32, #tpu.memory_space<hbm>>) target(%dma_start3A_67 : memref<128x128xf32, #tpu.memory_space<vmem>>) offsets(%dma_start3A_69 : memref<128xi32, #tpu.memory_space<vmem>>) semaphore(%arg15 : memref<!tpu.dma_semaphore, #tpu.memory_space<semaphore_mem>>) {add = true}
    %dma_wait3A_73 = arith.constant 1 : i32
    %dma_wait3A_74 = arith.constant 0 : i32
    %dma_wait3A_75 = arith.constant 0 : i32
    %dma_wait3A_76 = tpu.memref_slice %arg11[%dma_wait3A_73, %dma_wait3A_74, %dma_wait3A_75] : memref<3x128x128xf32, #tpu.memory_space<vmem>> -> memref<1x128x128xf32, #tpu.memory_space<vmem>>
    %dma_wait3A_77 = tpu.memref_squeeze %dma_wait3A_76 : memref<1x128x128xf32, #tpu.memory_space<vmem>> -> memref<128x128xf32, #tpu.memory_space<vmem>>
    %dma_wait3A_78 = arith.constant 128 : i32
    %dma_wait3A_79 = tpu.memref_slice %arg8[%dma_wait3A_78] : memref<1024xi32, #tpu.memory_space<vmem>> -> memref<128xi32, #tpu.memory_space<vmem>>
    %dma_wait3A_80 = arith.constant 0 : i32
    %dma_wait3A_81 = arith.constant 0 : i32
    %dma_wait3A_82 = tpu.memref_slice %arg5[%dma_wait3A_80, %dma_wait3A_81] : memref<1000000x128xf32, #tpu.memory_space<hbm>> -> memref<1000000x128xf32, #tpu.memory_space<hbm>>
    tpu.wait_indirect_dma semaphore(%arg16 : memref<!tpu.dma_semaphore, #tpu.memory_space<semaphore_mem>>) src(%dma_wait3A_82 : memref<1000000x128xf32, #tpu.memory_space<hbm>>) dst(%dma_wait3A_77 : memref<128x128xf32, #tpu.memory_space<vmem>>)
    %dma_start3A_83 = arith.constant 1 : i32
    %dma_start3A_84 = arith.constant 0 : i32
    %dma_start3A_85 = arith.constant 0 : i32
    %dma_start3A_86 = tpu.memref_slice %arg11[%dma_start3A_83, %dma_start3A_84, %dma_start3A_85] : memref<3x128x128xf32, #tpu.memory_space<vmem>> -> memref<1x128x128xf32, #tpu.memory_space<vmem>>
    %dma_start3A_87 = tpu.memref_squeeze %dma_start3A_86 : memref<1x128x128xf32, #tpu.memory_space<vmem>> -> memref<128x128xf32, #tpu.memory_space<vmem>>
    %dma_start3A_88 = arith.constant 128 : i32
    %dma_start3A_89 = tpu.memref_slice %arg9[%dma_start3A_88] : memref<1024xi32, #tpu.memory_space<vmem>> -> memref<128xi32, #tpu.memory_space<vmem>>
    %dma_start3A_90 = arith.constant 0 : i32
    %dma_start3A_91 = arith.constant 0 : i32
    %dma_start3A_92 = tpu.memref_slice %arg6[%dma_start3A_90, %dma_start3A_91] : memref<100000x128xf32, #tpu.memory_space<hbm>> -> memref<100000x128xf32, #tpu.memory_space<hbm>>
    tpu.enqueue_indirect_dma source(%dma_start3A_92 : memref<100000x128xf32, #tpu.memory_space<hbm>>) target(%dma_start3A_87 : memref<128x128xf32, #tpu.memory_space<vmem>>) offsets(%dma_start3A_89 : memref<128xi32, #tpu.memory_space<vmem>>) semaphore(%arg16 : memref<!tpu.dma_semaphore, #tpu.memory_space<semaphore_mem>>) {add = true}
    %dma_wait3A_93 = arith.constant 0 : i32
    %dma_wait3A_94 = arith.constant 0 : i32
    %dma_wait3A_95 = arith.constant 0 : i32
    %dma_wait3A_96 = tpu.memref_slice %arg11[%dma_wait3A_93, %dma_wait3A_94, %dma_wait3A_95] : memref<3x128x128xf32, #tpu.memory_space<vmem>> -> memref<1x128x128xf32, #tpu.memory_space<vmem>>
    %dma_wait3A_97 = tpu.memref_squeeze %dma_wait3A_96 : memref<1x128x128xf32, #tpu.memory_space<vmem>> -> memref<128x128xf32, #tpu.memory_space<vmem>>
    %dma_wait3A_98 = arith.constant 0 : i32
    %dma_wait3A_99 = tpu.memref_slice %arg9[%dma_wait3A_98] : memref<1024xi32, #tpu.memory_space<vmem>> -> memref<128xi32, #tpu.memory_space<vmem>>
    %dma_wait3A_100 = arith.constant 0 : i32
    %dma_wait3A_101 = arith.constant 0 : i32
    %dma_wait3A_102 = tpu.memref_slice %arg6[%dma_wait3A_100, %dma_wait3A_101] : memref<100000x128xf32, #tpu.memory_space<hbm>> -> memref<100000x128xf32, #tpu.memory_space<hbm>>
    tpu.wait_indirect_dma semaphore(%arg15 : memref<!tpu.dma_semaphore, #tpu.memory_space<semaphore_mem>>) src(%dma_wait3A_102 : memref<100000x128xf32, #tpu.memory_space<hbm>>) dst(%dma_wait3A_97 : memref<128x128xf32, #tpu.memory_space<vmem>>)
    %dma_wait3A_103 = arith.constant 0 : i32
    %dma_wait3A_104 = arith.constant 0 : i32
    %dma_wait3A_105 = arith.constant 0 : i32
    %dma_wait3A_106 = tpu.memref_slice %arg12[%dma_wait3A_103, %dma_wait3A_104, %dma_wait3A_105] : memref<3x128x128xf32, #tpu.memory_space<vmem>> -> memref<1x128x128xf32, #tpu.memory_space<vmem>>
    %dma_wait3A_107 = tpu.memref_squeeze %dma_wait3A_106 : memref<1x128x128xf32, #tpu.memory_space<vmem>> -> memref<128x128xf32, #tpu.memory_space<vmem>>
    %dma_wait3A_108 = arith.constant 0 : i32
    %dma_wait3A_109 = tpu.memref_slice %arg10[%dma_wait3A_108] : memref<1024xi32, #tpu.memory_space<vmem>> -> memref<128xi32, #tpu.memory_space<vmem>>
    %dma_wait3A_110 = arith.constant 0 : i32
    %dma_wait3A_111 = arith.constant 0 : i32
    %dma_wait3A_112 = tpu.memref_slice %arg5[%dma_wait3A_110, %dma_wait3A_111] : memref<1000000x128xf32, #tpu.memory_space<hbm>> -> memref<1000000x128xf32, #tpu.memory_space<hbm>>
    tpu.wait_indirect_dma semaphore(%arg18 : memref<!tpu.dma_semaphore, #tpu.memory_space<semaphore_mem>>) src(%dma_wait3A_112 : memref<1000000x128xf32, #tpu.memory_space<hbm>>) dst(%dma_wait3A_107 : memref<128x128xf32, #tpu.memory_space<vmem>>)
    %dma_start3A_113 = arith.constant 2 : i32
    %dma_start3A_114 = arith.constant 0 : i32
    %dma_start3A_115 = arith.constant 0 : i32
    %dma_start3A_116 = tpu.memref_slice %arg11[%dma_start3A_113, %dma_start3A_114, %dma_start3A_115] : memref<3x128x128xf32, #tpu.memory_space<vmem>> -> memref<1x128x128xf32, #tpu.memory_space<vmem>>
    %dma_start3A_117 = tpu.memref_squeeze %dma_start3A_116 : memref<1x128x128xf32, #tpu.memory_space<vmem>> -> memref<128x128xf32, #tpu.memory_space<vmem>>
    %dma_start3A_118 = arith.constant 256 : i32
    %dma_start3A_119 = tpu.memref_slice %arg8[%dma_start3A_118] : memref<1024xi32, #tpu.memory_space<vmem>> -> memref<128xi32, #tpu.memory_space<vmem>>
    %dma_start3A_120 = arith.constant 0 : i32
    %dma_start3A_121 = arith.constant 0 : i32
    %dma_start3A_122 = tpu.memref_slice %arg5[%dma_start3A_120, %dma_start3A_121] : memref<1000000x128xf32, #tpu.memory_space<hbm>> -> memref<1000000x128xf32, #tpu.memory_space<hbm>>
    tpu.enqueue_indirect_dma source(%dma_start3A_122 : memref<1000000x128xf32, #tpu.memory_space<hbm>>) target(%dma_start3A_117 : memref<128x128xf32, #tpu.memory_space<vmem>>) offsets(%dma_start3A_119 : memref<128xi32, #tpu.memory_space<vmem>>) semaphore(%arg17 : memref<!tpu.dma_semaphore, #tpu.memory_space<semaphore_mem>>)
    %dma_start3A_123 = arith.constant 2 : i32
    %dma_start3A_124 = arith.constant 0 : i32
    %dma_start3A_125 = arith.constant 0 : i32
    %dma_start3A_126 = tpu.memref_slice %arg12[%dma_start3A_123, %dma_start3A_124, %dma_start3A_125] : memref<3x128x128xf32, #tpu.memory_space<vmem>> -> memref<1x128x128xf32, #tpu.memory_space<vmem>>
    %dma_start3A_127 = tpu.memref_squeeze %dma_start3A_126 : memref<1x128x128xf32, #tpu.memory_space<vmem>> -> memref<128x128xf32, #tpu.memory_space<vmem>>
    %dma_start3A_128 = arith.constant 256 : i32
    %dma_start3A_129 = tpu.memref_slice %arg10[%dma_start3A_128] : memref<1024xi32, #tpu.memory_space<vmem>> -> memref<128xi32, #tpu.memory_space<vmem>>
    %dma_start3A_130 = arith.constant 0 : i32
    %dma_start3A_131 = arith.constant 0 : i32
    %dma_start3A_132 = tpu.memref_slice %arg5[%dma_start3A_130, %dma_start3A_131] : memref<1000000x128xf32, #tpu.memory_space<hbm>> -> memref<1000000x128xf32, #tpu.memory_space<hbm>>
    tpu.enqueue_indirect_dma source(%dma_start3A_132 : memref<1000000x128xf32, #tpu.memory_space<hbm>>) target(%dma_start3A_127 : memref<128x128xf32, #tpu.memory_space<vmem>>) offsets(%dma_start3A_129 : memref<128xi32, #tpu.memory_space<vmem>>) semaphore(%arg20 : memref<!tpu.dma_semaphore, #tpu.memory_space<semaphore_mem>>)
    %scan3A = arith.constant 0 : i32
    %scan3A_133 = arith.constant 0 : i32
    %scan3A_134 = arith.constant 0 : i32
    %scan3A_135 = arith.constant 0 : i32
    %scan3A_136 = arith.constant 8 : i32
    %scan3A_137 = arith.addi %scan3A_135, %scan3A_136 : i32
    %scan3A_138 = arith.constant 1 : i32
    %scan3A_139 = scf.for %scan3A_564 = %scan3A_135 to %scan3A_137 step %scan3A_138 iter_args(%scan3A_565 = %scan3A_134) -> (i32)  : i32 {
      %scan3A_566 = arith.constant 0 : i32
      %scan3A_567 = arith.constant 0 : i32
      %scan3A_568 = arith.constant 16 : i32
      %scan3A_569 = arith.addi %scan3A_567, %scan3A_568 : i32
      %scan3A_570 = arith.constant 1 : i32
      %scan3A_571 = scf.for %scan3A_672 = %scan3A_567 to %scan3A_569 step %scan3A_570 iter_args(%scan3A_673 = %scan3A_566) -> (i32)  : i32 {
        %mul3A_674 = arith.constant 16 : i32
        %mul3A_675 = arith.muli %scan3A_564, %mul3A_674 : i32
        %add3A_676 = arith.addi %mul3A_675, %scan3A_672 : i32
        %broadcast_in_dim3A_677 = arith.constant 0.000000e+00 : f32
        %broadcast_in_dim3A_678 = vector.broadcast %broadcast_in_dim3A_677 : f32 to vector<16xf32>
        %broadcast_in_dim3A_679 = arith.constant 0.000000e+00 : f32
        %broadcast_in_dim3A_680 = vector.broadcast %broadcast_in_dim3A_679 : f32 to vector<16xf32>
        %broadcast_in_dim3A_681 = arith.constant 0.000000e+00 : f32
        %broadcast_in_dim3A_682 = vector.broadcast %broadcast_in_dim3A_681 : f32 to vector<16xf32>
        %broadcast_in_dim3A_683 = arith.constant 0.000000e+00 : f32
        %broadcast_in_dim3A_684 = vector.broadcast %broadcast_in_dim3A_683 : f32 to vector<16xf32>
        %get3A = arith.constant 0 : i32
        %get3A_685 = arith.constant 0 : i32
        %get3A_686 = tpu.memref_slice %arg11[%scan3A, %get3A, %get3A_685] : memref<3x128x128xf32, #tpu.memory_space<vmem>> -> memref<1x128x128xf32, #tpu.memory_space<vmem>>
        %get3A_687 = tpu.memref_squeeze %get3A_686 : memref<1x128x128xf32, #tpu.memory_space<vmem>> -> memref<128x128xf32, #tpu.memory_space<vmem>>
        %get3A_688 = arith.index_cast %add3A_676 : i32 to index
        %get3A_689 = arith.constant 0 : index
        %get3A_690 = tpu.vector_load %get3A_687[%get3A_688, %get3A_689] {strides = array<i32>} : memref<128x128xf32, #tpu.memory_space<vmem>>, vector<16xf32>,
        %get3A_691 = arith.constant 0 : i32
        %get3A_692 = arith.constant 0 : i32
        %get3A_693 = tpu.memref_slice %arg12[%scan3A_133, %get3A_691, %get3A_692] : memref<3x128x128xf32, #tpu.memory_space<vmem>> -> memref<1x128x128xf32, #tpu.memory_space<vmem>>
        %get3A_694 = tpu.memref_squeeze %get3A_693 : memref<1x128x128xf32, #tpu.memory_space<vmem>> -> memref<128x128xf32, #tpu.memory_space<vmem>>
        %get3A_695 = arith.index_cast %add3A_676 : i32 to index
        %get3A_696 = arith.constant 0 : index
        %get3A_697 = tpu.vector_load %get3A_694[%get3A_695, %get3A_696] {strides = array<i32>} : memref<128x128xf32, #tpu.memory_space<vmem>>, vector<16xf32>,
        %sub3A_698 = arith.subf %get3A_690, %get3A_697 : vector<16xf32>
        %mul3A_699 = arith.mulf %sub3A_698, %sub3A_698 : vector<16xf32>
        %add3A_700 = arith.addf %broadcast_in_dim3A_678, %mul3A_699 : vector<16xf32>
        %get3A_701 = arith.constant 0 : i32
        %get3A_702 = arith.constant 0 : i32
        %get3A_703 = tpu.memref_slice %arg11[%scan3A, %get3A_701, %get3A_702] : memref<3x128x128xf32, #tpu.memory_space<vmem>> -> memref<1x128x128xf32, #tpu.memory_space<vmem>>
        %get3A_704 = tpu.memref_squeeze %get3A_703 : memref<1x128x128xf32, #tpu.memory_space<vmem>> -> memref<128x128xf32, #tpu.memory_space<vmem>>
        %get3A_705 = arith.index_cast %add3A_676 : i32 to index
        %get3A_706 = arith.constant 16 : index
        %get3A_707 = tpu.vector_load %get3A_704[%get3A_705, %get3A_706] {strides = array<i32>} : memref<128x128xf32, #tpu.memory_space<vmem>>, vector<16xf32>,
        %get3A_708 = arith.constant 0 : i32
        %get3A_709 = arith.constant 0 : i32
        %get3A_710 = tpu.memref_slice %arg12[%scan3A_133, %get3A_708, %get3A_709] : memref<3x128x128xf32, #tpu.memory_space<vmem>> -> memref<1x128x128xf32, #tpu.memory_space<vmem>>
        %get3A_711 = tpu.memref_squeeze %get3A_710 : memref<1x128x128xf32, #tpu.memory_space<vmem>> -> memref<128x128xf32, #tpu.memory_space<vmem>>
        %get3A_712 = arith.index_cast %add3A_676 : i32 to index
        %get3A_713 = arith.constant 16 : index
        %get3A_714 = tpu.vector_load %get3A_711[%get3A_712, %get3A_713] {strides = array<i32>} : memref<128x128xf32, #tpu.memory_space<vmem>>, vector<16xf32>,
        %sub3A_715 = arith.subf %get3A_707, %get3A_714 : vector<16xf32>
        %mul3A_716 = arith.mulf %sub3A_715, %sub3A_715 : vector<16xf32>
        %add3A_717 = arith.addf %broadcast_in_dim3A_680, %mul3A_716 : vector<16xf32>
        %get3A_718 = arith.constant 0 : i32
        %get3A_719 = arith.constant 0 : i32
        %get3A_720 = tpu.memref_slice %arg11[%scan3A, %get3A_718, %get3A_719] : memref<3x128x128xf32, #tpu.memory_space<vmem>> -> memref<1x128x128xf32, #tpu.memory_space<vmem>>
        %get3A_721 = tpu.memref_squeeze %get3A_720 : memref<1x128x128xf32, #tpu.memory_space<vmem>> -> memref<128x128xf32, #tpu.memory_space<vmem>>
        %get3A_722 = arith.index_cast %add3A_676 : i32 to index
        %get3A_723 = arith.constant 32 : index
        %get3A_724 = tpu.vector_load %get3A_721[%get3A_722, %get3A_723] {strides = array<i32>} : memref<128x128xf32, #tpu.memory_space<vmem>>, vector<16xf32>,
        %get3A_725 = arith.constant 0 : i32
        %get3A_726 = arith.constant 0 : i32
        %get3A_727 = tpu.memref_slice %arg12[%scan3A_133, %get3A_725, %get3A_726] : memref<3x128x128xf32, #tpu.memory_space<vmem>> -> memref<1x128x128xf32, #tpu.memory_space<vmem>>
        %get3A_728 = tpu.memref_squeeze %get3A_727 : memref<1x128x128xf32, #tpu.memory_space<vmem>> -> memref<128x128xf32, #tpu.memory_space<vmem>>
        %get3A_729 = arith.index_cast %add3A_676 : i32 to index
        %get3A_730 = arith.constant 32 : index
        %get3A_731 = tpu.vector_load %get3A_728[%get3A_729, %get3A_730] {strides = array<i32>} : memref<128x128xf32, #tpu.memory_space<vmem>>, vector<16xf32>,
        %sub3A_732 = arith.subf %get3A_724, %get3A_731 : vector<16xf32>
        %mul3A_733 = arith.mulf %sub3A_732, %sub3A_732 : vector<16xf32>
        %add3A_734 = arith.addf %broadcast_in_dim3A_682, %mul3A_733 : vector<16xf32>
        %get3A_735 = arith.constant 0 : i32
        %get3A_736 = arith.constant 0 : i32
        %get3A_737 = tpu.memref_slice %arg11[%scan3A, %get3A_735, %get3A_736] : memref<3x128x128xf32, #tpu.memory_space<vmem>> -> memref<1x128x128xf32, #tpu.memory_space<vmem>>
        %get3A_738 = tpu.memref_squeeze %get3A_737 : memref<1x128x128xf32, #tpu.memory_space<vmem>> -> memref<128x128xf32, #tpu.memory_space<vmem>>
        %get3A_739 = arith.index_cast %add3A_676 : i32 to index
        %get3A_740 = arith.constant 48 : index
        %get3A_741 = tpu.vector_load %get3A_738[%get3A_739, %get3A_740] {strides = array<i32>} : memref<128x128xf32, #tpu.memory_space<vmem>>, vector<16xf32>,
        %get3A_742 = arith.constant 0 : i32
        %get3A_743 = arith.constant 0 : i32
        %get3A_744 = tpu.memref_slice %arg12[%scan3A_133, %get3A_742, %get3A_743] : memref<3x128x128xf32, #tpu.memory_space<vmem>> -> memref<1x128x128xf32, #tpu.memory_space<vmem>>
        %get3A_745 = tpu.memref_squeeze %get3A_744 : memref<1x128x128xf32, #tpu.memory_space<vmem>> -> memref<128x128xf32, #tpu.memory_space<vmem>>
        %get3A_746 = arith.index_cast %add3A_676 : i32 to index
        %get3A_747 = arith.constant 48 : index
        %get3A_748 = tpu.vector_load %get3A_745[%get3A_746, %get3A_747] {strides = array<i32>} : memref<128x128xf32, #tpu.memory_space<vmem>>, vector<16xf32>,
        %sub3A_749 = arith.subf %get3A_741, %get3A_748 : vector<16xf32>
        %mul3A_750 = arith.mulf %sub3A_749, %sub3A_749 : vector<16xf32>
        %add3A_751 = arith.addf %broadcast_in_dim3A_684, %mul3A_750 : vector<16xf32>
        %get3A_752 = arith.constant 0 : i32
        %get3A_753 = arith.constant 0 : i32
        %get3A_754 = tpu.memref_slice %arg11[%scan3A, %get3A_752, %get3A_753] : memref<3x128x128xf32, #tpu.memory_space<vmem>> -> memref<1x128x128xf32, #tpu.memory_space<vmem>>
        %get3A_755 = tpu.memref_squeeze %get3A_754 : memref<1x128x128xf32, #tpu.memory_space<vmem>> -> memref<128x128xf32, #tpu.memory_space<vmem>>
        %get3A_756 = arith.index_cast %add3A_676 : i32 to index
        %get3A_757 = arith.constant 64 : index
        %get3A_758 = tpu.vector_load %get3A_755[%get3A_756, %get3A_757] {strides = array<i32>} : memref<128x128xf32, #tpu.memory_space<vmem>>, vector<16xf32>,
        %get3A_759 = arith.constant 0 : i32
        %get3A_760 = arith.constant 0 : i32
        %get3A_761 = tpu.memref_slice %arg12[%scan3A_133, %get3A_759, %get3A_760] : memref<3x128x128xf32, #tpu.memory_space<vmem>> -> memref<1x128x128xf32, #tpu.memory_space<vmem>>
        %get3A_762 = tpu.memref_squeeze %get3A_761 : memref<1x128x128xf32, #tpu.memory_space<vmem>> -> memref<128x128xf32, #tpu.memory_space<vmem>>
        %get3A_763 = arith.index_cast %add3A_676 : i32 to index
        %get3A_764 = arith.constant 64 : index
        %get3A_765 = tpu.vector_load %get3A_762[%get3A_763, %get3A_764] {strides = array<i32>} : memref<128x128xf32, #tpu.memory_space<vmem>>, vector<16xf32>,
        %sub3A_766 = arith.subf %get3A_758, %get3A_765 : vector<16xf32>
        %mul3A_767 = arith.mulf %sub3A_766, %sub3A_766 : vector<16xf32>
        %add3A_768 = arith.addf %add3A_700, %mul3A_767 : vector<16xf32>
        %get3A_769 = arith.constant 0 : i32
        %get3A_770 = arith.constant 0 : i32
        %get3A_771 = tpu.memref_slice %arg11[%scan3A, %get3A_769, %get3A_770] : memref<3x128x128xf32, #tpu.memory_space<vmem>> -> memref<1x128x128xf32, #tpu.memory_space<vmem>>
        %get3A_772 = tpu.memref_squeeze %get3A_771 : memref<1x128x128xf32, #tpu.memory_space<vmem>> -> memref<128x128xf32, #tpu.memory_space<vmem>>
        %get3A_773 = arith.index_cast %add3A_676 : i32 to index
        %get3A_774 = arith.constant 80 : index
        %get3A_775 = tpu.vector_load %get3A_772[%get3A_773, %get3A_774] {strides = array<i32>} : memref<128x128xf32, #tpu.memory_space<vmem>>, vector<16xf32>,
        %get3A_776 = arith.constant 0 : i32
        %get3A_777 = arith.constant 0 : i32
        %get3A_778 = tpu.memref_slice %arg12[%scan3A_133, %get3A_776, %get3A_777] : memref<3x128x128xf32, #tpu.memory_space<vmem>> -> memref<1x128x128xf32, #tpu.memory_space<vmem>>
        %get3A_779 = tpu.memref_squeeze %get3A_778 : memref<1x128x128xf32, #tpu.memory_space<vmem>> -> memref<128x128xf32, #tpu.memory_space<vmem>>
        %get3A_780 = arith.index_cast %add3A_676 : i32 to index
        %get3A_781 = arith.constant 80 : index
        %get3A_782 = tpu.vector_load %get3A_779[%get3A_780, %get3A_781] {strides = array<i32>} : memref<128x128xf32, #tpu.memory_space<vmem>>, vector<16xf32>,
        %sub3A_783 = arith.subf %get3A_775, %get3A_782 : vector<16xf32>
        %mul3A_784 = arith.mulf %sub3A_783, %sub3A_783 : vector<16xf32>
        %add3A_785 = arith.addf %add3A_717, %mul3A_784 : vector<16xf32>
        %get3A_786 = arith.constant 0 : i32
        %get3A_787 = arith.constant 0 : i32
        %get3A_788 = tpu.memref_slice %arg11[%scan3A, %get3A_786, %get3A_787] : memref<3x128x128xf32, #tpu.memory_space<vmem>> -> memref<1x128x128xf32, #tpu.memory_space<vmem>>
        %get3A_789 = tpu.memref_squeeze %get3A_788 : memref<1x128x128xf32, #tpu.memory_space<vmem>> -> memref<128x128xf32, #tpu.memory_space<vmem>>
        %get3A_790 = arith.index_cast %add3A_676 : i32 to index
        %get3A_791 = arith.constant 96 : index
        %get3A_792 = tpu.vector_load %get3A_789[%get3A_790, %get3A_791] {strides = array<i32>} : memref<128x128xf32, #tpu.memory_space<vmem>>, vector<16xf32>,
        %get3A_793 = arith.constant 0 : i32
        %get3A_794 = arith.constant 0 : i32
        %get3A_795 = tpu.memref_slice %arg12[%scan3A_133, %get3A_793, %get3A_794] : memref<3x128x128xf32, #tpu.memory_space<vmem>> -> memref<1x128x128xf32, #tpu.memory_space<vmem>>
        %get3A_796 = tpu.memref_squeeze %get3A_795 : memref<1x128x128xf32, #tpu.memory_space<vmem>> -> memref<128x128xf32, #tpu.memory_space<vmem>>
        %get3A_797 = arith.index_cast %add3A_676 : i32 to index
        %get3A_798 = arith.constant 96 : index
        %get3A_799 = tpu.vector_load %get3A_796[%get3A_797, %get3A_798] {strides = array<i32>} : memref<128x128xf32, #tpu.memory_space<vmem>>, vector<16xf32>,
        %sub3A_800 = arith.subf %get3A_792, %get3A_799 : vector<16xf32>
        %mul3A_801 = arith.mulf %sub3A_800, %sub3A_800 : vector<16xf32>
        %add3A_802 = arith.addf %add3A_734, %mul3A_801 : vector<16xf32>
        %get3A_803 = arith.constant 0 : i32
        %get3A_804 = arith.constant 0 : i32
        %get3A_805 = tpu.memref_slice %arg11[%scan3A, %get3A_803, %get3A_804] : memref<3x128x128xf32, #tpu.memory_space<vmem>> -> memref<1x128x128xf32, #tpu.memory_space<vmem>>
        %get3A_806 = tpu.memref_squeeze %get3A_805 : memref<1x128x128xf32, #tpu.memory_space<vmem>> -> memref<128x128xf32, #tpu.memory_space<vmem>>
        %get3A_807 = arith.index_cast %add3A_676 : i32 to index
        %get3A_808 = arith.constant 112 : index
        %get3A_809 = tpu.vector_load %get3A_806[%get3A_807, %get3A_808] {strides = array<i32>} : memref<128x128xf32, #tpu.memory_space<vmem>>, vector<16xf32>,
        %get3A_810 = arith.constant 0 : i32
        %get3A_811 = arith.constant 0 : i32
        %get3A_812 = tpu.memref_slice %arg12[%scan3A_133, %get3A_810, %get3A_811] : memref<3x128x128xf32, #tpu.memory_space<vmem>> -> memref<1x128x128xf32, #tpu.memory_space<vmem>>
        %get3A_813 = tpu.memref_squeeze %get3A_812 : memref<1x128x128xf32, #tpu.memory_space<vmem>> -> memref<128x128xf32, #tpu.memory_space<vmem>>
        %get3A_814 = arith.index_cast %add3A_676 : i32 to index
        %get3A_815 = arith.constant 112 : index
        %get3A_816 = tpu.vector_load %get3A_813[%get3A_814, %get3A_815] {strides = array<i32>} : memref<128x128xf32, #tpu.memory_space<vmem>>, vector<16xf32>,
        %sub3A_817 = arith.subf %get3A_809, %get3A_816 : vector<16xf32>
        %mul3A_818 = arith.mulf %sub3A_817, %sub3A_817 : vector<16xf32>
        %add3A_819 = arith.addf %add3A_751, %mul3A_818 : vector<16xf32>
        %add3A_820 = arith.addf %add3A_768, %add3A_785 : vector<16xf32>
        %add3A_821 = arith.addf %add3A_802, %add3A_819 : vector<16xf32>
        %add3A_822 = arith.addf %add3A_820, %add3A_821 : vector<16xf32>
        %swap3A_823 = arith.index_cast %scan3A_672 : i32 to index
        %swap3A_824 = arith.constant 0 : index
        %swap3A_825 = tpu.vector_load %arg13[%swap3A_823, %swap3A_824] {strides = array<i32>} : memref<16x17xf32, #tpu.memory_space<vmem>>, vector<16xf32>,
        tpu.vector_store %arg13[%swap3A_823, %swap3A_824], %add3A_822 {strides = array<i32>} : memref<16x17xf32, #tpu.memory_space<vmem>>, vector<16xf32>,
        %scan3A_826 = arith.constant 0 : i32
        scf.yield %scan3A_826 : i32
      }
      %scan3A_572 = arith.constant 16 : i32
      %broadcast_in_dim3A = arith.constant 0.000000e+00 : f32
      %broadcast_in_dim3A_573 = vector.broadcast %broadcast_in_dim3A : f32 to vector<16xf32>
      %broadcast_in_dim3A_574 = arith.constant 0 : i32
      %broadcast_in_dim3A_575 = vector.broadcast %broadcast_in_dim3A_574 : i32 to vector<16xi32>
      %gather3A = tpu.vector_load_idx %arg13[%iota3A, %broadcast_in_dim3A_575] : memref<16x17xf32, #tpu.memory_space<vmem>>[vector<16xi32>, vector<16xi32>], vector<16xf32>,
      %add3A_576 = arith.addf %broadcast_in_dim3A_573, %gather3A : vector<16xf32>
      %broadcast_in_dim3A_577 = arith.constant 1 : i32
      %broadcast_in_dim3A_578 = vector.broadcast %broadcast_in_dim3A_577 : i32 to vector<16xi32>
      %gather3A_579 = tpu.vector_load_idx %arg13[%iota3A, %broadcast_in_dim3A_578] : memref<16x17xf32, #tpu.memory_space<vmem>>[vector<16xi32>, vector<16xi32>], vector<16xf32>,
      %add3A_580 = arith.addf %add3A_576, %gather3A_579 : vector<16xf32>
      %broadcast_in_dim3A_581 = arith.constant 2 : i32
      %broadcast_in_dim3A_582 = vector.broadcast %broadcast_in_dim3A_581 : i32 to vector<16xi32>
      %gather3A_583 = tpu.vector_load_idx %arg13[%iota3A, %broadcast_in_dim3A_582] : memref<16x17xf32, #tpu.memory_space<vmem>>[vector<16xi32>, vector<16xi32>], vector<16xf32>,
      %add3A_584 = arith.addf %add3A_580, %gather3A_583 : vector<16xf32>
      %broadcast_in_dim3A_585 = arith.constant 3 : i32
      %broadcast_in_dim3A_586 = vector.broadcast %broadcast_in_dim3A_585 : i32 to vector<16xi32>
      %gather3A_587 = tpu.vector_load_idx %arg13[%iota3A, %broadcast_in_dim3A_586] : memref<16x17xf32, #tpu.memory_space<vmem>>[vector<16xi32>, vector<16xi32>], vector<16xf32>,
      %add3A_588 = arith.addf %add3A_584, %gather3A_587 : vector<16xf32>
      %broadcast_in_dim3A_589 = arith.constant 4 : i32
      %broadcast_in_dim3A_590 = vector.broadcast %broadcast_in_dim3A_589 : i32 to vector<16xi32>
      %gather3A_591 = tpu.vector_load_idx %arg13[%iota3A, %broadcast_in_dim3A_590] : memref<16x17xf32, #tpu.memory_space<vmem>>[vector<16xi32>, vector<16xi32>], vector<16xf32>,
      %add3A_592 = arith.addf %add3A_588, %gather3A_591 : vector<16xf32>
      %broadcast_in_dim3A_593 = arith.constant 5 : i32
      %broadcast_in_dim3A_594 = vector.broadcast %broadcast_in_dim3A_593 : i32 to vector<16xi32>
      %gather3A_595 = tpu.vector_load_idx %arg13[%iota3A, %broadcast_in_dim3A_594] : memref<16x17xf32, #tpu.memory_space<vmem>>[vector<16xi32>, vector<16xi32>], vector<16xf32>,
      %add3A_596 = arith.addf %add3A_592, %gather3A_595 : vector<16xf32>
      %broadcast_in_dim3A_597 = arith.constant 6 : i32
      %broadcast_in_dim3A_598 = vector.broadcast %broadcast_in_dim3A_597 : i32 to vector<16xi32>
      %gather3A_599 = tpu.vector_load_idx %arg13[%iota3A, %broadcast_in_dim3A_598] : memref<16x17xf32, #tpu.memory_space<vmem>>[vector<16xi32>, vector<16xi32>], vector<16xf32>,
      %add3A_600 = arith.addf %add3A_596, %gather3A_599 : vector<16xf32>
      %broadcast_in_dim3A_601 = arith.constant 7 : i32
      %broadcast_in_dim3A_602 = vector.broadcast %broadcast_in_dim3A_601 : i32 to vector<16xi32>
      %gather3A_603 = tpu.vector_load_idx %arg13[%iota3A, %broadcast_in_dim3A_602] : memref<16x17xf32, #tpu.memory_space<vmem>>[vector<16xi32>, vector<16xi32>], vector<16xf32>,
      %add3A_604 = arith.addf %add3A_600, %gather3A_603 : vector<16xf32>
      %broadcast_in_dim3A_605 = arith.constant 8 : i32
      %broadcast_in_dim3A_606 = vector.broadcast %broadcast_in_dim3A_605 : i32 to vector<16xi32>
      %gather3A_607 = tpu.vector_load_idx %arg13[%iota3A, %broadcast_in_dim3A_606] : memref<16x17xf32, #tpu.memory_space<vmem>>[vector<16xi32>, vector<16xi32>], vector<16xf32>,
      %add3A_608 = arith.addf %add3A_604, %gather3A_607 : vector<16xf32>
      %broadcast_in_dim3A_609 = arith.constant 9 : i32
      %broadcast_in_dim3A_610 = vector.broadcast %broadcast_in_dim3A_609 : i32 to vector<16xi32>
      %gather3A_611 = tpu.vector_load_idx %arg13[%iota3A, %broadcast_in_dim3A_610] : memref<16x17xf32, #tpu.memory_space<vmem>>[vector<16xi32>, vector<16xi32>], vector<16xf32>,
      %add3A_612 = arith.addf %add3A_608, %gather3A_611 : vector<16xf32>
      %broadcast_in_dim3A_613 = arith.constant 10 : i32
      %broadcast_in_dim3A_614 = vector.broadcast %broadcast_in_dim3A_613 : i32 to vector<16xi32>
      %gather3A_615 = tpu.vector_load_idx %arg13[%iota3A, %broadcast_in_dim3A_614] : memref<16x17xf32, #tpu.memory_space<vmem>>[vector<16xi32>, vector<16xi32>], vector<16xf32>,
      %add3A_616 = arith.addf %add3A_612, %gather3A_615 : vector<16xf32>
      %broadcast_in_dim3A_617 = arith.constant 11 : i32
      %broadcast_in_dim3A_618 = vector.broadcast %broadcast_in_dim3A_617 : i32 to vector<16xi32>
      %gather3A_619 = tpu.vector_load_idx %arg13[%iota3A, %broadcast_in_dim3A_618] : memref<16x17xf32, #tpu.memory_space<vmem>>[vector<16xi32>, vector<16xi32>], vector<16xf32>,
      %add3A_620 = arith.addf %add3A_616, %gather3A_619 : vector<16xf32>
      %broadcast_in_dim3A_621 = arith.constant 12 : i32
      %broadcast_in_dim3A_622 = vector.broadcast %broadcast_in_dim3A_621 : i32 to vector<16xi32>
      %gather3A_623 = tpu.vector_load_idx %arg13[%iota3A, %broadcast_in_dim3A_622] : memref<16x17xf32, #tpu.memory_space<vmem>>[vector<16xi32>, vector<16xi32>], vector<16xf32>,
      %add3A_624 = arith.addf %add3A_620, %gather3A_623 : vector<16xf32>
      %broadcast_in_dim3A_625 = arith.constant 13 : i32
      %broadcast_in_dim3A_626 = vector.broadcast %broadcast_in_dim3A_625 : i32 to vector<16xi32>
      %gather3A_627 = tpu.vector_load_idx %arg13[%iota3A, %broadcast_in_dim3A_626] : memref<16x17xf32, #tpu.memory_space<vmem>>[vector<16xi32>, vector<16xi32>], vector<16xf32>,
      %add3A_628 = arith.addf %add3A_624, %gather3A_627 : vector<16xf32>
      %broadcast_in_dim3A_629 = arith.constant 14 : i32
      %broadcast_in_dim3A_630 = vector.broadcast %broadcast_in_dim3A_629 : i32 to vector<16xi32>
      %gather3A_631 = tpu.vector_load_idx %arg13[%iota3A, %broadcast_in_dim3A_630] : memref<16x17xf32, #tpu.memory_space<vmem>>[vector<16xi32>, vector<16xi32>], vector<16xf32>,
      %add3A_632 = arith.addf %add3A_628, %gather3A_631 : vector<16xf32>
      %broadcast_in_dim3A_633 = arith.constant 15 : i32
      %broadcast_in_dim3A_634 = vector.broadcast %broadcast_in_dim3A_633 : i32 to vector<16xi32>
      %gather3A_635 = tpu.vector_load_idx %arg13[%iota3A, %broadcast_in_dim3A_634] : memref<16x17xf32, #tpu.memory_space<vmem>>[vector<16xi32>, vector<16xi32>], vector<16xf32>,
      %add3A_636 = arith.addf %add3A_632, %gather3A_635 : vector<16xf32>
      %max3A = arith.constant 1.000000e-30 : f32
      %max3A_637 = vector.broadcast %max3A : f32 to vector<16xf32>
      %max3A_638 = arith.maximumf %add3A_636, %max3A_637 : vector<16xf32>
      %bitcast3A = vector.bitcast %max3A_638 : vector<16xf32> to vector<16xi32>
      %shift_right_arithmetic3A = arith.constant 1 : i32
      %shift_right_arithmetic3A_639 = vector.broadcast %shift_right_arithmetic3A : i32 to vector<16xi32>
      %shift_right_arithmetic3A_640 = arith.shrsi %bitcast3A, %shift_right_arithmetic3A_639 : vector<16xi32>
      %sub3A = arith.constant 1597463007 : i32
      %sub3A_641 = vector.broadcast %sub3A : i32 to vector<16xi32>
      %sub3A_642 = arith.subi %sub3A_641, %shift_right_arithmetic3A_640 : vector<16xi32>
      %bitcast3A_643 = vector.bitcast %sub3A_642 : vector<16xi32> to vector<16xf32>
      %mul3A_644 = arith.constant 5.000000e-01 : f32
      %mul3A_645 = vector.broadcast %mul3A_644 : f32 to vector<16xf32>
      %mul3A_646 = arith.mulf %mul3A_645, %max3A_638 : vector<16xf32>
      %mul3A_647 = arith.mulf %mul3A_646, %bitcast3A_643 : vector<16xf32>
      %mul3A_648 = arith.mulf %mul3A_647, %bitcast3A_643 : vector<16xf32>
      %sub3A_649 = arith.constant 1.500000e+00 : f32
      %sub3A_650 = vector.broadcast %sub3A_649 : f32 to vector<16xf32>
      %sub3A_651 = arith.subf %sub3A_650, %mul3A_648 : vector<16xf32>
      %mul3A_652 = arith.mulf %bitcast3A_643, %sub3A_651 : vector<16xf32>
      %mul3A_653 = arith.mulf %mul3A_646, %mul3A_652 : vector<16xf32>
      %mul3A_654 = arith.mulf %mul3A_653, %mul3A_652 : vector<16xf32>
      %sub3A_655 = arith.constant 1.500000e+00 : f32
      %sub3A_656 = vector.broadcast %sub3A_655 : f32 to vector<16xf32>
      %sub3A_657 = arith.subf %sub3A_656, %mul3A_654 : vector<16xf32>
      %mul3A_658 = arith.mulf %mul3A_652, %sub3A_657 : vector<16xf32>
      %mul3A_659 = arith.mulf %mul3A_646, %mul3A_658 : vector<16xf32>
      %mul3A_660 = arith.mulf %mul3A_659, %mul3A_658 : vector<16xf32>
      %sub3A_661 = arith.constant 1.500000e+00 : f32
      %sub3A_662 = vector.broadcast %sub3A_661 : f32 to vector<16xf32>
      %sub3A_663 = arith.subf %sub3A_662, %mul3A_660 : vector<16xf32>
      %mul3A_664 = arith.mulf %mul3A_658, %sub3A_663 : vector<16xf32>
      %mul3A_665 = arith.mulf %max3A_638, %mul3A_664 : vector<16xf32>
      %mul3A_666 = arith.constant 16 : i32
      %mul3A_667 = arith.muli %scan3A_564, %mul3A_666 : i32
      %add3A_668 = arith.constant 0 : i32
      %add3A_669 = arith.addi %add3A_668, %mul3A_667 : i32
      %swap3A = arith.index_cast %add3A_669 : i32 to index
      %swap3A_670 = tpu.vector_load %arg14[%swap3A] {strides = array<i32>} : memref<1024xf32, #tpu.memory_space<vmem>>, vector<16xf32>,
      tpu.vector_store %arg14[%swap3A], %mul3A_665 {strides = array<i32>} : memref<1024xf32, #tpu.memory_space<vmem>>, vector<16xf32>,
      %scan3A_671 = arith.constant 0 : i32
      scf.yield %scan3A_671 : i32
    }
    %scan3A_140 = arith.constant 8 : i32
    %dma_wait3A_141 = arith.constant 2 : i32
    %dma_wait3A_142 = arith.constant 0 : i32
    %dma_wait3A_143 = arith.constant 0 : i32
    %dma_wait3A_144 = tpu.memref_slice %arg11[%dma_wait3A_141, %dma_wait3A_142, %dma_wait3A_143] : memref<3x128x128xf32, #tpu.memory_space<vmem>> -> memref<1x128x128xf32, #tpu.memory_space<vmem>>
    %dma_wait3A_145 = tpu.memref_squeeze %dma_wait3A_144 : memref<1x128x128xf32, #tpu.memory_space<vmem>> -> memref<128x128xf32, #tpu.memory_space<vmem>>
    %dma_wait3A_146 = arith.constant 256 : i32
    %dma_wait3A_147 = tpu.memref_slice %arg8[%dma_wait3A_146] : memref<1024xi32, #tpu.memory_space<vmem>> -> memref<128xi32, #tpu.memory_space<vmem>>
    %dma_wait3A_148 = arith.constant 0 : i32
    %dma_wait3A_149 = arith.constant 0 : i32
    %dma_wait3A_150 = tpu.memref_slice %arg5[%dma_wait3A_148, %dma_wait3A_149] : memref<1000000x128xf32, #tpu.memory_space<hbm>> -> memref<1000000x128xf32, #tpu.memory_space<hbm>>
    tpu.wait_indirect_dma semaphore(%arg17 : memref<!tpu.dma_semaphore, #tpu.memory_space<semaphore_mem>>) src(%dma_wait3A_150 : memref<1000000x128xf32, #tpu.memory_space<hbm>>) dst(%dma_wait3A_145 : memref<128x128xf32, #tpu.memory_space<vmem>>)
    %dma_start3A_151 = arith.constant 2 : i32
    %dma_start3A_152 = arith.constant 0 : i32
    %dma_start3A_153 = arith.constant 0 : i32
    %dma_start3A_154 = tpu.memref_slice %arg11[%dma_start3A_151, %dma_start3A_152, %dma_start3A_153] : memref<3x128x128xf32, #tpu.memory_space<vmem>> -> memref<1x128x128xf32, #tpu.memory_space<vmem>>
    %dma_start3A_155 = tpu.memref_squeeze %dma_start3A_154 : memref<1x128x128xf32, #tpu.memory_space<vmem>> -> memref<128x128xf32, #tpu.memory_space<vmem>>
    %dma_start3A_156 = arith.constant 256 : i32
    %dma_start3A_157 = tpu.memref_slice %arg9[%dma_start3A_156] : memref<1024xi32, #tpu.memory_space<vmem>> -> memref<128xi32, #tpu.memory_space<vmem>>
    %dma_start3A_158 = arith.constant 0 : i32
    %dma_start3A_159 = arith.constant 0 : i32
    %dma_start3A_160 = tpu.memref_slice %arg6[%dma_start3A_158, %dma_start3A_159] : memref<100000x128xf32, #tpu.memory_space<hbm>> -> memref<100000x128xf32, #tpu.memory_space<hbm>>
    tpu.enqueue_indirect_dma source(%dma_start3A_160 : memref<100000x128xf32, #tpu.memory_space<hbm>>) target(%dma_start3A_155 : memref<128x128xf32, #tpu.memory_space<vmem>>) offsets(%dma_start3A_157 : memref<128xi32, #tpu.memory_space<vmem>>) semaphore(%arg17 : memref<!tpu.dma_semaphore, #tpu.memory_space<semaphore_mem>>) {add = true}
    %dma_wait3A_161 = arith.constant 1 : i32
    %dma_wait3A_162 = arith.constant 0 : i32
    %dma_wait3A_163 = arith.constant 0 : i32
    %dma_wait3A_164 = tpu.memref_slice %arg11[%dma_wait3A_161, %dma_wait3A_162, %dma_wait3A_163] : memref<3x128x128xf32, #tpu.memory_space<vmem>> -> memref<1x128x128xf32, #tpu.memory_space<vmem>>
    %dma_wait3A_165 = tpu.memref_squeeze %dma_wait3A_164 : memref<1x128x128xf32, #tpu.memory_space<vmem>> -> memref<128x128xf32, #tpu.memory_space<vmem>>
    %dma_wait3A_166 = arith.constant 128 : i32
    %dma_wait3A_167 = tpu.memref_slice %arg9[%dma_wait3A_166] : memref<1024xi32, #tpu.memory_space<vmem>> -> memref<128xi32, #tpu.memory_space<vmem>>
    %dma_wait3A_168 = arith.constant 0 : i32
    %dma_wait3A_169 = arith.constant 0 : i32
    %dma_wait3A_170 = tpu.memref_slice %arg6[%dma_wait3A_168, %dma_wait3A_169] : memref<100000x128xf32, #tpu.memory_space<hbm>> -> memref<100000x128xf32, #tpu.memory_space<hbm>>
    tpu.wait_indirect_dma semaphore(%arg16 : memref<!tpu.dma_semaphore, #tpu.memory_space<semaphore_mem>>) src(%dma_wait3A_170 : memref<100000x128xf32, #tpu.memory_space<hbm>>) dst(%dma_wait3A_165 : memref<128x128xf32, #tpu.memory_space<vmem>>)
    %dma_wait3A_171 = arith.constant 1 : i32
    %dma_wait3A_172 = arith.constant 0 : i32
    %dma_wait3A_173 = arith.constant 0 : i32
    %dma_wait3A_174 = tpu.memref_slice %arg12[%dma_wait3A_171, %dma_wait3A_172, %dma_wait3A_173] : memref<3x128x128xf32, #tpu.memory_space<vmem>> -> memref<1x128x128xf32, #tpu.memory_space<vmem>>
    %dma_wait3A_175 = tpu.memref_squeeze %dma_wait3A_174 : memref<1x128x128xf32, #tpu.memory_space<vmem>> -> memref<128x128xf32, #tpu.memory_space<vmem>>
    %dma_wait3A_176 = arith.constant 128 : i32
    %dma_wait3A_177 = tpu.memref_slice %arg10[%dma_wait3A_176] : memref<1024xi32, #tpu.memory_space<vmem>> -> memref<128xi32, #tpu.memory_space<vmem>>
    %dma_wait3A_178 = arith.constant 0 : i32
    %dma_wait3A_179 = arith.constant 0 : i32
    %dma_wait3A_180 = tpu.memref_slice %arg5[%dma_wait3A_178, %dma_wait3A_179] : memref<1000000x128xf32, #tpu.memory_space<hbm>> -> memref<1000000x128xf32, #tpu.memory_space<hbm>>
    tpu.wait_indirect_dma semaphore(%arg19 : memref<!tpu.dma_semaphore, #tpu.memory_space<semaphore_mem>>) src(%dma_wait3A_180 : memref<1000000x128xf32, #tpu.memory_space<hbm>>) dst(%dma_wait3A_175 : memref<128x128xf32, #tpu.memory_space<vmem>>)
    %dma_start3A_181 = arith.constant 0 : i32
    %dma_start3A_182 = arith.constant 0 : i32
    %dma_start3A_183 = arith.constant 0 : i32
    %dma_start3A_184 = tpu.memref_slice %arg11[%dma_start3A_181, %dma_start3A_182, %dma_start3A_183] : memref<3x128x128xf32, #tpu.memory_space<vmem>> -> memref<1x128x128xf32, #tpu.memory_space<vmem>>
    %dma_start3A_185 = tpu.memref_squeeze %dma_start3A_184 : memref<1x128x128xf32, #tpu.memory_space<vmem>> -> memref<128x128xf32, #tpu.memory_space<vmem>>
    %dma_start3A_186 = arith.constant 384 : i32
    %dma_start3A_187 = tpu.memref_slice %arg8[%dma_start3A_186] : memref<1024xi32, #tpu.memory_space<vmem>> -> memref<128xi32, #tpu.memory_space<vmem>>
    %dma_start3A_188 = arith.constant 0 : i32
    %dma_start3A_189 = arith.constant 0 : i32
    %dma_start3A_190 = tpu.memref_slice %arg5[%dma_start3A_188, %dma_start3A_189] : memref<1000000x128xf32, #tpu.memory_space<hbm>> -> memref<1000000x128xf32, #tpu.memory_space<hbm>>
    tpu.enqueue_indirect_dma source(%dma_start3A_190 : memref<1000000x128xf32, #tpu.memory_space<hbm>>) target(%dma_start3A_185 : memref<128x128xf32, #tpu.memory_space<vmem>>) offsets(%dma_start3A_187 : memref<128xi32, #tpu.memory_space<vmem>>) semaphore(%arg15 : memref<!tpu.dma_semaphore, #tpu.memory_space<semaphore_mem>>)
    %dma_start3A_191 = arith.constant 0 : i32
    %dma_start3A_192 = arith.constant 0 : i32
    %dma_start3A_193 = arith.constant 0 : i32
    %dma_start3A_194 = tpu.memref_slice %arg12[%dma_start3A_191, %dma_start3A_192, %dma_start3A_193] : memref<3x128x128xf32, #tpu.memory_space<vmem>> -> memref<1x128x128xf32, #tpu.memory_space<vmem>>
    %dma_start3A_195 = tpu.memref_squeeze %dma_start3A_194 : memref<1x128x128xf32, #tpu.memory_space<vmem>> -> memref<128x128xf32, #tpu.memory_space<vmem>>
    %dma_start3A_196 = arith.constant 384 : i32
    %dma_start3A_197 = tpu.memref_slice %arg10[%dma_start3A_196] : memref<1024xi32, #tpu.memory_space<vmem>> -> memref<128xi32, #tpu.memory_space<vmem>>
    %dma_start3A_198 = arith.constant 0 : i32
    %dma_start3A_199 = arith.constant 0 : i32
    %dma_start3A_200 = tpu.memref_slice %arg5[%dma_start3A_198, %dma_start3A_199] : memref<1000000x128xf32, #tpu.memory_space<hbm>> -> memref<1000000x128xf32, #tpu.memory_space<hbm>>
    tpu.enqueue_indirect_dma source(%dma_start3A_200 : memref<1000000x128xf32, #tpu.memory_space<hbm>>) target(%dma_start3A_195 : memref<128x128xf32, #tpu.memory_space<vmem>>) offsets(%dma_start3A_197 : memref<128xi32, #tpu.memory_space<vmem>>) semaphore(%arg18 : memref<!tpu.dma_semaphore, #tpu.memory_space<semaphore_mem>>)
    %scan3A_201 = arith.constant 1 : i32
    %scan3A_202 = arith.constant 1 : i32
    %scan3A_203 = arith.constant 0 : i32
    %scan3A_204 = arith.constant 0 : i32
    %scan3A_205 = arith.constant 8 : i32
    %scan3A_206 = arith.addi %scan3A_204, %scan3A_205 : i32
    %scan3A_207 = arith.constant 1 : i32
    %scan3A_208 = scf.for %scan3A_564 = %scan3A_204 to %scan3A_206 step %scan3A_207 iter_args(%scan3A_565 = %scan3A_203) -> (i32)  : i32 {
      %scan3A_566 = arith.constant 0 : i32
      %scan3A_567 = arith.constant 0 : i32
      %scan3A_568 = arith.constant 16 : i32
      %scan3A_569 = arith.addi %scan3A_567, %scan3A_568 : i32
      %scan3A_570 = arith.constant 1 : i32
      %scan3A_571 = scf.for %scan3A_672 = %scan3A_567 to %scan3A_569 step %scan3A_570 iter_args(%scan3A_673 = %scan3A_566) -> (i32)  : i32 {
        %mul3A_674 = arith.constant 16 : i32
        %mul3A_675 = arith.muli %scan3A_564, %mul3A_674 : i32
        %add3A_676 = arith.addi %mul3A_675, %scan3A_672 : i32
        %broadcast_in_dim3A_677 = arith.constant 0.000000e+00 : f32
        %broadcast_in_dim3A_678 = vector.broadcast %broadcast_in_dim3A_677 : f32 to vector<16xf32>
        %broadcast_in_dim3A_679 = arith.constant 0.000000e+00 : f32
        %broadcast_in_dim3A_680 = vector.broadcast %broadcast_in_dim3A_679 : f32 to vector<16xf32>
        %broadcast_in_dim3A_681 = arith.constant 0.000000e+00 : f32
        %broadcast_in_dim3A_682 = vector.broadcast %broadcast_in_dim3A_681 : f32 to vector<16xf32>
        %broadcast_in_dim3A_683 = arith.constant 0.000000e+00 : f32
        %broadcast_in_dim3A_684 = vector.broadcast %broadcast_in_dim3A_683 : f32 to vector<16xf32>
        %get3A = arith.constant 0 : i32
        %get3A_685 = arith.constant 0 : i32
        %get3A_686 = tpu.memref_slice %arg11[%scan3A_201, %get3A, %get3A_685] : memref<3x128x128xf32, #tpu.memory_space<vmem>> -> memref<1x128x128xf32, #tpu.memory_space<vmem>>
        %get3A_687 = tpu.memref_squeeze %get3A_686 : memref<1x128x128xf32, #tpu.memory_space<vmem>> -> memref<128x128xf32, #tpu.memory_space<vmem>>
        %get3A_688 = arith.index_cast %add3A_676 : i32 to index
        %get3A_689 = arith.constant 0 : index
        %get3A_690 = tpu.vector_load %get3A_687[%get3A_688, %get3A_689] {strides = array<i32>} : memref<128x128xf32, #tpu.memory_space<vmem>>, vector<16xf32>,
        %get3A_691 = arith.constant 0 : i32
        %get3A_692 = arith.constant 0 : i32
        %get3A_693 = tpu.memref_slice %arg12[%scan3A_202, %get3A_691, %get3A_692] : memref<3x128x128xf32, #tpu.memory_space<vmem>> -> memref<1x128x128xf32, #tpu.memory_space<vmem>>
        %get3A_694 = tpu.memref_squeeze %get3A_693 : memref<1x128x128xf32, #tpu.memory_space<vmem>> -> memref<128x128xf32, #tpu.memory_space<vmem>>
        %get3A_695 = arith.index_cast %add3A_676 : i32 to index
        %get3A_696 = arith.constant 0 : index
        %get3A_697 = tpu.vector_load %get3A_694[%get3A_695, %get3A_696] {strides = array<i32>} : memref<128x128xf32, #tpu.memory_space<vmem>>, vector<16xf32>,
        %sub3A_698 = arith.subf %get3A_690, %get3A_697 : vector<16xf32>
        %mul3A_699 = arith.mulf %sub3A_698, %sub3A_698 : vector<16xf32>
        %add3A_700 = arith.addf %broadcast_in_dim3A_678, %mul3A_699 : vector<16xf32>
        %get3A_701 = arith.constant 0 : i32
        %get3A_702 = arith.constant 0 : i32
        %get3A_703 = tpu.memref_slice %arg11[%scan3A_201, %get3A_701, %get3A_702] : memref<3x128x128xf32, #tpu.memory_space<vmem>> -> memref<1x128x128xf32, #tpu.memory_space<vmem>>
        %get3A_704 = tpu.memref_squeeze %get3A_703 : memref<1x128x128xf32, #tpu.memory_space<vmem>> -> memref<128x128xf32, #tpu.memory_space<vmem>>
        %get3A_705 = arith.index_cast %add3A_676 : i32 to index
        %get3A_706 = arith.constant 16 : index
        %get3A_707 = tpu.vector_load %get3A_704[%get3A_705, %get3A_706] {strides = array<i32>} : memref<128x128xf32, #tpu.memory_space<vmem>>, vector<16xf32>,
        %get3A_708 = arith.constant 0 : i32
        %get3A_709 = arith.constant 0 : i32
        %get3A_710 = tpu.memref_slice %arg12[%scan3A_202, %get3A_708, %get3A_709] : memref<3x128x128xf32, #tpu.memory_space<vmem>> -> memref<1x128x128xf32, #tpu.memory_space<vmem>>
        %get3A_711 = tpu.memref_squeeze %get3A_710 : memref<1x128x128xf32, #tpu.memory_space<vmem>> -> memref<128x128xf32, #tpu.memory_space<vmem>>
        %get3A_712 = arith.index_cast %add3A_676 : i32 to index
        %get3A_713 = arith.constant 16 : index
        %get3A_714 = tpu.vector_load %get3A_711[%get3A_712, %get3A_713] {strides = array<i32>} : memref<128x128xf32, #tpu.memory_space<vmem>>, vector<16xf32>,
        %sub3A_715 = arith.subf %get3A_707, %get3A_714 : vector<16xf32>
        %mul3A_716 = arith.mulf %sub3A_715, %sub3A_715 : vector<16xf32>
        %add3A_717 = arith.addf %broadcast_in_dim3A_680, %mul3A_716 : vector<16xf32>
        %get3A_718 = arith.constant 0 : i32
        %get3A_719 = arith.constant 0 : i32
        %get3A_720 = tpu.memref_slice %arg11[%scan3A_201, %get3A_718, %get3A_719] : memref<3x128x128xf32, #tpu.memory_space<vmem>> -> memref<1x128x128xf32, #tpu.memory_space<vmem>>
        %get3A_721 = tpu.memref_squeeze %get3A_720 : memref<1x128x128xf32, #tpu.memory_space<vmem>> -> memref<128x128xf32, #tpu.memory_space<vmem>>
        %get3A_722 = arith.index_cast %add3A_676 : i32 to index
        %get3A_723 = arith.constant 32 : index
        %get3A_724 = tpu.vector_load %get3A_721[%get3A_722, %get3A_723] {strides = array<i32>} : memref<128x128xf32, #tpu.memory_space<vmem>>, vector<16xf32>,
        %get3A_725 = arith.constant 0 : i32
        %get3A_726 = arith.constant 0 : i32
        %get3A_727 = tpu.memref_slice %arg12[%scan3A_202, %get3A_725, %get3A_726] : memref<3x128x128xf32, #tpu.memory_space<vmem>> -> memref<1x128x128xf32, #tpu.memory_space<vmem>>
        %get3A_728 = tpu.memref_squeeze %get3A_727 : memref<1x128x128xf32, #tpu.memory_space<vmem>> -> memref<128x128xf32, #tpu.memory_space<vmem>>
        %get3A_729 = arith.index_cast %add3A_676 : i32 to index
        %get3A_730 = arith.constant 32 : index
        %get3A_731 = tpu.vector_load %get3A_728[%get3A_729, %get3A_730] {strides = array<i32>} : memref<128x128xf32, #tpu.memory_space<vmem>>, vector<16xf32>,
        %sub3A_732 = arith.subf %get3A_724, %get3A_731 : vector<16xf32>
        %mul3A_733 = arith.mulf %sub3A_732, %sub3A_732 : vector<16xf32>
        %add3A_734 = arith.addf %broadcast_in_dim3A_682, %mul3A_733 : vector<16xf32>
        %get3A_735 = arith.constant 0 : i32
        %get3A_736 = arith.constant 0 : i32
        %get3A_737 = tpu.memref_slice %arg11[%scan3A_201, %get3A_735, %get3A_736] : memref<3x128x128xf32, #tpu.memory_space<vmem>> -> memref<1x128x128xf32, #tpu.memory_space<vmem>>
        %get3A_738 = tpu.memref_squeeze %get3A_737 : memref<1x128x128xf32, #tpu.memory_space<vmem>> -> memref<128x128xf32, #tpu.memory_space<vmem>>
        %get3A_739 = arith.index_cast %add3A_676 : i32 to index
        %get3A_740 = arith.constant 48 : index
        %get3A_741 = tpu.vector_load %get3A_738[%get3A_739, %get3A_740] {strides = array<i32>} : memref<128x128xf32, #tpu.memory_space<vmem>>, vector<16xf32>,
        %get3A_742 = arith.constant 0 : i32
        %get3A_743 = arith.constant 0 : i32
        %get3A_744 = tpu.memref_slice %arg12[%scan3A_202, %get3A_742, %get3A_743] : memref<3x128x128xf32, #tpu.memory_space<vmem>> -> memref<1x128x128xf32, #tpu.memory_space<vmem>>
        %get3A_745 = tpu.memref_squeeze %get3A_744 : memref<1x128x128xf32, #tpu.memory_space<vmem>> -> memref<128x128xf32, #tpu.memory_space<vmem>>
        %get3A_746 = arith.index_cast %add3A_676 : i32 to index
        %get3A_747 = arith.constant 48 : index
        %get3A_748 = tpu.vector_load %get3A_745[%get3A_746, %get3A_747] {strides = array<i32>} : memref<128x128xf32, #tpu.memory_space<vmem>>, vector<16xf32>,
        %sub3A_749 = arith.subf %get3A_741, %get3A_748 : vector<16xf32>
        %mul3A_750 = arith.mulf %sub3A_749, %sub3A_749 : vector<16xf32>
        %add3A_751 = arith.addf %broadcast_in_dim3A_684, %mul3A_750 : vector<16xf32>
        %get3A_752 = arith.constant 0 : i32
        %get3A_753 = arith.constant 0 : i32
        %get3A_754 = tpu.memref_slice %arg11[%scan3A_201, %get3A_752, %get3A_753] : memref<3x128x128xf32, #tpu.memory_space<vmem>> -> memref<1x128x128xf32, #tpu.memory_space<vmem>>
        %get3A_755 = tpu.memref_squeeze %get3A_754 : memref<1x128x128xf32, #tpu.memory_space<vmem>> -> memref<128x128xf32, #tpu.memory_space<vmem>>
        %get3A_756 = arith.index_cast %add3A_676 : i32 to index
        %get3A_757 = arith.constant 64 : index
        %get3A_758 = tpu.vector_load %get3A_755[%get3A_756, %get3A_757] {strides = array<i32>} : memref<128x128xf32, #tpu.memory_space<vmem>>, vector<16xf32>,
        %get3A_759 = arith.constant 0 : i32
        %get3A_760 = arith.constant 0 : i32
        %get3A_761 = tpu.memref_slice %arg12[%scan3A_202, %get3A_759, %get3A_760] : memref<3x128x128xf32, #tpu.memory_space<vmem>> -> memref<1x128x128xf32, #tpu.memory_space<vmem>>
        %get3A_762 = tpu.memref_squeeze %get3A_761 : memref<1x128x128xf32, #tpu.memory_space<vmem>> -> memref<128x128xf32, #tpu.memory_space<vmem>>
        %get3A_763 = arith.index_cast %add3A_676 : i32 to index
        %get3A_764 = arith.constant 64 : index
        %get3A_765 = tpu.vector_load %get3A_762[%get3A_763, %get3A_764] {strides = array<i32>} : memref<128x128xf32, #tpu.memory_space<vmem>>, vector<16xf32>,
        %sub3A_766 = arith.subf %get3A_758, %get3A_765 : vector<16xf32>
        %mul3A_767 = arith.mulf %sub3A_766, %sub3A_766 : vector<16xf32>
        %add3A_768 = arith.addf %add3A_700, %mul3A_767 : vector<16xf32>
        %get3A_769 = arith.constant 0 : i32
        %get3A_770 = arith.constant 0 : i32
        %get3A_771 = tpu.memref_slice %arg11[%scan3A_201, %get3A_769, %get3A_770] : memref<3x128x128xf32, #tpu.memory_space<vmem>> -> memref<1x128x128xf32, #tpu.memory_space<vmem>>
        %get3A_772 = tpu.memref_squeeze %get3A_771 : memref<1x128x128xf32, #tpu.memory_space<vmem>> -> memref<128x128xf32, #tpu.memory_space<vmem>>
        %get3A_773 = arith.index_cast %add3A_676 : i32 to index
        %get3A_774 = arith.constant 80 : index
        %get3A_775 = tpu.vector_load %get3A_772[%get3A_773, %get3A_774] {strides = array<i32>} : memref<128x128xf32, #tpu.memory_space<vmem>>, vector<16xf32>,
        %get3A_776 = arith.constant 0 : i32
        %get3A_777 = arith.constant 0 : i32
        %get3A_778 = tpu.memref_slice %arg12[%scan3A_202, %get3A_776, %get3A_777] : memref<3x128x128xf32, #tpu.memory_space<vmem>> -> memref<1x128x128xf32, #tpu.memory_space<vmem>>
        %get3A_779 = tpu.memref_squeeze %get3A_778 : memref<1x128x128xf32, #tpu.memory_space<vmem>> -> memref<128x128xf32, #tpu.memory_space<vmem>>
        %get3A_780 = arith.index_cast %add3A_676 : i32 to index
        %get3A_781 = arith.constant 80 : index
        %get3A_782 = tpu.vector_load %get3A_779[%get3A_780, %get3A_781] {strides = array<i32>} : memref<128x128xf32, #tpu.memory_space<vmem>>, vector<16xf32>,
        %sub3A_783 = arith.subf %get3A_775, %get3A_782 : vector<16xf32>
        %mul3A_784 = arith.mulf %sub3A_783, %sub3A_783 : vector<16xf32>
        %add3A_785 = arith.addf %add3A_717, %mul3A_784 : vector<16xf32>
        %get3A_786 = arith.constant 0 : i32
        %get3A_787 = arith.constant 0 : i32
        %get3A_788 = tpu.memref_slice %arg11[%scan3A_201, %get3A_786, %get3A_787] : memref<3x128x128xf32, #tpu.memory_space<vmem>> -> memref<1x128x128xf32, #tpu.memory_space<vmem>>
        %get3A_789 = tpu.memref_squeeze %get3A_788 : memref<1x128x128xf32, #tpu.memory_space<vmem>> -> memref<128x128xf32, #tpu.memory_space<vmem>>
        %get3A_790 = arith.index_cast %add3A_676 : i32 to index
        %get3A_791 = arith.constant 96 : index
        %get3A_792 = tpu.vector_load %get3A_789[%get3A_790, %get3A_791] {strides = array<i32>} : memref<128x128xf32, #tpu.memory_space<vmem>>, vector<16xf32>,
        %get3A_793 = arith.constant 0 : i32
        %get3A_794 = arith.constant 0 : i32
        %get3A_795 = tpu.memref_slice %arg12[%scan3A_202, %get3A_793, %get3A_794] : memref<3x128x128xf32, #tpu.memory_space<vmem>> -> memref<1x128x128xf32, #tpu.memory_space<vmem>>
        %get3A_796 = tpu.memref_squeeze %get3A_795 : memref<1x128x128xf32, #tpu.memory_space<vmem>> -> memref<128x128xf32, #tpu.memory_space<vmem>>
        %get3A_797 = arith.index_cast %add3A_676 : i32 to index
        %get3A_798 = arith.constant 96 : index
        %get3A_799 = tpu.vector_load %get3A_796[%get3A_797, %get3A_798] {strides = array<i32>} : memref<128x128xf32, #tpu.memory_space<vmem>>, vector<16xf32>,
        %sub3A_800 = arith.subf %get3A_792, %get3A_799 : vector<16xf32>
        %mul3A_801 = arith.mulf %sub3A_800, %sub3A_800 : vector<16xf32>
        %add3A_802 = arith.addf %add3A_734, %mul3A_801 : vector<16xf32>
        %get3A_803 = arith.constant 0 : i32
        %get3A_804 = arith.constant 0 : i32
        %get3A_805 = tpu.memref_slice %arg11[%scan3A_201, %get3A_803, %get3A_804] : memref<3x128x128xf32, #tpu.memory_space<vmem>> -> memref<1x128x128xf32, #tpu.memory_space<vmem>>
        %get3A_806 = tpu.memref_squeeze %get3A_805 : memref<1x128x128xf32, #tpu.memory_space<vmem>> -> memref<128x128xf32, #tpu.memory_space<vmem>>
        %get3A_807 = arith.index_cast %add3A_676 : i32 to index
        %get3A_808 = arith.constant 112 : index
        %get3A_809 = tpu.vector_load %get3A_806[%get3A_807, %get3A_808] {strides = array<i32>} : memref<128x128xf32, #tpu.memory_space<vmem>>, vector<16xf32>,
        %get3A_810 = arith.constant 0 : i32
        %get3A_811 = arith.constant 0 : i32
        %get3A_812 = tpu.memref_slice %arg12[%scan3A_202, %get3A_810, %get3A_811] : memref<3x128x128xf32, #tpu.memory_space<vmem>> -> memref<1x128x128xf32, #tpu.memory_space<vmem>>
        %get3A_813 = tpu.memref_squeeze %get3A_812 : memref<1x128x128xf32, #tpu.memory_space<vmem>> -> memref<128x128xf32, #tpu.memory_space<vmem>>
        %get3A_814 = arith.index_cast %add3A_676 : i32 to index
        %get3A_815 = arith.constant 112 : index
        %get3A_816 = tpu.vector_load %get3A_813[%get3A_814, %get3A_815] {strides = array<i32>} : memref<128x128xf32, #tpu.memory_space<vmem>>, vector<16xf32>,
        %sub3A_817 = arith.subf %get3A_809, %get3A_816 : vector<16xf32>
        %mul3A_818 = arith.mulf %sub3A_817, %sub3A_817 : vector<16xf32>
        %add3A_819 = arith.addf %add3A_751, %mul3A_818 : vector<16xf32>
        %add3A_820 = arith.addf %add3A_768, %add3A_785 : vector<16xf32>
        %add3A_821 = arith.addf %add3A_802, %add3A_819 : vector<16xf32>
        %add3A_822 = arith.addf %add3A_820, %add3A_821 : vector<16xf32>
        %swap3A_823 = arith.index_cast %scan3A_672 : i32 to index
        %swap3A_824 = arith.constant 0 : index
        %swap3A_825 = tpu.vector_load %arg13[%swap3A_823, %swap3A_824] {strides = array<i32>} : memref<16x17xf32, #tpu.memory_space<vmem>>, vector<16xf32>,
        tpu.vector_store %arg13[%swap3A_823, %swap3A_824], %add3A_822 {strides = array<i32>} : memref<16x17xf32, #tpu.memory_space<vmem>>, vector<16xf32>,
        %scan3A_826 = arith.constant 0 : i32
        scf.yield %scan3A_826 : i32
      }
      %scan3A_572 = arith.constant 16 : i32
      %broadcast_in_dim3A = arith.constant 0.000000e+00 : f32
      %broadcast_in_dim3A_573 = vector.broadcast %broadcast_in_dim3A : f32 to vector<16xf32>
      %broadcast_in_dim3A_574 = arith.constant 0 : i32
      %broadcast_in_dim3A_575 = vector.broadcast %broadcast_in_dim3A_574 : i32 to vector<16xi32>
      %gather3A = tpu.vector_load_idx %arg13[%iota3A, %broadcast_in_dim3A_575] : memref<16x17xf32, #tpu.memory_space<vmem>>[vector<16xi32>, vector<16xi32>], vector<16xf32>,
      %add3A_576 = arith.addf %broadcast_in_dim3A_573, %gather3A : vector<16xf32>
      %broadcast_in_dim3A_577 = arith.constant 1 : i32
      %broadcast_in_dim3A_578 = vector.broadcast %broadcast_in_dim3A_577 : i32 to vector<16xi32>
      %gather3A_579 = tpu.vector_load_idx %arg13[%iota3A, %broadcast_in_dim3A_578] : memref<16x17xf32, #tpu.memory_space<vmem>>[vector<16xi32>, vector<16xi32>], vector<16xf32>,
      %add3A_580 = arith.addf %add3A_576, %gather3A_579 : vector<16xf32>
      %broadcast_in_dim3A_581 = arith.constant 2 : i32
      %broadcast_in_dim3A_582 = vector.broadcast %broadcast_in_dim3A_581 : i32 to vector<16xi32>
      %gather3A_583 = tpu.vector_load_idx %arg13[%iota3A, %broadcast_in_dim3A_582] : memref<16x17xf32, #tpu.memory_space<vmem>>[vector<16xi32>, vector<16xi32>], vector<16xf32>,
      %add3A_584 = arith.addf %add3A_580, %gather3A_583 : vector<16xf32>
      %broadcast_in_dim3A_585 = arith.constant 3 : i32
      %broadcast_in_dim3A_586 = vector.broadcast %broadcast_in_dim3A_585 : i32 to vector<16xi32>
      %gather3A_587 = tpu.vector_load_idx %arg13[%iota3A, %broadcast_in_dim3A_586] : memref<16x17xf32, #tpu.memory_space<vmem>>[vector<16xi32>, vector<16xi32>], vector<16xf32>,
      %add3A_588 = arith.addf %add3A_584, %gather3A_587 : vector<16xf32>
      %broadcast_in_dim3A_589 = arith.constant 4 : i32
      %broadcast_in_dim3A_590 = vector.broadcast %broadcast_in_dim3A_589 : i32 to vector<16xi32>
      %gather3A_591 = tpu.vector_load_idx %arg13[%iota3A, %broadcast_in_dim3A_590] : memref<16x17xf32, #tpu.memory_space<vmem>>[vector<16xi32>, vector<16xi32>], vector<16xf32>,
      %add3A_592 = arith.addf %add3A_588, %gather3A_591 : vector<16xf32>
      %broadcast_in_dim3A_593 = arith.constant 5 : i32
      %broadcast_in_dim3A_594 = vector.broadcast %broadcast_in_dim3A_593 : i32 to vector<16xi32>
      %gather3A_595 = tpu.vector_load_idx %arg13[%iota3A, %broadcast_in_dim3A_594] : memref<16x17xf32, #tpu.memory_space<vmem>>[vector<16xi32>, vector<16xi32>], vector<16xf32>,
      %add3A_596 = arith.addf %add3A_592, %gather3A_595 : vector<16xf32>
      %broadcast_in_dim3A_597 = arith.constant 6 : i32
      %broadcast_in_dim3A_598 = vector.broadcast %broadcast_in_dim3A_597 : i32 to vector<16xi32>
      %gather3A_599 = tpu.vector_load_idx %arg13[%iota3A, %broadcast_in_dim3A_598] : memref<16x17xf32, #tpu.memory_space<vmem>>[vector<16xi32>, vector<16xi32>], vector<16xf32>,
      %add3A_600 = arith.addf %add3A_596, %gather3A_599 : vector<16xf32>
      %broadcast_in_dim3A_601 = arith.constant 7 : i32
      %broadcast_in_dim3A_602 = vector.broadcast %broadcast_in_dim3A_601 : i32 to vector<16xi32>
      %gather3A_603 = tpu.vector_load_idx %arg13[%iota3A, %broadcast_in_dim3A_602] : memref<16x17xf32, #tpu.memory_space<vmem>>[vector<16xi32>, vector<16xi32>], vector<16xf32>,
      %add3A_604 = arith.addf %add3A_600, %gather3A_603 : vector<16xf32>
      %broadcast_in_dim3A_605 = arith.constant 8 : i32
      %broadcast_in_dim3A_606 = vector.broadcast %broadcast_in_dim3A_605 : i32 to vector<16xi32>
      %gather3A_607 = tpu.vector_load_idx %arg13[%iota3A, %broadcast_in_dim3A_606] : memref<16x17xf32, #tpu.memory_space<vmem>>[vector<16xi32>, vector<16xi32>], vector<16xf32>,
      %add3A_608 = arith.addf %add3A_604, %gather3A_607 : vector<16xf32>
      %broadcast_in_dim3A_609 = arith.constant 9 : i32
      %broadcast_in_dim3A_610 = vector.broadcast %broadcast_in_dim3A_609 : i32 to vector<16xi32>
      %gather3A_611 = tpu.vector_load_idx %arg13[%iota3A, %broadcast_in_dim3A_610] : memref<16x17xf32, #tpu.memory_space<vmem>>[vector<16xi32>, vector<16xi32>], vector<16xf32>,
      %add3A_612 = arith.addf %add3A_608, %gather3A_611 : vector<16xf32>
      %broadcast_in_dim3A_613 = arith.constant 10 : i32
      %broadcast_in_dim3A_614 = vector.broadcast %broadcast_in_dim3A_613 : i32 to vector<16xi32>
      %gather3A_615 = tpu.vector_load_idx %arg13[%iota3A, %broadcast_in_dim3A_614] : memref<16x17xf32, #tpu.memory_space<vmem>>[vector<16xi32>, vector<16xi32>], vector<16xf32>,
      %add3A_616 = arith.addf %add3A_612, %gather3A_615 : vector<16xf32>
      %broadcast_in_dim3A_617 = arith.constant 11 : i32
      %broadcast_in_dim3A_618 = vector.broadcast %broadcast_in_dim3A_617 : i32 to vector<16xi32>
      %gather3A_619 = tpu.vector_load_idx %arg13[%iota3A, %broadcast_in_dim3A_618] : memref<16x17xf32, #tpu.memory_space<vmem>>[vector<16xi32>, vector<16xi32>], vector<16xf32>,
      %add3A_620 = arith.addf %add3A_616, %gather3A_619 : vector<16xf32>
      %broadcast_in_dim3A_621 = arith.constant 12 : i32
      %broadcast_in_dim3A_622 = vector.broadcast %broadcast_in_dim3A_621 : i32 to vector<16xi32>
      %gather3A_623 = tpu.vector_load_idx %arg13[%iota3A, %broadcast_in_dim3A_622] : memref<16x17xf32, #tpu.memory_space<vmem>>[vector<16xi32>, vector<16xi32>], vector<16xf32>,
      %add3A_624 = arith.addf %add3A_620, %gather3A_623 : vector<16xf32>
      %broadcast_in_dim3A_625 = arith.constant 13 : i32
      %broadcast_in_dim3A_626 = vector.broadcast %broadcast_in_dim3A_625 : i32 to vector<16xi32>
      %gather3A_627 = tpu.vector_load_idx %arg13[%iota3A, %broadcast_in_dim3A_626] : memref<16x17xf32, #tpu.memory_space<vmem>>[vector<16xi32>, vector<16xi32>], vector<16xf32>,
      %add3A_628 = arith.addf %add3A_624, %gather3A_627 : vector<16xf32>
      %broadcast_in_dim3A_629 = arith.constant 14 : i32
      %broadcast_in_dim3A_630 = vector.broadcast %broadcast_in_dim3A_629 : i32 to vector<16xi32>
      %gather3A_631 = tpu.vector_load_idx %arg13[%iota3A, %broadcast_in_dim3A_630] : memref<16x17xf32, #tpu.memory_space<vmem>>[vector<16xi32>, vector<16xi32>], vector<16xf32>,
      %add3A_632 = arith.addf %add3A_628, %gather3A_631 : vector<16xf32>
      %broadcast_in_dim3A_633 = arith.constant 15 : i32
      %broadcast_in_dim3A_634 = vector.broadcast %broadcast_in_dim3A_633 : i32 to vector<16xi32>
      %gather3A_635 = tpu.vector_load_idx %arg13[%iota3A, %broadcast_in_dim3A_634] : memref<16x17xf32, #tpu.memory_space<vmem>>[vector<16xi32>, vector<16xi32>], vector<16xf32>,
      %add3A_636 = arith.addf %add3A_632, %gather3A_635 : vector<16xf32>
      %max3A = arith.constant 1.000000e-30 : f32
      %max3A_637 = vector.broadcast %max3A : f32 to vector<16xf32>
      %max3A_638 = arith.maximumf %add3A_636, %max3A_637 : vector<16xf32>
      %bitcast3A = vector.bitcast %max3A_638 : vector<16xf32> to vector<16xi32>
      %shift_right_arithmetic3A = arith.constant 1 : i32
      %shift_right_arithmetic3A_639 = vector.broadcast %shift_right_arithmetic3A : i32 to vector<16xi32>
      %shift_right_arithmetic3A_640 = arith.shrsi %bitcast3A, %shift_right_arithmetic3A_639 : vector<16xi32>
      %sub3A = arith.constant 1597463007 : i32
      %sub3A_641 = vector.broadcast %sub3A : i32 to vector<16xi32>
      %sub3A_642 = arith.subi %sub3A_641, %shift_right_arithmetic3A_640 : vector<16xi32>
      %bitcast3A_643 = vector.bitcast %sub3A_642 : vector<16xi32> to vector<16xf32>
      %mul3A_644 = arith.constant 5.000000e-01 : f32
      %mul3A_645 = vector.broadcast %mul3A_644 : f32 to vector<16xf32>
      %mul3A_646 = arith.mulf %mul3A_645, %max3A_638 : vector<16xf32>
      %mul3A_647 = arith.mulf %mul3A_646, %bitcast3A_643 : vector<16xf32>
      %mul3A_648 = arith.mulf %mul3A_647, %bitcast3A_643 : vector<16xf32>
      %sub3A_649 = arith.constant 1.500000e+00 : f32
      %sub3A_650 = vector.broadcast %sub3A_649 : f32 to vector<16xf32>
      %sub3A_651 = arith.subf %sub3A_650, %mul3A_648 : vector<16xf32>
      %mul3A_652 = arith.mulf %bitcast3A_643, %sub3A_651 : vector<16xf32>
      %mul3A_653 = arith.mulf %mul3A_646, %mul3A_652 : vector<16xf32>
      %mul3A_654 = arith.mulf %mul3A_653, %mul3A_652 : vector<16xf32>
      %sub3A_655 = arith.constant 1.500000e+00 : f32
      %sub3A_656 = vector.broadcast %sub3A_655 : f32 to vector<16xf32>
      %sub3A_657 = arith.subf %sub3A_656, %mul3A_654 : vector<16xf32>
      %mul3A_658 = arith.mulf %mul3A_652, %sub3A_657 : vector<16xf32>
      %mul3A_659 = arith.mulf %mul3A_646, %mul3A_658 : vector<16xf32>
      %mul3A_660 = arith.mulf %mul3A_659, %mul3A_658 : vector<16xf32>
      %sub3A_661 = arith.constant 1.500000e+00 : f32
      %sub3A_662 = vector.broadcast %sub3A_661 : f32 to vector<16xf32>
      %sub3A_663 = arith.subf %sub3A_662, %mul3A_660 : vector<16xf32>
      %mul3A_664 = arith.mulf %mul3A_658, %sub3A_663 : vector<16xf32>
      %mul3A_665 = arith.mulf %max3A_638, %mul3A_664 : vector<16xf32>
      %mul3A_666 = arith.constant 16 : i32
      %mul3A_667 = arith.muli %scan3A_564, %mul3A_666 : i32
      %add3A_668 = arith.constant 128 : i32
      %add3A_669 = arith.addi %add3A_668, %mul3A_667 : i32
      %swap3A = arith.index_cast %add3A_669 : i32 to index
      %swap3A_670 = tpu.vector_load %arg14[%swap3A] {strides = array<i32>} : memref<1024xf32, #tpu.memory_space<vmem>>, vector<16xf32>,
      tpu.vector_store %arg14[%swap3A], %mul3A_665 {strides = array<i32>} : memref<1024xf32, #tpu.memory_space<vmem>>, vector<16xf32>,
      %scan3A_671 = arith.constant 0 : i32
      scf.yield %scan3A_671 : i32
    }
    %scan3A_209 = arith.constant 8 : i32
    %dma_wait3A_210 = arith.constant 0 : i32
    %dma_wait3A_211 = arith.constant 0 : i32
    %dma_wait3A_212 = arith.constant 0 : i32
    %dma_wait3A_213 = tpu.memref_slice %arg11[%dma_wait3A_210, %dma_wait3A_211, %dma_wait3A_212] : memref<3x128x128xf32, #tpu.memory_space<vmem>> -> memref<1x128x128xf32, #tpu.memory_space<vmem>>
    %dma_wait3A_214 = tpu.memref_squeeze %dma_wait3A_213 : memref<1x128x128xf32, #tpu.memory_space<vmem>> -> memref<128x128xf32, #tpu.memory_space<vmem>>
    %dma_wait3A_215 = arith.constant 384 : i32
    %dma_wait3A_216 = tpu.memref_slice %arg8[%dma_wait3A_215] : memref<1024xi32, #tpu.memory_space<vmem>> -> memref<128xi32, #tpu.memory_space<vmem>>
    %dma_wait3A_217 = arith.constant 0 : i32
    %dma_wait3A_218 = arith.constant 0 : i32
    %dma_wait3A_219 = tpu.memref_slice %arg5[%dma_wait3A_217, %dma_wait3A_218] : memref<1000000x128xf32, #tpu.memory_space<hbm>> -> memref<1000000x128xf32, #tpu.memory_space<hbm>>
    tpu.wait_indirect_dma semaphore(%arg15 : memref<!tpu.dma_semaphore, #tpu.memory_space<semaphore_mem>>) src(%dma_wait3A_219 : memref<1000000x128xf32, #tpu.memory_space<hbm>>) dst(%dma_wait3A_214 : memref<128x128xf32, #tpu.memory_space<vmem>>)
    %dma_start3A_220 = arith.constant 0 : i32
    %dma_start3A_221 = arith.constant 0 : i32
    %dma_start3A_222 = arith.constant 0 : i32
    %dma_start3A_223 = tpu.memref_slice %arg11[%dma_start3A_220, %dma_start3A_221, %dma_start3A_222] : memref<3x128x128xf32, #tpu.memory_space<vmem>> -> memref<1x128x128xf32, #tpu.memory_space<vmem>>
    %dma_start3A_224 = tpu.memref_squeeze %dma_start3A_223 : memref<1x128x128xf32, #tpu.memory_space<vmem>> -> memref<128x128xf32, #tpu.memory_space<vmem>>
    %dma_start3A_225 = arith.constant 384 : i32
    %dma_start3A_226 = tpu.memref_slice %arg9[%dma_start3A_225] : memref<1024xi32, #tpu.memory_space<vmem>> -> memref<128xi32, #tpu.memory_space<vmem>>
    %dma_start3A_227 = arith.constant 0 : i32
    %dma_start3A_228 = arith.constant 0 : i32
    %dma_start3A_229 = tpu.memref_slice %arg6[%dma_start3A_227, %dma_start3A_228] : memref<100000x128xf32, #tpu.memory_space<hbm>> -> memref<100000x128xf32, #tpu.memory_space<hbm>>
    tpu.enqueue_indirect_dma source(%dma_start3A_229 : memref<100000x128xf32, #tpu.memory_space<hbm>>) target(%dma_start3A_224 : memref<128x128xf32, #tpu.memory_space<vmem>>) offsets(%dma_start3A_226 : memref<128xi32, #tpu.memory_space<vmem>>) semaphore(%arg15 : memref<!tpu.dma_semaphore, #tpu.memory_space<semaphore_mem>>) {add = true}
    %dma_wait3A_230 = arith.constant 2 : i32
    %dma_wait3A_231 = arith.constant 0 : i32
    %dma_wait3A_232 = arith.constant 0 : i32
    %dma_wait3A_233 = tpu.memref_slice %arg11[%dma_wait3A_230, %dma_wait3A_231, %dma_wait3A_232] : memref<3x128x128xf32, #tpu.memory_space<vmem>> -> memref<1x128x128xf32, #tpu.memory_space<vmem>>
    %dma_wait3A_234 = tpu.memref_squeeze %dma_wait3A_233 : memref<1x128x128xf32, #tpu.memory_space<vmem>> -> memref<128x128xf32, #tpu.memory_space<vmem>>
    %dma_wait3A_235 = arith.constant 256 : i32
    %dma_wait3A_236 = tpu.memref_slice %arg9[%dma_wait3A_235] : memref<1024xi32, #tpu.memory_space<vmem>> -> memref<128xi32, #tpu.memory_space<vmem>>
    %dma_wait3A_237 = arith.constant 0 : i32
    %dma_wait3A_238 = arith.constant 0 : i32
    %dma_wait3A_239 = tpu.memref_slice %arg6[%dma_wait3A_237, %dma_wait3A_238] : memref<100000x128xf32, #tpu.memory_space<hbm>> -> memref<100000x128xf32, #tpu.memory_space<hbm>>
    tpu.wait_indirect_dma semaphore(%arg17 : memref<!tpu.dma_semaphore, #tpu.memory_space<semaphore_mem>>) src(%dma_wait3A_239 : memref<100000x128xf32, #tpu.memory_space<hbm>>) dst(%dma_wait3A_234 : memref<128x128xf32, #tpu.memory_space<vmem>>)
    %dma_wait3A_240 = arith.constant 2 : i32
    %dma_wait3A_241 = arith.constant 0 : i32
    %dma_wait3A_242 = arith.constant 0 : i32
    %dma_wait3A_243 = tpu.memref_slice %arg12[%dma_wait3A_240, %dma_wait3A_241, %dma_wait3A_242] : memref<3x128x128xf32, #tpu.memory_space<vmem>> -> memref<1x128x128xf32, #tpu.memory_space<vmem>>
    %dma_wait3A_244 = tpu.memref_squeeze %dma_wait3A_243 : memref<1x128x128xf32, #tpu.memory_space<vmem>> -> memref<128x128xf32, #tpu.memory_space<vmem>>
    %dma_wait3A_245 = arith.constant 256 : i32
    %dma_wait3A_246 = tpu.memref_slice %arg10[%dma_wait3A_245] : memref<1024xi32, #tpu.memory_space<vmem>> -> memref<128xi32, #tpu.memory_space<vmem>>
    %dma_wait3A_247 = arith.constant 0 : i32
    %dma_wait3A_248 = arith.constant 0 : i32
    %dma_wait3A_249 = tpu.memref_slice %arg5[%dma_wait3A_247, %dma_wait3A_248] : memref<1000000x128xf32, #tpu.memory_space<hbm>> -> memref<1000000x128xf32, #tpu.memory_space<hbm>>
    tpu.wait_indirect_dma semaphore(%arg20 : memref<!tpu.dma_semaphore, #tpu.memory_space<semaphore_mem>>) src(%dma_wait3A_249 : memref<1000000x128xf32, #tpu.memory_space<hbm>>) dst(%dma_wait3A_244 : memref<128x128xf32, #tpu.memory_space<vmem>>)
    %dma_start3A_250 = arith.constant 1 : i32
    %dma_start3A_251 = arith.constant 0 : i32
    %dma_start3A_252 = arith.constant 0 : i32
    %dma_start3A_253 = tpu.memref_slice %arg11[%dma_start3A_250, %dma_start3A_251, %dma_start3A_252] : memref<3x128x128xf32, #tpu.memory_space<vmem>> -> memref<1x128x128xf32, #tpu.memory_space<vmem>>
    %dma_start3A_254 = tpu.memref_squeeze %dma_start3A_253 : memref<1x128x128xf32, #tpu.memory_space<vmem>> -> memref<128x128xf32, #tpu.memory_space<vmem>>
    %dma_start3A_255 = arith.constant 512 : i32
    %dma_start3A_256 = tpu.memref_slice %arg8[%dma_start3A_255] : memref<1024xi32, #tpu.memory_space<vmem>> -> memref<128xi32, #tpu.memory_space<vmem>>
    %dma_start3A_257 = arith.constant 0 : i32
    %dma_start3A_258 = arith.constant 0 : i32
    %dma_start3A_259 = tpu.memref_slice %arg5[%dma_start3A_257, %dma_start3A_258] : memref<1000000x128xf32, #tpu.memory_space<hbm>> -> memref<1000000x128xf32, #tpu.memory_space<hbm>>
    tpu.enqueue_indirect_dma source(%dma_start3A_259 : memref<1000000x128xf32, #tpu.memory_space<hbm>>) target(%dma_start3A_254 : memref<128x128xf32, #tpu.memory_space<vmem>>) offsets(%dma_start3A_256 : memref<128xi32, #tpu.memory_space<vmem>>) semaphore(%arg16 : memref<!tpu.dma_semaphore, #tpu.memory_space<semaphore_mem>>)
    %dma_start3A_260 = arith.constant 1 : i32
    %dma_start3A_261 = arith.constant 0 : i32
    %dma_start3A_262 = arith.constant 0 : i32
    %dma_start3A_263 = tpu.memref_slice %arg12[%dma_start3A_260, %dma_start3A_261, %dma_start3A_262] : memref<3x128x128xf32, #tpu.memory_space<vmem>> -> memref<1x128x128xf32, #tpu.memory_space<vmem>>
    %dma_start3A_264 = tpu.memref_squeeze %dma_start3A_263 : memref<1x128x128xf32, #tpu.memory_space<vmem>> -> memref<128x128xf32, #tpu.memory_space<vmem>>
    %dma_start3A_265 = arith.constant 512 : i32
    %dma_start3A_266 = tpu.memref_slice %arg10[%dma_start3A_265] : memref<1024xi32, #tpu.memory_space<vmem>> -> memref<128xi32, #tpu.memory_space<vmem>>
    %dma_start3A_267 = arith.constant 0 : i32
    %dma_start3A_268 = arith.constant 0 : i32
    %dma_start3A_269 = tpu.memref_slice %arg5[%dma_start3A_267, %dma_start3A_268] : memref<1000000x128xf32, #tpu.memory_space<hbm>> -> memref<1000000x128xf32, #tpu.memory_space<hbm>>
    tpu.enqueue_indirect_dma source(%dma_start3A_269 : memref<1000000x128xf32, #tpu.memory_space<hbm>>) target(%dma_start3A_264 : memref<128x128xf32, #tpu.memory_space<vmem>>) offsets(%dma_start3A_266 : memref<128xi32, #tpu.memory_space<vmem>>) semaphore(%arg19 : memref<!tpu.dma_semaphore, #tpu.memory_space<semaphore_mem>>)
    %scan3A_270 = arith.constant 2 : i32
    %scan3A_271 = arith.constant 2 : i32
    %scan3A_272 = arith.constant 0 : i32
    %scan3A_273 = arith.constant 0 : i32
    %scan3A_274 = arith.constant 8 : i32
    %scan3A_275 = arith.addi %scan3A_273, %scan3A_274 : i32
    %scan3A_276 = arith.constant 1 : i32
    %scan3A_277 = scf.for %scan3A_564 = %scan3A_273 to %scan3A_275 step %scan3A_276 iter_args(%scan3A_565 = %scan3A_272) -> (i32)  : i32 {
      %scan3A_566 = arith.constant 0 : i32
      %scan3A_567 = arith.constant 0 : i32
      %scan3A_568 = arith.constant 16 : i32
      %scan3A_569 = arith.addi %scan3A_567, %scan3A_568 : i32
      %scan3A_570 = arith.constant 1 : i32
      %scan3A_571 = scf.for %scan3A_672 = %scan3A_567 to %scan3A_569 step %scan3A_570 iter_args(%scan3A_673 = %scan3A_566) -> (i32)  : i32 {
        %mul3A_674 = arith.constant 16 : i32
        %mul3A_675 = arith.muli %scan3A_564, %mul3A_674 : i32
        %add3A_676 = arith.addi %mul3A_675, %scan3A_672 : i32
        %broadcast_in_dim3A_677 = arith.constant 0.000000e+00 : f32
        %broadcast_in_dim3A_678 = vector.broadcast %broadcast_in_dim3A_677 : f32 to vector<16xf32>
        %broadcast_in_dim3A_679 = arith.constant 0.000000e+00 : f32
        %broadcast_in_dim3A_680 = vector.broadcast %broadcast_in_dim3A_679 : f32 to vector<16xf32>
        %broadcast_in_dim3A_681 = arith.constant 0.000000e+00 : f32
        %broadcast_in_dim3A_682 = vector.broadcast %broadcast_in_dim3A_681 : f32 to vector<16xf32>
        %broadcast_in_dim3A_683 = arith.constant 0.000000e+00 : f32
        %broadcast_in_dim3A_684 = vector.broadcast %broadcast_in_dim3A_683 : f32 to vector<16xf32>
        %get3A = arith.constant 0 : i32
        %get3A_685 = arith.constant 0 : i32
        %get3A_686 = tpu.memref_slice %arg11[%scan3A_270, %get3A, %get3A_685] : memref<3x128x128xf32, #tpu.memory_space<vmem>> -> memref<1x128x128xf32, #tpu.memory_space<vmem>>
        %get3A_687 = tpu.memref_squeeze %get3A_686 : memref<1x128x128xf32, #tpu.memory_space<vmem>> -> memref<128x128xf32, #tpu.memory_space<vmem>>
        %get3A_688 = arith.index_cast %add3A_676 : i32 to index
        %get3A_689 = arith.constant 0 : index
        %get3A_690 = tpu.vector_load %get3A_687[%get3A_688, %get3A_689] {strides = array<i32>} : memref<128x128xf32, #tpu.memory_space<vmem>>, vector<16xf32>,
        %get3A_691 = arith.constant 0 : i32
        %get3A_692 = arith.constant 0 : i32
        %get3A_693 = tpu.memref_slice %arg12[%scan3A_271, %get3A_691, %get3A_692] : memref<3x128x128xf32, #tpu.memory_space<vmem>> -> memref<1x128x128xf32, #tpu.memory_space<vmem>>
        %get3A_694 = tpu.memref_squeeze %get3A_693 : memref<1x128x128xf32, #tpu.memory_space<vmem>> -> memref<128x128xf32, #tpu.memory_space<vmem>>
        %get3A_695 = arith.index_cast %add3A_676 : i32 to index
        %get3A_696 = arith.constant 0 : index
        %get3A_697 = tpu.vector_load %get3A_694[%get3A_695, %get3A_696] {strides = array<i32>} : memref<128x128xf32, #tpu.memory_space<vmem>>, vector<16xf32>,
        %sub3A_698 = arith.subf %get3A_690, %get3A_697 : vector<16xf32>
        %mul3A_699 = arith.mulf %sub3A_698, %sub3A_698 : vector<16xf32>
        %add3A_700 = arith.addf %broadcast_in_dim3A_678, %mul3A_699 : vector<16xf32>
        %get3A_701 = arith.constant 0 : i32
        %get3A_702 = arith.constant 0 : i32
        %get3A_703 = tpu.memref_slice %arg11[%scan3A_270, %get3A_701, %get3A_702] : memref<3x128x128xf32, #tpu.memory_space<vmem>> -> memref<1x128x128xf32, #tpu.memory_space<vmem>>
        %get3A_704 = tpu.memref_squeeze %get3A_703 : memref<1x128x128xf32, #tpu.memory_space<vmem>> -> memref<128x128xf32, #tpu.memory_space<vmem>>
        %get3A_705 = arith.index_cast %add3A_676 : i32 to index
        %get3A_706 = arith.constant 16 : index
        %get3A_707 = tpu.vector_load %get3A_704[%get3A_705, %get3A_706] {strides = array<i32>} : memref<128x128xf32, #tpu.memory_space<vmem>>, vector<16xf32>,
        %get3A_708 = arith.constant 0 : i32
        %get3A_709 = arith.constant 0 : i32
        %get3A_710 = tpu.memref_slice %arg12[%scan3A_271, %get3A_708, %get3A_709] : memref<3x128x128xf32, #tpu.memory_space<vmem>> -> memref<1x128x128xf32, #tpu.memory_space<vmem>>
        %get3A_711 = tpu.memref_squeeze %get3A_710 : memref<1x128x128xf32, #tpu.memory_space<vmem>> -> memref<128x128xf32, #tpu.memory_space<vmem>>
        %get3A_712 = arith.index_cast %add3A_676 : i32 to index
        %get3A_713 = arith.constant 16 : index
        %get3A_714 = tpu.vector_load %get3A_711[%get3A_712, %get3A_713] {strides = array<i32>} : memref<128x128xf32, #tpu.memory_space<vmem>>, vector<16xf32>,
        %sub3A_715 = arith.subf %get3A_707, %get3A_714 : vector<16xf32>
        %mul3A_716 = arith.mulf %sub3A_715, %sub3A_715 : vector<16xf32>
        %add3A_717 = arith.addf %broadcast_in_dim3A_680, %mul3A_716 : vector<16xf32>
        %get3A_718 = arith.constant 0 : i32
        %get3A_719 = arith.constant 0 : i32
        %get3A_720 = tpu.memref_slice %arg11[%scan3A_270, %get3A_718, %get3A_719] : memref<3x128x128xf32, #tpu.memory_space<vmem>> -> memref<1x128x128xf32, #tpu.memory_space<vmem>>
        %get3A_721 = tpu.memref_squeeze %get3A_720 : memref<1x128x128xf32, #tpu.memory_space<vmem>> -> memref<128x128xf32, #tpu.memory_space<vmem>>
        %get3A_722 = arith.index_cast %add3A_676 : i32 to index
        %get3A_723 = arith.constant 32 : index
        %get3A_724 = tpu.vector_load %get3A_721[%get3A_722, %get3A_723] {strides = array<i32>} : memref<128x128xf32, #tpu.memory_space<vmem>>, vector<16xf32>,
        %get3A_725 = arith.constant 0 : i32
        %get3A_726 = arith.constant 0 : i32
        %get3A_727 = tpu.memref_slice %arg12[%scan3A_271, %get3A_725, %get3A_726] : memref<3x128x128xf32, #tpu.memory_space<vmem>> -> memref<1x128x128xf32, #tpu.memory_space<vmem>>
        %get3A_728 = tpu.memref_squeeze %get3A_727 : memref<1x128x128xf32, #tpu.memory_space<vmem>> -> memref<128x128xf32, #tpu.memory_space<vmem>>
        %get3A_729 = arith.index_cast %add3A_676 : i32 to index
        %get3A_730 = arith.constant 32 : index
        %get3A_731 = tpu.vector_load %get3A_728[%get3A_729, %get3A_730] {strides = array<i32>} : memref<128x128xf32, #tpu.memory_space<vmem>>, vector<16xf32>,
        %sub3A_732 = arith.subf %get3A_724, %get3A_731 : vector<16xf32>
        %mul3A_733 = arith.mulf %sub3A_732, %sub3A_732 : vector<16xf32>
        %add3A_734 = arith.addf %broadcast_in_dim3A_682, %mul3A_733 : vector<16xf32>
        %get3A_735 = arith.constant 0 : i32
        %get3A_736 = arith.constant 0 : i32
        %get3A_737 = tpu.memref_slice %arg11[%scan3A_270, %get3A_735, %get3A_736] : memref<3x128x128xf32, #tpu.memory_space<vmem>> -> memref<1x128x128xf32, #tpu.memory_space<vmem>>
        %get3A_738 = tpu.memref_squeeze %get3A_737 : memref<1x128x128xf32, #tpu.memory_space<vmem>> -> memref<128x128xf32, #tpu.memory_space<vmem>>
        %get3A_739 = arith.index_cast %add3A_676 : i32 to index
        %get3A_740 = arith.constant 48 : index
        %get3A_741 = tpu.vector_load %get3A_738[%get3A_739, %get3A_740] {strides = array<i32>} : memref<128x128xf32, #tpu.memory_space<vmem>>, vector<16xf32>,
        %get3A_742 = arith.constant 0 : i32
        %get3A_743 = arith.constant 0 : i32
        %get3A_744 = tpu.memref_slice %arg12[%scan3A_271, %get3A_742, %get3A_743] : memref<3x128x128xf32, #tpu.memory_space<vmem>> -> memref<1x128x128xf32, #tpu.memory_space<vmem>>
        %get3A_745 = tpu.memref_squeeze %get3A_744 : memref<1x128x128xf32, #tpu.memory_space<vmem>> -> memref<128x128xf32, #tpu.memory_space<vmem>>
        %get3A_746 = arith.index_cast %add3A_676 : i32 to index
        %get3A_747 = arith.constant 48 : index
        %get3A_748 = tpu.vector_load %get3A_745[%get3A_746, %get3A_747] {strides = array<i32>} : memref<128x128xf32, #tpu.memory_space<vmem>>, vector<16xf32>,
        %sub3A_749 = arith.subf %get3A_741, %get3A_748 : vector<16xf32>
        %mul3A_750 = arith.mulf %sub3A_749, %sub3A_749 : vector<16xf32>
        %add3A_751 = arith.addf %broadcast_in_dim3A_684, %mul3A_750 : vector<16xf32>
        %get3A_752 = arith.constant 0 : i32
        %get3A_753 = arith.constant 0 : i32
        %get3A_754 = tpu.memref_slice %arg11[%scan3A_270, %get3A_752, %get3A_753] : memref<3x128x128xf32, #tpu.memory_space<vmem>> -> memref<1x128x128xf32, #tpu.memory_space<vmem>>
        %get3A_755 = tpu.memref_squeeze %get3A_754 : memref<1x128x128xf32, #tpu.memory_space<vmem>> -> memref<128x128xf32, #tpu.memory_space<vmem>>
        %get3A_756 = arith.index_cast %add3A_676 : i32 to index
        %get3A_757 = arith.constant 64 : index
        %get3A_758 = tpu.vector_load %get3A_755[%get3A_756, %get3A_757] {strides = array<i32>} : memref<128x128xf32, #tpu.memory_space<vmem>>, vector<16xf32>,
        %get3A_759 = arith.constant 0 : i32
        %get3A_760 = arith.constant 0 : i32
        %get3A_761 = tpu.memref_slice %arg12[%scan3A_271, %get3A_759, %get3A_760] : memref<3x128x128xf32, #tpu.memory_space<vmem>> -> memref<1x128x128xf32, #tpu.memory_space<vmem>>
        %get3A_762 = tpu.memref_squeeze %get3A_761 : memref<1x128x128xf32, #tpu.memory_space<vmem>> -> memref<128x128xf32, #tpu.memory_space<vmem>>
        %get3A_763 = arith.index_cast %add3A_676 : i32 to index
        %get3A_764 = arith.constant 64 : index
        %get3A_765 = tpu.vector_load %get3A_762[%get3A_763, %get3A_764] {strides = array<i32>} : memref<128x128xf32, #tpu.memory_space<vmem>>, vector<16xf32>,
        %sub3A_766 = arith.subf %get3A_758, %get3A_765 : vector<16xf32>
        %mul3A_767 = arith.mulf %sub3A_766, %sub3A_766 : vector<16xf32>
        %add3A_768 = arith.addf %add3A_700, %mul3A_767 : vector<16xf32>
        %get3A_769 = arith.constant 0 : i32
        %get3A_770 = arith.constant 0 : i32
        %get3A_771 = tpu.memref_slice %arg11[%scan3A_270, %get3A_769, %get3A_770] : memref<3x128x128xf32, #tpu.memory_space<vmem>> -> memref<1x128x128xf32, #tpu.memory_space<vmem>>
        %get3A_772 = tpu.memref_squeeze %get3A_771 : memref<1x128x128xf32, #tpu.memory_space<vmem>> -> memref<128x128xf32, #tpu.memory_space<vmem>>
        %get3A_773 = arith.index_cast %add3A_676 : i32 to index
        %get3A_774 = arith.constant 80 : index
        %get3A_775 = tpu.vector_load %get3A_772[%get3A_773, %get3A_774] {strides = array<i32>} : memref<128x128xf32, #tpu.memory_space<vmem>>, vector<16xf32>,
        %get3A_776 = arith.constant 0 : i32
        %get3A_777 = arith.constant 0 : i32
        %get3A_778 = tpu.memref_slice %arg12[%scan3A_271, %get3A_776, %get3A_777] : memref<3x128x128xf32, #tpu.memory_space<vmem>> -> memref<1x128x128xf32, #tpu.memory_space<vmem>>
        %get3A_779 = tpu.memref_squeeze %get3A_778 : memref<1x128x128xf32, #tpu.memory_space<vmem>> -> memref<128x128xf32, #tpu.memory_space<vmem>>
        %get3A_780 = arith.index_cast %add3A_676 : i32 to index
        %get3A_781 = arith.constant 80 : index
        %get3A_782 = tpu.vector_load %get3A_779[%get3A_780, %get3A_781] {strides = array<i32>} : memref<128x128xf32, #tpu.memory_space<vmem>>, vector<16xf32>,
        %sub3A_783 = arith.subf %get3A_775, %get3A_782 : vector<16xf32>
        %mul3A_784 = arith.mulf %sub3A_783, %sub3A_783 : vector<16xf32>
        %add3A_785 = arith.addf %add3A_717, %mul3A_784 : vector<16xf32>
        %get3A_786 = arith.constant 0 : i32
        %get3A_787 = arith.constant 0 : i32
        %get3A_788 = tpu.memref_slice %arg11[%scan3A_270, %get3A_786, %get3A_787] : memref<3x128x128xf32, #tpu.memory_space<vmem>> -> memref<1x128x128xf32, #tpu.memory_space<vmem>>
        %get3A_789 = tpu.memref_squeeze %get3A_788 : memref<1x128x128xf32, #tpu.memory_space<vmem>> -> memref<128x128xf32, #tpu.memory_space<vmem>>
        %get3A_790 = arith.index_cast %add3A_676 : i32 to index
        %get3A_791 = arith.constant 96 : index
        %get3A_792 = tpu.vector_load %get3A_789[%get3A_790, %get3A_791] {strides = array<i32>} : memref<128x128xf32, #tpu.memory_space<vmem>>, vector<16xf32>,
        %get3A_793 = arith.constant 0 : i32
        %get3A_794 = arith.constant 0 : i32
        %get3A_795 = tpu.memref_slice %arg12[%scan3A_271, %get3A_793, %get3A_794] : memref<3x128x128xf32, #tpu.memory_space<vmem>> -> memref<1x128x128xf32, #tpu.memory_space<vmem>>
        %get3A_796 = tpu.memref_squeeze %get3A_795 : memref<1x128x128xf32, #tpu.memory_space<vmem>> -> memref<128x128xf32, #tpu.memory_space<vmem>>
        %get3A_797 = arith.index_cast %add3A_676 : i32 to index
        %get3A_798 = arith.constant 96 : index
        %get3A_799 = tpu.vector_load %get3A_796[%get3A_797, %get3A_798] {strides = array<i32>} : memref<128x128xf32, #tpu.memory_space<vmem>>, vector<16xf32>,
        %sub3A_800 = arith.subf %get3A_792, %get3A_799 : vector<16xf32>
        %mul3A_801 = arith.mulf %sub3A_800, %sub3A_800 : vector<16xf32>
        %add3A_802 = arith.addf %add3A_734, %mul3A_801 : vector<16xf32>
        %get3A_803 = arith.constant 0 : i32
        %get3A_804 = arith.constant 0 : i32
        %get3A_805 = tpu.memref_slice %arg11[%scan3A_270, %get3A_803, %get3A_804] : memref<3x128x128xf32, #tpu.memory_space<vmem>> -> memref<1x128x128xf32, #tpu.memory_space<vmem>>
        %get3A_806 = tpu.memref_squeeze %get3A_805 : memref<1x128x128xf32, #tpu.memory_space<vmem>> -> memref<128x128xf32, #tpu.memory_space<vmem>>
        %get3A_807 = arith.index_cast %add3A_676 : i32 to index
        %get3A_808 = arith.constant 112 : index
        %get3A_809 = tpu.vector_load %get3A_806[%get3A_807, %get3A_808] {strides = array<i32>} : memref<128x128xf32, #tpu.memory_space<vmem>>, vector<16xf32>,
        %get3A_810 = arith.constant 0 : i32
        %get3A_811 = arith.constant 0 : i32
        %get3A_812 = tpu.memref_slice %arg12[%scan3A_271, %get3A_810, %get3A_811] : memref<3x128x128xf32, #tpu.memory_space<vmem>> -> memref<1x128x128xf32, #tpu.memory_space<vmem>>
        %get3A_813 = tpu.memref_squeeze %get3A_812 : memref<1x128x128xf32, #tpu.memory_space<vmem>> -> memref<128x128xf32, #tpu.memory_space<vmem>>
        %get3A_814 = arith.index_cast %add3A_676 : i32 to index
        %get3A_815 = arith.constant 112 : index
        %get3A_816 = tpu.vector_load %get3A_813[%get3A_814, %get3A_815] {strides = array<i32>} : memref<128x128xf32, #tpu.memory_space<vmem>>, vector<16xf32>,
        %sub3A_817 = arith.subf %get3A_809, %get3A_816 : vector<16xf32>
        %mul3A_818 = arith.mulf %sub3A_817, %sub3A_817 : vector<16xf32>
        %add3A_819 = arith.addf %add3A_751, %mul3A_818 : vector<16xf32>
        %add3A_820 = arith.addf %add3A_768, %add3A_785 : vector<16xf32>
        %add3A_821 = arith.addf %add3A_802, %add3A_819 : vector<16xf32>
        %add3A_822 = arith.addf %add3A_820, %add3A_821 : vector<16xf32>
        %swap3A_823 = arith.index_cast %scan3A_672 : i32 to index
        %swap3A_824 = arith.constant 0 : index
        %swap3A_825 = tpu.vector_load %arg13[%swap3A_823, %swap3A_824] {strides = array<i32>} : memref<16x17xf32, #tpu.memory_space<vmem>>, vector<16xf32>,
        tpu.vector_store %arg13[%swap3A_823, %swap3A_824], %add3A_822 {strides = array<i32>} : memref<16x17xf32, #tpu.memory_space<vmem>>, vector<16xf32>,
        %scan3A_826 = arith.constant 0 : i32
        scf.yield %scan3A_826 : i32
      }
      %scan3A_572 = arith.constant 16 : i32
      %broadcast_in_dim3A = arith.constant 0.000000e+00 : f32
      %broadcast_in_dim3A_573 = vector.broadcast %broadcast_in_dim3A : f32 to vector<16xf32>
      %broadcast_in_dim3A_574 = arith.constant 0 : i32
      %broadcast_in_dim3A_575 = vector.broadcast %broadcast_in_dim3A_574 : i32 to vector<16xi32>
      %gather3A = tpu.vector_load_idx %arg13[%iota3A, %broadcast_in_dim3A_575] : memref<16x17xf32, #tpu.memory_space<vmem>>[vector<16xi32>, vector<16xi32>], vector<16xf32>,
      %add3A_576 = arith.addf %broadcast_in_dim3A_573, %gather3A : vector<16xf32>
      %broadcast_in_dim3A_577 = arith.constant 1 : i32
      %broadcast_in_dim3A_578 = vector.broadcast %broadcast_in_dim3A_577 : i32 to vector<16xi32>
      %gather3A_579 = tpu.vector_load_idx %arg13[%iota3A, %broadcast_in_dim3A_578] : memref<16x17xf32, #tpu.memory_space<vmem>>[vector<16xi32>, vector<16xi32>], vector<16xf32>,
      %add3A_580 = arith.addf %add3A_576, %gather3A_579 : vector<16xf32>
      %broadcast_in_dim3A_581 = arith.constant 2 : i32
      %broadcast_in_dim3A_582 = vector.broadcast %broadcast_in_dim3A_581 : i32 to vector<16xi32>
      %gather3A_583 = tpu.vector_load_idx %arg13[%iota3A, %broadcast_in_dim3A_582] : memref<16x17xf32, #tpu.memory_space<vmem>>[vector<16xi32>, vector<16xi32>], vector<16xf32>,
      %add3A_584 = arith.addf %add3A_580, %gather3A_583 : vector<16xf32>
      %broadcast_in_dim3A_585 = arith.constant 3 : i32
      %broadcast_in_dim3A_586 = vector.broadcast %broadcast_in_dim3A_585 : i32 to vector<16xi32>
      %gather3A_587 = tpu.vector_load_idx %arg13[%iota3A, %broadcast_in_dim3A_586] : memref<16x17xf32, #tpu.memory_space<vmem>>[vector<16xi32>, vector<16xi32>], vector<16xf32>,
      %add3A_588 = arith.addf %add3A_584, %gather3A_587 : vector<16xf32>
      %broadcast_in_dim3A_589 = arith.constant 4 : i32
      %broadcast_in_dim3A_590 = vector.broadcast %broadcast_in_dim3A_589 : i32 to vector<16xi32>
      %gather3A_591 = tpu.vector_load_idx %arg13[%iota3A, %broadcast_in_dim3A_590] : memref<16x17xf32, #tpu.memory_space<vmem>>[vector<16xi32>, vector<16xi32>], vector<16xf32>,
      %add3A_592 = arith.addf %add3A_588, %gather3A_591 : vector<16xf32>
      %broadcast_in_dim3A_593 = arith.constant 5 : i32
      %broadcast_in_dim3A_594 = vector.broadcast %broadcast_in_dim3A_593 : i32 to vector<16xi32>
      %gather3A_595 = tpu.vector_load_idx %arg13[%iota3A, %broadcast_in_dim3A_594] : memref<16x17xf32, #tpu.memory_space<vmem>>[vector<16xi32>, vector<16xi32>], vector<16xf32>,
      %add3A_596 = arith.addf %add3A_592, %gather3A_595 : vector<16xf32>
      %broadcast_in_dim3A_597 = arith.constant 6 : i32
      %broadcast_in_dim3A_598 = vector.broadcast %broadcast_in_dim3A_597 : i32 to vector<16xi32>
      %gather3A_599 = tpu.vector_load_idx %arg13[%iota3A, %broadcast_in_dim3A_598] : memref<16x17xf32, #tpu.memory_space<vmem>>[vector<16xi32>, vector<16xi32>], vector<16xf32>,
      %add3A_600 = arith.addf %add3A_596, %gather3A_599 : vector<16xf32>
      %broadcast_in_dim3A_601 = arith.constant 7 : i32
      %broadcast_in_dim3A_602 = vector.broadcast %broadcast_in_dim3A_601 : i32 to vector<16xi32>
      %gather3A_603 = tpu.vector_load_idx %arg13[%iota3A, %broadcast_in_dim3A_602] : memref<16x17xf32, #tpu.memory_space<vmem>>[vector<16xi32>, vector<16xi32>], vector<16xf32>,
      %add3A_604 = arith.addf %add3A_600, %gather3A_603 : vector<16xf32>
      %broadcast_in_dim3A_605 = arith.constant 8 : i32
      %broadcast_in_dim3A_606 = vector.broadcast %broadcast_in_dim3A_605 : i32 to vector<16xi32>
      %gather3A_607 = tpu.vector_load_idx %arg13[%iota3A, %broadcast_in_dim3A_606] : memref<16x17xf32, #tpu.memory_space<vmem>>[vector<16xi32>, vector<16xi32>], vector<16xf32>,
      %add3A_608 = arith.addf %add3A_604, %gather3A_607 : vector<16xf32>
      %broadcast_in_dim3A_609 = arith.constant 9 : i32
      %broadcast_in_dim3A_610 = vector.broadcast %broadcast_in_dim3A_609 : i32 to vector<16xi32>
      %gather3A_611 = tpu.vector_load_idx %arg13[%iota3A, %broadcast_in_dim3A_610] : memref<16x17xf32, #tpu.memory_space<vmem>>[vector<16xi32>, vector<16xi32>], vector<16xf32>,
      %add3A_612 = arith.addf %add3A_608, %gather3A_611 : vector<16xf32>
      %broadcast_in_dim3A_613 = arith.constant 10 : i32
      %broadcast_in_dim3A_614 = vector.broadcast %broadcast_in_dim3A_613 : i32 to vector<16xi32>
      %gather3A_615 = tpu.vector_load_idx %arg13[%iota3A, %broadcast_in_dim3A_614] : memref<16x17xf32, #tpu.memory_space<vmem>>[vector<16xi32>, vector<16xi32>], vector<16xf32>,
      %add3A_616 = arith.addf %add3A_612, %gather3A_615 : vector<16xf32>
      %broadcast_in_dim3A_617 = arith.constant 11 : i32
      %broadcast_in_dim3A_618 = vector.broadcast %broadcast_in_dim3A_617 : i32 to vector<16xi32>
      %gather3A_619 = tpu.vector_load_idx %arg13[%iota3A, %broadcast_in_dim3A_618] : memref<16x17xf32, #tpu.memory_space<vmem>>[vector<16xi32>, vector<16xi32>], vector<16xf32>,
      %add3A_620 = arith.addf %add3A_616, %gather3A_619 : vector<16xf32>
      %broadcast_in_dim3A_621 = arith.constant 12 : i32
      %broadcast_in_dim3A_622 = vector.broadcast %broadcast_in_dim3A_621 : i32 to vector<16xi32>
      %gather3A_623 = tpu.vector_load_idx %arg13[%iota3A, %broadcast_in_dim3A_622] : memref<16x17xf32, #tpu.memory_space<vmem>>[vector<16xi32>, vector<16xi32>], vector<16xf32>,
      %add3A_624 = arith.addf %add3A_620, %gather3A_623 : vector<16xf32>
      %broadcast_in_dim3A_625 = arith.constant 13 : i32
      %broadcast_in_dim3A_626 = vector.broadcast %broadcast_in_dim3A_625 : i32 to vector<16xi32>
      %gather3A_627 = tpu.vector_load_idx %arg13[%iota3A, %broadcast_in_dim3A_626] : memref<16x17xf32, #tpu.memory_space<vmem>>[vector<16xi32>, vector<16xi32>], vector<16xf32>,
      %add3A_628 = arith.addf %add3A_624, %gather3A_627 : vector<16xf32>
      %broadcast_in_dim3A_629 = arith.constant 14 : i32
      %broadcast_in_dim3A_630 = vector.broadcast %broadcast_in_dim3A_629 : i32 to vector<16xi32>
      %gather3A_631 = tpu.vector_load_idx %arg13[%iota3A, %broadcast_in_dim3A_630] : memref<16x17xf32, #tpu.memory_space<vmem>>[vector<16xi32>, vector<16xi32>], vector<16xf32>,
      %add3A_632 = arith.addf %add3A_628, %gather3A_631 : vector<16xf32>
      %broadcast_in_dim3A_633 = arith.constant 15 : i32
      %broadcast_in_dim3A_634 = vector.broadcast %broadcast_in_dim3A_633 : i32 to vector<16xi32>
      %gather3A_635 = tpu.vector_load_idx %arg13[%iota3A, %broadcast_in_dim3A_634] : memref<16x17xf32, #tpu.memory_space<vmem>>[vector<16xi32>, vector<16xi32>], vector<16xf32>,
      %add3A_636 = arith.addf %add3A_632, %gather3A_635 : vector<16xf32>
      %max3A = arith.constant 1.000000e-30 : f32
      %max3A_637 = vector.broadcast %max3A : f32 to vector<16xf32>
      %max3A_638 = arith.maximumf %add3A_636, %max3A_637 : vector<16xf32>
      %bitcast3A = vector.bitcast %max3A_638 : vector<16xf32> to vector<16xi32>
      %shift_right_arithmetic3A = arith.constant 1 : i32
      %shift_right_arithmetic3A_639 = vector.broadcast %shift_right_arithmetic3A : i32 to vector<16xi32>
      %shift_right_arithmetic3A_640 = arith.shrsi %bitcast3A, %shift_right_arithmetic3A_639 : vector<16xi32>
      %sub3A = arith.constant 1597463007 : i32
      %sub3A_641 = vector.broadcast %sub3A : i32 to vector<16xi32>
      %sub3A_642 = arith.subi %sub3A_641, %shift_right_arithmetic3A_640 : vector<16xi32>
      %bitcast3A_643 = vector.bitcast %sub3A_642 : vector<16xi32> to vector<16xf32>
      %mul3A_644 = arith.constant 5.000000e-01 : f32
      %mul3A_645 = vector.broadcast %mul3A_644 : f32 to vector<16xf32>
      %mul3A_646 = arith.mulf %mul3A_645, %max3A_638 : vector<16xf32>
      %mul3A_647 = arith.mulf %mul3A_646, %bitcast3A_643 : vector<16xf32>
      %mul3A_648 = arith.mulf %mul3A_647, %bitcast3A_643 : vector<16xf32>
      %sub3A_649 = arith.constant 1.500000e+00 : f32
      %sub3A_650 = vector.broadcast %sub3A_649 : f32 to vector<16xf32>
      %sub3A_651 = arith.subf %sub3A_650, %mul3A_648 : vector<16xf32>
      %mul3A_652 = arith.mulf %bitcast3A_643, %sub3A_651 : vector<16xf32>
      %mul3A_653 = arith.mulf %mul3A_646, %mul3A_652 : vector<16xf32>
      %mul3A_654 = arith.mulf %mul3A_653, %mul3A_652 : vector<16xf32>
      %sub3A_655 = arith.constant 1.500000e+00 : f32
      %sub3A_656 = vector.broadcast %sub3A_655 : f32 to vector<16xf32>
      %sub3A_657 = arith.subf %sub3A_656, %mul3A_654 : vector<16xf32>
      %mul3A_658 = arith.mulf %mul3A_652, %sub3A_657 : vector<16xf32>
      %mul3A_659 = arith.mulf %mul3A_646, %mul3A_658 : vector<16xf32>
      %mul3A_660 = arith.mulf %mul3A_659, %mul3A_658 : vector<16xf32>
      %sub3A_661 = arith.constant 1.500000e+00 : f32
      %sub3A_662 = vector.broadcast %sub3A_661 : f32 to vector<16xf32>
      %sub3A_663 = arith.subf %sub3A_662, %mul3A_660 : vector<16xf32>
      %mul3A_664 = arith.mulf %mul3A_658, %sub3A_663 : vector<16xf32>
      %mul3A_665 = arith.mulf %max3A_638, %mul3A_664 : vector<16xf32>
      %mul3A_666 = arith.constant 16 : i32
      %mul3A_667 = arith.muli %scan3A_564, %mul3A_666 : i32
      %add3A_668 = arith.constant 256 : i32
      %add3A_669 = arith.addi %add3A_668, %mul3A_667 : i32
      %swap3A = arith.index_cast %add3A_669 : i32 to index
      %swap3A_670 = tpu.vector_load %arg14[%swap3A] {strides = array<i32>} : memref<1024xf32, #tpu.memory_space<vmem>>, vector<16xf32>,
      tpu.vector_store %arg14[%swap3A], %mul3A_665 {strides = array<i32>} : memref<1024xf32, #tpu.memory_space<vmem>>, vector<16xf32>,
      %scan3A_671 = arith.constant 0 : i32
      scf.yield %scan3A_671 : i32
    }
    %scan3A_278 = arith.constant 8 : i32
    %dma_wait3A_279 = arith.constant 1 : i32
    %dma_wait3A_280 = arith.constant 0 : i32
    %dma_wait3A_281 = arith.constant 0 : i32
    %dma_wait3A_282 = tpu.memref_slice %arg11[%dma_wait3A_279, %dma_wait3A_280, %dma_wait3A_281] : memref<3x128x128xf32, #tpu.memory_space<vmem>> -> memref<1x128x128xf32, #tpu.memory_space<vmem>>
    %dma_wait3A_283 = tpu.memref_squeeze %dma_wait3A_282 : memref<1x128x128xf32, #tpu.memory_space<vmem>> -> memref<128x128xf32, #tpu.memory_space<vmem>>
    %dma_wait3A_284 = arith.constant 512 : i32
    %dma_wait3A_285 = tpu.memref_slice %arg8[%dma_wait3A_284] : memref<1024xi32, #tpu.memory_space<vmem>> -> memref<128xi32, #tpu.memory_space<vmem>>
    %dma_wait3A_286 = arith.constant 0 : i32
    %dma_wait3A_287 = arith.constant 0 : i32
    %dma_wait3A_288 = tpu.memref_slice %arg5[%dma_wait3A_286, %dma_wait3A_287] : memref<1000000x128xf32, #tpu.memory_space<hbm>> -> memref<1000000x128xf32, #tpu.memory_space<hbm>>
    tpu.wait_indirect_dma semaphore(%arg16 : memref<!tpu.dma_semaphore, #tpu.memory_space<semaphore_mem>>) src(%dma_wait3A_288 : memref<1000000x128xf32, #tpu.memory_space<hbm>>) dst(%dma_wait3A_283 : memref<128x128xf32, #tpu.memory_space<vmem>>)
    %dma_start3A_289 = arith.constant 1 : i32
    %dma_start3A_290 = arith.constant 0 : i32
    %dma_start3A_291 = arith.constant 0 : i32
    %dma_start3A_292 = tpu.memref_slice %arg11[%dma_start3A_289, %dma_start3A_290, %dma_start3A_291] : memref<3x128x128xf32, #tpu.memory_space<vmem>> -> memref<1x128x128xf32, #tpu.memory_space<vmem>>
    %dma_start3A_293 = tpu.memref_squeeze %dma_start3A_292 : memref<1x128x128xf32, #tpu.memory_space<vmem>> -> memref<128x128xf32, #tpu.memory_space<vmem>>
    %dma_start3A_294 = arith.constant 512 : i32
    %dma_start3A_295 = tpu.memref_slice %arg9[%dma_start3A_294] : memref<1024xi32, #tpu.memory_space<vmem>> -> memref<128xi32, #tpu.memory_space<vmem>>
    %dma_start3A_296 = arith.constant 0 : i32
    %dma_start3A_297 = arith.constant 0 : i32
    %dma_start3A_298 = tpu.memref_slice %arg6[%dma_start3A_296, %dma_start3A_297] : memref<100000x128xf32, #tpu.memory_space<hbm>> -> memref<100000x128xf32, #tpu.memory_space<hbm>>
    tpu.enqueue_indirect_dma source(%dma_start3A_298 : memref<100000x128xf32, #tpu.memory_space<hbm>>) target(%dma_start3A_293 : memref<128x128xf32, #tpu.memory_space<vmem>>) offsets(%dma_start3A_295 : memref<128xi32, #tpu.memory_space<vmem>>) semaphore(%arg16 : memref<!tpu.dma_semaphore, #tpu.memory_space<semaphore_mem>>) {add = true}
    %dma_wait3A_299 = arith.constant 0 : i32
    %dma_wait3A_300 = arith.constant 0 : i32
    %dma_wait3A_301 = arith.constant 0 : i32
    %dma_wait3A_302 = tpu.memref_slice %arg11[%dma_wait3A_299, %dma_wait3A_300, %dma_wait3A_301] : memref<3x128x128xf32, #tpu.memory_space<vmem>> -> memref<1x128x128xf32, #tpu.memory_space<vmem>>
    %dma_wait3A_303 = tpu.memref_squeeze %dma_wait3A_302 : memref<1x128x128xf32, #tpu.memory_space<vmem>> -> memref<128x128xf32, #tpu.memory_space<vmem>>
    %dma_wait3A_304 = arith.constant 384 : i32
    %dma_wait3A_305 = tpu.memref_slice %arg9[%dma_wait3A_304] : memref<1024xi32, #tpu.memory_space<vmem>> -> memref<128xi32, #tpu.memory_space<vmem>>
    %dma_wait3A_306 = arith.constant 0 : i32
    %dma_wait3A_307 = arith.constant 0 : i32
    %dma_wait3A_308 = tpu.memref_slice %arg6[%dma_wait3A_306, %dma_wait3A_307] : memref<100000x128xf32, #tpu.memory_space<hbm>> -> memref<100000x128xf32, #tpu.memory_space<hbm>>
    tpu.wait_indirect_dma semaphore(%arg15 : memref<!tpu.dma_semaphore, #tpu.memory_space<semaphore_mem>>) src(%dma_wait3A_308 : memref<100000x128xf32, #tpu.memory_space<hbm>>) dst(%dma_wait3A_303 : memref<128x128xf32, #tpu.memory_space<vmem>>)
    %dma_wait3A_309 = arith.constant 0 : i32
    %dma_wait3A_310 = arith.constant 0 : i32
    %dma_wait3A_311 = arith.constant 0 : i32
    %dma_wait3A_312 = tpu.memref_slice %arg12[%dma_wait3A_309, %dma_wait3A_310, %dma_wait3A_311] : memref<3x128x128xf32, #tpu.memory_space<vmem>> -> memref<1x128x128xf32, #tpu.memory_space<vmem>>
    %dma_wait3A_313 = tpu.memref_squeeze %dma_wait3A_312 : memref<1x128x128xf32, #tpu.memory_space<vmem>> -> memref<128x128xf32, #tpu.memory_space<vmem>>
    %dma_wait3A_314 = arith.constant 384 : i32
    %dma_wait3A_315 = tpu.memref_slice %arg10[%dma_wait3A_314] : memref<1024xi32, #tpu.memory_space<vmem>> -> memref<128xi32, #tpu.memory_space<vmem>>
    %dma_wait3A_316 = arith.constant 0 : i32
    %dma_wait3A_317 = arith.constant 0 : i32
    %dma_wait3A_318 = tpu.memref_slice %arg5[%dma_wait3A_316, %dma_wait3A_317] : memref<1000000x128xf32, #tpu.memory_space<hbm>> -> memref<1000000x128xf32, #tpu.memory_space<hbm>>
    tpu.wait_indirect_dma semaphore(%arg18 : memref<!tpu.dma_semaphore, #tpu.memory_space<semaphore_mem>>) src(%dma_wait3A_318 : memref<1000000x128xf32, #tpu.memory_space<hbm>>) dst(%dma_wait3A_313 : memref<128x128xf32, #tpu.memory_space<vmem>>)
    %dma_start3A_319 = arith.constant 2 : i32
    %dma_start3A_320 = arith.constant 0 : i32
    %dma_start3A_321 = arith.constant 0 : i32
    %dma_start3A_322 = tpu.memref_slice %arg11[%dma_start3A_319, %dma_start3A_320, %dma_start3A_321] : memref<3x128x128xf32, #tpu.memory_space<vmem>> -> memref<1x128x128xf32, #tpu.memory_space<vmem>>
    %dma_start3A_323 = tpu.memref_squeeze %dma_start3A_322 : memref<1x128x128xf32, #tpu.memory_space<vmem>> -> memref<128x128xf32, #tpu.memory_space<vmem>>
    %dma_start3A_324 = arith.constant 640 : i32
    %dma_start3A_325 = tpu.memref_slice %arg8[%dma_start3A_324] : memref<1024xi32, #tpu.memory_space<vmem>> -> memref<128xi32, #tpu.memory_space<vmem>>
    %dma_start3A_326 = arith.constant 0 : i32
    %dma_start3A_327 = arith.constant 0 : i32
    %dma_start3A_328 = tpu.memref_slice %arg5[%dma_start3A_326, %dma_start3A_327] : memref<1000000x128xf32, #tpu.memory_space<hbm>> -> memref<1000000x128xf32, #tpu.memory_space<hbm>>
    tpu.enqueue_indirect_dma source(%dma_start3A_328 : memref<1000000x128xf32, #tpu.memory_space<hbm>>) target(%dma_start3A_323 : memref<128x128xf32, #tpu.memory_space<vmem>>) offsets(%dma_start3A_325 : memref<128xi32, #tpu.memory_space<vmem>>) semaphore(%arg17 : memref<!tpu.dma_semaphore, #tpu.memory_space<semaphore_mem>>)
    %dma_start3A_329 = arith.constant 2 : i32
    %dma_start3A_330 = arith.constant 0 : i32
    %dma_start3A_331 = arith.constant 0 : i32
    %dma_start3A_332 = tpu.memref_slice %arg12[%dma_start3A_329, %dma_start3A_330, %dma_start3A_331] : memref<3x128x128xf32, #tpu.memory_space<vmem>> -> memref<1x128x128xf32, #tpu.memory_space<vmem>>
    %dma_start3A_333 = tpu.memref_squeeze %dma_start3A_332 : memref<1x128x128xf32, #tpu.memory_space<vmem>> -> memref<128x128xf32, #tpu.memory_space<vmem>>
    %dma_start3A_334 = arith.constant 640 : i32
    %dma_start3A_335 = tpu.memref_slice %arg10[%dma_start3A_334] : memref<1024xi32, #tpu.memory_space<vmem>> -> memref<128xi32, #tpu.memory_space<vmem>>
    %dma_start3A_336 = arith.constant 0 : i32
    %dma_start3A_337 = arith.constant 0 : i32
    %dma_start3A_338 = tpu.memref_slice %arg5[%dma_start3A_336, %dma_start3A_337] : memref<1000000x128xf32, #tpu.memory_space<hbm>> -> memref<1000000x128xf32, #tpu.memory_space<hbm>>
    tpu.enqueue_indirect_dma source(%dma_start3A_338 : memref<1000000x128xf32, #tpu.memory_space<hbm>>) target(%dma_start3A_333 : memref<128x128xf32, #tpu.memory_space<vmem>>) offsets(%dma_start3A_335 : memref<128xi32, #tpu.memory_space<vmem>>) semaphore(%arg20 : memref<!tpu.dma_semaphore, #tpu.memory_space<semaphore_mem>>)
    %scan3A_339 = arith.constant 0 : i32
    %scan3A_340 = arith.constant 0 : i32
    %scan3A_341 = arith.constant 0 : i32
    %scan3A_342 = arith.constant 0 : i32
    %scan3A_343 = arith.constant 8 : i32
    %scan3A_344 = arith.addi %scan3A_342, %scan3A_343 : i32
    %scan3A_345 = arith.constant 1 : i32
    %scan3A_346 = scf.for %scan3A_564 = %scan3A_342 to %scan3A_344 step %scan3A_345 iter_args(%scan3A_565 = %scan3A_341) -> (i32)  : i32 {
      %scan3A_566 = arith.constant 0 : i32
      %scan3A_567 = arith.constant 0 : i32
      %scan3A_568 = arith.constant 16 : i32
      %scan3A_569 = arith.addi %scan3A_567, %scan3A_568 : i32
      %scan3A_570 = arith.constant 1 : i32
      %scan3A_571 = scf.for %scan3A_672 = %scan3A_567 to %scan3A_569 step %scan3A_570 iter_args(%scan3A_673 = %scan3A_566) -> (i32)  : i32 {
        %mul3A_674 = arith.constant 16 : i32
        %mul3A_675 = arith.muli %scan3A_564, %mul3A_674 : i32
        %add3A_676 = arith.addi %mul3A_675, %scan3A_672 : i32
        %broadcast_in_dim3A_677 = arith.constant 0.000000e+00 : f32
        %broadcast_in_dim3A_678 = vector.broadcast %broadcast_in_dim3A_677 : f32 to vector<16xf32>
        %broadcast_in_dim3A_679 = arith.constant 0.000000e+00 : f32
        %broadcast_in_dim3A_680 = vector.broadcast %broadcast_in_dim3A_679 : f32 to vector<16xf32>
        %broadcast_in_dim3A_681 = arith.constant 0.000000e+00 : f32
        %broadcast_in_dim3A_682 = vector.broadcast %broadcast_in_dim3A_681 : f32 to vector<16xf32>
        %broadcast_in_dim3A_683 = arith.constant 0.000000e+00 : f32
        %broadcast_in_dim3A_684 = vector.broadcast %broadcast_in_dim3A_683 : f32 to vector<16xf32>
        %get3A = arith.constant 0 : i32
        %get3A_685 = arith.constant 0 : i32
        %get3A_686 = tpu.memref_slice %arg11[%scan3A_339, %get3A, %get3A_685] : memref<3x128x128xf32, #tpu.memory_space<vmem>> -> memref<1x128x128xf32, #tpu.memory_space<vmem>>
        %get3A_687 = tpu.memref_squeeze %get3A_686 : memref<1x128x128xf32, #tpu.memory_space<vmem>> -> memref<128x128xf32, #tpu.memory_space<vmem>>
        %get3A_688 = arith.index_cast %add3A_676 : i32 to index
        %get3A_689 = arith.constant 0 : index
        %get3A_690 = tpu.vector_load %get3A_687[%get3A_688, %get3A_689] {strides = array<i32>} : memref<128x128xf32, #tpu.memory_space<vmem>>, vector<16xf32>,
        %get3A_691 = arith.constant 0 : i32
        %get3A_692 = arith.constant 0 : i32
        %get3A_693 = tpu.memref_slice %arg12[%scan3A_340, %get3A_691, %get3A_692] : memref<3x128x128xf32, #tpu.memory_space<vmem>> -> memref<1x128x128xf32, #tpu.memory_space<vmem>>
        %get3A_694 = tpu.memref_squeeze %get3A_693 : memref<1x128x128xf32, #tpu.memory_space<vmem>> -> memref<128x128xf32, #tpu.memory_space<vmem>>
        %get3A_695 = arith.index_cast %add3A_676 : i32 to index
        %get3A_696 = arith.constant 0 : index
        %get3A_697 = tpu.vector_load %get3A_694[%get3A_695, %get3A_696] {strides = array<i32>} : memref<128x128xf32, #tpu.memory_space<vmem>>, vector<16xf32>,
        %sub3A_698 = arith.subf %get3A_690, %get3A_697 : vector<16xf32>
        %mul3A_699 = arith.mulf %sub3A_698, %sub3A_698 : vector<16xf32>
        %add3A_700 = arith.addf %broadcast_in_dim3A_678, %mul3A_699 : vector<16xf32>
        %get3A_701 = arith.constant 0 : i32
        %get3A_702 = arith.constant 0 : i32
        %get3A_703 = tpu.memref_slice %arg11[%scan3A_339, %get3A_701, %get3A_702] : memref<3x128x128xf32, #tpu.memory_space<vmem>> -> memref<1x128x128xf32, #tpu.memory_space<vmem>>
        %get3A_704 = tpu.memref_squeeze %get3A_703 : memref<1x128x128xf32, #tpu.memory_space<vmem>> -> memref<128x128xf32, #tpu.memory_space<vmem>>
        %get3A_705 = arith.index_cast %add3A_676 : i32 to index
        %get3A_706 = arith.constant 16 : index
        %get3A_707 = tpu.vector_load %get3A_704[%get3A_705, %get3A_706] {strides = array<i32>} : memref<128x128xf32, #tpu.memory_space<vmem>>, vector<16xf32>,
        %get3A_708 = arith.constant 0 : i32
        %get3A_709 = arith.constant 0 : i32
        %get3A_710 = tpu.memref_slice %arg12[%scan3A_340, %get3A_708, %get3A_709] : memref<3x128x128xf32, #tpu.memory_space<vmem>> -> memref<1x128x128xf32, #tpu.memory_space<vmem>>
        %get3A_711 = tpu.memref_squeeze %get3A_710 : memref<1x128x128xf32, #tpu.memory_space<vmem>> -> memref<128x128xf32, #tpu.memory_space<vmem>>
        %get3A_712 = arith.index_cast %add3A_676 : i32 to index
        %get3A_713 = arith.constant 16 : index
        %get3A_714 = tpu.vector_load %get3A_711[%get3A_712, %get3A_713] {strides = array<i32>} : memref<128x128xf32, #tpu.memory_space<vmem>>, vector<16xf32>,
        %sub3A_715 = arith.subf %get3A_707, %get3A_714 : vector<16xf32>
        %mul3A_716 = arith.mulf %sub3A_715, %sub3A_715 : vector<16xf32>
        %add3A_717 = arith.addf %broadcast_in_dim3A_680, %mul3A_716 : vector<16xf32>
        %get3A_718 = arith.constant 0 : i32
        %get3A_719 = arith.constant 0 : i32
        %get3A_720 = tpu.memref_slice %arg11[%scan3A_339, %get3A_718, %get3A_719] : memref<3x128x128xf32, #tpu.memory_space<vmem>> -> memref<1x128x128xf32, #tpu.memory_space<vmem>>
        %get3A_721 = tpu.memref_squeeze %get3A_720 : memref<1x128x128xf32, #tpu.memory_space<vmem>> -> memref<128x128xf32, #tpu.memory_space<vmem>>
        %get3A_722 = arith.index_cast %add3A_676 : i32 to index
        %get3A_723 = arith.constant 32 : index
        %get3A_724 = tpu.vector_load %get3A_721[%get3A_722, %get3A_723] {strides = array<i32>} : memref<128x128xf32, #tpu.memory_space<vmem>>, vector<16xf32>,
        %get3A_725 = arith.constant 0 : i32
        %get3A_726 = arith.constant 0 : i32
        %get3A_727 = tpu.memref_slice %arg12[%scan3A_340, %get3A_725, %get3A_726] : memref<3x128x128xf32, #tpu.memory_space<vmem>> -> memref<1x128x128xf32, #tpu.memory_space<vmem>>
        %get3A_728 = tpu.memref_squeeze %get3A_727 : memref<1x128x128xf32, #tpu.memory_space<vmem>> -> memref<128x128xf32, #tpu.memory_space<vmem>>
        %get3A_729 = arith.index_cast %add3A_676 : i32 to index
        %get3A_730 = arith.constant 32 : index
        %get3A_731 = tpu.vector_load %get3A_728[%get3A_729, %get3A_730] {strides = array<i32>} : memref<128x128xf32, #tpu.memory_space<vmem>>, vector<16xf32>,
        %sub3A_732 = arith.subf %get3A_724, %get3A_731 : vector<16xf32>
        %mul3A_733 = arith.mulf %sub3A_732, %sub3A_732 : vector<16xf32>
        %add3A_734 = arith.addf %broadcast_in_dim3A_682, %mul3A_733 : vector<16xf32>
        %get3A_735 = arith.constant 0 : i32
        %get3A_736 = arith.constant 0 : i32
        %get3A_737 = tpu.memref_slice %arg11[%scan3A_339, %get3A_735, %get3A_736] : memref<3x128x128xf32, #tpu.memory_space<vmem>> -> memref<1x128x128xf32, #tpu.memory_space<vmem>>
        %get3A_738 = tpu.memref_squeeze %get3A_737 : memref<1x128x128xf32, #tpu.memory_space<vmem>> -> memref<128x128xf32, #tpu.memory_space<vmem>>
        %get3A_739 = arith.index_cast %add3A_676 : i32 to index
        %get3A_740 = arith.constant 48 : index
        %get3A_741 = tpu.vector_load %get3A_738[%get3A_739, %get3A_740] {strides = array<i32>} : memref<128x128xf32, #tpu.memory_space<vmem>>, vector<16xf32>,
        %get3A_742 = arith.constant 0 : i32
        %get3A_743 = arith.constant 0 : i32
        %get3A_744 = tpu.memref_slice %arg12[%scan3A_340, %get3A_742, %get3A_743] : memref<3x128x128xf32, #tpu.memory_space<vmem>> -> memref<1x128x128xf32, #tpu.memory_space<vmem>>
        %get3A_745 = tpu.memref_squeeze %get3A_744 : memref<1x128x128xf32, #tpu.memory_space<vmem>> -> memref<128x128xf32, #tpu.memory_space<vmem>>
        %get3A_746 = arith.index_cast %add3A_676 : i32 to index
        %get3A_747 = arith.constant 48 : index
        %get3A_748 = tpu.vector_load %get3A_745[%get3A_746, %get3A_747] {strides = array<i32>} : memref<128x128xf32, #tpu.memory_space<vmem>>, vector<16xf32>,
        %sub3A_749 = arith.subf %get3A_741, %get3A_748 : vector<16xf32>
        %mul3A_750 = arith.mulf %sub3A_749, %sub3A_749 : vector<16xf32>
        %add3A_751 = arith.addf %broadcast_in_dim3A_684, %mul3A_750 : vector<16xf32>
        %get3A_752 = arith.constant 0 : i32
        %get3A_753 = arith.constant 0 : i32
        %get3A_754 = tpu.memref_slice %arg11[%scan3A_339, %get3A_752, %get3A_753] : memref<3x128x128xf32, #tpu.memory_space<vmem>> -> memref<1x128x128xf32, #tpu.memory_space<vmem>>
        %get3A_755 = tpu.memref_squeeze %get3A_754 : memref<1x128x128xf32, #tpu.memory_space<vmem>> -> memref<128x128xf32, #tpu.memory_space<vmem>>
        %get3A_756 = arith.index_cast %add3A_676 : i32 to index
        %get3A_757 = arith.constant 64 : index
        %get3A_758 = tpu.vector_load %get3A_755[%get3A_756, %get3A_757] {strides = array<i32>} : memref<128x128xf32, #tpu.memory_space<vmem>>, vector<16xf32>,
        %get3A_759 = arith.constant 0 : i32
        %get3A_760 = arith.constant 0 : i32
        %get3A_761 = tpu.memref_slice %arg12[%scan3A_340, %get3A_759, %get3A_760] : memref<3x128x128xf32, #tpu.memory_space<vmem>> -> memref<1x128x128xf32, #tpu.memory_space<vmem>>
        %get3A_762 = tpu.memref_squeeze %get3A_761 : memref<1x128x128xf32, #tpu.memory_space<vmem>> -> memref<128x128xf32, #tpu.memory_space<vmem>>
        %get3A_763 = arith.index_cast %add3A_676 : i32 to index
        %get3A_764 = arith.constant 64 : index
        %get3A_765 = tpu.vector_load %get3A_762[%get3A_763, %get3A_764] {strides = array<i32>} : memref<128x128xf32, #tpu.memory_space<vmem>>, vector<16xf32>,
        %sub3A_766 = arith.subf %get3A_758, %get3A_765 : vector<16xf32>
        %mul3A_767 = arith.mulf %sub3A_766, %sub3A_766 : vector<16xf32>
        %add3A_768 = arith.addf %add3A_700, %mul3A_767 : vector<16xf32>
        %get3A_769 = arith.constant 0 : i32
        %get3A_770 = arith.constant 0 : i32
        %get3A_771 = tpu.memref_slice %arg11[%scan3A_339, %get3A_769, %get3A_770] : memref<3x128x128xf32, #tpu.memory_space<vmem>> -> memref<1x128x128xf32, #tpu.memory_space<vmem>>
        %get3A_772 = tpu.memref_squeeze %get3A_771 : memref<1x128x128xf32, #tpu.memory_space<vmem>> -> memref<128x128xf32, #tpu.memory_space<vmem>>
        %get3A_773 = arith.index_cast %add3A_676 : i32 to index
        %get3A_774 = arith.constant 80 : index
        %get3A_775 = tpu.vector_load %get3A_772[%get3A_773, %get3A_774] {strides = array<i32>} : memref<128x128xf32, #tpu.memory_space<vmem>>, vector<16xf32>,
        %get3A_776 = arith.constant 0 : i32
        %get3A_777 = arith.constant 0 : i32
        %get3A_778 = tpu.memref_slice %arg12[%scan3A_340, %get3A_776, %get3A_777] : memref<3x128x128xf32, #tpu.memory_space<vmem>> -> memref<1x128x128xf32, #tpu.memory_space<vmem>>
        %get3A_779 = tpu.memref_squeeze %get3A_778 : memref<1x128x128xf32, #tpu.memory_space<vmem>> -> memref<128x128xf32, #tpu.memory_space<vmem>>
        %get3A_780 = arith.index_cast %add3A_676 : i32 to index
        %get3A_781 = arith.constant 80 : index
        %get3A_782 = tpu.vector_load %get3A_779[%get3A_780, %get3A_781] {strides = array<i32>} : memref<128x128xf32, #tpu.memory_space<vmem>>, vector<16xf32>,
        %sub3A_783 = arith.subf %get3A_775, %get3A_782 : vector<16xf32>
        %mul3A_784 = arith.mulf %sub3A_783, %sub3A_783 : vector<16xf32>
        %add3A_785 = arith.addf %add3A_717, %mul3A_784 : vector<16xf32>
        %get3A_786 = arith.constant 0 : i32
        %get3A_787 = arith.constant 0 : i32
        %get3A_788 = tpu.memref_slice %arg11[%scan3A_339, %get3A_786, %get3A_787] : memref<3x128x128xf32, #tpu.memory_space<vmem>> -> memref<1x128x128xf32, #tpu.memory_space<vmem>>
        %get3A_789 = tpu.memref_squeeze %get3A_788 : memref<1x128x128xf32, #tpu.memory_space<vmem>> -> memref<128x128xf32, #tpu.memory_space<vmem>>
        %get3A_790 = arith.index_cast %add3A_676 : i32 to index
        %get3A_791 = arith.constant 96 : index
        %get3A_792 = tpu.vector_load %get3A_789[%get3A_790, %get3A_791] {strides = array<i32>} : memref<128x128xf32, #tpu.memory_space<vmem>>, vector<16xf32>,
        %get3A_793 = arith.constant 0 : i32
        %get3A_794 = arith.constant 0 : i32
        %get3A_795 = tpu.memref_slice %arg12[%scan3A_340, %get3A_793, %get3A_794] : memref<3x128x128xf32, #tpu.memory_space<vmem>> -> memref<1x128x128xf32, #tpu.memory_space<vmem>>
        %get3A_796 = tpu.memref_squeeze %get3A_795 : memref<1x128x128xf32, #tpu.memory_space<vmem>> -> memref<128x128xf32, #tpu.memory_space<vmem>>
        %get3A_797 = arith.index_cast %add3A_676 : i32 to index
        %get3A_798 = arith.constant 96 : index
        %get3A_799 = tpu.vector_load %get3A_796[%get3A_797, %get3A_798] {strides = array<i32>} : memref<128x128xf32, #tpu.memory_space<vmem>>, vector<16xf32>,
        %sub3A_800 = arith.subf %get3A_792, %get3A_799 : vector<16xf32>
        %mul3A_801 = arith.mulf %sub3A_800, %sub3A_800 : vector<16xf32>
        %add3A_802 = arith.addf %add3A_734, %mul3A_801 : vector<16xf32>
        %get3A_803 = arith.constant 0 : i32
        %get3A_804 = arith.constant 0 : i32
        %get3A_805 = tpu.memref_slice %arg11[%scan3A_339, %get3A_803, %get3A_804] : memref<3x128x128xf32, #tpu.memory_space<vmem>> -> memref<1x128x128xf32, #tpu.memory_space<vmem>>
        %get3A_806 = tpu.memref_squeeze %get3A_805 : memref<1x128x128xf32, #tpu.memory_space<vmem>> -> memref<128x128xf32, #tpu.memory_space<vmem>>
        %get3A_807 = arith.index_cast %add3A_676 : i32 to index
        %get3A_808 = arith.constant 112 : index
        %get3A_809 = tpu.vector_load %get3A_806[%get3A_807, %get3A_808] {strides = array<i32>} : memref<128x128xf32, #tpu.memory_space<vmem>>, vector<16xf32>,
        %get3A_810 = arith.constant 0 : i32
        %get3A_811 = arith.constant 0 : i32
        %get3A_812 = tpu.memref_slice %arg12[%scan3A_340, %get3A_810, %get3A_811] : memref<3x128x128xf32, #tpu.memory_space<vmem>> -> memref<1x128x128xf32, #tpu.memory_space<vmem>>
        %get3A_813 = tpu.memref_squeeze %get3A_812 : memref<1x128x128xf32, #tpu.memory_space<vmem>> -> memref<128x128xf32, #tpu.memory_space<vmem>>
        %get3A_814 = arith.index_cast %add3A_676 : i32 to index
        %get3A_815 = arith.constant 112 : index
        %get3A_816 = tpu.vector_load %get3A_813[%get3A_814, %get3A_815] {strides = array<i32>} : memref<128x128xf32, #tpu.memory_space<vmem>>, vector<16xf32>,
        %sub3A_817 = arith.subf %get3A_809, %get3A_816 : vector<16xf32>
        %mul3A_818 = arith.mulf %sub3A_817, %sub3A_817 : vector<16xf32>
        %add3A_819 = arith.addf %add3A_751, %mul3A_818 : vector<16xf32>
        %add3A_820 = arith.addf %add3A_768, %add3A_785 : vector<16xf32>
        %add3A_821 = arith.addf %add3A_802, %add3A_819 : vector<16xf32>
        %add3A_822 = arith.addf %add3A_820, %add3A_821 : vector<16xf32>
        %swap3A_823 = arith.index_cast %scan3A_672 : i32 to index
        %swap3A_824 = arith.constant 0 : index
        %swap3A_825 = tpu.vector_load %arg13[%swap3A_823, %swap3A_824] {strides = array<i32>} : memref<16x17xf32, #tpu.memory_space<vmem>>, vector<16xf32>,
        tpu.vector_store %arg13[%swap3A_823, %swap3A_824], %add3A_822 {strides = array<i32>} : memref<16x17xf32, #tpu.memory_space<vmem>>, vector<16xf32>,
        %scan3A_826 = arith.constant 0 : i32
        scf.yield %scan3A_826 : i32
      }
      %scan3A_572 = arith.constant 16 : i32
      %broadcast_in_dim3A = arith.constant 0.000000e+00 : f32
      %broadcast_in_dim3A_573 = vector.broadcast %broadcast_in_dim3A : f32 to vector<16xf32>
      %broadcast_in_dim3A_574 = arith.constant 0 : i32
      %broadcast_in_dim3A_575 = vector.broadcast %broadcast_in_dim3A_574 : i32 to vector<16xi32>
      %gather3A = tpu.vector_load_idx %arg13[%iota3A, %broadcast_in_dim3A_575] : memref<16x17xf32, #tpu.memory_space<vmem>>[vector<16xi32>, vector<16xi32>], vector<16xf32>,
      %add3A_576 = arith.addf %broadcast_in_dim3A_573, %gather3A : vector<16xf32>
      %broadcast_in_dim3A_577 = arith.constant 1 : i32
      %broadcast_in_dim3A_578 = vector.broadcast %broadcast_in_dim3A_577 : i32 to vector<16xi32>
      %gather3A_579 = tpu.vector_load_idx %arg13[%iota3A, %broadcast_in_dim3A_578] : memref<16x17xf32, #tpu.memory_space<vmem>>[vector<16xi32>, vector<16xi32>], vector<16xf32>,
      %add3A_580 = arith.addf %add3A_576, %gather3A_579 : vector<16xf32>
      %broadcast_in_dim3A_581 = arith.constant 2 : i32
      %broadcast_in_dim3A_582 = vector.broadcast %broadcast_in_dim3A_581 : i32 to vector<16xi32>
      %gather3A_583 = tpu.vector_load_idx %arg13[%iota3A, %broadcast_in_dim3A_582] : memref<16x17xf32, #tpu.memory_space<vmem>>[vector<16xi32>, vector<16xi32>], vector<16xf32>,
      %add3A_584 = arith.addf %add3A_580, %gather3A_583 : vector<16xf32>
      %broadcast_in_dim3A_585 = arith.constant 3 : i32
      %broadcast_in_dim3A_586 = vector.broadcast %broadcast_in_dim3A_585 : i32 to vector<16xi32>
      %gather3A_587 = tpu.vector_load_idx %arg13[%iota3A, %broadcast_in_dim3A_586] : memref<16x17xf32, #tpu.memory_space<vmem>>[vector<16xi32>, vector<16xi32>], vector<16xf32>,
      %add3A_588 = arith.addf %add3A_584, %gather3A_587 : vector<16xf32>
      %broadcast_in_dim3A_589 = arith.constant 4 : i32
      %broadcast_in_dim3A_590 = vector.broadcast %broadcast_in_dim3A_589 : i32 to vector<16xi32>
      %gather3A_591 = tpu.vector_load_idx %arg13[%iota3A, %broadcast_in_dim3A_590] : memref<16x17xf32, #tpu.memory_space<vmem>>[vector<16xi32>, vector<16xi32>], vector<16xf32>,
      %add3A_592 = arith.addf %add3A_588, %gather3A_591 : vector<16xf32>
      %broadcast_in_dim3A_593 = arith.constant 5 : i32
      %broadcast_in_dim3A_594 = vector.broadcast %broadcast_in_dim3A_593 : i32 to vector<16xi32>
      %gather3A_595 = tpu.vector_load_idx %arg13[%iota3A, %broadcast_in_dim3A_594] : memref<16x17xf32, #tpu.memory_space<vmem>>[vector<16xi32>, vector<16xi32>], vector<16xf32>,
      %add3A_596 = arith.addf %add3A_592, %gather3A_595 : vector<16xf32>
      %broadcast_in_dim3A_597 = arith.constant 6 : i32
      %broadcast_in_dim3A_598 = vector.broadcast %broadcast_in_dim3A_597 : i32 to vector<16xi32>
      %gather3A_599 = tpu.vector_load_idx %arg13[%iota3A, %broadcast_in_dim3A_598] : memref<16x17xf32, #tpu.memory_space<vmem>>[vector<16xi32>, vector<16xi32>], vector<16xf32>,
      %add3A_600 = arith.addf %add3A_596, %gather3A_599 : vector<16xf32>
      %broadcast_in_dim3A_601 = arith.constant 7 : i32
      %broadcast_in_dim3A_602 = vector.broadcast %broadcast_in_dim3A_601 : i32 to vector<16xi32>
      %gather3A_603 = tpu.vector_load_idx %arg13[%iota3A, %broadcast_in_dim3A_602] : memref<16x17xf32, #tpu.memory_space<vmem>>[vector<16xi32>, vector<16xi32>], vector<16xf32>,
      %add3A_604 = arith.addf %add3A_600, %gather3A_603 : vector<16xf32>
      %broadcast_in_dim3A_605 = arith.constant 8 : i32
      %broadcast_in_dim3A_606 = vector.broadcast %broadcast_in_dim3A_605 : i32 to vector<16xi32>
      %gather3A_607 = tpu.vector_load_idx %arg13[%iota3A, %broadcast_in_dim3A_606] : memref<16x17xf32, #tpu.memory_space<vmem>>[vector<16xi32>, vector<16xi32>], vector<16xf32>,
      %add3A_608 = arith.addf %add3A_604, %gather3A_607 : vector<16xf32>
      %broadcast_in_dim3A_609 = arith.constant 9 : i32
      %broadcast_in_dim3A_610 = vector.broadcast %broadcast_in_dim3A_609 : i32 to vector<16xi32>
      %gather3A_611 = tpu.vector_load_idx %arg13[%iota3A, %broadcast_in_dim3A_610] : memref<16x17xf32, #tpu.memory_space<vmem>>[vector<16xi32>, vector<16xi32>], vector<16xf32>,
      %add3A_612 = arith.addf %add3A_608, %gather3A_611 : vector<16xf32>
      %broadcast_in_dim3A_613 = arith.constant 10 : i32
      %broadcast_in_dim3A_614 = vector.broadcast %broadcast_in_dim3A_613 : i32 to vector<16xi32>
      %gather3A_615 = tpu.vector_load_idx %arg13[%iota3A, %broadcast_in_dim3A_614] : memref<16x17xf32, #tpu.memory_space<vmem>>[vector<16xi32>, vector<16xi32>], vector<16xf32>,
      %add3A_616 = arith.addf %add3A_612, %gather3A_615 : vector<16xf32>
      %broadcast_in_dim3A_617 = arith.constant 11 : i32
      %broadcast_in_dim3A_618 = vector.broadcast %broadcast_in_dim3A_617 : i32 to vector<16xi32>
      %gather3A_619 = tpu.vector_load_idx %arg13[%iota3A, %broadcast_in_dim3A_618] : memref<16x17xf32, #tpu.memory_space<vmem>>[vector<16xi32>, vector<16xi32>], vector<16xf32>,
      %add3A_620 = arith.addf %add3A_616, %gather3A_619 : vector<16xf32>
      %broadcast_in_dim3A_621 = arith.constant 12 : i32
      %broadcast_in_dim3A_622 = vector.broadcast %broadcast_in_dim3A_621 : i32 to vector<16xi32>
      %gather3A_623 = tpu.vector_load_idx %arg13[%iota3A, %broadcast_in_dim3A_622] : memref<16x17xf32, #tpu.memory_space<vmem>>[vector<16xi32>, vector<16xi32>], vector<16xf32>,
      %add3A_624 = arith.addf %add3A_620, %gather3A_623 : vector<16xf32>
      %broadcast_in_dim3A_625 = arith.constant 13 : i32
      %broadcast_in_dim3A_626 = vector.broadcast %broadcast_in_dim3A_625 : i32 to vector<16xi32>
      %gather3A_627 = tpu.vector_load_idx %arg13[%iota3A, %broadcast_in_dim3A_626] : memref<16x17xf32, #tpu.memory_space<vmem>>[vector<16xi32>, vector<16xi32>], vector<16xf32>,
      %add3A_628 = arith.addf %add3A_624, %gather3A_627 : vector<16xf32>
      %broadcast_in_dim3A_629 = arith.constant 14 : i32
      %broadcast_in_dim3A_630 = vector.broadcast %broadcast_in_dim3A_629 : i32 to vector<16xi32>
      %gather3A_631 = tpu.vector_load_idx %arg13[%iota3A, %broadcast_in_dim3A_630] : memref<16x17xf32, #tpu.memory_space<vmem>>[vector<16xi32>, vector<16xi32>], vector<16xf32>,
      %add3A_632 = arith.addf %add3A_628, %gather3A_631 : vector<16xf32>
      %broadcast_in_dim3A_633 = arith.constant 15 : i32
      %broadcast_in_dim3A_634 = vector.broadcast %broadcast_in_dim3A_633 : i32 to vector<16xi32>
      %gather3A_635 = tpu.vector_load_idx %arg13[%iota3A, %broadcast_in_dim3A_634] : memref<16x17xf32, #tpu.memory_space<vmem>>[vector<16xi32>, vector<16xi32>], vector<16xf32>,
      %add3A_636 = arith.addf %add3A_632, %gather3A_635 : vector<16xf32>
      %max3A = arith.constant 1.000000e-30 : f32
      %max3A_637 = vector.broadcast %max3A : f32 to vector<16xf32>
      %max3A_638 = arith.maximumf %add3A_636, %max3A_637 : vector<16xf32>
      %bitcast3A = vector.bitcast %max3A_638 : vector<16xf32> to vector<16xi32>
      %shift_right_arithmetic3A = arith.constant 1 : i32
      %shift_right_arithmetic3A_639 = vector.broadcast %shift_right_arithmetic3A : i32 to vector<16xi32>
      %shift_right_arithmetic3A_640 = arith.shrsi %bitcast3A, %shift_right_arithmetic3A_639 : vector<16xi32>
      %sub3A = arith.constant 1597463007 : i32
      %sub3A_641 = vector.broadcast %sub3A : i32 to vector<16xi32>
      %sub3A_642 = arith.subi %sub3A_641, %shift_right_arithmetic3A_640 : vector<16xi32>
      %bitcast3A_643 = vector.bitcast %sub3A_642 : vector<16xi32> to vector<16xf32>
      %mul3A_644 = arith.constant 5.000000e-01 : f32
      %mul3A_645 = vector.broadcast %mul3A_644 : f32 to vector<16xf32>
      %mul3A_646 = arith.mulf %mul3A_645, %max3A_638 : vector<16xf32>
      %mul3A_647 = arith.mulf %mul3A_646, %bitcast3A_643 : vector<16xf32>
      %mul3A_648 = arith.mulf %mul3A_647, %bitcast3A_643 : vector<16xf32>
      %sub3A_649 = arith.constant 1.500000e+00 : f32
      %sub3A_650 = vector.broadcast %sub3A_649 : f32 to vector<16xf32>
      %sub3A_651 = arith.subf %sub3A_650, %mul3A_648 : vector<16xf32>
      %mul3A_652 = arith.mulf %bitcast3A_643, %sub3A_651 : vector<16xf32>
      %mul3A_653 = arith.mulf %mul3A_646, %mul3A_652 : vector<16xf32>
      %mul3A_654 = arith.mulf %mul3A_653, %mul3A_652 : vector<16xf32>
      %sub3A_655 = arith.constant 1.500000e+00 : f32
      %sub3A_656 = vector.broadcast %sub3A_655 : f32 to vector<16xf32>
      %sub3A_657 = arith.subf %sub3A_656, %mul3A_654 : vector<16xf32>
      %mul3A_658 = arith.mulf %mul3A_652, %sub3A_657 : vector<16xf32>
      %mul3A_659 = arith.mulf %mul3A_646, %mul3A_658 : vector<16xf32>
      %mul3A_660 = arith.mulf %mul3A_659, %mul3A_658 : vector<16xf32>
      %sub3A_661 = arith.constant 1.500000e+00 : f32
      %sub3A_662 = vector.broadcast %sub3A_661 : f32 to vector<16xf32>
      %sub3A_663 = arith.subf %sub3A_662, %mul3A_660 : vector<16xf32>
      %mul3A_664 = arith.mulf %mul3A_658, %sub3A_663 : vector<16xf32>
      %mul3A_665 = arith.mulf %max3A_638, %mul3A_664 : vector<16xf32>
      %mul3A_666 = arith.constant 16 : i32
      %mul3A_667 = arith.muli %scan3A_564, %mul3A_666 : i32
      %add3A_668 = arith.constant 384 : i32
      %add3A_669 = arith.addi %add3A_668, %mul3A_667 : i32
      %swap3A = arith.index_cast %add3A_669 : i32 to index
      %swap3A_670 = tpu.vector_load %arg14[%swap3A] {strides = array<i32>} : memref<1024xf32, #tpu.memory_space<vmem>>, vector<16xf32>,
      tpu.vector_store %arg14[%swap3A], %mul3A_665 {strides = array<i32>} : memref<1024xf32, #tpu.memory_space<vmem>>, vector<16xf32>,
      %scan3A_671 = arith.constant 0 : i32
      scf.yield %scan3A_671 : i32
    }
    %scan3A_347 = arith.constant 8 : i32
    %dma_wait3A_348 = arith.constant 2 : i32
    %dma_wait3A_349 = arith.constant 0 : i32
    %dma_wait3A_350 = arith.constant 0 : i32
    %dma_wait3A_351 = tpu.memref_slice %arg11[%dma_wait3A_348, %dma_wait3A_349, %dma_wait3A_350] : memref<3x128x128xf32, #tpu.memory_space<vmem>> -> memref<1x128x128xf32, #tpu.memory_space<vmem>>
    %dma_wait3A_352 = tpu.memref_squeeze %dma_wait3A_351 : memref<1x128x128xf32, #tpu.memory_space<vmem>> -> memref<128x128xf32, #tpu.memory_space<vmem>>
    %dma_wait3A_353 = arith.constant 640 : i32
    %dma_wait3A_354 = tpu.memref_slice %arg8[%dma_wait3A_353] : memref<1024xi32, #tpu.memory_space<vmem>> -> memref<128xi32, #tpu.memory_space<vmem>>
    %dma_wait3A_355 = arith.constant 0 : i32
    %dma_wait3A_356 = arith.constant 0 : i32
    %dma_wait3A_357 = tpu.memref_slice %arg5[%dma_wait3A_355, %dma_wait3A_356] : memref<1000000x128xf32, #tpu.memory_space<hbm>> -> memref<1000000x128xf32, #tpu.memory_space<hbm>>
    tpu.wait_indirect_dma semaphore(%arg17 : memref<!tpu.dma_semaphore, #tpu.memory_space<semaphore_mem>>) src(%dma_wait3A_357 : memref<1000000x128xf32, #tpu.memory_space<hbm>>) dst(%dma_wait3A_352 : memref<128x128xf32, #tpu.memory_space<vmem>>)
    %dma_start3A_358 = arith.constant 2 : i32
    %dma_start3A_359 = arith.constant 0 : i32
    %dma_start3A_360 = arith.constant 0 : i32
    %dma_start3A_361 = tpu.memref_slice %arg11[%dma_start3A_358, %dma_start3A_359, %dma_start3A_360] : memref<3x128x128xf32, #tpu.memory_space<vmem>> -> memref<1x128x128xf32, #tpu.memory_space<vmem>>
    %dma_start3A_362 = tpu.memref_squeeze %dma_start3A_361 : memref<1x128x128xf32, #tpu.memory_space<vmem>> -> memref<128x128xf32, #tpu.memory_space<vmem>>
    %dma_start3A_363 = arith.constant 640 : i32
    %dma_start3A_364 = tpu.memref_slice %arg9[%dma_start3A_363] : memref<1024xi32, #tpu.memory_space<vmem>> -> memref<128xi32, #tpu.memory_space<vmem>>
    %dma_start3A_365 = arith.constant 0 : i32
    %dma_start3A_366 = arith.constant 0 : i32
    %dma_start3A_367 = tpu.memref_slice %arg6[%dma_start3A_365, %dma_start3A_366] : memref<100000x128xf32, #tpu.memory_space<hbm>> -> memref<100000x128xf32, #tpu.memory_space<hbm>>
    tpu.enqueue_indirect_dma source(%dma_start3A_367 : memref<100000x128xf32, #tpu.memory_space<hbm>>) target(%dma_start3A_362 : memref<128x128xf32, #tpu.memory_space<vmem>>) offsets(%dma_start3A_364 : memref<128xi32, #tpu.memory_space<vmem>>) semaphore(%arg17 : memref<!tpu.dma_semaphore, #tpu.memory_space<semaphore_mem>>) {add = true}
    %dma_wait3A_368 = arith.constant 1 : i32
    %dma_wait3A_369 = arith.constant 0 : i32
    %dma_wait3A_370 = arith.constant 0 : i32
    %dma_wait3A_371 = tpu.memref_slice %arg11[%dma_wait3A_368, %dma_wait3A_369, %dma_wait3A_370] : memref<3x128x128xf32, #tpu.memory_space<vmem>> -> memref<1x128x128xf32, #tpu.memory_space<vmem>>
    %dma_wait3A_372 = tpu.memref_squeeze %dma_wait3A_371 : memref<1x128x128xf32, #tpu.memory_space<vmem>> -> memref<128x128xf32, #tpu.memory_space<vmem>>
    %dma_wait3A_373 = arith.constant 512 : i32
    %dma_wait3A_374 = tpu.memref_slice %arg9[%dma_wait3A_373] : memref<1024xi32, #tpu.memory_space<vmem>> -> memref<128xi32, #tpu.memory_space<vmem>>
    %dma_wait3A_375 = arith.constant 0 : i32
    %dma_wait3A_376 = arith.constant 0 : i32
    %dma_wait3A_377 = tpu.memref_slice %arg6[%dma_wait3A_375, %dma_wait3A_376] : memref<100000x128xf32, #tpu.memory_space<hbm>> -> memref<100000x128xf32, #tpu.memory_space<hbm>>
    tpu.wait_indirect_dma semaphore(%arg16 : memref<!tpu.dma_semaphore, #tpu.memory_space<semaphore_mem>>) src(%dma_wait3A_377 : memref<100000x128xf32, #tpu.memory_space<hbm>>) dst(%dma_wait3A_372 : memref<128x128xf32, #tpu.memory_space<vmem>>)
    %dma_wait3A_378 = arith.constant 1 : i32
    %dma_wait3A_379 = arith.constant 0 : i32
    %dma_wait3A_380 = arith.constant 0 : i32
    %dma_wait3A_381 = tpu.memref_slice %arg12[%dma_wait3A_378, %dma_wait3A_379, %dma_wait3A_380] : memref<3x128x128xf32, #tpu.memory_space<vmem>> -> memref<1x128x128xf32, #tpu.memory_space<vmem>>
    %dma_wait3A_382 = tpu.memref_squeeze %dma_wait3A_381 : memref<1x128x128xf32, #tpu.memory_space<vmem>> -> memref<128x128xf32, #tpu.memory_space<vmem>>
    %dma_wait3A_383 = arith.constant 512 : i32
    %dma_wait3A_384 = tpu.memref_slice %arg10[%dma_wait3A_383] : memref<1024xi32, #tpu.memory_space<vmem>> -> memref<128xi32, #tpu.memory_space<vmem>>
    %dma_wait3A_385 = arith.constant 0 : i32
    %dma_wait3A_386 = arith.constant 0 : i32
    %dma_wait3A_387 = tpu.memref_slice %arg5[%dma_wait3A_385, %dma_wait3A_386] : memref<1000000x128xf32, #tpu.memory_space<hbm>> -> memref<1000000x128xf32, #tpu.memory_space<hbm>>
    tpu.wait_indirect_dma semaphore(%arg19 : memref<!tpu.dma_semaphore, #tpu.memory_space<semaphore_mem>>) src(%dma_wait3A_387 : memref<1000000x128xf32, #tpu.memory_space<hbm>>) dst(%dma_wait3A_382 : memref<128x128xf32, #tpu.memory_space<vmem>>)
    %dma_start3A_388 = arith.constant 0 : i32
    %dma_start3A_389 = arith.constant 0 : i32
    %dma_start3A_390 = arith.constant 0 : i32
    %dma_start3A_391 = tpu.memref_slice %arg11[%dma_start3A_388, %dma_start3A_389, %dma_start3A_390] : memref<3x128x128xf32, #tpu.memory_space<vmem>> -> memref<1x128x128xf32, #tpu.memory_space<vmem>>
    %dma_start3A_392 = tpu.memref_squeeze %dma_start3A_391 : memref<1x128x128xf32, #tpu.memory_space<vmem>> -> memref<128x128xf32, #tpu.memory_space<vmem>>
    %dma_start3A_393 = arith.constant 768 : i32
    %dma_start3A_394 = tpu.memref_slice %arg8[%dma_start3A_393] : memref<1024xi32, #tpu.memory_space<vmem>> -> memref<128xi32, #tpu.memory_space<vmem>>
    %dma_start3A_395 = arith.constant 0 : i32
    %dma_start3A_396 = arith.constant 0 : i32
    %dma_start3A_397 = tpu.memref_slice %arg5[%dma_start3A_395, %dma_start3A_396] : memref<1000000x128xf32, #tpu.memory_space<hbm>> -> memref<1000000x128xf32, #tpu.memory_space<hbm>>
    tpu.enqueue_indirect_dma source(%dma_start3A_397 : memref<1000000x128xf32, #tpu.memory_space<hbm>>) target(%dma_start3A_392 : memref<128x128xf32, #tpu.memory_space<vmem>>) offsets(%dma_start3A_394 : memref<128xi32, #tpu.memory_space<vmem>>) semaphore(%arg15 : memref<!tpu.dma_semaphore, #tpu.memory_space<semaphore_mem>>)
    %dma_start3A_398 = arith.constant 0 : i32
    %dma_start3A_399 = arith.constant 0 : i32
    %dma_start3A_400 = arith.constant 0 : i32
    %dma_start3A_401 = tpu.memref_slice %arg12[%dma_start3A_398, %dma_start3A_399, %dma_start3A_400] : memref<3x128x128xf32, #tpu.memory_space<vmem>> -> memref<1x128x128xf32, #tpu.memory_space<vmem>>
    %dma_start3A_402 = tpu.memref_squeeze %dma_start3A_401 : memref<1x128x128xf32, #tpu.memory_space<vmem>> -> memref<128x128xf32, #tpu.memory_space<vmem>>
    %dma_start3A_403 = arith.constant 768 : i32
    %dma_start3A_404 = tpu.memref_slice %arg10[%dma_start3A_403] : memref<1024xi32, #tpu.memory_space<vmem>> -> memref<128xi32, #tpu.memory_space<vmem>>
    %dma_start3A_405 = arith.constant 0 : i32
    %dma_start3A_406 = arith.constant 0 : i32
    %dma_start3A_407 = tpu.memref_slice %arg5[%dma_start3A_405, %dma_start3A_406] : memref<1000000x128xf32, #tpu.memory_space<hbm>> -> memref<1000000x128xf32, #tpu.memory_space<hbm>>
    tpu.enqueue_indirect_dma source(%dma_start3A_407 : memref<1000000x128xf32, #tpu.memory_space<hbm>>) target(%dma_start3A_402 : memref<128x128xf32, #tpu.memory_space<vmem>>) offsets(%dma_start3A_404 : memref<128xi32, #tpu.memory_space<vmem>>) semaphore(%arg18 : memref<!tpu.dma_semaphore, #tpu.memory_space<semaphore_mem>>)
    %scan3A_408 = arith.constant 1 : i32
    %scan3A_409 = arith.constant 1 : i32
    %scan3A_410 = arith.constant 0 : i32
    %scan3A_411 = arith.constant 0 : i32
    %scan3A_412 = arith.constant 8 : i32
    %scan3A_413 = arith.addi %scan3A_411, %scan3A_412 : i32
    %scan3A_414 = arith.constant 1 : i32
    %scan3A_415 = scf.for %scan3A_564 = %scan3A_411 to %scan3A_413 step %scan3A_414 iter_args(%scan3A_565 = %scan3A_410) -> (i32)  : i32 {
      %scan3A_566 = arith.constant 0 : i32
      %scan3A_567 = arith.constant 0 : i32
      %scan3A_568 = arith.constant 16 : i32
      %scan3A_569 = arith.addi %scan3A_567, %scan3A_568 : i32
      %scan3A_570 = arith.constant 1 : i32
      %scan3A_571 = scf.for %scan3A_672 = %scan3A_567 to %scan3A_569 step %scan3A_570 iter_args(%scan3A_673 = %scan3A_566) -> (i32)  : i32 {
        %mul3A_674 = arith.constant 16 : i32
        %mul3A_675 = arith.muli %scan3A_564, %mul3A_674 : i32
        %add3A_676 = arith.addi %mul3A_675, %scan3A_672 : i32
        %broadcast_in_dim3A_677 = arith.constant 0.000000e+00 : f32
        %broadcast_in_dim3A_678 = vector.broadcast %broadcast_in_dim3A_677 : f32 to vector<16xf32>
        %broadcast_in_dim3A_679 = arith.constant 0.000000e+00 : f32
        %broadcast_in_dim3A_680 = vector.broadcast %broadcast_in_dim3A_679 : f32 to vector<16xf32>
        %broadcast_in_dim3A_681 = arith.constant 0.000000e+00 : f32
        %broadcast_in_dim3A_682 = vector.broadcast %broadcast_in_dim3A_681 : f32 to vector<16xf32>
        %broadcast_in_dim3A_683 = arith.constant 0.000000e+00 : f32
        %broadcast_in_dim3A_684 = vector.broadcast %broadcast_in_dim3A_683 : f32 to vector<16xf32>
        %get3A = arith.constant 0 : i32
        %get3A_685 = arith.constant 0 : i32
        %get3A_686 = tpu.memref_slice %arg11[%scan3A_408, %get3A, %get3A_685] : memref<3x128x128xf32, #tpu.memory_space<vmem>> -> memref<1x128x128xf32, #tpu.memory_space<vmem>>
        %get3A_687 = tpu.memref_squeeze %get3A_686 : memref<1x128x128xf32, #tpu.memory_space<vmem>> -> memref<128x128xf32, #tpu.memory_space<vmem>>
        %get3A_688 = arith.index_cast %add3A_676 : i32 to index
        %get3A_689 = arith.constant 0 : index
        %get3A_690 = tpu.vector_load %get3A_687[%get3A_688, %get3A_689] {strides = array<i32>} : memref<128x128xf32, #tpu.memory_space<vmem>>, vector<16xf32>,
        %get3A_691 = arith.constant 0 : i32
        %get3A_692 = arith.constant 0 : i32
        %get3A_693 = tpu.memref_slice %arg12[%scan3A_409, %get3A_691, %get3A_692] : memref<3x128x128xf32, #tpu.memory_space<vmem>> -> memref<1x128x128xf32, #tpu.memory_space<vmem>>
        %get3A_694 = tpu.memref_squeeze %get3A_693 : memref<1x128x128xf32, #tpu.memory_space<vmem>> -> memref<128x128xf32, #tpu.memory_space<vmem>>
        %get3A_695 = arith.index_cast %add3A_676 : i32 to index
        %get3A_696 = arith.constant 0 : index
        %get3A_697 = tpu.vector_load %get3A_694[%get3A_695, %get3A_696] {strides = array<i32>} : memref<128x128xf32, #tpu.memory_space<vmem>>, vector<16xf32>,
        %sub3A_698 = arith.subf %get3A_690, %get3A_697 : vector<16xf32>
        %mul3A_699 = arith.mulf %sub3A_698, %sub3A_698 : vector<16xf32>
        %add3A_700 = arith.addf %broadcast_in_dim3A_678, %mul3A_699 : vector<16xf32>
        %get3A_701 = arith.constant 0 : i32
        %get3A_702 = arith.constant 0 : i32
        %get3A_703 = tpu.memref_slice %arg11[%scan3A_408, %get3A_701, %get3A_702] : memref<3x128x128xf32, #tpu.memory_space<vmem>> -> memref<1x128x128xf32, #tpu.memory_space<vmem>>
        %get3A_704 = tpu.memref_squeeze %get3A_703 : memref<1x128x128xf32, #tpu.memory_space<vmem>> -> memref<128x128xf32, #tpu.memory_space<vmem>>
        %get3A_705 = arith.index_cast %add3A_676 : i32 to index
        %get3A_706 = arith.constant 16 : index
        %get3A_707 = tpu.vector_load %get3A_704[%get3A_705, %get3A_706] {strides = array<i32>} : memref<128x128xf32, #tpu.memory_space<vmem>>, vector<16xf32>,
        %get3A_708 = arith.constant 0 : i32
        %get3A_709 = arith.constant 0 : i32
        %get3A_710 = tpu.memref_slice %arg12[%scan3A_409, %get3A_708, %get3A_709] : memref<3x128x128xf32, #tpu.memory_space<vmem>> -> memref<1x128x128xf32, #tpu.memory_space<vmem>>
        %get3A_711 = tpu.memref_squeeze %get3A_710 : memref<1x128x128xf32, #tpu.memory_space<vmem>> -> memref<128x128xf32, #tpu.memory_space<vmem>>
        %get3A_712 = arith.index_cast %add3A_676 : i32 to index
        %get3A_713 = arith.constant 16 : index
        %get3A_714 = tpu.vector_load %get3A_711[%get3A_712, %get3A_713] {strides = array<i32>} : memref<128x128xf32, #tpu.memory_space<vmem>>, vector<16xf32>,
        %sub3A_715 = arith.subf %get3A_707, %get3A_714 : vector<16xf32>
        %mul3A_716 = arith.mulf %sub3A_715, %sub3A_715 : vector<16xf32>
        %add3A_717 = arith.addf %broadcast_in_dim3A_680, %mul3A_716 : vector<16xf32>
        %get3A_718 = arith.constant 0 : i32
        %get3A_719 = arith.constant 0 : i32
        %get3A_720 = tpu.memref_slice %arg11[%scan3A_408, %get3A_718, %get3A_719] : memref<3x128x128xf32, #tpu.memory_space<vmem>> -> memref<1x128x128xf32, #tpu.memory_space<vmem>>
        %get3A_721 = tpu.memref_squeeze %get3A_720 : memref<1x128x128xf32, #tpu.memory_space<vmem>> -> memref<128x128xf32, #tpu.memory_space<vmem>>
        %get3A_722 = arith.index_cast %add3A_676 : i32 to index
        %get3A_723 = arith.constant 32 : index
        %get3A_724 = tpu.vector_load %get3A_721[%get3A_722, %get3A_723] {strides = array<i32>} : memref<128x128xf32, #tpu.memory_space<vmem>>, vector<16xf32>,
        %get3A_725 = arith.constant 0 : i32
        %get3A_726 = arith.constant 0 : i32
        %get3A_727 = tpu.memref_slice %arg12[%scan3A_409, %get3A_725, %get3A_726] : memref<3x128x128xf32, #tpu.memory_space<vmem>> -> memref<1x128x128xf32, #tpu.memory_space<vmem>>
        %get3A_728 = tpu.memref_squeeze %get3A_727 : memref<1x128x128xf32, #tpu.memory_space<vmem>> -> memref<128x128xf32, #tpu.memory_space<vmem>>
        %get3A_729 = arith.index_cast %add3A_676 : i32 to index
        %get3A_730 = arith.constant 32 : index
        %get3A_731 = tpu.vector_load %get3A_728[%get3A_729, %get3A_730] {strides = array<i32>} : memref<128x128xf32, #tpu.memory_space<vmem>>, vector<16xf32>,
        %sub3A_732 = arith.subf %get3A_724, %get3A_731 : vector<16xf32>
        %mul3A_733 = arith.mulf %sub3A_732, %sub3A_732 : vector<16xf32>
        %add3A_734 = arith.addf %broadcast_in_dim3A_682, %mul3A_733 : vector<16xf32>
        %get3A_735 = arith.constant 0 : i32
        %get3A_736 = arith.constant 0 : i32
        %get3A_737 = tpu.memref_slice %arg11[%scan3A_408, %get3A_735, %get3A_736] : memref<3x128x128xf32, #tpu.memory_space<vmem>> -> memref<1x128x128xf32, #tpu.memory_space<vmem>>
        %get3A_738 = tpu.memref_squeeze %get3A_737 : memref<1x128x128xf32, #tpu.memory_space<vmem>> -> memref<128x128xf32, #tpu.memory_space<vmem>>
        %get3A_739 = arith.index_cast %add3A_676 : i32 to index
        %get3A_740 = arith.constant 48 : index
        %get3A_741 = tpu.vector_load %get3A_738[%get3A_739, %get3A_740] {strides = array<i32>} : memref<128x128xf32, #tpu.memory_space<vmem>>, vector<16xf32>,
        %get3A_742 = arith.constant 0 : i32
        %get3A_743 = arith.constant 0 : i32
        %get3A_744 = tpu.memref_slice %arg12[%scan3A_409, %get3A_742, %get3A_743] : memref<3x128x128xf32, #tpu.memory_space<vmem>> -> memref<1x128x128xf32, #tpu.memory_space<vmem>>
        %get3A_745 = tpu.memref_squeeze %get3A_744 : memref<1x128x128xf32, #tpu.memory_space<vmem>> -> memref<128x128xf32, #tpu.memory_space<vmem>>
        %get3A_746 = arith.index_cast %add3A_676 : i32 to index
        %get3A_747 = arith.constant 48 : index
        %get3A_748 = tpu.vector_load %get3A_745[%get3A_746, %get3A_747] {strides = array<i32>} : memref<128x128xf32, #tpu.memory_space<vmem>>, vector<16xf32>,
        %sub3A_749 = arith.subf %get3A_741, %get3A_748 : vector<16xf32>
        %mul3A_750 = arith.mulf %sub3A_749, %sub3A_749 : vector<16xf32>
        %add3A_751 = arith.addf %broadcast_in_dim3A_684, %mul3A_750 : vector<16xf32>
        %get3A_752 = arith.constant 0 : i32
        %get3A_753 = arith.constant 0 : i32
        %get3A_754 = tpu.memref_slice %arg11[%scan3A_408, %get3A_752, %get3A_753] : memref<3x128x128xf32, #tpu.memory_space<vmem>> -> memref<1x128x128xf32, #tpu.memory_space<vmem>>
        %get3A_755 = tpu.memref_squeeze %get3A_754 : memref<1x128x128xf32, #tpu.memory_space<vmem>> -> memref<128x128xf32, #tpu.memory_space<vmem>>
        %get3A_756 = arith.index_cast %add3A_676 : i32 to index
        %get3A_757 = arith.constant 64 : index
        %get3A_758 = tpu.vector_load %get3A_755[%get3A_756, %get3A_757] {strides = array<i32>} : memref<128x128xf32, #tpu.memory_space<vmem>>, vector<16xf32>,
        %get3A_759 = arith.constant 0 : i32
        %get3A_760 = arith.constant 0 : i32
        %get3A_761 = tpu.memref_slice %arg12[%scan3A_409, %get3A_759, %get3A_760] : memref<3x128x128xf32, #tpu.memory_space<vmem>> -> memref<1x128x128xf32, #tpu.memory_space<vmem>>
        %get3A_762 = tpu.memref_squeeze %get3A_761 : memref<1x128x128xf32, #tpu.memory_space<vmem>> -> memref<128x128xf32, #tpu.memory_space<vmem>>
        %get3A_763 = arith.index_cast %add3A_676 : i32 to index
        %get3A_764 = arith.constant 64 : index
        %get3A_765 = tpu.vector_load %get3A_762[%get3A_763, %get3A_764] {strides = array<i32>} : memref<128x128xf32, #tpu.memory_space<vmem>>, vector<16xf32>,
        %sub3A_766 = arith.subf %get3A_758, %get3A_765 : vector<16xf32>
        %mul3A_767 = arith.mulf %sub3A_766, %sub3A_766 : vector<16xf32>
        %add3A_768 = arith.addf %add3A_700, %mul3A_767 : vector<16xf32>
        %get3A_769 = arith.constant 0 : i32
        %get3A_770 = arith.constant 0 : i32
        %get3A_771 = tpu.memref_slice %arg11[%scan3A_408, %get3A_769, %get3A_770] : memref<3x128x128xf32, #tpu.memory_space<vmem>> -> memref<1x128x128xf32, #tpu.memory_space<vmem>>
        %get3A_772 = tpu.memref_squeeze %get3A_771 : memref<1x128x128xf32, #tpu.memory_space<vmem>> -> memref<128x128xf32, #tpu.memory_space<vmem>>
        %get3A_773 = arith.index_cast %add3A_676 : i32 to index
        %get3A_774 = arith.constant 80 : index
        %get3A_775 = tpu.vector_load %get3A_772[%get3A_773, %get3A_774] {strides = array<i32>} : memref<128x128xf32, #tpu.memory_space<vmem>>, vector<16xf32>,
        %get3A_776 = arith.constant 0 : i32
        %get3A_777 = arith.constant 0 : i32
        %get3A_778 = tpu.memref_slice %arg12[%scan3A_409, %get3A_776, %get3A_777] : memref<3x128x128xf32, #tpu.memory_space<vmem>> -> memref<1x128x128xf32, #tpu.memory_space<vmem>>
        %get3A_779 = tpu.memref_squeeze %get3A_778 : memref<1x128x128xf32, #tpu.memory_space<vmem>> -> memref<128x128xf32, #tpu.memory_space<vmem>>
        %get3A_780 = arith.index_cast %add3A_676 : i32 to index
        %get3A_781 = arith.constant 80 : index
        %get3A_782 = tpu.vector_load %get3A_779[%get3A_780, %get3A_781] {strides = array<i32>} : memref<128x128xf32, #tpu.memory_space<vmem>>, vector<16xf32>,
        %sub3A_783 = arith.subf %get3A_775, %get3A_782 : vector<16xf32>
        %mul3A_784 = arith.mulf %sub3A_783, %sub3A_783 : vector<16xf32>
        %add3A_785 = arith.addf %add3A_717, %mul3A_784 : vector<16xf32>
        %get3A_786 = arith.constant 0 : i32
        %get3A_787 = arith.constant 0 : i32
        %get3A_788 = tpu.memref_slice %arg11[%scan3A_408, %get3A_786, %get3A_787] : memref<3x128x128xf32, #tpu.memory_space<vmem>> -> memref<1x128x128xf32, #tpu.memory_space<vmem>>
        %get3A_789 = tpu.memref_squeeze %get3A_788 : memref<1x128x128xf32, #tpu.memory_space<vmem>> -> memref<128x128xf32, #tpu.memory_space<vmem>>
        %get3A_790 = arith.index_cast %add3A_676 : i32 to index
        %get3A_791 = arith.constant 96 : index
        %get3A_792 = tpu.vector_load %get3A_789[%get3A_790, %get3A_791] {strides = array<i32>} : memref<128x128xf32, #tpu.memory_space<vmem>>, vector<16xf32>,
        %get3A_793 = arith.constant 0 : i32
        %get3A_794 = arith.constant 0 : i32
        %get3A_795 = tpu.memref_slice %arg12[%scan3A_409, %get3A_793, %get3A_794] : memref<3x128x128xf32, #tpu.memory_space<vmem>> -> memref<1x128x128xf32, #tpu.memory_space<vmem>>
        %get3A_796 = tpu.memref_squeeze %get3A_795 : memref<1x128x128xf32, #tpu.memory_space<vmem>> -> memref<128x128xf32, #tpu.memory_space<vmem>>
        %get3A_797 = arith.index_cast %add3A_676 : i32 to index
        %get3A_798 = arith.constant 96 : index
        %get3A_799 = tpu.vector_load %get3A_796[%get3A_797, %get3A_798] {strides = array<i32>} : memref<128x128xf32, #tpu.memory_space<vmem>>, vector<16xf32>,
        %sub3A_800 = arith.subf %get3A_792, %get3A_799 : vector<16xf32>
        %mul3A_801 = arith.mulf %sub3A_800, %sub3A_800 : vector<16xf32>
        %add3A_802 = arith.addf %add3A_734, %mul3A_801 : vector<16xf32>
        %get3A_803 = arith.constant 0 : i32
        %get3A_804 = arith.constant 0 : i32
        %get3A_805 = tpu.memref_slice %arg11[%scan3A_408, %get3A_803, %get3A_804] : memref<3x128x128xf32, #tpu.memory_space<vmem>> -> memref<1x128x128xf32, #tpu.memory_space<vmem>>
        %get3A_806 = tpu.memref_squeeze %get3A_805 : memref<1x128x128xf32, #tpu.memory_space<vmem>> -> memref<128x128xf32, #tpu.memory_space<vmem>>
        %get3A_807 = arith.index_cast %add3A_676 : i32 to index
        %get3A_808 = arith.constant 112 : index
        %get3A_809 = tpu.vector_load %get3A_806[%get3A_807, %get3A_808] {strides = array<i32>} : memref<128x128xf32, #tpu.memory_space<vmem>>, vector<16xf32>,
        %get3A_810 = arith.constant 0 : i32
        %get3A_811 = arith.constant 0 : i32
        %get3A_812 = tpu.memref_slice %arg12[%scan3A_409, %get3A_810, %get3A_811] : memref<3x128x128xf32, #tpu.memory_space<vmem>> -> memref<1x128x128xf32, #tpu.memory_space<vmem>>
        %get3A_813 = tpu.memref_squeeze %get3A_812 : memref<1x128x128xf32, #tpu.memory_space<vmem>> -> memref<128x128xf32, #tpu.memory_space<vmem>>
        %get3A_814 = arith.index_cast %add3A_676 : i32 to index
        %get3A_815 = arith.constant 112 : index
        %get3A_816 = tpu.vector_load %get3A_813[%get3A_814, %get3A_815] {strides = array<i32>} : memref<128x128xf32, #tpu.memory_space<vmem>>, vector<16xf32>,
        %sub3A_817 = arith.subf %get3A_809, %get3A_816 : vector<16xf32>
        %mul3A_818 = arith.mulf %sub3A_817, %sub3A_817 : vector<16xf32>
        %add3A_819 = arith.addf %add3A_751, %mul3A_818 : vector<16xf32>
        %add3A_820 = arith.addf %add3A_768, %add3A_785 : vector<16xf32>
        %add3A_821 = arith.addf %add3A_802, %add3A_819 : vector<16xf32>
        %add3A_822 = arith.addf %add3A_820, %add3A_821 : vector<16xf32>
        %swap3A_823 = arith.index_cast %scan3A_672 : i32 to index
        %swap3A_824 = arith.constant 0 : index
        %swap3A_825 = tpu.vector_load %arg13[%swap3A_823, %swap3A_824] {strides = array<i32>} : memref<16x17xf32, #tpu.memory_space<vmem>>, vector<16xf32>,
        tpu.vector_store %arg13[%swap3A_823, %swap3A_824], %add3A_822 {strides = array<i32>} : memref<16x17xf32, #tpu.memory_space<vmem>>, vector<16xf32>,
        %scan3A_826 = arith.constant 0 : i32
        scf.yield %scan3A_826 : i32
      }
      %scan3A_572 = arith.constant 16 : i32
      %broadcast_in_dim3A = arith.constant 0.000000e+00 : f32
      %broadcast_in_dim3A_573 = vector.broadcast %broadcast_in_dim3A : f32 to vector<16xf32>
      %broadcast_in_dim3A_574 = arith.constant 0 : i32
      %broadcast_in_dim3A_575 = vector.broadcast %broadcast_in_dim3A_574 : i32 to vector<16xi32>
      %gather3A = tpu.vector_load_idx %arg13[%iota3A, %broadcast_in_dim3A_575] : memref<16x17xf32, #tpu.memory_space<vmem>>[vector<16xi32>, vector<16xi32>], vector<16xf32>,
      %add3A_576 = arith.addf %broadcast_in_dim3A_573, %gather3A : vector<16xf32>
      %broadcast_in_dim3A_577 = arith.constant 1 : i32
      %broadcast_in_dim3A_578 = vector.broadcast %broadcast_in_dim3A_577 : i32 to vector<16xi32>
      %gather3A_579 = tpu.vector_load_idx %arg13[%iota3A, %broadcast_in_dim3A_578] : memref<16x17xf32, #tpu.memory_space<vmem>>[vector<16xi32>, vector<16xi32>], vector<16xf32>,
      %add3A_580 = arith.addf %add3A_576, %gather3A_579 : vector<16xf32>
      %broadcast_in_dim3A_581 = arith.constant 2 : i32
      %broadcast_in_dim3A_582 = vector.broadcast %broadcast_in_dim3A_581 : i32 to vector<16xi32>
      %gather3A_583 = tpu.vector_load_idx %arg13[%iota3A, %broadcast_in_dim3A_582] : memref<16x17xf32, #tpu.memory_space<vmem>>[vector<16xi32>, vector<16xi32>], vector<16xf32>,
      %add3A_584 = arith.addf %add3A_580, %gather3A_583 : vector<16xf32>
      %broadcast_in_dim3A_585 = arith.constant 3 : i32
      %broadcast_in_dim3A_586 = vector.broadcast %broadcast_in_dim3A_585 : i32 to vector<16xi32>
      %gather3A_587 = tpu.vector_load_idx %arg13[%iota3A, %broadcast_in_dim3A_586] : memref<16x17xf32, #tpu.memory_space<vmem>>[vector<16xi32>, vector<16xi32>], vector<16xf32>,
      %add3A_588 = arith.addf %add3A_584, %gather3A_587 : vector<16xf32>
      %broadcast_in_dim3A_589 = arith.constant 4 : i32
      %broadcast_in_dim3A_590 = vector.broadcast %broadcast_in_dim3A_589 : i32 to vector<16xi32>
      %gather3A_591 = tpu.vector_load_idx %arg13[%iota3A, %broadcast_in_dim3A_590] : memref<16x17xf32, #tpu.memory_space<vmem>>[vector<16xi32>, vector<16xi32>], vector<16xf32>,
      %add3A_592 = arith.addf %add3A_588, %gather3A_591 : vector<16xf32>
      %broadcast_in_dim3A_593 = arith.constant 5 : i32
      %broadcast_in_dim3A_594 = vector.broadcast %broadcast_in_dim3A_593 : i32 to vector<16xi32>
      %gather3A_595 = tpu.vector_load_idx %arg13[%iota3A, %broadcast_in_dim3A_594] : memref<16x17xf32, #tpu.memory_space<vmem>>[vector<16xi32>, vector<16xi32>], vector<16xf32>,
      %add3A_596 = arith.addf %add3A_592, %gather3A_595 : vector<16xf32>
      %broadcast_in_dim3A_597 = arith.constant 6 : i32
      %broadcast_in_dim3A_598 = vector.broadcast %broadcast_in_dim3A_597 : i32 to vector<16xi32>
      %gather3A_599 = tpu.vector_load_idx %arg13[%iota3A, %broadcast_in_dim3A_598] : memref<16x17xf32, #tpu.memory_space<vmem>>[vector<16xi32>, vector<16xi32>], vector<16xf32>,
      %add3A_600 = arith.addf %add3A_596, %gather3A_599 : vector<16xf32>
      %broadcast_in_dim3A_601 = arith.constant 7 : i32
      %broadcast_in_dim3A_602 = vector.broadcast %broadcast_in_dim3A_601 : i32 to vector<16xi32>
      %gather3A_603 = tpu.vector_load_idx %arg13[%iota3A, %broadcast_in_dim3A_602] : memref<16x17xf32, #tpu.memory_space<vmem>>[vector<16xi32>, vector<16xi32>], vector<16xf32>,
      %add3A_604 = arith.addf %add3A_600, %gather3A_603 : vector<16xf32>
      %broadcast_in_dim3A_605 = arith.constant 8 : i32
      %broadcast_in_dim3A_606 = vector.broadcast %broadcast_in_dim3A_605 : i32 to vector<16xi32>
      %gather3A_607 = tpu.vector_load_idx %arg13[%iota3A, %broadcast_in_dim3A_606] : memref<16x17xf32, #tpu.memory_space<vmem>>[vector<16xi32>, vector<16xi32>], vector<16xf32>,
      %add3A_608 = arith.addf %add3A_604, %gather3A_607 : vector<16xf32>
      %broadcast_in_dim3A_609 = arith.constant 9 : i32
      %broadcast_in_dim3A_610 = vector.broadcast %broadcast_in_dim3A_609 : i32 to vector<16xi32>
      %gather3A_611 = tpu.vector_load_idx %arg13[%iota3A, %broadcast_in_dim3A_610] : memref<16x17xf32, #tpu.memory_space<vmem>>[vector<16xi32>, vector<16xi32>], vector<16xf32>,
      %add3A_612 = arith.addf %add3A_608, %gather3A_611 : vector<16xf32>
      %broadcast_in_dim3A_613 = arith.constant 10 : i32
      %broadcast_in_dim3A_614 = vector.broadcast %broadcast_in_dim3A_613 : i32 to vector<16xi32>
      %gather3A_615 = tpu.vector_load_idx %arg13[%iota3A, %broadcast_in_dim3A_614] : memref<16x17xf32, #tpu.memory_space<vmem>>[vector<16xi32>, vector<16xi32>], vector<16xf32>,
      %add3A_616 = arith.addf %add3A_612, %gather3A_615 : vector<16xf32>
      %broadcast_in_dim3A_617 = arith.constant 11 : i32
      %broadcast_in_dim3A_618 = vector.broadcast %broadcast_in_dim3A_617 : i32 to vector<16xi32>
      %gather3A_619 = tpu.vector_load_idx %arg13[%iota3A, %broadcast_in_dim3A_618] : memref<16x17xf32, #tpu.memory_space<vmem>>[vector<16xi32>, vector<16xi32>], vector<16xf32>,
      %add3A_620 = arith.addf %add3A_616, %gather3A_619 : vector<16xf32>
      %broadcast_in_dim3A_621 = arith.constant 12 : i32
      %broadcast_in_dim3A_622 = vector.broadcast %broadcast_in_dim3A_621 : i32 to vector<16xi32>
      %gather3A_623 = tpu.vector_load_idx %arg13[%iota3A, %broadcast_in_dim3A_622] : memref<16x17xf32, #tpu.memory_space<vmem>>[vector<16xi32>, vector<16xi32>], vector<16xf32>,
      %add3A_624 = arith.addf %add3A_620, %gather3A_623 : vector<16xf32>
      %broadcast_in_dim3A_625 = arith.constant 13 : i32
      %broadcast_in_dim3A_626 = vector.broadcast %broadcast_in_dim3A_625 : i32 to vector<16xi32>
      %gather3A_627 = tpu.vector_load_idx %arg13[%iota3A, %broadcast_in_dim3A_626] : memref<16x17xf32, #tpu.memory_space<vmem>>[vector<16xi32>, vector<16xi32>], vector<16xf32>,
      %add3A_628 = arith.addf %add3A_624, %gather3A_627 : vector<16xf32>
      %broadcast_in_dim3A_629 = arith.constant 14 : i32
      %broadcast_in_dim3A_630 = vector.broadcast %broadcast_in_dim3A_629 : i32 to vector<16xi32>
      %gather3A_631 = tpu.vector_load_idx %arg13[%iota3A, %broadcast_in_dim3A_630] : memref<16x17xf32, #tpu.memory_space<vmem>>[vector<16xi32>, vector<16xi32>], vector<16xf32>,
      %add3A_632 = arith.addf %add3A_628, %gather3A_631 : vector<16xf32>
      %broadcast_in_dim3A_633 = arith.constant 15 : i32
      %broadcast_in_dim3A_634 = vector.broadcast %broadcast_in_dim3A_633 : i32 to vector<16xi32>
      %gather3A_635 = tpu.vector_load_idx %arg13[%iota3A, %broadcast_in_dim3A_634] : memref<16x17xf32, #tpu.memory_space<vmem>>[vector<16xi32>, vector<16xi32>], vector<16xf32>,
      %add3A_636 = arith.addf %add3A_632, %gather3A_635 : vector<16xf32>
      %max3A = arith.constant 1.000000e-30 : f32
      %max3A_637 = vector.broadcast %max3A : f32 to vector<16xf32>
      %max3A_638 = arith.maximumf %add3A_636, %max3A_637 : vector<16xf32>
      %bitcast3A = vector.bitcast %max3A_638 : vector<16xf32> to vector<16xi32>
      %shift_right_arithmetic3A = arith.constant 1 : i32
      %shift_right_arithmetic3A_639 = vector.broadcast %shift_right_arithmetic3A : i32 to vector<16xi32>
      %shift_right_arithmetic3A_640 = arith.shrsi %bitcast3A, %shift_right_arithmetic3A_639 : vector<16xi32>
      %sub3A = arith.constant 1597463007 : i32
      %sub3A_641 = vector.broadcast %sub3A : i32 to vector<16xi32>
      %sub3A_642 = arith.subi %sub3A_641, %shift_right_arithmetic3A_640 : vector<16xi32>
      %bitcast3A_643 = vector.bitcast %sub3A_642 : vector<16xi32> to vector<16xf32>
      %mul3A_644 = arith.constant 5.000000e-01 : f32
      %mul3A_645 = vector.broadcast %mul3A_644 : f32 to vector<16xf32>
      %mul3A_646 = arith.mulf %mul3A_645, %max3A_638 : vector<16xf32>
      %mul3A_647 = arith.mulf %mul3A_646, %bitcast3A_643 : vector<16xf32>
      %mul3A_648 = arith.mulf %mul3A_647, %bitcast3A_643 : vector<16xf32>
      %sub3A_649 = arith.constant 1.500000e+00 : f32
      %sub3A_650 = vector.broadcast %sub3A_649 : f32 to vector<16xf32>
      %sub3A_651 = arith.subf %sub3A_650, %mul3A_648 : vector<16xf32>
      %mul3A_652 = arith.mulf %bitcast3A_643, %sub3A_651 : vector<16xf32>
      %mul3A_653 = arith.mulf %mul3A_646, %mul3A_652 : vector<16xf32>
      %mul3A_654 = arith.mulf %mul3A_653, %mul3A_652 : vector<16xf32>
      %sub3A_655 = arith.constant 1.500000e+00 : f32
      %sub3A_656 = vector.broadcast %sub3A_655 : f32 to vector<16xf32>
      %sub3A_657 = arith.subf %sub3A_656, %mul3A_654 : vector<16xf32>
      %mul3A_658 = arith.mulf %mul3A_652, %sub3A_657 : vector<16xf32>
      %mul3A_659 = arith.mulf %mul3A_646, %mul3A_658 : vector<16xf32>
      %mul3A_660 = arith.mulf %mul3A_659, %mul3A_658 : vector<16xf32>
      %sub3A_661 = arith.constant 1.500000e+00 : f32
      %sub3A_662 = vector.broadcast %sub3A_661 : f32 to vector<16xf32>
      %sub3A_663 = arith.subf %sub3A_662, %mul3A_660 : vector<16xf32>
      %mul3A_664 = arith.mulf %mul3A_658, %sub3A_663 : vector<16xf32>
      %mul3A_665 = arith.mulf %max3A_638, %mul3A_664 : vector<16xf32>
      %mul3A_666 = arith.constant 16 : i32
      %mul3A_667 = arith.muli %scan3A_564, %mul3A_666 : i32
      %add3A_668 = arith.constant 512 : i32
      %add3A_669 = arith.addi %add3A_668, %mul3A_667 : i32
      %swap3A = arith.index_cast %add3A_669 : i32 to index
      %swap3A_670 = tpu.vector_load %arg14[%swap3A] {strides = array<i32>} : memref<1024xf32, #tpu.memory_space<vmem>>, vector<16xf32>,
      tpu.vector_store %arg14[%swap3A], %mul3A_665 {strides = array<i32>} : memref<1024xf32, #tpu.memory_space<vmem>>, vector<16xf32>,
      %scan3A_671 = arith.constant 0 : i32
      scf.yield %scan3A_671 : i32
    }
    %scan3A_416 = arith.constant 8 : i32
    %dma_wait3A_417 = arith.constant 0 : i32
    %dma_wait3A_418 = arith.constant 0 : i32
    %dma_wait3A_419 = arith.constant 0 : i32
    %dma_wait3A_420 = tpu.memref_slice %arg11[%dma_wait3A_417, %dma_wait3A_418, %dma_wait3A_419] : memref<3x128x128xf32, #tpu.memory_space<vmem>> -> memref<1x128x128xf32, #tpu.memory_space<vmem>>
    %dma_wait3A_421 = tpu.memref_squeeze %dma_wait3A_420 : memref<1x128x128xf32, #tpu.memory_space<vmem>> -> memref<128x128xf32, #tpu.memory_space<vmem>>
    %dma_wait3A_422 = arith.constant 768 : i32
    %dma_wait3A_423 = tpu.memref_slice %arg8[%dma_wait3A_422] : memref<1024xi32, #tpu.memory_space<vmem>> -> memref<128xi32, #tpu.memory_space<vmem>>
    %dma_wait3A_424 = arith.constant 0 : i32
    %dma_wait3A_425 = arith.constant 0 : i32
    %dma_wait3A_426 = tpu.memref_slice %arg5[%dma_wait3A_424, %dma_wait3A_425] : memref<1000000x128xf32, #tpu.memory_space<hbm>> -> memref<1000000x128xf32, #tpu.memory_space<hbm>>
    tpu.wait_indirect_dma semaphore(%arg15 : memref<!tpu.dma_semaphore, #tpu.memory_space<semaphore_mem>>) src(%dma_wait3A_426 : memref<1000000x128xf32, #tpu.memory_space<hbm>>) dst(%dma_wait3A_421 : memref<128x128xf32, #tpu.memory_space<vmem>>)
    %dma_start3A_427 = arith.constant 0 : i32
    %dma_start3A_428 = arith.constant 0 : i32
    %dma_start3A_429 = arith.constant 0 : i32
    %dma_start3A_430 = tpu.memref_slice %arg11[%dma_start3A_427, %dma_start3A_428, %dma_start3A_429] : memref<3x128x128xf32, #tpu.memory_space<vmem>> -> memref<1x128x128xf32, #tpu.memory_space<vmem>>
    %dma_start3A_431 = tpu.memref_squeeze %dma_start3A_430 : memref<1x128x128xf32, #tpu.memory_space<vmem>> -> memref<128x128xf32, #tpu.memory_space<vmem>>
    %dma_start3A_432 = arith.constant 768 : i32
    %dma_start3A_433 = tpu.memref_slice %arg9[%dma_start3A_432] : memref<1024xi32, #tpu.memory_space<vmem>> -> memref<128xi32, #tpu.memory_space<vmem>>
    %dma_start3A_434 = arith.constant 0 : i32
    %dma_start3A_435 = arith.constant 0 : i32
    %dma_start3A_436 = tpu.memref_slice %arg6[%dma_start3A_434, %dma_start3A_435] : memref<100000x128xf32, #tpu.memory_space<hbm>> -> memref<100000x128xf32, #tpu.memory_space<hbm>>
    tpu.enqueue_indirect_dma source(%dma_start3A_436 : memref<100000x128xf32, #tpu.memory_space<hbm>>) target(%dma_start3A_431 : memref<128x128xf32, #tpu.memory_space<vmem>>) offsets(%dma_start3A_433 : memref<128xi32, #tpu.memory_space<vmem>>) semaphore(%arg15 : memref<!tpu.dma_semaphore, #tpu.memory_space<semaphore_mem>>) {add = true}
    %dma_wait3A_437 = arith.constant 2 : i32
    %dma_wait3A_438 = arith.constant 0 : i32
    %dma_wait3A_439 = arith.constant 0 : i32
    %dma_wait3A_440 = tpu.memref_slice %arg11[%dma_wait3A_437, %dma_wait3A_438, %dma_wait3A_439] : memref<3x128x128xf32, #tpu.memory_space<vmem>> -> memref<1x128x128xf32, #tpu.memory_space<vmem>>
    %dma_wait3A_441 = tpu.memref_squeeze %dma_wait3A_440 : memref<1x128x128xf32, #tpu.memory_space<vmem>> -> memref<128x128xf32, #tpu.memory_space<vmem>>
    %dma_wait3A_442 = arith.constant 640 : i32
    %dma_wait3A_443 = tpu.memref_slice %arg9[%dma_wait3A_442] : memref<1024xi32, #tpu.memory_space<vmem>> -> memref<128xi32, #tpu.memory_space<vmem>>
    %dma_wait3A_444 = arith.constant 0 : i32
    %dma_wait3A_445 = arith.constant 0 : i32
    %dma_wait3A_446 = tpu.memref_slice %arg6[%dma_wait3A_444, %dma_wait3A_445] : memref<100000x128xf32, #tpu.memory_space<hbm>> -> memref<100000x128xf32, #tpu.memory_space<hbm>>
    tpu.wait_indirect_dma semaphore(%arg17 : memref<!tpu.dma_semaphore, #tpu.memory_space<semaphore_mem>>) src(%dma_wait3A_446 : memref<100000x128xf32, #tpu.memory_space<hbm>>) dst(%dma_wait3A_441 : memref<128x128xf32, #tpu.memory_space<vmem>>)
    %dma_wait3A_447 = arith.constant 2 : i32
    %dma_wait3A_448 = arith.constant 0 : i32
    %dma_wait3A_449 = arith.constant 0 : i32
    %dma_wait3A_450 = tpu.memref_slice %arg12[%dma_wait3A_447, %dma_wait3A_448, %dma_wait3A_449] : memref<3x128x128xf32, #tpu.memory_space<vmem>> -> memref<1x128x128xf32, #tpu.memory_space<vmem>>
    %dma_wait3A_451 = tpu.memref_squeeze %dma_wait3A_450 : memref<1x128x128xf32, #tpu.memory_space<vmem>> -> memref<128x128xf32, #tpu.memory_space<vmem>>
    %dma_wait3A_452 = arith.constant 640 : i32
    %dma_wait3A_453 = tpu.memref_slice %arg10[%dma_wait3A_452] : memref<1024xi32, #tpu.memory_space<vmem>> -> memref<128xi32, #tpu.memory_space<vmem>>
    %dma_wait3A_454 = arith.constant 0 : i32
    %dma_wait3A_455 = arith.constant 0 : i32
    %dma_wait3A_456 = tpu.memref_slice %arg5[%dma_wait3A_454, %dma_wait3A_455] : memref<1000000x128xf32, #tpu.memory_space<hbm>> -> memref<1000000x128xf32, #tpu.memory_space<hbm>>
    tpu.wait_indirect_dma semaphore(%arg20 : memref<!tpu.dma_semaphore, #tpu.memory_space<semaphore_mem>>) src(%dma_wait3A_456 : memref<1000000x128xf32, #tpu.memory_space<hbm>>) dst(%dma_wait3A_451 : memref<128x128xf32, #tpu.memory_space<vmem>>)
    %dma_start3A_457 = arith.constant 1 : i32
    %dma_start3A_458 = arith.constant 0 : i32
    %dma_start3A_459 = arith.constant 0 : i32
    %dma_start3A_460 = tpu.memref_slice %arg11[%dma_start3A_457, %dma_start3A_458, %dma_start3A_459] : memref<3x128x128xf32, #tpu.memory_space<vmem>> -> memref<1x128x128xf32, #tpu.memory_space<vmem>>
    %dma_start3A_461 = tpu.memref_squeeze %dma_start3A_460 : memref<1x128x128xf32, #tpu.memory_space<vmem>> -> memref<128x128xf32, #tpu.memory_space<vmem>>
    %dma_start3A_462 = arith.constant 896 : i32
    %dma_start3A_463 = tpu.memref_slice %arg8[%dma_start3A_462] : memref<1024xi32, #tpu.memory_space<vmem>> -> memref<128xi32, #tpu.memory_space<vmem>>
    %dma_start3A_464 = arith.constant 0 : i32
    %dma_start3A_465 = arith.constant 0 : i32
    %dma_start3A_466 = tpu.memref_slice %arg5[%dma_start3A_464, %dma_start3A_465] : memref<1000000x128xf32, #tpu.memory_space<hbm>> -> memref<1000000x128xf32, #tpu.memory_space<hbm>>
    tpu.enqueue_indirect_dma source(%dma_start3A_466 : memref<1000000x128xf32, #tpu.memory_space<hbm>>) target(%dma_start3A_461 : memref<128x128xf32, #tpu.memory_space<vmem>>) offsets(%dma_start3A_463 : memref<128xi32, #tpu.memory_space<vmem>>) semaphore(%arg16 : memref<!tpu.dma_semaphore, #tpu.memory_space<semaphore_mem>>)
    %dma_start3A_467 = arith.constant 1 : i32
    %dma_start3A_468 = arith.constant 0 : i32
    %dma_start3A_469 = arith.constant 0 : i32
    %dma_start3A_470 = tpu.memref_slice %arg12[%dma_start3A_467, %dma_start3A_468, %dma_start3A_469] : memref<3x128x128xf32, #tpu.memory_space<vmem>> -> memref<1x128x128xf32, #tpu.memory_space<vmem>>
    %dma_start3A_471 = tpu.memref_squeeze %dma_start3A_470 : memref<1x128x128xf32, #tpu.memory_space<vmem>> -> memref<128x128xf32, #tpu.memory_space<vmem>>
    %dma_start3A_472 = arith.constant 896 : i32
    %dma_start3A_473 = tpu.memref_slice %arg10[%dma_start3A_472] : memref<1024xi32, #tpu.memory_space<vmem>> -> memref<128xi32, #tpu.memory_space<vmem>>
    %dma_start3A_474 = arith.constant 0 : i32
    %dma_start3A_475 = arith.constant 0 : i32
    %dma_start3A_476 = tpu.memref_slice %arg5[%dma_start3A_474, %dma_start3A_475] : memref<1000000x128xf32, #tpu.memory_space<hbm>> -> memref<1000000x128xf32, #tpu.memory_space<hbm>>
    tpu.enqueue_indirect_dma source(%dma_start3A_476 : memref<1000000x128xf32, #tpu.memory_space<hbm>>) target(%dma_start3A_471 : memref<128x128xf32, #tpu.memory_space<vmem>>) offsets(%dma_start3A_473 : memref<128xi32, #tpu.memory_space<vmem>>) semaphore(%arg19 : memref<!tpu.dma_semaphore, #tpu.memory_space<semaphore_mem>>)
    %scan3A_477 = arith.constant 2 : i32
    %scan3A_478 = arith.constant 2 : i32
    %scan3A_479 = arith.constant 0 : i32
    %scan3A_480 = arith.constant 0 : i32
    %scan3A_481 = arith.constant 8 : i32
    %scan3A_482 = arith.addi %scan3A_480, %scan3A_481 : i32
    %scan3A_483 = arith.constant 1 : i32
    %scan3A_484 = scf.for %scan3A_564 = %scan3A_480 to %scan3A_482 step %scan3A_483 iter_args(%scan3A_565 = %scan3A_479) -> (i32)  : i32 {
      %scan3A_566 = arith.constant 0 : i32
      %scan3A_567 = arith.constant 0 : i32
      %scan3A_568 = arith.constant 16 : i32
      %scan3A_569 = arith.addi %scan3A_567, %scan3A_568 : i32
      %scan3A_570 = arith.constant 1 : i32
      %scan3A_571 = scf.for %scan3A_672 = %scan3A_567 to %scan3A_569 step %scan3A_570 iter_args(%scan3A_673 = %scan3A_566) -> (i32)  : i32 {
        %mul3A_674 = arith.constant 16 : i32
        %mul3A_675 = arith.muli %scan3A_564, %mul3A_674 : i32
        %add3A_676 = arith.addi %mul3A_675, %scan3A_672 : i32
        %broadcast_in_dim3A_677 = arith.constant 0.000000e+00 : f32
        %broadcast_in_dim3A_678 = vector.broadcast %broadcast_in_dim3A_677 : f32 to vector<16xf32>
        %broadcast_in_dim3A_679 = arith.constant 0.000000e+00 : f32
        %broadcast_in_dim3A_680 = vector.broadcast %broadcast_in_dim3A_679 : f32 to vector<16xf32>
        %broadcast_in_dim3A_681 = arith.constant 0.000000e+00 : f32
        %broadcast_in_dim3A_682 = vector.broadcast %broadcast_in_dim3A_681 : f32 to vector<16xf32>
        %broadcast_in_dim3A_683 = arith.constant 0.000000e+00 : f32
        %broadcast_in_dim3A_684 = vector.broadcast %broadcast_in_dim3A_683 : f32 to vector<16xf32>
        %get3A = arith.constant 0 : i32
        %get3A_685 = arith.constant 0 : i32
        %get3A_686 = tpu.memref_slice %arg11[%scan3A_477, %get3A, %get3A_685] : memref<3x128x128xf32, #tpu.memory_space<vmem>> -> memref<1x128x128xf32, #tpu.memory_space<vmem>>
        %get3A_687 = tpu.memref_squeeze %get3A_686 : memref<1x128x128xf32, #tpu.memory_space<vmem>> -> memref<128x128xf32, #tpu.memory_space<vmem>>
        %get3A_688 = arith.index_cast %add3A_676 : i32 to index
        %get3A_689 = arith.constant 0 : index
        %get3A_690 = tpu.vector_load %get3A_687[%get3A_688, %get3A_689] {strides = array<i32>} : memref<128x128xf32, #tpu.memory_space<vmem>>, vector<16xf32>,
        %get3A_691 = arith.constant 0 : i32
        %get3A_692 = arith.constant 0 : i32
        %get3A_693 = tpu.memref_slice %arg12[%scan3A_478, %get3A_691, %get3A_692] : memref<3x128x128xf32, #tpu.memory_space<vmem>> -> memref<1x128x128xf32, #tpu.memory_space<vmem>>
        %get3A_694 = tpu.memref_squeeze %get3A_693 : memref<1x128x128xf32, #tpu.memory_space<vmem>> -> memref<128x128xf32, #tpu.memory_space<vmem>>
        %get3A_695 = arith.index_cast %add3A_676 : i32 to index
        %get3A_696 = arith.constant 0 : index
        %get3A_697 = tpu.vector_load %get3A_694[%get3A_695, %get3A_696] {strides = array<i32>} : memref<128x128xf32, #tpu.memory_space<vmem>>, vector<16xf32>,
        %sub3A_698 = arith.subf %get3A_690, %get3A_697 : vector<16xf32>
        %mul3A_699 = arith.mulf %sub3A_698, %sub3A_698 : vector<16xf32>
        %add3A_700 = arith.addf %broadcast_in_dim3A_678, %mul3A_699 : vector<16xf32>
        %get3A_701 = arith.constant 0 : i32
        %get3A_702 = arith.constant 0 : i32
        %get3A_703 = tpu.memref_slice %arg11[%scan3A_477, %get3A_701, %get3A_702] : memref<3x128x128xf32, #tpu.memory_space<vmem>> -> memref<1x128x128xf32, #tpu.memory_space<vmem>>
        %get3A_704 = tpu.memref_squeeze %get3A_703 : memref<1x128x128xf32, #tpu.memory_space<vmem>> -> memref<128x128xf32, #tpu.memory_space<vmem>>
        %get3A_705 = arith.index_cast %add3A_676 : i32 to index
        %get3A_706 = arith.constant 16 : index
        %get3A_707 = tpu.vector_load %get3A_704[%get3A_705, %get3A_706] {strides = array<i32>} : memref<128x128xf32, #tpu.memory_space<vmem>>, vector<16xf32>,
        %get3A_708 = arith.constant 0 : i32
        %get3A_709 = arith.constant 0 : i32
        %get3A_710 = tpu.memref_slice %arg12[%scan3A_478, %get3A_708, %get3A_709] : memref<3x128x128xf32, #tpu.memory_space<vmem>> -> memref<1x128x128xf32, #tpu.memory_space<vmem>>
        %get3A_711 = tpu.memref_squeeze %get3A_710 : memref<1x128x128xf32, #tpu.memory_space<vmem>> -> memref<128x128xf32, #tpu.memory_space<vmem>>
        %get3A_712 = arith.index_cast %add3A_676 : i32 to index
        %get3A_713 = arith.constant 16 : index
        %get3A_714 = tpu.vector_load %get3A_711[%get3A_712, %get3A_713] {strides = array<i32>} : memref<128x128xf32, #tpu.memory_space<vmem>>, vector<16xf32>,
        %sub3A_715 = arith.subf %get3A_707, %get3A_714 : vector<16xf32>
        %mul3A_716 = arith.mulf %sub3A_715, %sub3A_715 : vector<16xf32>
        %add3A_717 = arith.addf %broadcast_in_dim3A_680, %mul3A_716 : vector<16xf32>
        %get3A_718 = arith.constant 0 : i32
        %get3A_719 = arith.constant 0 : i32
        %get3A_720 = tpu.memref_slice %arg11[%scan3A_477, %get3A_718, %get3A_719] : memref<3x128x128xf32, #tpu.memory_space<vmem>> -> memref<1x128x128xf32, #tpu.memory_space<vmem>>
        %get3A_721 = tpu.memref_squeeze %get3A_720 : memref<1x128x128xf32, #tpu.memory_space<vmem>> -> memref<128x128xf32, #tpu.memory_space<vmem>>
        %get3A_722 = arith.index_cast %add3A_676 : i32 to index
        %get3A_723 = arith.constant 32 : index
        %get3A_724 = tpu.vector_load %get3A_721[%get3A_722, %get3A_723] {strides = array<i32>} : memref<128x128xf32, #tpu.memory_space<vmem>>, vector<16xf32>,
        %get3A_725 = arith.constant 0 : i32
        %get3A_726 = arith.constant 0 : i32
        %get3A_727 = tpu.memref_slice %arg12[%scan3A_478, %get3A_725, %get3A_726] : memref<3x128x128xf32, #tpu.memory_space<vmem>> -> memref<1x128x128xf32, #tpu.memory_space<vmem>>
        %get3A_728 = tpu.memref_squeeze %get3A_727 : memref<1x128x128xf32, #tpu.memory_space<vmem>> -> memref<128x128xf32, #tpu.memory_space<vmem>>
        %get3A_729 = arith.index_cast %add3A_676 : i32 to index
        %get3A_730 = arith.constant 32 : index
        %get3A_731 = tpu.vector_load %get3A_728[%get3A_729, %get3A_730] {strides = array<i32>} : memref<128x128xf32, #tpu.memory_space<vmem>>, vector<16xf32>,
        %sub3A_732 = arith.subf %get3A_724, %get3A_731 : vector<16xf32>
        %mul3A_733 = arith.mulf %sub3A_732, %sub3A_732 : vector<16xf32>
        %add3A_734 = arith.addf %broadcast_in_dim3A_682, %mul3A_733 : vector<16xf32>
        %get3A_735 = arith.constant 0 : i32
        %get3A_736 = arith.constant 0 : i32
        %get3A_737 = tpu.memref_slice %arg11[%scan3A_477, %get3A_735, %get3A_736] : memref<3x128x128xf32, #tpu.memory_space<vmem>> -> memref<1x128x128xf32, #tpu.memory_space<vmem>>
        %get3A_738 = tpu.memref_squeeze %get3A_737 : memref<1x128x128xf32, #tpu.memory_space<vmem>> -> memref<128x128xf32, #tpu.memory_space<vmem>>
        %get3A_739 = arith.index_cast %add3A_676 : i32 to index
        %get3A_740 = arith.constant 48 : index
        %get3A_741 = tpu.vector_load %get3A_738[%get3A_739, %get3A_740] {strides = array<i32>} : memref<128x128xf32, #tpu.memory_space<vmem>>, vector<16xf32>,
        %get3A_742 = arith.constant 0 : i32
        %get3A_743 = arith.constant 0 : i32
        %get3A_744 = tpu.memref_slice %arg12[%scan3A_478, %get3A_742, %get3A_743] : memref<3x128x128xf32, #tpu.memory_space<vmem>> -> memref<1x128x128xf32, #tpu.memory_space<vmem>>
        %get3A_745 = tpu.memref_squeeze %get3A_744 : memref<1x128x128xf32, #tpu.memory_space<vmem>> -> memref<128x128xf32, #tpu.memory_space<vmem>>
        %get3A_746 = arith.index_cast %add3A_676 : i32 to index
        %get3A_747 = arith.constant 48 : index
        %get3A_748 = tpu.vector_load %get3A_745[%get3A_746, %get3A_747] {strides = array<i32>} : memref<128x128xf32, #tpu.memory_space<vmem>>, vector<16xf32>,
        %sub3A_749 = arith.subf %get3A_741, %get3A_748 : vector<16xf32>
        %mul3A_750 = arith.mulf %sub3A_749, %sub3A_749 : vector<16xf32>
        %add3A_751 = arith.addf %broadcast_in_dim3A_684, %mul3A_750 : vector<16xf32>
        %get3A_752 = arith.constant 0 : i32
        %get3A_753 = arith.constant 0 : i32
        %get3A_754 = tpu.memref_slice %arg11[%scan3A_477, %get3A_752, %get3A_753] : memref<3x128x128xf32, #tpu.memory_space<vmem>> -> memref<1x128x128xf32, #tpu.memory_space<vmem>>
        %get3A_755 = tpu.memref_squeeze %get3A_754 : memref<1x128x128xf32, #tpu.memory_space<vmem>> -> memref<128x128xf32, #tpu.memory_space<vmem>>
        %get3A_756 = arith.index_cast %add3A_676 : i32 to index
        %get3A_757 = arith.constant 64 : index
        %get3A_758 = tpu.vector_load %get3A_755[%get3A_756, %get3A_757] {strides = array<i32>} : memref<128x128xf32, #tpu.memory_space<vmem>>, vector<16xf32>,
        %get3A_759 = arith.constant 0 : i32
        %get3A_760 = arith.constant 0 : i32
        %get3A_761 = tpu.memref_slice %arg12[%scan3A_478, %get3A_759, %get3A_760] : memref<3x128x128xf32, #tpu.memory_space<vmem>> -> memref<1x128x128xf32, #tpu.memory_space<vmem>>
        %get3A_762 = tpu.memref_squeeze %get3A_761 : memref<1x128x128xf32, #tpu.memory_space<vmem>> -> memref<128x128xf32, #tpu.memory_space<vmem>>
        %get3A_763 = arith.index_cast %add3A_676 : i32 to index
        %get3A_764 = arith.constant 64 : index
        %get3A_765 = tpu.vector_load %get3A_762[%get3A_763, %get3A_764] {strides = array<i32>} : memref<128x128xf32, #tpu.memory_space<vmem>>, vector<16xf32>,
        %sub3A_766 = arith.subf %get3A_758, %get3A_765 : vector<16xf32>
        %mul3A_767 = arith.mulf %sub3A_766, %sub3A_766 : vector<16xf32>
        %add3A_768 = arith.addf %add3A_700, %mul3A_767 : vector<16xf32>
        %get3A_769 = arith.constant 0 : i32
        %get3A_770 = arith.constant 0 : i32
        %get3A_771 = tpu.memref_slice %arg11[%scan3A_477, %get3A_769, %get3A_770] : memref<3x128x128xf32, #tpu.memory_space<vmem>> -> memref<1x128x128xf32, #tpu.memory_space<vmem>>
        %get3A_772 = tpu.memref_squeeze %get3A_771 : memref<1x128x128xf32, #tpu.memory_space<vmem>> -> memref<128x128xf32, #tpu.memory_space<vmem>>
        %get3A_773 = arith.index_cast %add3A_676 : i32 to index
        %get3A_774 = arith.constant 80 : index
        %get3A_775 = tpu.vector_load %get3A_772[%get3A_773, %get3A_774] {strides = array<i32>} : memref<128x128xf32, #tpu.memory_space<vmem>>, vector<16xf32>,
        %get3A_776 = arith.constant 0 : i32
        %get3A_777 = arith.constant 0 : i32
        %get3A_778 = tpu.memref_slice %arg12[%scan3A_478, %get3A_776, %get3A_777] : memref<3x128x128xf32, #tpu.memory_space<vmem>> -> memref<1x128x128xf32, #tpu.memory_space<vmem>>
        %get3A_779 = tpu.memref_squeeze %get3A_778 : memref<1x128x128xf32, #tpu.memory_space<vmem>> -> memref<128x128xf32, #tpu.memory_space<vmem>>
        %get3A_780 = arith.index_cast %add3A_676 : i32 to index
        %get3A_781 = arith.constant 80 : index
        %get3A_782 = tpu.vector_load %get3A_779[%get3A_780, %get3A_781] {strides = array<i32>} : memref<128x128xf32, #tpu.memory_space<vmem>>, vector<16xf32>,
        %sub3A_783 = arith.subf %get3A_775, %get3A_782 : vector<16xf32>
        %mul3A_784 = arith.mulf %sub3A_783, %sub3A_783 : vector<16xf32>
        %add3A_785 = arith.addf %add3A_717, %mul3A_784 : vector<16xf32>
        %get3A_786 = arith.constant 0 : i32
        %get3A_787 = arith.constant 0 : i32
        %get3A_788 = tpu.memref_slice %arg11[%scan3A_477, %get3A_786, %get3A_787] : memref<3x128x128xf32, #tpu.memory_space<vmem>> -> memref<1x128x128xf32, #tpu.memory_space<vmem>>
        %get3A_789 = tpu.memref_squeeze %get3A_788 : memref<1x128x128xf32, #tpu.memory_space<vmem>> -> memref<128x128xf32, #tpu.memory_space<vmem>>
        %get3A_790 = arith.index_cast %add3A_676 : i32 to index
        %get3A_791 = arith.constant 96 : index
        %get3A_792 = tpu.vector_load %get3A_789[%get3A_790, %get3A_791] {strides = array<i32>} : memref<128x128xf32, #tpu.memory_space<vmem>>, vector<16xf32>,
        %get3A_793 = arith.constant 0 : i32
        %get3A_794 = arith.constant 0 : i32
        %get3A_795 = tpu.memref_slice %arg12[%scan3A_478, %get3A_793, %get3A_794] : memref<3x128x128xf32, #tpu.memory_space<vmem>> -> memref<1x128x128xf32, #tpu.memory_space<vmem>>
        %get3A_796 = tpu.memref_squeeze %get3A_795 : memref<1x128x128xf32, #tpu.memory_space<vmem>> -> memref<128x128xf32, #tpu.memory_space<vmem>>
        %get3A_797 = arith.index_cast %add3A_676 : i32 to index
        %get3A_798 = arith.constant 96 : index
        %get3A_799 = tpu.vector_load %get3A_796[%get3A_797, %get3A_798] {strides = array<i32>} : memref<128x128xf32, #tpu.memory_space<vmem>>, vector<16xf32>,
        %sub3A_800 = arith.subf %get3A_792, %get3A_799 : vector<16xf32>
        %mul3A_801 = arith.mulf %sub3A_800, %sub3A_800 : vector<16xf32>
        %add3A_802 = arith.addf %add3A_734, %mul3A_801 : vector<16xf32>
        %get3A_803 = arith.constant 0 : i32
        %get3A_804 = arith.constant 0 : i32
        %get3A_805 = tpu.memref_slice %arg11[%scan3A_477, %get3A_803, %get3A_804] : memref<3x128x128xf32, #tpu.memory_space<vmem>> -> memref<1x128x128xf32, #tpu.memory_space<vmem>>
        %get3A_806 = tpu.memref_squeeze %get3A_805 : memref<1x128x128xf32, #tpu.memory_space<vmem>> -> memref<128x128xf32, #tpu.memory_space<vmem>>
        %get3A_807 = arith.index_cast %add3A_676 : i32 to index
        %get3A_808 = arith.constant 112 : index
        %get3A_809 = tpu.vector_load %get3A_806[%get3A_807, %get3A_808] {strides = array<i32>} : memref<128x128xf32, #tpu.memory_space<vmem>>, vector<16xf32>,
        %get3A_810 = arith.constant 0 : i32
        %get3A_811 = arith.constant 0 : i32
        %get3A_812 = tpu.memref_slice %arg12[%scan3A_478, %get3A_810, %get3A_811] : memref<3x128x128xf32, #tpu.memory_space<vmem>> -> memref<1x128x128xf32, #tpu.memory_space<vmem>>
        %get3A_813 = tpu.memref_squeeze %get3A_812 : memref<1x128x128xf32, #tpu.memory_space<vmem>> -> memref<128x128xf32, #tpu.memory_space<vmem>>
        %get3A_814 = arith.index_cast %add3A_676 : i32 to index
        %get3A_815 = arith.constant 112 : index
        %get3A_816 = tpu.vector_load %get3A_813[%get3A_814, %get3A_815] {strides = array<i32>} : memref<128x128xf32, #tpu.memory_space<vmem>>, vector<16xf32>,
        %sub3A_817 = arith.subf %get3A_809, %get3A_816 : vector<16xf32>
        %mul3A_818 = arith.mulf %sub3A_817, %sub3A_817 : vector<16xf32>
        %add3A_819 = arith.addf %add3A_751, %mul3A_818 : vector<16xf32>
        %add3A_820 = arith.addf %add3A_768, %add3A_785 : vector<16xf32>
        %add3A_821 = arith.addf %add3A_802, %add3A_819 : vector<16xf32>
        %add3A_822 = arith.addf %add3A_820, %add3A_821 : vector<16xf32>
        %swap3A_823 = arith.index_cast %scan3A_672 : i32 to index
        %swap3A_824 = arith.constant 0 : index
        %swap3A_825 = tpu.vector_load %arg13[%swap3A_823, %swap3A_824] {strides = array<i32>} : memref<16x17xf32, #tpu.memory_space<vmem>>, vector<16xf32>,
        tpu.vector_store %arg13[%swap3A_823, %swap3A_824], %add3A_822 {strides = array<i32>} : memref<16x17xf32, #tpu.memory_space<vmem>>, vector<16xf32>,
        %scan3A_826 = arith.constant 0 : i32
        scf.yield %scan3A_826 : i32
      }
      %scan3A_572 = arith.constant 16 : i32
      %broadcast_in_dim3A = arith.constant 0.000000e+00 : f32
      %broadcast_in_dim3A_573 = vector.broadcast %broadcast_in_dim3A : f32 to vector<16xf32>
      %broadcast_in_dim3A_574 = arith.constant 0 : i32
      %broadcast_in_dim3A_575 = vector.broadcast %broadcast_in_dim3A_574 : i32 to vector<16xi32>
      %gather3A = tpu.vector_load_idx %arg13[%iota3A, %broadcast_in_dim3A_575] : memref<16x17xf32, #tpu.memory_space<vmem>>[vector<16xi32>, vector<16xi32>], vector<16xf32>,
      %add3A_576 = arith.addf %broadcast_in_dim3A_573, %gather3A : vector<16xf32>
      %broadcast_in_dim3A_577 = arith.constant 1 : i32
      %broadcast_in_dim3A_578 = vector.broadcast %broadcast_in_dim3A_577 : i32 to vector<16xi32>
      %gather3A_579 = tpu.vector_load_idx %arg13[%iota3A, %broadcast_in_dim3A_578] : memref<16x17xf32, #tpu.memory_space<vmem>>[vector<16xi32>, vector<16xi32>], vector<16xf32>,
      %add3A_580 = arith.addf %add3A_576, %gather3A_579 : vector<16xf32>
      %broadcast_in_dim3A_581 = arith.constant 2 : i32
      %broadcast_in_dim3A_582 = vector.broadcast %broadcast_in_dim3A_581 : i32 to vector<16xi32>
      %gather3A_583 = tpu.vector_load_idx %arg13[%iota3A, %broadcast_in_dim3A_582] : memref<16x17xf32, #tpu.memory_space<vmem>>[vector<16xi32>, vector<16xi32>], vector<16xf32>,
      %add3A_584 = arith.addf %add3A_580, %gather3A_583 : vector<16xf32>
      %broadcast_in_dim3A_585 = arith.constant 3 : i32
      %broadcast_in_dim3A_586 = vector.broadcast %broadcast_in_dim3A_585 : i32 to vector<16xi32>
      %gather3A_587 = tpu.vector_load_idx %arg13[%iota3A, %broadcast_in_dim3A_586] : memref<16x17xf32, #tpu.memory_space<vmem>>[vector<16xi32>, vector<16xi32>], vector<16xf32>,
      %add3A_588 = arith.addf %add3A_584, %gather3A_587 : vector<16xf32>
      %broadcast_in_dim3A_589 = arith.constant 4 : i32
      %broadcast_in_dim3A_590 = vector.broadcast %broadcast_in_dim3A_589 : i32 to vector<16xi32>
      %gather3A_591 = tpu.vector_load_idx %arg13[%iota3A, %broadcast_in_dim3A_590] : memref<16x17xf32, #tpu.memory_space<vmem>>[vector<16xi32>, vector<16xi32>], vector<16xf32>,
      %add3A_592 = arith.addf %add3A_588, %gather3A_591 : vector<16xf32>
      %broadcast_in_dim3A_593 = arith.constant 5 : i32
      %broadcast_in_dim3A_594 = vector.broadcast %broadcast_in_dim3A_593 : i32 to vector<16xi32>
      %gather3A_595 = tpu.vector_load_idx %arg13[%iota3A, %broadcast_in_dim3A_594] : memref<16x17xf32, #tpu.memory_space<vmem>>[vector<16xi32>, vector<16xi32>], vector<16xf32>,
      %add3A_596 = arith.addf %add3A_592, %gather3A_595 : vector<16xf32>
      %broadcast_in_dim3A_597 = arith.constant 6 : i32
      %broadcast_in_dim3A_598 = vector.broadcast %broadcast_in_dim3A_597 : i32 to vector<16xi32>
      %gather3A_599 = tpu.vector_load_idx %arg13[%iota3A, %broadcast_in_dim3A_598] : memref<16x17xf32, #tpu.memory_space<vmem>>[vector<16xi32>, vector<16xi32>], vector<16xf32>,
      %add3A_600 = arith.addf %add3A_596, %gather3A_599 : vector<16xf32>
      %broadcast_in_dim3A_601 = arith.constant 7 : i32
      %broadcast_in_dim3A_602 = vector.broadcast %broadcast_in_dim3A_601 : i32 to vector<16xi32>
      %gather3A_603 = tpu.vector_load_idx %arg13[%iota3A, %broadcast_in_dim3A_602] : memref<16x17xf32, #tpu.memory_space<vmem>>[vector<16xi32>, vector<16xi32>], vector<16xf32>,
      %add3A_604 = arith.addf %add3A_600, %gather3A_603 : vector<16xf32>
      %broadcast_in_dim3A_605 = arith.constant 8 : i32
      %broadcast_in_dim3A_606 = vector.broadcast %broadcast_in_dim3A_605 : i32 to vector<16xi32>
      %gather3A_607 = tpu.vector_load_idx %arg13[%iota3A, %broadcast_in_dim3A_606] : memref<16x17xf32, #tpu.memory_space<vmem>>[vector<16xi32>, vector<16xi32>], vector<16xf32>,
      %add3A_608 = arith.addf %add3A_604, %gather3A_607 : vector<16xf32>
      %broadcast_in_dim3A_609 = arith.constant 9 : i32
      %broadcast_in_dim3A_610 = vector.broadcast %broadcast_in_dim3A_609 : i32 to vector<16xi32>
      %gather3A_611 = tpu.vector_load_idx %arg13[%iota3A, %broadcast_in_dim3A_610] : memref<16x17xf32, #tpu.memory_space<vmem>>[vector<16xi32>, vector<16xi32>], vector<16xf32>,
      %add3A_612 = arith.addf %add3A_608, %gather3A_611 : vector<16xf32>
      %broadcast_in_dim3A_613 = arith.constant 10 : i32
      %broadcast_in_dim3A_614 = vector.broadcast %broadcast_in_dim3A_613 : i32 to vector<16xi32>
      %gather3A_615 = tpu.vector_load_idx %arg13[%iota3A, %broadcast_in_dim3A_614] : memref<16x17xf32, #tpu.memory_space<vmem>>[vector<16xi32>, vector<16xi32>], vector<16xf32>,
      %add3A_616 = arith.addf %add3A_612, %gather3A_615 : vector<16xf32>
      %broadcast_in_dim3A_617 = arith.constant 11 : i32
      %broadcast_in_dim3A_618 = vector.broadcast %broadcast_in_dim3A_617 : i32 to vector<16xi32>
      %gather3A_619 = tpu.vector_load_idx %arg13[%iota3A, %broadcast_in_dim3A_618] : memref<16x17xf32, #tpu.memory_space<vmem>>[vector<16xi32>, vector<16xi32>], vector<16xf32>,
      %add3A_620 = arith.addf %add3A_616, %gather3A_619 : vector<16xf32>
      %broadcast_in_dim3A_621 = arith.constant 12 : i32
      %broadcast_in_dim3A_622 = vector.broadcast %broadcast_in_dim3A_621 : i32 to vector<16xi32>
      %gather3A_623 = tpu.vector_load_idx %arg13[%iota3A, %broadcast_in_dim3A_622] : memref<16x17xf32, #tpu.memory_space<vmem>>[vector<16xi32>, vector<16xi32>], vector<16xf32>,
      %add3A_624 = arith.addf %add3A_620, %gather3A_623 : vector<16xf32>
      %broadcast_in_dim3A_625 = arith.constant 13 : i32
      %broadcast_in_dim3A_626 = vector.broadcast %broadcast_in_dim3A_625 : i32 to vector<16xi32>
      %gather3A_627 = tpu.vector_load_idx %arg13[%iota3A, %broadcast_in_dim3A_626] : memref<16x17xf32, #tpu.memory_space<vmem>>[vector<16xi32>, vector<16xi32>], vector<16xf32>,
      %add3A_628 = arith.addf %add3A_624, %gather3A_627 : vector<16xf32>
      %broadcast_in_dim3A_629 = arith.constant 14 : i32
      %broadcast_in_dim3A_630 = vector.broadcast %broadcast_in_dim3A_629 : i32 to vector<16xi32>
      %gather3A_631 = tpu.vector_load_idx %arg13[%iota3A, %broadcast_in_dim3A_630] : memref<16x17xf32, #tpu.memory_space<vmem>>[vector<16xi32>, vector<16xi32>], vector<16xf32>,
      %add3A_632 = arith.addf %add3A_628, %gather3A_631 : vector<16xf32>
      %broadcast_in_dim3A_633 = arith.constant 15 : i32
      %broadcast_in_dim3A_634 = vector.broadcast %broadcast_in_dim3A_633 : i32 to vector<16xi32>
      %gather3A_635 = tpu.vector_load_idx %arg13[%iota3A, %broadcast_in_dim3A_634] : memref<16x17xf32, #tpu.memory_space<vmem>>[vector<16xi32>, vector<16xi32>], vector<16xf32>,
      %add3A_636 = arith.addf %add3A_632, %gather3A_635 : vector<16xf32>
      %max3A = arith.constant 1.000000e-30 : f32
      %max3A_637 = vector.broadcast %max3A : f32 to vector<16xf32>
      %max3A_638 = arith.maximumf %add3A_636, %max3A_637 : vector<16xf32>
      %bitcast3A = vector.bitcast %max3A_638 : vector<16xf32> to vector<16xi32>
      %shift_right_arithmetic3A = arith.constant 1 : i32
      %shift_right_arithmetic3A_639 = vector.broadcast %shift_right_arithmetic3A : i32 to vector<16xi32>
      %shift_right_arithmetic3A_640 = arith.shrsi %bitcast3A, %shift_right_arithmetic3A_639 : vector<16xi32>
      %sub3A = arith.constant 1597463007 : i32
      %sub3A_641 = vector.broadcast %sub3A : i32 to vector<16xi32>
      %sub3A_642 = arith.subi %sub3A_641, %shift_right_arithmetic3A_640 : vector<16xi32>
      %bitcast3A_643 = vector.bitcast %sub3A_642 : vector<16xi32> to vector<16xf32>
      %mul3A_644 = arith.constant 5.000000e-01 : f32
      %mul3A_645 = vector.broadcast %mul3A_644 : f32 to vector<16xf32>
      %mul3A_646 = arith.mulf %mul3A_645, %max3A_638 : vector<16xf32>
      %mul3A_647 = arith.mulf %mul3A_646, %bitcast3A_643 : vector<16xf32>
      %mul3A_648 = arith.mulf %mul3A_647, %bitcast3A_643 : vector<16xf32>
      %sub3A_649 = arith.constant 1.500000e+00 : f32
      %sub3A_650 = vector.broadcast %sub3A_649 : f32 to vector<16xf32>
      %sub3A_651 = arith.subf %sub3A_650, %mul3A_648 : vector<16xf32>
      %mul3A_652 = arith.mulf %bitcast3A_643, %sub3A_651 : vector<16xf32>
      %mul3A_653 = arith.mulf %mul3A_646, %mul3A_652 : vector<16xf32>
      %mul3A_654 = arith.mulf %mul3A_653, %mul3A_652 : vector<16xf32>
      %sub3A_655 = arith.constant 1.500000e+00 : f32
      %sub3A_656 = vector.broadcast %sub3A_655 : f32 to vector<16xf32>
      %sub3A_657 = arith.subf %sub3A_656, %mul3A_654 : vector<16xf32>
      %mul3A_658 = arith.mulf %mul3A_652, %sub3A_657 : vector<16xf32>
      %mul3A_659 = arith.mulf %mul3A_646, %mul3A_658 : vector<16xf32>
      %mul3A_660 = arith.mulf %mul3A_659, %mul3A_658 : vector<16xf32>
      %sub3A_661 = arith.constant 1.500000e+00 : f32
      %sub3A_662 = vector.broadcast %sub3A_661 : f32 to vector<16xf32>
      %sub3A_663 = arith.subf %sub3A_662, %mul3A_660 : vector<16xf32>
      %mul3A_664 = arith.mulf %mul3A_658, %sub3A_663 : vector<16xf32>
      %mul3A_665 = arith.mulf %max3A_638, %mul3A_664 : vector<16xf32>
      %mul3A_666 = arith.constant 16 : i32
      %mul3A_667 = arith.muli %scan3A_564, %mul3A_666 : i32
      %add3A_668 = arith.constant 640 : i32
      %add3A_669 = arith.addi %add3A_668, %mul3A_667 : i32
      %swap3A = arith.index_cast %add3A_669 : i32 to index
      %swap3A_670 = tpu.vector_load %arg14[%swap3A] {strides = array<i32>} : memref<1024xf32, #tpu.memory_space<vmem>>, vector<16xf32>,
      tpu.vector_store %arg14[%swap3A], %mul3A_665 {strides = array<i32>} : memref<1024xf32, #tpu.memory_space<vmem>>, vector<16xf32>,
      %scan3A_671 = arith.constant 0 : i32
      scf.yield %scan3A_671 : i32
    }
    %scan3A_485 = arith.constant 8 : i32
    %dma_wait3A_486 = arith.constant 1 : i32
    %dma_wait3A_487 = arith.constant 0 : i32
    %dma_wait3A_488 = arith.constant 0 : i32
    %dma_wait3A_489 = tpu.memref_slice %arg11[%dma_wait3A_486, %dma_wait3A_487, %dma_wait3A_488] : memref<3x128x128xf32, #tpu.memory_space<vmem>> -> memref<1x128x128xf32, #tpu.memory_space<vmem>>
    %dma_wait3A_490 = tpu.memref_squeeze %dma_wait3A_489 : memref<1x128x128xf32, #tpu.memory_space<vmem>> -> memref<128x128xf32, #tpu.memory_space<vmem>>
    %dma_wait3A_491 = arith.constant 896 : i32
    %dma_wait3A_492 = tpu.memref_slice %arg8[%dma_wait3A_491] : memref<1024xi32, #tpu.memory_space<vmem>> -> memref<128xi32, #tpu.memory_space<vmem>>
    %dma_wait3A_493 = arith.constant 0 : i32
    %dma_wait3A_494 = arith.constant 0 : i32
    %dma_wait3A_495 = tpu.memref_slice %arg5[%dma_wait3A_493, %dma_wait3A_494] : memref<1000000x128xf32, #tpu.memory_space<hbm>> -> memref<1000000x128xf32, #tpu.memory_space<hbm>>
    tpu.wait_indirect_dma semaphore(%arg16 : memref<!tpu.dma_semaphore, #tpu.memory_space<semaphore_mem>>) src(%dma_wait3A_495 : memref<1000000x128xf32, #tpu.memory_space<hbm>>) dst(%dma_wait3A_490 : memref<128x128xf32, #tpu.memory_space<vmem>>)
    %dma_start3A_496 = arith.constant 1 : i32
    %dma_start3A_497 = arith.constant 0 : i32
    %dma_start3A_498 = arith.constant 0 : i32
    %dma_start3A_499 = tpu.memref_slice %arg11[%dma_start3A_496, %dma_start3A_497, %dma_start3A_498] : memref<3x128x128xf32, #tpu.memory_space<vmem>> -> memref<1x128x128xf32, #tpu.memory_space<vmem>>
    %dma_start3A_500 = tpu.memref_squeeze %dma_start3A_499 : memref<1x128x128xf32, #tpu.memory_space<vmem>> -> memref<128x128xf32, #tpu.memory_space<vmem>>
    %dma_start3A_501 = arith.constant 896 : i32
    %dma_start3A_502 = tpu.memref_slice %arg9[%dma_start3A_501] : memref<1024xi32, #tpu.memory_space<vmem>> -> memref<128xi32, #tpu.memory_space<vmem>>
    %dma_start3A_503 = arith.constant 0 : i32
    %dma_start3A_504 = arith.constant 0 : i32
    %dma_start3A_505 = tpu.memref_slice %arg6[%dma_start3A_503, %dma_start3A_504] : memref<100000x128xf32, #tpu.memory_space<hbm>> -> memref<100000x128xf32, #tpu.memory_space<hbm>>
    tpu.enqueue_indirect_dma source(%dma_start3A_505 : memref<100000x128xf32, #tpu.memory_space<hbm>>) target(%dma_start3A_500 : memref<128x128xf32, #tpu.memory_space<vmem>>) offsets(%dma_start3A_502 : memref<128xi32, #tpu.memory_space<vmem>>) semaphore(%arg16 : memref<!tpu.dma_semaphore, #tpu.memory_space<semaphore_mem>>) {add = true}
    %dma_wait3A_506 = arith.constant 0 : i32
    %dma_wait3A_507 = arith.constant 0 : i32
    %dma_wait3A_508 = arith.constant 0 : i32
    %dma_wait3A_509 = tpu.memref_slice %arg11[%dma_wait3A_506, %dma_wait3A_507, %dma_wait3A_508] : memref<3x128x128xf32, #tpu.memory_space<vmem>> -> memref<1x128x128xf32, #tpu.memory_space<vmem>>
    %dma_wait3A_510 = tpu.memref_squeeze %dma_wait3A_509 : memref<1x128x128xf32, #tpu.memory_space<vmem>> -> memref<128x128xf32, #tpu.memory_space<vmem>>
    %dma_wait3A_511 = arith.constant 768 : i32
    %dma_wait3A_512 = tpu.memref_slice %arg9[%dma_wait3A_511] : memref<1024xi32, #tpu.memory_space<vmem>> -> memref<128xi32, #tpu.memory_space<vmem>>
    %dma_wait3A_513 = arith.constant 0 : i32
    %dma_wait3A_514 = arith.constant 0 : i32
    %dma_wait3A_515 = tpu.memref_slice %arg6[%dma_wait3A_513, %dma_wait3A_514] : memref<100000x128xf32, #tpu.memory_space<hbm>> -> memref<100000x128xf32, #tpu.memory_space<hbm>>
    tpu.wait_indirect_dma semaphore(%arg15 : memref<!tpu.dma_semaphore, #tpu.memory_space<semaphore_mem>>) src(%dma_wait3A_515 : memref<100000x128xf32, #tpu.memory_space<hbm>>) dst(%dma_wait3A_510 : memref<128x128xf32, #tpu.memory_space<vmem>>)
    %dma_wait3A_516 = arith.constant 0 : i32
    %dma_wait3A_517 = arith.constant 0 : i32
    %dma_wait3A_518 = arith.constant 0 : i32
    %dma_wait3A_519 = tpu.memref_slice %arg12[%dma_wait3A_516, %dma_wait3A_517, %dma_wait3A_518] : memref<3x128x128xf32, #tpu.memory_space<vmem>> -> memref<1x128x128xf32, #tpu.memory_space<vmem>>
    %dma_wait3A_520 = tpu.memref_squeeze %dma_wait3A_519 : memref<1x128x128xf32, #tpu.memory_space<vmem>> -> memref<128x128xf32, #tpu.memory_space<vmem>>
    %dma_wait3A_521 = arith.constant 768 : i32
    %dma_wait3A_522 = tpu.memref_slice %arg10[%dma_wait3A_521] : memref<1024xi32, #tpu.memory_space<vmem>> -> memref<128xi32, #tpu.memory_space<vmem>>
    %dma_wait3A_523 = arith.constant 0 : i32
    %dma_wait3A_524 = arith.constant 0 : i32
    %dma_wait3A_525 = tpu.memref_slice %arg5[%dma_wait3A_523, %dma_wait3A_524] : memref<1000000x128xf32, #tpu.memory_space<hbm>> -> memref<1000000x128xf32, #tpu.memory_space<hbm>>
    tpu.wait_indirect_dma semaphore(%arg18 : memref<!tpu.dma_semaphore, #tpu.memory_space<semaphore_mem>>) src(%dma_wait3A_525 : memref<1000000x128xf32, #tpu.memory_space<hbm>>) dst(%dma_wait3A_520 : memref<128x128xf32, #tpu.memory_space<vmem>>)
    %scan3A_526 = arith.constant 0 : i32
    %scan3A_527 = arith.constant 0 : i32
    %scan3A_528 = arith.constant 0 : i32
    %scan3A_529 = arith.constant 0 : i32
    %scan3A_530 = arith.constant 8 : i32
    %scan3A_531 = arith.addi %scan3A_529, %scan3A_530 : i32
    %scan3A_532 = arith.constant 1 : i32
    %scan3A_533 = scf.for %scan3A_564 = %scan3A_529 to %scan3A_531 step %scan3A_532 iter_args(%scan3A_565 = %scan3A_528) -> (i32)  : i32 {
      %scan3A_566 = arith.constant 0 : i32
      %scan3A_567 = arith.constant 0 : i32
      %scan3A_568 = arith.constant 16 : i32
      %scan3A_569 = arith.addi %scan3A_567, %scan3A_568 : i32
      %scan3A_570 = arith.constant 1 : i32
      %scan3A_571 = scf.for %scan3A_672 = %scan3A_567 to %scan3A_569 step %scan3A_570 iter_args(%scan3A_673 = %scan3A_566) -> (i32)  : i32 {
        %mul3A_674 = arith.constant 16 : i32
        %mul3A_675 = arith.muli %scan3A_564, %mul3A_674 : i32
        %add3A_676 = arith.addi %mul3A_675, %scan3A_672 : i32
        %broadcast_in_dim3A_677 = arith.constant 0.000000e+00 : f32
        %broadcast_in_dim3A_678 = vector.broadcast %broadcast_in_dim3A_677 : f32 to vector<16xf32>
        %broadcast_in_dim3A_679 = arith.constant 0.000000e+00 : f32
        %broadcast_in_dim3A_680 = vector.broadcast %broadcast_in_dim3A_679 : f32 to vector<16xf32>
        %broadcast_in_dim3A_681 = arith.constant 0.000000e+00 : f32
        %broadcast_in_dim3A_682 = vector.broadcast %broadcast_in_dim3A_681 : f32 to vector<16xf32>
        %broadcast_in_dim3A_683 = arith.constant 0.000000e+00 : f32
        %broadcast_in_dim3A_684 = vector.broadcast %broadcast_in_dim3A_683 : f32 to vector<16xf32>
        %get3A = arith.constant 0 : i32
        %get3A_685 = arith.constant 0 : i32
        %get3A_686 = tpu.memref_slice %arg11[%scan3A_526, %get3A, %get3A_685] : memref<3x128x128xf32, #tpu.memory_space<vmem>> -> memref<1x128x128xf32, #tpu.memory_space<vmem>>
        %get3A_687 = tpu.memref_squeeze %get3A_686 : memref<1x128x128xf32, #tpu.memory_space<vmem>> -> memref<128x128xf32, #tpu.memory_space<vmem>>
        %get3A_688 = arith.index_cast %add3A_676 : i32 to index
        %get3A_689 = arith.constant 0 : index
        %get3A_690 = tpu.vector_load %get3A_687[%get3A_688, %get3A_689] {strides = array<i32>} : memref<128x128xf32, #tpu.memory_space<vmem>>, vector<16xf32>,
        %get3A_691 = arith.constant 0 : i32
        %get3A_692 = arith.constant 0 : i32
        %get3A_693 = tpu.memref_slice %arg12[%scan3A_527, %get3A_691, %get3A_692] : memref<3x128x128xf32, #tpu.memory_space<vmem>> -> memref<1x128x128xf32, #tpu.memory_space<vmem>>
        %get3A_694 = tpu.memref_squeeze %get3A_693 : memref<1x128x128xf32, #tpu.memory_space<vmem>> -> memref<128x128xf32, #tpu.memory_space<vmem>>
        %get3A_695 = arith.index_cast %add3A_676 : i32 to index
        %get3A_696 = arith.constant 0 : index
        %get3A_697 = tpu.vector_load %get3A_694[%get3A_695, %get3A_696] {strides = array<i32>} : memref<128x128xf32, #tpu.memory_space<vmem>>, vector<16xf32>,
        %sub3A_698 = arith.subf %get3A_690, %get3A_697 : vector<16xf32>
        %mul3A_699 = arith.mulf %sub3A_698, %sub3A_698 : vector<16xf32>
        %add3A_700 = arith.addf %broadcast_in_dim3A_678, %mul3A_699 : vector<16xf32>
        %get3A_701 = arith.constant 0 : i32
        %get3A_702 = arith.constant 0 : i32
        %get3A_703 = tpu.memref_slice %arg11[%scan3A_526, %get3A_701, %get3A_702] : memref<3x128x128xf32, #tpu.memory_space<vmem>> -> memref<1x128x128xf32, #tpu.memory_space<vmem>>
        %get3A_704 = tpu.memref_squeeze %get3A_703 : memref<1x128x128xf32, #tpu.memory_space<vmem>> -> memref<128x128xf32, #tpu.memory_space<vmem>>
        %get3A_705 = arith.index_cast %add3A_676 : i32 to index
        %get3A_706 = arith.constant 16 : index
        %get3A_707 = tpu.vector_load %get3A_704[%get3A_705, %get3A_706] {strides = array<i32>} : memref<128x128xf32, #tpu.memory_space<vmem>>, vector<16xf32>,
        %get3A_708 = arith.constant 0 : i32
        %get3A_709 = arith.constant 0 : i32
        %get3A_710 = tpu.memref_slice %arg12[%scan3A_527, %get3A_708, %get3A_709] : memref<3x128x128xf32, #tpu.memory_space<vmem>> -> memref<1x128x128xf32, #tpu.memory_space<vmem>>
        %get3A_711 = tpu.memref_squeeze %get3A_710 : memref<1x128x128xf32, #tpu.memory_space<vmem>> -> memref<128x128xf32, #tpu.memory_space<vmem>>
        %get3A_712 = arith.index_cast %add3A_676 : i32 to index
        %get3A_713 = arith.constant 16 : index
        %get3A_714 = tpu.vector_load %get3A_711[%get3A_712, %get3A_713] {strides = array<i32>} : memref<128x128xf32, #tpu.memory_space<vmem>>, vector<16xf32>,
        %sub3A_715 = arith.subf %get3A_707, %get3A_714 : vector<16xf32>
        %mul3A_716 = arith.mulf %sub3A_715, %sub3A_715 : vector<16xf32>
        %add3A_717 = arith.addf %broadcast_in_dim3A_680, %mul3A_716 : vector<16xf32>
        %get3A_718 = arith.constant 0 : i32
        %get3A_719 = arith.constant 0 : i32
        %get3A_720 = tpu.memref_slice %arg11[%scan3A_526, %get3A_718, %get3A_719] : memref<3x128x128xf32, #tpu.memory_space<vmem>> -> memref<1x128x128xf32, #tpu.memory_space<vmem>>
        %get3A_721 = tpu.memref_squeeze %get3A_720 : memref<1x128x128xf32, #tpu.memory_space<vmem>> -> memref<128x128xf32, #tpu.memory_space<vmem>>
        %get3A_722 = arith.index_cast %add3A_676 : i32 to index
        %get3A_723 = arith.constant 32 : index
        %get3A_724 = tpu.vector_load %get3A_721[%get3A_722, %get3A_723] {strides = array<i32>} : memref<128x128xf32, #tpu.memory_space<vmem>>, vector<16xf32>,
        %get3A_725 = arith.constant 0 : i32
        %get3A_726 = arith.constant 0 : i32
        %get3A_727 = tpu.memref_slice %arg12[%scan3A_527, %get3A_725, %get3A_726] : memref<3x128x128xf32, #tpu.memory_space<vmem>> -> memref<1x128x128xf32, #tpu.memory_space<vmem>>
        %get3A_728 = tpu.memref_squeeze %get3A_727 : memref<1x128x128xf32, #tpu.memory_space<vmem>> -> memref<128x128xf32, #tpu.memory_space<vmem>>
        %get3A_729 = arith.index_cast %add3A_676 : i32 to index
        %get3A_730 = arith.constant 32 : index
        %get3A_731 = tpu.vector_load %get3A_728[%get3A_729, %get3A_730] {strides = array<i32>} : memref<128x128xf32, #tpu.memory_space<vmem>>, vector<16xf32>,
        %sub3A_732 = arith.subf %get3A_724, %get3A_731 : vector<16xf32>
        %mul3A_733 = arith.mulf %sub3A_732, %sub3A_732 : vector<16xf32>
        %add3A_734 = arith.addf %broadcast_in_dim3A_682, %mul3A_733 : vector<16xf32>
        %get3A_735 = arith.constant 0 : i32
        %get3A_736 = arith.constant 0 : i32
        %get3A_737 = tpu.memref_slice %arg11[%scan3A_526, %get3A_735, %get3A_736] : memref<3x128x128xf32, #tpu.memory_space<vmem>> -> memref<1x128x128xf32, #tpu.memory_space<vmem>>
        %get3A_738 = tpu.memref_squeeze %get3A_737 : memref<1x128x128xf32, #tpu.memory_space<vmem>> -> memref<128x128xf32, #tpu.memory_space<vmem>>
        %get3A_739 = arith.index_cast %add3A_676 : i32 to index
        %get3A_740 = arith.constant 48 : index
        %get3A_741 = tpu.vector_load %get3A_738[%get3A_739, %get3A_740] {strides = array<i32>} : memref<128x128xf32, #tpu.memory_space<vmem>>, vector<16xf32>,
        %get3A_742 = arith.constant 0 : i32
        %get3A_743 = arith.constant 0 : i32
        %get3A_744 = tpu.memref_slice %arg12[%scan3A_527, %get3A_742, %get3A_743] : memref<3x128x128xf32, #tpu.memory_space<vmem>> -> memref<1x128x128xf32, #tpu.memory_space<vmem>>
        %get3A_745 = tpu.memref_squeeze %get3A_744 : memref<1x128x128xf32, #tpu.memory_space<vmem>> -> memref<128x128xf32, #tpu.memory_space<vmem>>
        %get3A_746 = arith.index_cast %add3A_676 : i32 to index
        %get3A_747 = arith.constant 48 : index
        %get3A_748 = tpu.vector_load %get3A_745[%get3A_746, %get3A_747] {strides = array<i32>} : memref<128x128xf32, #tpu.memory_space<vmem>>, vector<16xf32>,
        %sub3A_749 = arith.subf %get3A_741, %get3A_748 : vector<16xf32>
        %mul3A_750 = arith.mulf %sub3A_749, %sub3A_749 : vector<16xf32>
        %add3A_751 = arith.addf %broadcast_in_dim3A_684, %mul3A_750 : vector<16xf32>
        %get3A_752 = arith.constant 0 : i32
        %get3A_753 = arith.constant 0 : i32
        %get3A_754 = tpu.memref_slice %arg11[%scan3A_526, %get3A_752, %get3A_753] : memref<3x128x128xf32, #tpu.memory_space<vmem>> -> memref<1x128x128xf32, #tpu.memory_space<vmem>>
        %get3A_755 = tpu.memref_squeeze %get3A_754 : memref<1x128x128xf32, #tpu.memory_space<vmem>> -> memref<128x128xf32, #tpu.memory_space<vmem>>
        %get3A_756 = arith.index_cast %add3A_676 : i32 to index
        %get3A_757 = arith.constant 64 : index
        %get3A_758 = tpu.vector_load %get3A_755[%get3A_756, %get3A_757] {strides = array<i32>} : memref<128x128xf32, #tpu.memory_space<vmem>>, vector<16xf32>,
        %get3A_759 = arith.constant 0 : i32
        %get3A_760 = arith.constant 0 : i32
        %get3A_761 = tpu.memref_slice %arg12[%scan3A_527, %get3A_759, %get3A_760] : memref<3x128x128xf32, #tpu.memory_space<vmem>> -> memref<1x128x128xf32, #tpu.memory_space<vmem>>
        %get3A_762 = tpu.memref_squeeze %get3A_761 : memref<1x128x128xf32, #tpu.memory_space<vmem>> -> memref<128x128xf32, #tpu.memory_space<vmem>>
        %get3A_763 = arith.index_cast %add3A_676 : i32 to index
        %get3A_764 = arith.constant 64 : index
        %get3A_765 = tpu.vector_load %get3A_762[%get3A_763, %get3A_764] {strides = array<i32>} : memref<128x128xf32, #tpu.memory_space<vmem>>, vector<16xf32>,
        %sub3A_766 = arith.subf %get3A_758, %get3A_765 : vector<16xf32>
        %mul3A_767 = arith.mulf %sub3A_766, %sub3A_766 : vector<16xf32>
        %add3A_768 = arith.addf %add3A_700, %mul3A_767 : vector<16xf32>
        %get3A_769 = arith.constant 0 : i32
        %get3A_770 = arith.constant 0 : i32
        %get3A_771 = tpu.memref_slice %arg11[%scan3A_526, %get3A_769, %get3A_770] : memref<3x128x128xf32, #tpu.memory_space<vmem>> -> memref<1x128x128xf32, #tpu.memory_space<vmem>>
        %get3A_772 = tpu.memref_squeeze %get3A_771 : memref<1x128x128xf32, #tpu.memory_space<vmem>> -> memref<128x128xf32, #tpu.memory_space<vmem>>
        %get3A_773 = arith.index_cast %add3A_676 : i32 to index
        %get3A_774 = arith.constant 80 : index
        %get3A_775 = tpu.vector_load %get3A_772[%get3A_773, %get3A_774] {strides = array<i32>} : memref<128x128xf32, #tpu.memory_space<vmem>>, vector<16xf32>,
        %get3A_776 = arith.constant 0 : i32
        %get3A_777 = arith.constant 0 : i32
        %get3A_778 = tpu.memref_slice %arg12[%scan3A_527, %get3A_776, %get3A_777] : memref<3x128x128xf32, #tpu.memory_space<vmem>> -> memref<1x128x128xf32, #tpu.memory_space<vmem>>
        %get3A_779 = tpu.memref_squeeze %get3A_778 : memref<1x128x128xf32, #tpu.memory_space<vmem>> -> memref<128x128xf32, #tpu.memory_space<vmem>>
        %get3A_780 = arith.index_cast %add3A_676 : i32 to index
        %get3A_781 = arith.constant 80 : index
        %get3A_782 = tpu.vector_load %get3A_779[%get3A_780, %get3A_781] {strides = array<i32>} : memref<128x128xf32, #tpu.memory_space<vmem>>, vector<16xf32>,
        %sub3A_783 = arith.subf %get3A_775, %get3A_782 : vector<16xf32>
        %mul3A_784 = arith.mulf %sub3A_783, %sub3A_783 : vector<16xf32>
        %add3A_785 = arith.addf %add3A_717, %mul3A_784 : vector<16xf32>
        %get3A_786 = arith.constant 0 : i32
        %get3A_787 = arith.constant 0 : i32
        %get3A_788 = tpu.memref_slice %arg11[%scan3A_526, %get3A_786, %get3A_787] : memref<3x128x128xf32, #tpu.memory_space<vmem>> -> memref<1x128x128xf32, #tpu.memory_space<vmem>>
        %get3A_789 = tpu.memref_squeeze %get3A_788 : memref<1x128x128xf32, #tpu.memory_space<vmem>> -> memref<128x128xf32, #tpu.memory_space<vmem>>
        %get3A_790 = arith.index_cast %add3A_676 : i32 to index
        %get3A_791 = arith.constant 96 : index
        %get3A_792 = tpu.vector_load %get3A_789[%get3A_790, %get3A_791] {strides = array<i32>} : memref<128x128xf32, #tpu.memory_space<vmem>>, vector<16xf32>,
        %get3A_793 = arith.constant 0 : i32
        %get3A_794 = arith.constant 0 : i32
        %get3A_795 = tpu.memref_slice %arg12[%scan3A_527, %get3A_793, %get3A_794] : memref<3x128x128xf32, #tpu.memory_space<vmem>> -> memref<1x128x128xf32, #tpu.memory_space<vmem>>
        %get3A_796 = tpu.memref_squeeze %get3A_795 : memref<1x128x128xf32, #tpu.memory_space<vmem>> -> memref<128x128xf32, #tpu.memory_space<vmem>>
        %get3A_797 = arith.index_cast %add3A_676 : i32 to index
        %get3A_798 = arith.constant 96 : index
        %get3A_799 = tpu.vector_load %get3A_796[%get3A_797, %get3A_798] {strides = array<i32>} : memref<128x128xf32, #tpu.memory_space<vmem>>, vector<16xf32>,
        %sub3A_800 = arith.subf %get3A_792, %get3A_799 : vector<16xf32>
        %mul3A_801 = arith.mulf %sub3A_800, %sub3A_800 : vector<16xf32>
        %add3A_802 = arith.addf %add3A_734, %mul3A_801 : vector<16xf32>
        %get3A_803 = arith.constant 0 : i32
        %get3A_804 = arith.constant 0 : i32
        %get3A_805 = tpu.memref_slice %arg11[%scan3A_526, %get3A_803, %get3A_804] : memref<3x128x128xf32, #tpu.memory_space<vmem>> -> memref<1x128x128xf32, #tpu.memory_space<vmem>>
        %get3A_806 = tpu.memref_squeeze %get3A_805 : memref<1x128x128xf32, #tpu.memory_space<vmem>> -> memref<128x128xf32, #tpu.memory_space<vmem>>
        %get3A_807 = arith.index_cast %add3A_676 : i32 to index
        %get3A_808 = arith.constant 112 : index
        %get3A_809 = tpu.vector_load %get3A_806[%get3A_807, %get3A_808] {strides = array<i32>} : memref<128x128xf32, #tpu.memory_space<vmem>>, vector<16xf32>,
        %get3A_810 = arith.constant 0 : i32
        %get3A_811 = arith.constant 0 : i32
        %get3A_812 = tpu.memref_slice %arg12[%scan3A_527, %get3A_810, %get3A_811] : memref<3x128x128xf32, #tpu.memory_space<vmem>> -> memref<1x128x128xf32, #tpu.memory_space<vmem>>
        %get3A_813 = tpu.memref_squeeze %get3A_812 : memref<1x128x128xf32, #tpu.memory_space<vmem>> -> memref<128x128xf32, #tpu.memory_space<vmem>>
        %get3A_814 = arith.index_cast %add3A_676 : i32 to index
        %get3A_815 = arith.constant 112 : index
        %get3A_816 = tpu.vector_load %get3A_813[%get3A_814, %get3A_815] {strides = array<i32>} : memref<128x128xf32, #tpu.memory_space<vmem>>, vector<16xf32>,
        %sub3A_817 = arith.subf %get3A_809, %get3A_816 : vector<16xf32>
        %mul3A_818 = arith.mulf %sub3A_817, %sub3A_817 : vector<16xf32>
        %add3A_819 = arith.addf %add3A_751, %mul3A_818 : vector<16xf32>
        %add3A_820 = arith.addf %add3A_768, %add3A_785 : vector<16xf32>
        %add3A_821 = arith.addf %add3A_802, %add3A_819 : vector<16xf32>
        %add3A_822 = arith.addf %add3A_820, %add3A_821 : vector<16xf32>
        %swap3A_823 = arith.index_cast %scan3A_672 : i32 to index
        %swap3A_824 = arith.constant 0 : index
        %swap3A_825 = tpu.vector_load %arg13[%swap3A_823, %swap3A_824] {strides = array<i32>} : memref<16x17xf32, #tpu.memory_space<vmem>>, vector<16xf32>,
        tpu.vector_store %arg13[%swap3A_823, %swap3A_824], %add3A_822 {strides = array<i32>} : memref<16x17xf32, #tpu.memory_space<vmem>>, vector<16xf32>,
        %scan3A_826 = arith.constant 0 : i32
        scf.yield %scan3A_826 : i32
      }
      %scan3A_572 = arith.constant 16 : i32
      %broadcast_in_dim3A = arith.constant 0.000000e+00 : f32
      %broadcast_in_dim3A_573 = vector.broadcast %broadcast_in_dim3A : f32 to vector<16xf32>
      %broadcast_in_dim3A_574 = arith.constant 0 : i32
      %broadcast_in_dim3A_575 = vector.broadcast %broadcast_in_dim3A_574 : i32 to vector<16xi32>
      %gather3A = tpu.vector_load_idx %arg13[%iota3A, %broadcast_in_dim3A_575] : memref<16x17xf32, #tpu.memory_space<vmem>>[vector<16xi32>, vector<16xi32>], vector<16xf32>,
      %add3A_576 = arith.addf %broadcast_in_dim3A_573, %gather3A : vector<16xf32>
      %broadcast_in_dim3A_577 = arith.constant 1 : i32
      %broadcast_in_dim3A_578 = vector.broadcast %broadcast_in_dim3A_577 : i32 to vector<16xi32>
      %gather3A_579 = tpu.vector_load_idx %arg13[%iota3A, %broadcast_in_dim3A_578] : memref<16x17xf32, #tpu.memory_space<vmem>>[vector<16xi32>, vector<16xi32>], vector<16xf32>,
      %add3A_580 = arith.addf %add3A_576, %gather3A_579 : vector<16xf32>
      %broadcast_in_dim3A_581 = arith.constant 2 : i32
      %broadcast_in_dim3A_582 = vector.broadcast %broadcast_in_dim3A_581 : i32 to vector<16xi32>
      %gather3A_583 = tpu.vector_load_idx %arg13[%iota3A, %broadcast_in_dim3A_582] : memref<16x17xf32, #tpu.memory_space<vmem>>[vector<16xi32>, vector<16xi32>], vector<16xf32>,
      %add3A_584 = arith.addf %add3A_580, %gather3A_583 : vector<16xf32>
      %broadcast_in_dim3A_585 = arith.constant 3 : i32
      %broadcast_in_dim3A_586 = vector.broadcast %broadcast_in_dim3A_585 : i32 to vector<16xi32>
      %gather3A_587 = tpu.vector_load_idx %arg13[%iota3A, %broadcast_in_dim3A_586] : memref<16x17xf32, #tpu.memory_space<vmem>>[vector<16xi32>, vector<16xi32>], vector<16xf32>,
      %add3A_588 = arith.addf %add3A_584, %gather3A_587 : vector<16xf32>
      %broadcast_in_dim3A_589 = arith.constant 4 : i32
      %broadcast_in_dim3A_590 = vector.broadcast %broadcast_in_dim3A_589 : i32 to vector<16xi32>
      %gather3A_591 = tpu.vector_load_idx %arg13[%iota3A, %broadcast_in_dim3A_590] : memref<16x17xf32, #tpu.memory_space<vmem>>[vector<16xi32>, vector<16xi32>], vector<16xf32>,
      %add3A_592 = arith.addf %add3A_588, %gather3A_591 : vector<16xf32>
      %broadcast_in_dim3A_593 = arith.constant 5 : i32
      %broadcast_in_dim3A_594 = vector.broadcast %broadcast_in_dim3A_593 : i32 to vector<16xi32>
      %gather3A_595 = tpu.vector_load_idx %arg13[%iota3A, %broadcast_in_dim3A_594] : memref<16x17xf32, #tpu.memory_space<vmem>>[vector<16xi32>, vector<16xi32>], vector<16xf32>,
      %add3A_596 = arith.addf %add3A_592, %gather3A_595 : vector<16xf32>
      %broadcast_in_dim3A_597 = arith.constant 6 : i32
      %broadcast_in_dim3A_598 = vector.broadcast %broadcast_in_dim3A_597 : i32 to vector<16xi32>
      %gather3A_599 = tpu.vector_load_idx %arg13[%iota3A, %broadcast_in_dim3A_598] : memref<16x17xf32, #tpu.memory_space<vmem>>[vector<16xi32>, vector<16xi32>], vector<16xf32>,
      %add3A_600 = arith.addf %add3A_596, %gather3A_599 : vector<16xf32>
      %broadcast_in_dim3A_601 = arith.constant 7 : i32
      %broadcast_in_dim3A_602 = vector.broadcast %broadcast_in_dim3A_601 : i32 to vector<16xi32>
      %gather3A_603 = tpu.vector_load_idx %arg13[%iota3A, %broadcast_in_dim3A_602] : memref<16x17xf32, #tpu.memory_space<vmem>>[vector<16xi32>, vector<16xi32>], vector<16xf32>,
      %add3A_604 = arith.addf %add3A_600, %gather3A_603 : vector<16xf32>
      %broadcast_in_dim3A_605 = arith.constant 8 : i32
      %broadcast_in_dim3A_606 = vector.broadcast %broadcast_in_dim3A_605 : i32 to vector<16xi32>
      %gather3A_607 = tpu.vector_load_idx %arg13[%iota3A, %broadcast_in_dim3A_606] : memref<16x17xf32, #tpu.memory_space<vmem>>[vector<16xi32>, vector<16xi32>], vector<16xf32>,
      %add3A_608 = arith.addf %add3A_604, %gather3A_607 : vector<16xf32>
      %broadcast_in_dim3A_609 = arith.constant 9 : i32
      %broadcast_in_dim3A_610 = vector.broadcast %broadcast_in_dim3A_609 : i32 to vector<16xi32>
      %gather3A_611 = tpu.vector_load_idx %arg13[%iota3A, %broadcast_in_dim3A_610] : memref<16x17xf32, #tpu.memory_space<vmem>>[vector<16xi32>, vector<16xi32>], vector<16xf32>,
      %add3A_612 = arith.addf %add3A_608, %gather3A_611 : vector<16xf32>
      %broadcast_in_dim3A_613 = arith.constant 10 : i32
      %broadcast_in_dim3A_614 = vector.broadcast %broadcast_in_dim3A_613 : i32 to vector<16xi32>
      %gather3A_615 = tpu.vector_load_idx %arg13[%iota3A, %broadcast_in_dim3A_614] : memref<16x17xf32, #tpu.memory_space<vmem>>[vector<16xi32>, vector<16xi32>], vector<16xf32>,
      %add3A_616 = arith.addf %add3A_612, %gather3A_615 : vector<16xf32>
      %broadcast_in_dim3A_617 = arith.constant 11 : i32
      %broadcast_in_dim3A_618 = vector.broadcast %broadcast_in_dim3A_617 : i32 to vector<16xi32>
      %gather3A_619 = tpu.vector_load_idx %arg13[%iota3A, %broadcast_in_dim3A_618] : memref<16x17xf32, #tpu.memory_space<vmem>>[vector<16xi32>, vector<16xi32>], vector<16xf32>,
      %add3A_620 = arith.addf %add3A_616, %gather3A_619 : vector<16xf32>
      %broadcast_in_dim3A_621 = arith.constant 12 : i32
      %broadcast_in_dim3A_622 = vector.broadcast %broadcast_in_dim3A_621 : i32 to vector<16xi32>
      %gather3A_623 = tpu.vector_load_idx %arg13[%iota3A, %broadcast_in_dim3A_622] : memref<16x17xf32, #tpu.memory_space<vmem>>[vector<16xi32>, vector<16xi32>], vector<16xf32>,
      %add3A_624 = arith.addf %add3A_620, %gather3A_623 : vector<16xf32>
      %broadcast_in_dim3A_625 = arith.constant 13 : i32
      %broadcast_in_dim3A_626 = vector.broadcast %broadcast_in_dim3A_625 : i32 to vector<16xi32>
      %gather3A_627 = tpu.vector_load_idx %arg13[%iota3A, %broadcast_in_dim3A_626] : memref<16x17xf32, #tpu.memory_space<vmem>>[vector<16xi32>, vector<16xi32>], vector<16xf32>,
      %add3A_628 = arith.addf %add3A_624, %gather3A_627 : vector<16xf32>
      %broadcast_in_dim3A_629 = arith.constant 14 : i32
      %broadcast_in_dim3A_630 = vector.broadcast %broadcast_in_dim3A_629 : i32 to vector<16xi32>
      %gather3A_631 = tpu.vector_load_idx %arg13[%iota3A, %broadcast_in_dim3A_630] : memref<16x17xf32, #tpu.memory_space<vmem>>[vector<16xi32>, vector<16xi32>], vector<16xf32>,
      %add3A_632 = arith.addf %add3A_628, %gather3A_631 : vector<16xf32>
      %broadcast_in_dim3A_633 = arith.constant 15 : i32
      %broadcast_in_dim3A_634 = vector.broadcast %broadcast_in_dim3A_633 : i32 to vector<16xi32>
      %gather3A_635 = tpu.vector_load_idx %arg13[%iota3A, %broadcast_in_dim3A_634] : memref<16x17xf32, #tpu.memory_space<vmem>>[vector<16xi32>, vector<16xi32>], vector<16xf32>,
      %add3A_636 = arith.addf %add3A_632, %gather3A_635 : vector<16xf32>
      %max3A = arith.constant 1.000000e-30 : f32
      %max3A_637 = vector.broadcast %max3A : f32 to vector<16xf32>
      %max3A_638 = arith.maximumf %add3A_636, %max3A_637 : vector<16xf32>
      %bitcast3A = vector.bitcast %max3A_638 : vector<16xf32> to vector<16xi32>
      %shift_right_arithmetic3A = arith.constant 1 : i32
      %shift_right_arithmetic3A_639 = vector.broadcast %shift_right_arithmetic3A : i32 to vector<16xi32>
      %shift_right_arithmetic3A_640 = arith.shrsi %bitcast3A, %shift_right_arithmetic3A_639 : vector<16xi32>
      %sub3A = arith.constant 1597463007 : i32
      %sub3A_641 = vector.broadcast %sub3A : i32 to vector<16xi32>
      %sub3A_642 = arith.subi %sub3A_641, %shift_right_arithmetic3A_640 : vector<16xi32>
      %bitcast3A_643 = vector.bitcast %sub3A_642 : vector<16xi32> to vector<16xf32>
      %mul3A_644 = arith.constant 5.000000e-01 : f32
      %mul3A_645 = vector.broadcast %mul3A_644 : f32 to vector<16xf32>
      %mul3A_646 = arith.mulf %mul3A_645, %max3A_638 : vector<16xf32>
      %mul3A_647 = arith.mulf %mul3A_646, %bitcast3A_643 : vector<16xf32>
      %mul3A_648 = arith.mulf %mul3A_647, %bitcast3A_643 : vector<16xf32>
      %sub3A_649 = arith.constant 1.500000e+00 : f32
      %sub3A_650 = vector.broadcast %sub3A_649 : f32 to vector<16xf32>
      %sub3A_651 = arith.subf %sub3A_650, %mul3A_648 : vector<16xf32>
      %mul3A_652 = arith.mulf %bitcast3A_643, %sub3A_651 : vector<16xf32>
      %mul3A_653 = arith.mulf %mul3A_646, %mul3A_652 : vector<16xf32>
      %mul3A_654 = arith.mulf %mul3A_653, %mul3A_652 : vector<16xf32>
      %sub3A_655 = arith.constant 1.500000e+00 : f32
      %sub3A_656 = vector.broadcast %sub3A_655 : f32 to vector<16xf32>
      %sub3A_657 = arith.subf %sub3A_656, %mul3A_654 : vector<16xf32>
      %mul3A_658 = arith.mulf %mul3A_652, %sub3A_657 : vector<16xf32>
      %mul3A_659 = arith.mulf %mul3A_646, %mul3A_658 : vector<16xf32>
      %mul3A_660 = arith.mulf %mul3A_659, %mul3A_658 : vector<16xf32>
      %sub3A_661 = arith.constant 1.500000e+00 : f32
      %sub3A_662 = vector.broadcast %sub3A_661 : f32 to vector<16xf32>
      %sub3A_663 = arith.subf %sub3A_662, %mul3A_660 : vector<16xf32>
      %mul3A_664 = arith.mulf %mul3A_658, %sub3A_663 : vector<16xf32>
      %mul3A_665 = arith.mulf %max3A_638, %mul3A_664 : vector<16xf32>
      %mul3A_666 = arith.constant 16 : i32
      %mul3A_667 = arith.muli %scan3A_564, %mul3A_666 : i32
      %add3A_668 = arith.constant 768 : i32
      %add3A_669 = arith.addi %add3A_668, %mul3A_667 : i32
      %swap3A = arith.index_cast %add3A_669 : i32 to index
      %swap3A_670 = tpu.vector_load %arg14[%swap3A] {strides = array<i32>} : memref<1024xf32, #tpu.memory_space<vmem>>, vector<16xf32>,
      tpu.vector_store %arg14[%swap3A], %mul3A_665 {strides = array<i32>} : memref<1024xf32, #tpu.memory_space<vmem>>, vector<16xf32>,
      %scan3A_671 = arith.constant 0 : i32
      scf.yield %scan3A_671 : i32
    }
    %scan3A_534 = arith.constant 8 : i32
    %dma_wait3A_535 = arith.constant 1 : i32
    %dma_wait3A_536 = arith.constant 0 : i32
    %dma_wait3A_537 = arith.constant 0 : i32
    %dma_wait3A_538 = tpu.memref_slice %arg11[%dma_wait3A_535, %dma_wait3A_536, %dma_wait3A_537] : memref<3x128x128xf32, #tpu.memory_space<vmem>> -> memref<1x128x128xf32, #tpu.memory_space<vmem>>
    %dma_wait3A_539 = tpu.memref_squeeze %dma_wait3A_538 : memref<1x128x128xf32, #tpu.memory_space<vmem>> -> memref<128x128xf32, #tpu.memory_space<vmem>>
    %dma_wait3A_540 = arith.constant 896 : i32
    %dma_wait3A_541 = tpu.memref_slice %arg9[%dma_wait3A_540] : memref<1024xi32, #tpu.memory_space<vmem>> -> memref<128xi32, #tpu.memory_space<vmem>>
    %dma_wait3A_542 = arith.constant 0 : i32
    %dma_wait3A_543 = arith.constant 0 : i32
    %dma_wait3A_544 = tpu.memref_slice %arg6[%dma_wait3A_542, %dma_wait3A_543] : memref<100000x128xf32, #tpu.memory_space<hbm>> -> memref<100000x128xf32, #tpu.memory_space<hbm>>
    tpu.wait_indirect_dma semaphore(%arg16 : memref<!tpu.dma_semaphore, #tpu.memory_space<semaphore_mem>>) src(%dma_wait3A_544 : memref<100000x128xf32, #tpu.memory_space<hbm>>) dst(%dma_wait3A_539 : memref<128x128xf32, #tpu.memory_space<vmem>>)
    %dma_wait3A_545 = arith.constant 1 : i32
    %dma_wait3A_546 = arith.constant 0 : i32
    %dma_wait3A_547 = arith.constant 0 : i32
    %dma_wait3A_548 = tpu.memref_slice %arg12[%dma_wait3A_545, %dma_wait3A_546, %dma_wait3A_547] : memref<3x128x128xf32, #tpu.memory_space<vmem>> -> memref<1x128x128xf32, #tpu.memory_space<vmem>>
    %dma_wait3A_549 = tpu.memref_squeeze %dma_wait3A_548 : memref<1x128x128xf32, #tpu.memory_space<vmem>> -> memref<128x128xf32, #tpu.memory_space<vmem>>
    %dma_wait3A_550 = arith.constant 896 : i32
    %dma_wait3A_551 = tpu.memref_slice %arg10[%dma_wait3A_550] : memref<1024xi32, #tpu.memory_space<vmem>> -> memref<128xi32, #tpu.memory_space<vmem>>
    %dma_wait3A_552 = arith.constant 0 : i32
    %dma_wait3A_553 = arith.constant 0 : i32
    %dma_wait3A_554 = tpu.memref_slice %arg5[%dma_wait3A_552, %dma_wait3A_553] : memref<1000000x128xf32, #tpu.memory_space<hbm>> -> memref<1000000x128xf32, #tpu.memory_space<hbm>>
    tpu.wait_indirect_dma semaphore(%arg19 : memref<!tpu.dma_semaphore, #tpu.memory_space<semaphore_mem>>) src(%dma_wait3A_554 : memref<1000000x128xf32, #tpu.memory_space<hbm>>) dst(%dma_wait3A_549 : memref<128x128xf32, #tpu.memory_space<vmem>>)
    %scan3A_555 = arith.constant 1 : i32
    %scan3A_556 = arith.constant 1 : i32
    %scan3A_557 = arith.constant 0 : i32
    %scan3A_558 = arith.constant 0 : i32
    %scan3A_559 = arith.constant 8 : i32
    %scan3A_560 = arith.addi %scan3A_558, %scan3A_559 : i32
    %scan3A_561 = arith.constant 1 : i32
    %scan3A_562 = scf.for %scan3A_564 = %scan3A_558 to %scan3A_560 step %scan3A_561 iter_args(%scan3A_565 = %scan3A_557) -> (i32)  : i32 {
      %scan3A_566 = arith.constant 0 : i32
      %scan3A_567 = arith.constant 0 : i32
      %scan3A_568 = arith.constant 16 : i32
      %scan3A_569 = arith.addi %scan3A_567, %scan3A_568 : i32
      %scan3A_570 = arith.constant 1 : i32
      %scan3A_571 = scf.for %scan3A_672 = %scan3A_567 to %scan3A_569 step %scan3A_570 iter_args(%scan3A_673 = %scan3A_566) -> (i32)  : i32 {
        %mul3A_674 = arith.constant 16 : i32
        %mul3A_675 = arith.muli %scan3A_564, %mul3A_674 : i32
        %add3A_676 = arith.addi %mul3A_675, %scan3A_672 : i32
        %broadcast_in_dim3A_677 = arith.constant 0.000000e+00 : f32
        %broadcast_in_dim3A_678 = vector.broadcast %broadcast_in_dim3A_677 : f32 to vector<16xf32>
        %broadcast_in_dim3A_679 = arith.constant 0.000000e+00 : f32
        %broadcast_in_dim3A_680 = vector.broadcast %broadcast_in_dim3A_679 : f32 to vector<16xf32>
        %broadcast_in_dim3A_681 = arith.constant 0.000000e+00 : f32
        %broadcast_in_dim3A_682 = vector.broadcast %broadcast_in_dim3A_681 : f32 to vector<16xf32>
        %broadcast_in_dim3A_683 = arith.constant 0.000000e+00 : f32
        %broadcast_in_dim3A_684 = vector.broadcast %broadcast_in_dim3A_683 : f32 to vector<16xf32>
        %get3A = arith.constant 0 : i32
        %get3A_685 = arith.constant 0 : i32
        %get3A_686 = tpu.memref_slice %arg11[%scan3A_555, %get3A, %get3A_685] : memref<3x128x128xf32, #tpu.memory_space<vmem>> -> memref<1x128x128xf32, #tpu.memory_space<vmem>>
        %get3A_687 = tpu.memref_squeeze %get3A_686 : memref<1x128x128xf32, #tpu.memory_space<vmem>> -> memref<128x128xf32, #tpu.memory_space<vmem>>
        %get3A_688 = arith.index_cast %add3A_676 : i32 to index
        %get3A_689 = arith.constant 0 : index
        %get3A_690 = tpu.vector_load %get3A_687[%get3A_688, %get3A_689] {strides = array<i32>} : memref<128x128xf32, #tpu.memory_space<vmem>>, vector<16xf32>,
        %get3A_691 = arith.constant 0 : i32
        %get3A_692 = arith.constant 0 : i32
        %get3A_693 = tpu.memref_slice %arg12[%scan3A_556, %get3A_691, %get3A_692] : memref<3x128x128xf32, #tpu.memory_space<vmem>> -> memref<1x128x128xf32, #tpu.memory_space<vmem>>
        %get3A_694 = tpu.memref_squeeze %get3A_693 : memref<1x128x128xf32, #tpu.memory_space<vmem>> -> memref<128x128xf32, #tpu.memory_space<vmem>>
        %get3A_695 = arith.index_cast %add3A_676 : i32 to index
        %get3A_696 = arith.constant 0 : index
        %get3A_697 = tpu.vector_load %get3A_694[%get3A_695, %get3A_696] {strides = array<i32>} : memref<128x128xf32, #tpu.memory_space<vmem>>, vector<16xf32>,
        %sub3A_698 = arith.subf %get3A_690, %get3A_697 : vector<16xf32>
        %mul3A_699 = arith.mulf %sub3A_698, %sub3A_698 : vector<16xf32>
        %add3A_700 = arith.addf %broadcast_in_dim3A_678, %mul3A_699 : vector<16xf32>
        %get3A_701 = arith.constant 0 : i32
        %get3A_702 = arith.constant 0 : i32
        %get3A_703 = tpu.memref_slice %arg11[%scan3A_555, %get3A_701, %get3A_702] : memref<3x128x128xf32, #tpu.memory_space<vmem>> -> memref<1x128x128xf32, #tpu.memory_space<vmem>>
        %get3A_704 = tpu.memref_squeeze %get3A_703 : memref<1x128x128xf32, #tpu.memory_space<vmem>> -> memref<128x128xf32, #tpu.memory_space<vmem>>
        %get3A_705 = arith.index_cast %add3A_676 : i32 to index
        %get3A_706 = arith.constant 16 : index
        %get3A_707 = tpu.vector_load %get3A_704[%get3A_705, %get3A_706] {strides = array<i32>} : memref<128x128xf32, #tpu.memory_space<vmem>>, vector<16xf32>,
        %get3A_708 = arith.constant 0 : i32
        %get3A_709 = arith.constant 0 : i32
        %get3A_710 = tpu.memref_slice %arg12[%scan3A_556, %get3A_708, %get3A_709] : memref<3x128x128xf32, #tpu.memory_space<vmem>> -> memref<1x128x128xf32, #tpu.memory_space<vmem>>
        %get3A_711 = tpu.memref_squeeze %get3A_710 : memref<1x128x128xf32, #tpu.memory_space<vmem>> -> memref<128x128xf32, #tpu.memory_space<vmem>>
        %get3A_712 = arith.index_cast %add3A_676 : i32 to index
        %get3A_713 = arith.constant 16 : index
        %get3A_714 = tpu.vector_load %get3A_711[%get3A_712, %get3A_713] {strides = array<i32>} : memref<128x128xf32, #tpu.memory_space<vmem>>, vector<16xf32>,
        %sub3A_715 = arith.subf %get3A_707, %get3A_714 : vector<16xf32>
        %mul3A_716 = arith.mulf %sub3A_715, %sub3A_715 : vector<16xf32>
        %add3A_717 = arith.addf %broadcast_in_dim3A_680, %mul3A_716 : vector<16xf32>
        %get3A_718 = arith.constant 0 : i32
        %get3A_719 = arith.constant 0 : i32
        %get3A_720 = tpu.memref_slice %arg11[%scan3A_555, %get3A_718, %get3A_719] : memref<3x128x128xf32, #tpu.memory_space<vmem>> -> memref<1x128x128xf32, #tpu.memory_space<vmem>>
        %get3A_721 = tpu.memref_squeeze %get3A_720 : memref<1x128x128xf32, #tpu.memory_space<vmem>> -> memref<128x128xf32, #tpu.memory_space<vmem>>
        %get3A_722 = arith.index_cast %add3A_676 : i32 to index
        %get3A_723 = arith.constant 32 : index
        %get3A_724 = tpu.vector_load %get3A_721[%get3A_722, %get3A_723] {strides = array<i32>} : memref<128x128xf32, #tpu.memory_space<vmem>>, vector<16xf32>,
        %get3A_725 = arith.constant 0 : i32
        %get3A_726 = arith.constant 0 : i32
        %get3A_727 = tpu.memref_slice %arg12[%scan3A_556, %get3A_725, %get3A_726] : memref<3x128x128xf32, #tpu.memory_space<vmem>> -> memref<1x128x128xf32, #tpu.memory_space<vmem>>
        %get3A_728 = tpu.memref_squeeze %get3A_727 : memref<1x128x128xf32, #tpu.memory_space<vmem>> -> memref<128x128xf32, #tpu.memory_space<vmem>>
        %get3A_729 = arith.index_cast %add3A_676 : i32 to index
        %get3A_730 = arith.constant 32 : index
        %get3A_731 = tpu.vector_load %get3A_728[%get3A_729, %get3A_730] {strides = array<i32>} : memref<128x128xf32, #tpu.memory_space<vmem>>, vector<16xf32>,
        %sub3A_732 = arith.subf %get3A_724, %get3A_731 : vector<16xf32>
        %mul3A_733 = arith.mulf %sub3A_732, %sub3A_732 : vector<16xf32>
        %add3A_734 = arith.addf %broadcast_in_dim3A_682, %mul3A_733 : vector<16xf32>
        %get3A_735 = arith.constant 0 : i32
        %get3A_736 = arith.constant 0 : i32
        %get3A_737 = tpu.memref_slice %arg11[%scan3A_555, %get3A_735, %get3A_736] : memref<3x128x128xf32, #tpu.memory_space<vmem>> -> memref<1x128x128xf32, #tpu.memory_space<vmem>>
        %get3A_738 = tpu.memref_squeeze %get3A_737 : memref<1x128x128xf32, #tpu.memory_space<vmem>> -> memref<128x128xf32, #tpu.memory_space<vmem>>
        %get3A_739 = arith.index_cast %add3A_676 : i32 to index
        %get3A_740 = arith.constant 48 : index
        %get3A_741 = tpu.vector_load %get3A_738[%get3A_739, %get3A_740] {strides = array<i32>} : memref<128x128xf32, #tpu.memory_space<vmem>>, vector<16xf32>,
        %get3A_742 = arith.constant 0 : i32
        %get3A_743 = arith.constant 0 : i32
        %get3A_744 = tpu.memref_slice %arg12[%scan3A_556, %get3A_742, %get3A_743] : memref<3x128x128xf32, #tpu.memory_space<vmem>> -> memref<1x128x128xf32, #tpu.memory_space<vmem>>
        %get3A_745 = tpu.memref_squeeze %get3A_744 : memref<1x128x128xf32, #tpu.memory_space<vmem>> -> memref<128x128xf32, #tpu.memory_space<vmem>>
        %get3A_746 = arith.index_cast %add3A_676 : i32 to index
        %get3A_747 = arith.constant 48 : index
        %get3A_748 = tpu.vector_load %get3A_745[%get3A_746, %get3A_747] {strides = array<i32>} : memref<128x128xf32, #tpu.memory_space<vmem>>, vector<16xf32>,
        %sub3A_749 = arith.subf %get3A_741, %get3A_748 : vector<16xf32>
        %mul3A_750 = arith.mulf %sub3A_749, %sub3A_749 : vector<16xf32>
        %add3A_751 = arith.addf %broadcast_in_dim3A_684, %mul3A_750 : vector<16xf32>
        %get3A_752 = arith.constant 0 : i32
        %get3A_753 = arith.constant 0 : i32
        %get3A_754 = tpu.memref_slice %arg11[%scan3A_555, %get3A_752, %get3A_753] : memref<3x128x128xf32, #tpu.memory_space<vmem>> -> memref<1x128x128xf32, #tpu.memory_space<vmem>>
        %get3A_755 = tpu.memref_squeeze %get3A_754 : memref<1x128x128xf32, #tpu.memory_space<vmem>> -> memref<128x128xf32, #tpu.memory_space<vmem>>
        %get3A_756 = arith.index_cast %add3A_676 : i32 to index
        %get3A_757 = arith.constant 64 : index
        %get3A_758 = tpu.vector_load %get3A_755[%get3A_756, %get3A_757] {strides = array<i32>} : memref<128x128xf32, #tpu.memory_space<vmem>>, vector<16xf32>,
        %get3A_759 = arith.constant 0 : i32
        %get3A_760 = arith.constant 0 : i32
        %get3A_761 = tpu.memref_slice %arg12[%scan3A_556, %get3A_759, %get3A_760] : memref<3x128x128xf32, #tpu.memory_space<vmem>> -> memref<1x128x128xf32, #tpu.memory_space<vmem>>
        %get3A_762 = tpu.memref_squeeze %get3A_761 : memref<1x128x128xf32, #tpu.memory_space<vmem>> -> memref<128x128xf32, #tpu.memory_space<vmem>>
        %get3A_763 = arith.index_cast %add3A_676 : i32 to index
        %get3A_764 = arith.constant 64 : index
        %get3A_765 = tpu.vector_load %get3A_762[%get3A_763, %get3A_764] {strides = array<i32>} : memref<128x128xf32, #tpu.memory_space<vmem>>, vector<16xf32>,
        %sub3A_766 = arith.subf %get3A_758, %get3A_765 : vector<16xf32>
        %mul3A_767 = arith.mulf %sub3A_766, %sub3A_766 : vector<16xf32>
        %add3A_768 = arith.addf %add3A_700, %mul3A_767 : vector<16xf32>
        %get3A_769 = arith.constant 0 : i32
        %get3A_770 = arith.constant 0 : i32
        %get3A_771 = tpu.memref_slice %arg11[%scan3A_555, %get3A_769, %get3A_770] : memref<3x128x128xf32, #tpu.memory_space<vmem>> -> memref<1x128x128xf32, #tpu.memory_space<vmem>>
        %get3A_772 = tpu.memref_squeeze %get3A_771 : memref<1x128x128xf32, #tpu.memory_space<vmem>> -> memref<128x128xf32, #tpu.memory_space<vmem>>
        %get3A_773 = arith.index_cast %add3A_676 : i32 to index
        %get3A_774 = arith.constant 80 : index
        %get3A_775 = tpu.vector_load %get3A_772[%get3A_773, %get3A_774] {strides = array<i32>} : memref<128x128xf32, #tpu.memory_space<vmem>>, vector<16xf32>,
        %get3A_776 = arith.constant 0 : i32
        %get3A_777 = arith.constant 0 : i32
        %get3A_778 = tpu.memref_slice %arg12[%scan3A_556, %get3A_776, %get3A_777] : memref<3x128x128xf32, #tpu.memory_space<vmem>> -> memref<1x128x128xf32, #tpu.memory_space<vmem>>
        %get3A_779 = tpu.memref_squeeze %get3A_778 : memref<1x128x128xf32, #tpu.memory_space<vmem>> -> memref<128x128xf32, #tpu.memory_space<vmem>>
        %get3A_780 = arith.index_cast %add3A_676 : i32 to index
        %get3A_781 = arith.constant 80 : index
        %get3A_782 = tpu.vector_load %get3A_779[%get3A_780, %get3A_781] {strides = array<i32>} : memref<128x128xf32, #tpu.memory_space<vmem>>, vector<16xf32>,
        %sub3A_783 = arith.subf %get3A_775, %get3A_782 : vector<16xf32>
        %mul3A_784 = arith.mulf %sub3A_783, %sub3A_783 : vector<16xf32>
        %add3A_785 = arith.addf %add3A_717, %mul3A_784 : vector<16xf32>
        %get3A_786 = arith.constant 0 : i32
        %get3A_787 = arith.constant 0 : i32
        %get3A_788 = tpu.memref_slice %arg11[%scan3A_555, %get3A_786, %get3A_787] : memref<3x128x128xf32, #tpu.memory_space<vmem>> -> memref<1x128x128xf32, #tpu.memory_space<vmem>>
        %get3A_789 = tpu.memref_squeeze %get3A_788 : memref<1x128x128xf32, #tpu.memory_space<vmem>> -> memref<128x128xf32, #tpu.memory_space<vmem>>
        %get3A_790 = arith.index_cast %add3A_676 : i32 to index
        %get3A_791 = arith.constant 96 : index
        %get3A_792 = tpu.vector_load %get3A_789[%get3A_790, %get3A_791] {strides = array<i32>} : memref<128x128xf32, #tpu.memory_space<vmem>>, vector<16xf32>,
        %get3A_793 = arith.constant 0 : i32
        %get3A_794 = arith.constant 0 : i32
        %get3A_795 = tpu.memref_slice %arg12[%scan3A_556, %get3A_793, %get3A_794] : memref<3x128x128xf32, #tpu.memory_space<vmem>> -> memref<1x128x128xf32, #tpu.memory_space<vmem>>
        %get3A_796 = tpu.memref_squeeze %get3A_795 : memref<1x128x128xf32, #tpu.memory_space<vmem>> -> memref<128x128xf32, #tpu.memory_space<vmem>>
        %get3A_797 = arith.index_cast %add3A_676 : i32 to index
        %get3A_798 = arith.constant 96 : index
        %get3A_799 = tpu.vector_load %get3A_796[%get3A_797, %get3A_798] {strides = array<i32>} : memref<128x128xf32, #tpu.memory_space<vmem>>, vector<16xf32>,
        %sub3A_800 = arith.subf %get3A_792, %get3A_799 : vector<16xf32>
        %mul3A_801 = arith.mulf %sub3A_800, %sub3A_800 : vector<16xf32>
        %add3A_802 = arith.addf %add3A_734, %mul3A_801 : vector<16xf32>
        %get3A_803 = arith.constant 0 : i32
        %get3A_804 = arith.constant 0 : i32
        %get3A_805 = tpu.memref_slice %arg11[%scan3A_555, %get3A_803, %get3A_804] : memref<3x128x128xf32, #tpu.memory_space<vmem>> -> memref<1x128x128xf32, #tpu.memory_space<vmem>>
        %get3A_806 = tpu.memref_squeeze %get3A_805 : memref<1x128x128xf32, #tpu.memory_space<vmem>> -> memref<128x128xf32, #tpu.memory_space<vmem>>
        %get3A_807 = arith.index_cast %add3A_676 : i32 to index
        %get3A_808 = arith.constant 112 : index
        %get3A_809 = tpu.vector_load %get3A_806[%get3A_807, %get3A_808] {strides = array<i32>} : memref<128x128xf32, #tpu.memory_space<vmem>>, vector<16xf32>,
        %get3A_810 = arith.constant 0 : i32
        %get3A_811 = arith.constant 0 : i32
        %get3A_812 = tpu.memref_slice %arg12[%scan3A_556, %get3A_810, %get3A_811] : memref<3x128x128xf32, #tpu.memory_space<vmem>> -> memref<1x128x128xf32, #tpu.memory_space<vmem>>
        %get3A_813 = tpu.memref_squeeze %get3A_812 : memref<1x128x128xf32, #tpu.memory_space<vmem>> -> memref<128x128xf32, #tpu.memory_space<vmem>>
        %get3A_814 = arith.index_cast %add3A_676 : i32 to index
        %get3A_815 = arith.constant 112 : index
        %get3A_816 = tpu.vector_load %get3A_813[%get3A_814, %get3A_815] {strides = array<i32>} : memref<128x128xf32, #tpu.memory_space<vmem>>, vector<16xf32>,
        %sub3A_817 = arith.subf %get3A_809, %get3A_816 : vector<16xf32>
        %mul3A_818 = arith.mulf %sub3A_817, %sub3A_817 : vector<16xf32>
        %add3A_819 = arith.addf %add3A_751, %mul3A_818 : vector<16xf32>
        %add3A_820 = arith.addf %add3A_768, %add3A_785 : vector<16xf32>
        %add3A_821 = arith.addf %add3A_802, %add3A_819 : vector<16xf32>
        %add3A_822 = arith.addf %add3A_820, %add3A_821 : vector<16xf32>
        %swap3A_823 = arith.index_cast %scan3A_672 : i32 to index
        %swap3A_824 = arith.constant 0 : index
        %swap3A_825 = tpu.vector_load %arg13[%swap3A_823, %swap3A_824] {strides = array<i32>} : memref<16x17xf32, #tpu.memory_space<vmem>>, vector<16xf32>,
        tpu.vector_store %arg13[%swap3A_823, %swap3A_824], %add3A_822 {strides = array<i32>} : memref<16x17xf32, #tpu.memory_space<vmem>>, vector<16xf32>,
        %scan3A_826 = arith.constant 0 : i32
        scf.yield %scan3A_826 : i32
      }
      %scan3A_572 = arith.constant 16 : i32
      %broadcast_in_dim3A = arith.constant 0.000000e+00 : f32
      %broadcast_in_dim3A_573 = vector.broadcast %broadcast_in_dim3A : f32 to vector<16xf32>
      %broadcast_in_dim3A_574 = arith.constant 0 : i32
      %broadcast_in_dim3A_575 = vector.broadcast %broadcast_in_dim3A_574 : i32 to vector<16xi32>
      %gather3A = tpu.vector_load_idx %arg13[%iota3A, %broadcast_in_dim3A_575] : memref<16x17xf32, #tpu.memory_space<vmem>>[vector<16xi32>, vector<16xi32>], vector<16xf32>,
      %add3A_576 = arith.addf %broadcast_in_dim3A_573, %gather3A : vector<16xf32>
      %broadcast_in_dim3A_577 = arith.constant 1 : i32
      %broadcast_in_dim3A_578 = vector.broadcast %broadcast_in_dim3A_577 : i32 to vector<16xi32>
      %gather3A_579 = tpu.vector_load_idx %arg13[%iota3A, %broadcast_in_dim3A_578] : memref<16x17xf32, #tpu.memory_space<vmem>>[vector<16xi32>, vector<16xi32>], vector<16xf32>,
      %add3A_580 = arith.addf %add3A_576, %gather3A_579 : vector<16xf32>
      %broadcast_in_dim3A_581 = arith.constant 2 : i32
      %broadcast_in_dim3A_582 = vector.broadcast %broadcast_in_dim3A_581 : i32 to vector<16xi32>
      %gather3A_583 = tpu.vector_load_idx %arg13[%iota3A, %broadcast_in_dim3A_582] : memref<16x17xf32, #tpu.memory_space<vmem>>[vector<16xi32>, vector<16xi32>], vector<16xf32>,
      %add3A_584 = arith.addf %add3A_580, %gather3A_583 : vector<16xf32>
      %broadcast_in_dim3A_585 = arith.constant 3 : i32
      %broadcast_in_dim3A_586 = vector.broadcast %broadcast_in_dim3A_585 : i32 to vector<16xi32>
      %gather3A_587 = tpu.vector_load_idx %arg13[%iota3A, %broadcast_in_dim3A_586] : memref<16x17xf32, #tpu.memory_space<vmem>>[vector<16xi32>, vector<16xi32>], vector<16xf32>,
      %add3A_588 = arith.addf %add3A_584, %gather3A_587 : vector<16xf32>
      %broadcast_in_dim3A_589 = arith.constant 4 : i32
      %broadcast_in_dim3A_590 = vector.broadcast %broadcast_in_dim3A_589 : i32 to vector<16xi32>
      %gather3A_591 = tpu.vector_load_idx %arg13[%iota3A, %broadcast_in_dim3A_590] : memref<16x17xf32, #tpu.memory_space<vmem>>[vector<16xi32>, vector<16xi32>], vector<16xf32>,
      %add3A_592 = arith.addf %add3A_588, %gather3A_591 : vector<16xf32>
      %broadcast_in_dim3A_593 = arith.constant 5 : i32
      %broadcast_in_dim3A_594 = vector.broadcast %broadcast_in_dim3A_593 : i32 to vector<16xi32>
      %gather3A_595 = tpu.vector_load_idx %arg13[%iota3A, %broadcast_in_dim3A_594] : memref<16x17xf32, #tpu.memory_space<vmem>>[vector<16xi32>, vector<16xi32>], vector<16xf32>,
      %add3A_596 = arith.addf %add3A_592, %gather3A_595 : vector<16xf32>
      %broadcast_in_dim3A_597 = arith.constant 6 : i32
      %broadcast_in_dim3A_598 = vector.broadcast %broadcast_in_dim3A_597 : i32 to vector<16xi32>
      %gather3A_599 = tpu.vector_load_idx %arg13[%iota3A, %broadcast_in_dim3A_598] : memref<16x17xf32, #tpu.memory_space<vmem>>[vector<16xi32>, vector<16xi32>], vector<16xf32>,
      %add3A_600 = arith.addf %add3A_596, %gather3A_599 : vector<16xf32>
      %broadcast_in_dim3A_601 = arith.constant 7 : i32
      %broadcast_in_dim3A_602 = vector.broadcast %broadcast_in_dim3A_601 : i32 to vector<16xi32>
      %gather3A_603 = tpu.vector_load_idx %arg13[%iota3A, %broadcast_in_dim3A_602] : memref<16x17xf32, #tpu.memory_space<vmem>>[vector<16xi32>, vector<16xi32>], vector<16xf32>,
      %add3A_604 = arith.addf %add3A_600, %gather3A_603 : vector<16xf32>
      %broadcast_in_dim3A_605 = arith.constant 8 : i32
      %broadcast_in_dim3A_606 = vector.broadcast %broadcast_in_dim3A_605 : i32 to vector<16xi32>
      %gather3A_607 = tpu.vector_load_idx %arg13[%iota3A, %broadcast_in_dim3A_606] : memref<16x17xf32, #tpu.memory_space<vmem>>[vector<16xi32>, vector<16xi32>], vector<16xf32>,
      %add3A_608 = arith.addf %add3A_604, %gather3A_607 : vector<16xf32>
      %broadcast_in_dim3A_609 = arith.constant 9 : i32
      %broadcast_in_dim3A_610 = vector.broadcast %broadcast_in_dim3A_609 : i32 to vector<16xi32>
      %gather3A_611 = tpu.vector_load_idx %arg13[%iota3A, %broadcast_in_dim3A_610] : memref<16x17xf32, #tpu.memory_space<vmem>>[vector<16xi32>, vector<16xi32>], vector<16xf32>,
      %add3A_612 = arith.addf %add3A_608, %gather3A_611 : vector<16xf32>
      %broadcast_in_dim3A_613 = arith.constant 10 : i32
      %broadcast_in_dim3A_614 = vector.broadcast %broadcast_in_dim3A_613 : i32 to vector<16xi32>
      %gather3A_615 = tpu.vector_load_idx %arg13[%iota3A, %broadcast_in_dim3A_614] : memref<16x17xf32, #tpu.memory_space<vmem>>[vector<16xi32>, vector<16xi32>], vector<16xf32>,
      %add3A_616 = arith.addf %add3A_612, %gather3A_615 : vector<16xf32>
      %broadcast_in_dim3A_617 = arith.constant 11 : i32
      %broadcast_in_dim3A_618 = vector.broadcast %broadcast_in_dim3A_617 : i32 to vector<16xi32>
      %gather3A_619 = tpu.vector_load_idx %arg13[%iota3A, %broadcast_in_dim3A_618] : memref<16x17xf32, #tpu.memory_space<vmem>>[vector<16xi32>, vector<16xi32>], vector<16xf32>,
      %add3A_620 = arith.addf %add3A_616, %gather3A_619 : vector<16xf32>
      %broadcast_in_dim3A_621 = arith.constant 12 : i32
      %broadcast_in_dim3A_622 = vector.broadcast %broadcast_in_dim3A_621 : i32 to vector<16xi32>
      %gather3A_623 = tpu.vector_load_idx %arg13[%iota3A, %broadcast_in_dim3A_622] : memref<16x17xf32, #tpu.memory_space<vmem>>[vector<16xi32>, vector<16xi32>], vector<16xf32>,
      %add3A_624 = arith.addf %add3A_620, %gather3A_623 : vector<16xf32>
      %broadcast_in_dim3A_625 = arith.constant 13 : i32
      %broadcast_in_dim3A_626 = vector.broadcast %broadcast_in_dim3A_625 : i32 to vector<16xi32>
      %gather3A_627 = tpu.vector_load_idx %arg13[%iota3A, %broadcast_in_dim3A_626] : memref<16x17xf32, #tpu.memory_space<vmem>>[vector<16xi32>, vector<16xi32>], vector<16xf32>,
      %add3A_628 = arith.addf %add3A_624, %gather3A_627 : vector<16xf32>
      %broadcast_in_dim3A_629 = arith.constant 14 : i32
      %broadcast_in_dim3A_630 = vector.broadcast %broadcast_in_dim3A_629 : i32 to vector<16xi32>
      %gather3A_631 = tpu.vector_load_idx %arg13[%iota3A, %broadcast_in_dim3A_630] : memref<16x17xf32, #tpu.memory_space<vmem>>[vector<16xi32>, vector<16xi32>], vector<16xf32>,
      %add3A_632 = arith.addf %add3A_628, %gather3A_631 : vector<16xf32>
      %broadcast_in_dim3A_633 = arith.constant 15 : i32
      %broadcast_in_dim3A_634 = vector.broadcast %broadcast_in_dim3A_633 : i32 to vector<16xi32>
      %gather3A_635 = tpu.vector_load_idx %arg13[%iota3A, %broadcast_in_dim3A_634] : memref<16x17xf32, #tpu.memory_space<vmem>>[vector<16xi32>, vector<16xi32>], vector<16xf32>,
      %add3A_636 = arith.addf %add3A_632, %gather3A_635 : vector<16xf32>
      %max3A = arith.constant 1.000000e-30 : f32
      %max3A_637 = vector.broadcast %max3A : f32 to vector<16xf32>
      %max3A_638 = arith.maximumf %add3A_636, %max3A_637 : vector<16xf32>
      %bitcast3A = vector.bitcast %max3A_638 : vector<16xf32> to vector<16xi32>
      %shift_right_arithmetic3A = arith.constant 1 : i32
      %shift_right_arithmetic3A_639 = vector.broadcast %shift_right_arithmetic3A : i32 to vector<16xi32>
      %shift_right_arithmetic3A_640 = arith.shrsi %bitcast3A, %shift_right_arithmetic3A_639 : vector<16xi32>
      %sub3A = arith.constant 1597463007 : i32
      %sub3A_641 = vector.broadcast %sub3A : i32 to vector<16xi32>
      %sub3A_642 = arith.subi %sub3A_641, %shift_right_arithmetic3A_640 : vector<16xi32>
      %bitcast3A_643 = vector.bitcast %sub3A_642 : vector<16xi32> to vector<16xf32>
      %mul3A_644 = arith.constant 5.000000e-01 : f32
      %mul3A_645 = vector.broadcast %mul3A_644 : f32 to vector<16xf32>
      %mul3A_646 = arith.mulf %mul3A_645, %max3A_638 : vector<16xf32>
      %mul3A_647 = arith.mulf %mul3A_646, %bitcast3A_643 : vector<16xf32>
      %mul3A_648 = arith.mulf %mul3A_647, %bitcast3A_643 : vector<16xf32>
      %sub3A_649 = arith.constant 1.500000e+00 : f32
      %sub3A_650 = vector.broadcast %sub3A_649 : f32 to vector<16xf32>
      %sub3A_651 = arith.subf %sub3A_650, %mul3A_648 : vector<16xf32>
      %mul3A_652 = arith.mulf %bitcast3A_643, %sub3A_651 : vector<16xf32>
      %mul3A_653 = arith.mulf %mul3A_646, %mul3A_652 : vector<16xf32>
      %mul3A_654 = arith.mulf %mul3A_653, %mul3A_652 : vector<16xf32>
      %sub3A_655 = arith.constant 1.500000e+00 : f32
      %sub3A_656 = vector.broadcast %sub3A_655 : f32 to vector<16xf32>
      %sub3A_657 = arith.subf %sub3A_656, %mul3A_654 : vector<16xf32>
      %mul3A_658 = arith.mulf %mul3A_652, %sub3A_657 : vector<16xf32>
      %mul3A_659 = arith.mulf %mul3A_646, %mul3A_658 : vector<16xf32>
      %mul3A_660 = arith.mulf %mul3A_659, %mul3A_658 : vector<16xf32>
      %sub3A_661 = arith.constant 1.500000e+00 : f32
      %sub3A_662 = vector.broadcast %sub3A_661 : f32 to vector<16xf32>
      %sub3A_663 = arith.subf %sub3A_662, %mul3A_660 : vector<16xf32>
      %mul3A_664 = arith.mulf %mul3A_658, %sub3A_663 : vector<16xf32>
      %mul3A_665 = arith.mulf %max3A_638, %mul3A_664 : vector<16xf32>
      %mul3A_666 = arith.constant 16 : i32
      %mul3A_667 = arith.muli %scan3A_564, %mul3A_666 : i32
      %add3A_668 = arith.constant 896 : i32
      %add3A_669 = arith.addi %add3A_668, %mul3A_667 : i32
      %swap3A = arith.index_cast %add3A_669 : i32 to index
      %swap3A_670 = tpu.vector_load %arg14[%swap3A] {strides = array<i32>} : memref<1024xf32, #tpu.memory_space<vmem>>, vector<16xf32>,
      tpu.vector_store %arg14[%swap3A], %mul3A_665 {strides = array<i32>} : memref<1024xf32, #tpu.memory_space<vmem>>, vector<16xf32>,
      %scan3A_671 = arith.constant 0 : i32
      scf.yield %scan3A_671 : i32
    }
    %scan3A_563 = arith.constant 8 : i32
    "tpu.region"() ({
      %run_scoped3A = tpu.sem_alloc : memref<!tpu.dma_semaphore, #tpu.memory_space<semaphore_mem>>
      %dma_start3A_564 = tpu.memref_slice %arg7[%mul3A_2] : memref<32768xf32, #tpu.memory_space<hbm>> -> memref<1024xf32, #tpu.memory_space<hbm>>
      %dma_start3A_565 = tpu.memref_slice %arg7[%mul3A_2] : memref<32768xf32, #tpu.memory_space<hbm>> -> memref<1024xf32, #tpu.memory_space<hbm>>
      tpu.enqueue_dma source(%arg14 : memref<1024xf32, #tpu.memory_space<vmem>>) target(%dma_start3A_565 : memref<1024xf32, #tpu.memory_space<hbm>>) target_semaphore(%run_scoped3A : memref<!tpu.dma_semaphore, #tpu.memory_space<semaphore_mem>>)
      %dma_wait3A_566 = tpu.memref_slice %arg7[%mul3A_2] : memref<32768xf32, #tpu.memory_space<hbm>> -> memref<1024xf32, #tpu.memory_space<hbm>>
      %dma_wait3A_567 = tpu.memref_slice %arg7[%mul3A_2] : memref<32768xf32, #tpu.memory_space<hbm>> -> memref<1024xf32, #tpu.memory_space<hbm>>
      tpu.wait_dma2 semaphore(%run_scoped3A : memref<!tpu.dma_semaphore, #tpu.memory_space<semaphore_mem>>) src(%arg14 : memref<1024xf32, #tpu.memory_space<vmem>>) dst(%dma_wait3A_567 : memref<1024xf32, #tpu.memory_space<hbm>>)
      tpu.yield
    }) : () -> ()
    return
  }
}

</mosaic_0001>

<sc_bundles>
// kernel: _transe_distances.3.cloned.1.call-start
scs
__scs_entry_jumppad:
0x0: {  	(pc) =	sbr.rel $0x88, $3  }
0x1: {  	(tag) =	ssettag $0x0;
	lr =	simm.s32 $0x1  }
0x2: {  	[smem:$0x3F9C] =	sst lr;
	_ =	strace $0xD0000000  }
0x3: {  	_ = 	snop  }
0x4: {  	_ = 	snop  }
0x5: {  	_ = 	snop  }
0x6: {  	_ = 	snop  }
0x7: {  	_ = 	snop  }
__scs_overlays_trampoline_lowered:
0x8: {  	[smem:$0x3FAB] =	sst s0  }
0x9: {  	[smem:$0x3FAC] =	sst s1  }
0xa: {  	[smem:$0x3FAD] =	sst s2  }
0xb: {  	[smem:$0x3FAE] =	sst s3  }
0xc: {  	[smem:$0x3FAF] =	sst s4  }
0xd: {  	[smem:$0x3FB0] =	sst s5  }
0xe: {  	[smem:$0x3FB1] =	sst s6  }
0xf: {  	[smem:$0x3FB2] =	sst s7  }
0x10: {  	[smem:$0x3FB3] =	sst s8  }
0x11: {  	[smem:$0x3FB4] =	sst s9;
	s0 =	simm.s32 @!p0 $0x0  }
0x12: {  	s1 =	sld [smem:$0x3F9A];
	s0 =	simm.s32 @p0 $0x1  }
0x13: {  	[smem:$0x3FB5] =	sst s0;
	s0 =	simm.s32 @!p1 $0x0  }
0x14: {  	s2 =	sld [smem:$0x3F99];
	s0 =	simm.s32 @p1 $0x1  }
0x15: {  	[smem:$0x3FB6] =	sst s0;
	s0 =	simm.s32 @!p2 $0x0  }
0x16: {  	s3 =	sld [smem:$0x3FDB];
	s0 =	simm.s32 @p2 $0x1  }
0x17: {  	s4 =	simm.s32 $0x1BF5;
	[smem:$0x3FB8] =	sst s0  }
0x18: {  	s0 =	sld [smem:$0x3F9B];
	_ =	swait.ge [sflag:s4], $0x0  }
0x19: {  	s7 =	sld [smem:$0x3F9C]  }
0x1a: {  	s8 =	sadd.s32 $0xFFFFE003, lr  }
0x1b: {  	s9 =	sadd.s32 $0xFFFFFEF7, lr;
	s5 =	simm.s32 $0xFFFFFFFF;
	p2 =	slt.u32 s8, $0xFFFFF086  }
0x1c: {  	p1 =	slt.u32 s9, $0xF7A;
	s5 =	simm.s32 @!p2 $0x0  }
0x1d: {  	s5 =	simm.s32 @p1 $0x1;
	p0 =	seq.s32 s7, s2  }
0x1e: {  	s7 =	smul.u32 @!p0 $0xF7A, s2;
	p2 =	seq.s32 @!p0 s5, $0x0  }
0x1f: {  	s9 =	smul.u32 $0xF7A, s1;
	s8 =	simm.s32 @!p0 $0x1BF5;
	p2 =	por !p2, p0  }
0x20: {  	[sflag:s8] =	ssyncset.s32 @!p0 $0xFFFFF086;
	s6 =	sadd.s32 @!p0 s3, s7;
	s7 =	simm.s32 @!p0 $0x108  }
0x21: {  	s3 =	sadd.s32 s3, s9;
	s6 =	sadd.s32 @!p0 $0x88, s6;
	s7 =	simm.s32 @p2 $0x1082  }
0x22: {  	[simem:s7], [sflag:s8] =	dma.local @!p0 [hbm:s6], $0xF7A  }
0x23: {  	s9 =	sor.u32 $0xD0000000, s2;
	s6 =	simm.s32 $0x108;
	_ =	swait.ge @!p0 [sflag:s8], $0x0  }
0x24: {  	s3 =	sadd.s32 $0x88, s3;
	s6 =	simm.s32 @!p1 $0x1082;
	[sflag:s4] =	ssyncset.s32 $0xFFFFF086  }
0x25: {  	[simem:s6], [sflag:s4] =	dma.local [hbm:s3], $0xF7A  }
0x26: {  	[smem:$0x3F9C] =	sst s1;
	(tag) =	ssettag s2;
	_ =	strace s9  }
0x27: {  	s1 =	sld [smem:$0x3FAC]  }
0x28: {  	s2 =	sld [smem:$0x3FAD]  }
0x29: {  	s4 =	sld [smem:$0x3FAF]  }
0x2a: {  	p0 =	seq.s32 s5, $0x0;
	s5 =	sld [smem:$0x3FB0]  }
0x2b: {  	s6 =	sld [smem:$0x3FB1]  }
0x2c: {  	s7 =	sld [smem:$0x3FB2]  }
0x2d: {  	s3 =	simm.s32 $0x108;
	s8 =	sld [smem:$0x3FB3]  }
0x2e: {  	s3 =	simm.s32 @!p0 $0x1082;
	s9 =	sld [smem:$0x3FB4]  }
0x2f: {  	lr =	sadd.s32 s0, s3;
	s0 =	sld [smem:$0x3FAB]  }
0x30: {  	s3 =	sld [smem:$0x3FAE]  }
0x31: {  	[smem:$0x3FB7] =	sst s10  }
0x32: {  	s10 =	sld [smem:$0x3FB5];
	_ =	sdelay $0x3  }
0x33: {  	p0 =	seq.s32 s10, $0x1;
	s10 =	sld [smem:$0x3FB7];
	_ =	sdelay $0x3  }
0x34: {  	[smem:$0x3FB7] =	sst s10  }
0x35: {  	s10 =	sld [smem:$0x3FB6];
	_ =	sdelay $0x3  }
0x36: {  	p1 =	seq.s32 s10, $0x1;
	s10 =	sld [smem:$0x3FB7];
	_ =	sdelay $0x3  }
0x37: {  	[smem:$0x3FB7] =	sst s10  }
0x38: {  	s10 =	sld [smem:$0x3FB8]  }
0x39: {  	_ = 	snop;
	(pc) =	sbr.ind lr, $3  }
0x3a: {  	_ = 	snop  }
0x3b: {  	_ = 	snop  }
0x3c: {  	p2 =	seq.s32 s10, $0x1;
	s10 =	sld [smem:$0x3FB7]  }
0x3d: {  	_ =	shalt  }
0x3e: {  	_ =	shalt  }
0x3f: {  	_ =	shalt  }
0x40: {  	_ =	shalt  }
0x41: {  	_ =	shalt  }
0x42: {  	_ =	shalt  }
0x43: {  	_ =	shalt  }
0x44: {  	_ =	shalt  }
0x45: {  	_ =	shalt  }
0x46: {  	_ =	shalt  }
0x47: {  	_ =	shalt  }
0x48: {  	_ =	shalt  }
0x49: {  	_ =	shalt  }
0x4a: {  	_ =	shalt  }
0x4b: {  	_ =	shalt  }
0x4c: {  	_ =	shalt  }
0x4d: {  	_ =	shalt  }
0x4e: {  	_ =	shalt  }
0x4f: {  	_ =	shalt  }
0x50: {  	_ =	shalt  }
0x51: {  	_ =	shalt  }
0x52: {  	_ =	shalt  }
0x53: {  	_ =	shalt  }
0x54: {  	_ =	shalt  }
0x55: {  	_ =	shalt  }
0x56: {  	_ =	shalt  }
0x57: {  	_ =	shalt  }
0x58: {  	_ =	shalt  }
0x59: {  	_ =	shalt  }
0x5a: {  	_ =	shalt  }
0x5b: {  	_ =	shalt  }
0x5c: {  	_ =	shalt  }
0x5d: {  	_ =	shalt  }
0x5e: {  	_ =	shalt  }
0x5f: {  	_ =	shalt  }
0x60: {  	_ =	shalt  }
0x61: {  	_ =	shalt  }
0x62: {  	_ =	shalt  }
0x63: {  	_ =	shalt  }
0x64: {  	_ =	shalt  }
0x65: {  	_ =	shalt  }
0x66: {  	_ =	shalt  }
0x67: {  	_ =	shalt  }
0x68: {  	_ =	shalt  }
0x69: {  	_ =	shalt  }
0x6a: {  	_ =	shalt  }
0x6b: {  	_ =	shalt  }
0x6c: {  	_ =	shalt  }
0x6d: {  	_ =	shalt  }
0x6e: {  	_ =	shalt  }
0x6f: {  	_ =	shalt  }
0x70: {  	_ =	shalt  }
0x71: {  	_ =	shalt  }
0x72: {  	_ =	shalt  }
0x73: {  	_ =	shalt  }
0x74: {  	_ =	shalt  }
0x75: {  	_ =	shalt  }
0x76: {  	_ =	shalt  }
0x77: {  	_ =	shalt  }
0x78: {  	_ =	shalt  }
0x79: {  	_ =	shalt  }
0x7a: {  	_ =	shalt  }
0x7b: {  	_ =	shalt  }
0x7c: {  	_ =	shalt  }
0x7d: {  	_ =	shalt  }
0x7e: {  	_ =	shalt  }
0x7f: {  	_ =	shalt  }
0x80: {  	_ =	shalt  }
0x81: {  	_ =	shalt  }
0x82: {  	_ =	shalt  }
0x83: {  	_ =	shalt  }
0x84: {  	_ =	shalt  }
0x85: {  	_ =	shalt  }
0x86: {  	_ =	shalt  }
0x87: {  	_ =	shalt  }
.Lfunc_end0:
.L_simem_size_0:
called_computation_lowered:
.L_overlay_start_0:
0x88: {  	s2 =	sld [smem:$0x3FD9]  }
0x89: {  	s3 =	sld [smem:$0x3FFE];
	_ =	sdelay $0x1  }
0x8a: {  	s1 =	srdreg.scid  }
0x8b: {  	s0 =	sand.u32 $0x1, s1  }
0x8c: {  	s18 =	sshll.u32 s0, $0xA;
	s2 =	sadd.s32 s3, s2  }
0x8d: {  	s2 =	sadd.s32 s2, s18  }
0x8e: {  	[smem:$0x3FC3] =	sst s2  }
0x8f: {  	_ = 	snop  }
0x90: {  	s2 =	sld [smem:$0x3FC9]  }
0x91: {  	s19 =	sld [smem:$0x3FC8]  }
0x92: {  	s4 =	sld [smem:$0x3FC7]  }
0x93: {  	s5 =	sld [smem:$0x3FC6]  }
0x94: {  	s6 =	sld [smem:$0x3FC5]  }
0x95: {  	s7 =	sld [smem:$0x3FD0];
	(tm) =	ssettm $0x1  }
0x96: {  	s8 =	sld [smem:$0x3FFB];
	_ =	sdelay $0x3  }
0x97: {  	_ =	strace s8  }
0x98: {  	s8 =	sld [smem:$0x3FFC];
	_ =	sdelay $0x3  }
0x99: {  	_ =	strace s8  }
0x9a: {  	s8 =	sld [smem:$0x3FFD];
	_ =	sdelay $0x3  }
0x9b: {  	_ =	strace s8  }
0x9c: {  	_ =	strace $0x8FFFFFFF  }
0x9d: {  	s20 =	sld [smem:$0x3FDB];
	_ =	sdelay $0x1  }
0x9e: {  	s9 =	simm.s32 $_scs_section_size  }
0x9f: {  	s10 =	simm.s32 $_size__tile_overlayer_lowered;
	s11 =	simm.s32 $_tile_overlayer_lowered  }
0xa0: {  	s23 =	simm.s32 $0x1BFF;
	s22 =	sshll.u32 s11, $0x1;
	s8 =	sadd.s32 s9, s20  }
0xa1: {  	s12 =	simm.s32 $0x0;
	s21 =	sshll.u32 s10, $0x1;
	s10 =	sadd.s32 s22, s8  }
0xa2: {  	[timem:s12], [sflag:s23] =	dma.local [hbm:s10], s21  }
0xa3: {  	_ =	swait.ge [sflag:s23], s21  }
0xa4: {  	s9 =	ssub.s32 $0x0, s21;
	[sflag:s23] =	ssyncset.done $0x0  }
0xa5: {  	[sflag:s23] =	ssyncadd.s32 s9;
	_ =	sdelay $0x1  }
0xa6: {  	s24 =	simm.s32 $0x1B8B  }
0xa7: {  	_ =	swait.ge [sflag:s24], $0x1  }
0xa8: {  	[sflag:s24] =	ssyncset.done $0x0  }
0xa9: {  	s25 =	simm.s32 $0x1B8E;
	[sflag:s24] =	ssyncadd.s32 $0xFFFFFFFF  }
0xaa: {  	s26 =	simm.s32 $execute0_lowered;
	[smem:$0x3FD2] =	sst s25  }
0xab: {  	s9 =	sshll.u32 s26, $0x1;
	_ =	strace $0x80000046;
	[dreg:$0x1] =	wrdreg $0xFFFFFFFF  }
0xac: {  	s28 =	simm.s32 $_size_execute0_lowered;
	s8 =	sadd.s32 s8, s9;
	[dreg:$0x0] =	wrdreg $0x0  }
0xad: {  	s9 =	sshll.u32 s28, $0x1;
	[dreg:$0x2] =	wrdreg s8  }
0xae: {  	[dreg:$0x3] =	wrdreg s9  }
0xaf: {  	[dreg:$0x4] =	wrdreg $0xC0  }
0xb0: {  	_ =	task [dreg:s12], $0x5FFFF  }
0xb1: {  	[dreg:$0x1] =	wrdreg $0xFFFFFFFF  }
0xb2: {  	[dreg:$0x0] =	wrdreg $0x60  }
0xb3: {  	[dreg:$0x2] =	wrdreg s2  }
0xb4: {  	[dreg:$0x3] =	wrdreg s19  }
0xb5: {  	[dreg:$0x4] =	wrdreg s4  }
0xb6: {  	[dreg:$0x5] =	wrdreg s5  }
0xb7: {  	[dreg:$0x6] =	wrdreg s6  }
0xb8: {  	[dreg:$0x7] =	wrdreg s7  }
0xb9: {  	[dreg:$0x8] =	wrdreg $0x9  }
0xba: {  	_ =	task.clear_ibuf [dreg:s12], $0x9FFFF;
	_ =	strace $0x90000046  }
0xbb: {  	s29 =	simm.s32 $0x9;
	_ =	strace $0x80000048  }
0xbc: {  	_ =	swait.ge [sflag:s29], $0x1  }
0xbd: {  	[sflag:s29] =	ssyncadd.s32 $0xFFFFFFFF  }
0xbe: {  	_ =	strace $0x90000048  }
0xbf: {  	_ =	sfence  }
0xc0: {  	s30 =	sld [smem:$0x0];
	_ =	sdelay $0x2  }
0xc1: {  	s31 =	sshll.u32 s1, $0xD;
	s1 =	sshrl.u32 s1, $0x2  }
0xc2: {  	s3 =	sand.u32 $0x4000, s31;
	s1 =	sadd.s32 s1, s30  }
0xc3: {  	s0 =	sor.u32 s3, s0;
	s1 =	sshll.u32 s1, $0x11  }
0xc4: {  	s0 =	sor.u32 s1, s0  }
0xc5: {  	s0 =	sadd.s32 $0x8F2B, s0  }
0xc6: {  	[sflag:s0] =	ssyncadd.remote.s32 $0x1  }
0xc7: {  	_ =	sfence.sel $0xFFFF  }
0xc8: {  	[dreg:$0x0] =	wrdreg $0xFFFFFFFF;
	(pc) =	sbr.abs _section_cstart, $3  }
0xc9: {  	[dreg:$0x1] =	wrdreg $0xFFFFFFFF  }
0xca: {  	_ =	task.clear_ibuf [dreg:s12], $0x2FFFF;
	_ =	strace $0x9FFFFFFF  }
0xcb: {  	(tm) =	ssettm $0x7FFFFFFF  }
tec
execute0_lowered:
.L_overlay_start_1:
0x0: {  	(tag) =	ssettag $0x1  }
0x1: {  	s0 =	rddreg [dreg:$0x0]  }
0x2: {  	s3 =	rddreg [dreg:$0x1]  }
0x3: {  	s7 =	rddreg [dreg:$0x2]  }
0x4: {  	s1 =	rddreg [dreg:$0x3]  }
0x5: {  	s2 =	rddreg [dreg:$0x4]  }
0x6: {  	s8 =	rddreg [dreg:$0x5];
	s5 =	srdreg.scid;
	s4 =	simm.s32 $0x0  }
0x7: {  	s10 =	stileid.u32;
	s11 =	simm.s32 $0x800;
	s12 =	simm.s32 $0x7  }
0x8: {  	s13 =	simm.s32 $0x80;
	s14 =	simm.s32 $0xC00;
	s16 =	simm.s32 $0x4C00  }
0x9: {  	s18 =	simm.s32 $0x10C00;
	s19 =	simm.s32 $0x1;
	s20 =	simm.s32 $0x2  }
0xa: {  	s22 =	simm.s32 $0x4;
	s24 =	simm.s32 $0x8C00;
	v0 =	vlaneseq.u32;
	s26 =	simm.s32 $0x14C00  }
0xb: {  	s28 =	simm.s32 $0x18C00;
	s29 =	simm.s32 $0x3;
	s31 =	simm.s32 $0x5;
	v0 =	vmul.u32 $0x80, v0  }
0xc: {  	s17 =	simm.s32 $0x6;
	s15 =	simm.s32 $0x8;
	s5 =	sand.u32 $0x1, s5  }
0xd: {  	s21 =	simm.s32 $0x0;
	[smem:$0x7FF] =	sst s4;
	s6 =	ssub.s32 $0x2, s5;
	v1 =	vor.u32 $0x1, v0;
	v2 =	vor.u32 $0x2, v0;
	v3 =	vor.u32 $0x3, v0  }
0xe: {  	s10 =	sshll.u32 s10, $0x8;
	s5 =	sshll.u32 s5, $0x7;
	s9 =	sshrl.u32 s6, $0x1;
	v4 =	vor.u32 $0x4, v0;
	v5 =	vor.u32 $0x5, v0;
	v6 =	vor.u32 $0x6, v0  }
0xf: {  	_ =	strace $0x80000047;
	s10 =	sor.u32 s5, s10;
	v7 =	vor.u32 $0x7, v0;
	v8 =	vor.u32 $0x8, v0;
	v9 =	vor.u32 $0x9, v0;
	s9 =	ssub.s32 s6, s9  }
0x10: {  	v10 =	vor.u32 $0xA, v0;
	v11 =	vor.u32 $0xB, v0;
	v12 =	vor.u32 $0xC, v0;
	s5 =	sadd.s32 s0, s10;
	s6 =	sadd.s32 s3, s10;
	s7 =	sadd.s32 s7, s10  }
0x11: {  	v13 =	vor.u32 $0xD, v0;
	v14 =	vor.u32 $0xE, v0;
	v15 =	vor.u32 $0xF, v0;
	s8 =	sadd.s32 s8, s10;
	s10 =	simm.s32 $0x400;
	s9 =	smax.u32 s9, $0x1  }
.LBB2_1:
0x12: {  	[tilespmem:s4], [sflag:$0x7] =	stream.linear.gather [hbm4b:s5+s4], $0x400, $0x38;
	[tilespmem:$0x19800] =	vst v63  }
0x13: {  	_ = 	snop  }
0x14: {  	[tilespmem:s10], [sflag:$0x7] =	stream.linear.gather [hbm4b:s6+s4], $0x400, $0x38;
	[tilespmem:$0x19800] =	vst v63  }
0x15: {  	_ = 	snop  }
0x16: {  	[tilespmem:s11], [sflag:$0x7] =	stream.linear.gather [hbm4b:s7+s4], $0x400, $0x38;
	[tilespmem:$0x19800] =	vst v63  }
0x17: {  	_ =	swait.ge [sflag:s12], $0x400  }
0x18: {  	[sflag:s12] =	ssyncset.done $0x0  }
0x19: {  	[sflag:s12] =	ssyncadd.s32 $0xFFFFFC00  }
0x1a: {  	_ =	swait.ge [sflag:s12], $0x400  }
0x1b: {  	[sflag:s12] =	ssyncset.done $0x0  }
0x1c: {  	[sflag:s12] =	ssyncadd.s32 $0xFFFFFC00  }
0x1d: {  	_ =	swait.ge [sflag:s12], $0x400  }
0x1e: {  	[sflag:s12] =	ssyncset.done $0x0  }
0x1f: {  	[sflag:s12] =	ssyncadd.s32 $0xFFFFFC00  }
0x20: {  	[tilespmem:s14], [sflag:$0x1] =	stream.indirect.gather [hbm4b:s1+s13], $0x80, s4, s13, $0xb8;
	[tilespmem:$0x19800] =	vst v63  }
0x21: {  	s0 =	simm.s32 $0xCC00  }
0x22: {  	[tilespmem:s0], [sflag:$0x4] =	stream.indirect.gather [hbm4b:s1+s13], $0x80, s11, s13, $0xb8;
	[tilespmem:$0x19800] =	vst v63  }
0x23: {  	_ = 	snop  }
0x24: {  	[tilespmem:s16], [sflag:$0x2] =	stream.indirect.gather [hbm4b:s1+s13], $0x80, s13, s13, $0xb8;
	[tilespmem:$0x19800] =	vst v63  }
0x25: {  	s25 =	simm.s32 $0x880  }
0x26: {  	[tilespmem:s18], [sflag:$0x5] =	stream.indirect.gather [hbm4b:s1+s13], $0x80, s25, s13, $0xb8;
	[tilespmem:$0x19800] =	vst v63  }
0x27: {  	_ =	swait.ge [sflag:s19], $0x4000  }
0x28: {  	[sflag:s19] =	ssyncset.done $0x0  }
0x29: {  	[sflag:s19] =	ssyncadd.s32 $0xFFFFC000  }
0x2a: {  	[tilespmem:s14], [sflag:$0x1] =	stream.indirect.gather.add.f32 [hbm:s2], $0x80, s10, s13, $0xb8;
	[tilespmem:$0x19800] =	vst v63  }
0x2b: {  	_ =	swait.ge [sflag:s20], $0x4000  }
0x2c: {  	[sflag:s20] =	ssyncset.done $0x0  }
0x2d: {  	s3 =	simm.s32 $0x480;
	[sflag:s20] =	ssyncadd.s32 $0xFFFFC000  }
0x2e: {  	[tilespmem:s16], [sflag:$0x2] =	stream.indirect.gather.add.f32 [hbm:s2], $0x80, s3, s13, $0xb8;
	[tilespmem:$0x19800] =	vst v63  }
0x2f: {  	_ =	swait.ge [sflag:s19], $0x4000  }
0x30: {  	[sflag:s19] =	ssyncset.done $0x0  }
0x31: {  	[sflag:s19] =	ssyncadd.s32 $0xFFFFC000  }
0x32: {  	_ =	swait.ge [sflag:s22], $0x4000  }
0x33: {  	[sflag:s22] =	ssyncset.done $0x0  }
0x34: {  	s23 =	simm.s32 $0x100;
	[sflag:s22] =	ssyncadd.s32 $0xFFFFC000  }
0x35: {  	[tilespmem:s24], [sflag:$0x3] =	stream.indirect.gather [hbm4b:s1+s13], $0x80, s23, s13, $0xb8;
	[tilespmem:$0x19800] =	vst v63  }
0x36: {  	s25 =	simm.s32 $0x900  }
0x37: {  	[tilespmem:s26], [sflag:$0x6] =	stream.indirect.gather [hbm4b:s1+s13], $0x80, s25, s13, $0xb8;
	[tilespmem:$0x19800] =	vst v63  }
0x38: {  	s30 =	simm.s32 $0x0;
	s23 =	simm.s32 $0xC40;
	s25 =	simm.s32 $0xCC70  }
.LBB2_2:
0x39: {  	v16 =	vmov s25  }
0x3a: {  	v17 =	vmov s23;
	_ =	sdelay $0x2  }
0x3b: {  	s0 =	simm.s32 $0x0  }
0x3c: {  	v18 =	vld.idx.msk [tilespmem:v16+s0+$0xFFFFFF90 ss:$0x1], $0xffff  }
0x3d: {  	v19 =	vld.idx.msk [tilespmem:v17+s0+$0xFFFFFFC0 ss:$0x1], $0xffff  }
0x3e: {  	v20 =	vld.idx.msk [tilespmem:v17+s0+$0x0 ss:$0x1], $0xffff  }
0x3f: {  	v22 =	vld.idx.msk [tilespmem:v16+s0+$0xFFFFFFD0 ss:$0x1], $0xffff  }
0x40: {  	v23 =	vld.idx.msk [tilespmem:v17+s0+$0xFFFFFFD0 ss:$0x1], $0xffff  }
0x41: {  	v26 =	vld.idx.msk [tilespmem:v16+s0+$0xFFFFFFA0 ss:$0x1], $0xffff  }
0x42: {  	v21 =	vld.idx.msk [tilespmem:v17+s0+$0x10 ss:$0x1], $0xffff  }
0x43: {  	v25 =	vld.idx.msk [tilespmem:v16+s0+$0xFFFFFFE0 ss:$0x1], $0xffff  }
0x44: {  	v24 =	vld.idx.msk [tilespmem:v17+s0+$0xFFFFFFE0 ss:$0x1], $0xffff  }
0x45: {  	v27 =	vld.idx.msk [tilespmem:v16+s0+$0xFFFFFFB0 ss:$0x1], $0xffff  }
0x46: {  	v28 =	vld.idx.msk [tilespmem:v17+s0+$0x20 ss:$0x1], $0xffff  }
0x47: {  	v29 =	vld.idx.msk [tilespmem:v16+s0+$0xFFFFFFF0 ss:$0x1], $0xffff  }
0x48: {  	v30 =	vld.idx.msk [tilespmem:v17+s0+$0xFFFFFFF0 ss:$0x1], $0xffff  }
0x49: {  	v32 =	vld.idx.msk [tilespmem:v16+s0+$0xFFFFFFC0 ss:$0x1], $0xffff  }
0x4a: {  	s3 =	simm.s32 $0x200;
	v31 =	vld.idx.msk [tilespmem:v17+s0+$0x30 ss:$0x1], $0xffff  }
.LBB2_3:
0x4b: {  	p0 =	sne.s32 s3, $0x1E00;
	v33 =	vld.idx.msk [tilespmem:v16+s0+$0x0 ss:$0x1], $0xffff;
	_ =	sdelay $0x1  }
0x4c: {  	v18 =	vsub.f32 v19, v18;
	v19 =	vsub.f32 v20, v22  }
0x4d: {  	v20 =	vsub.f32 v23, v26  }
0x4e: {  	v21 =	vsub.f32 v21, v25;
	v18 =	vmul.f32 v18, v18;
	v19 =	vmul.f32 v19, v19  }
0x4f: {  	v22 =	vsub.f32 v24, v27;
	v23 =	vsub.f32 v28, v29;
	v20 =	vmul.f32 v20, v20  }
0x50: {  	v21 =	vmul.f32 v21, v21;
	v24 =	vsub.f32 v30, v32;
	v25 =	vsub.f32 v31, v33  }
0x51: {  	v22 =	vmul.f32 v22, v22;
	v23 =	vmul.f32 v23, v23  }
0x52: {  	v24 =	vmul.f32 v24, v24;
	v25 =	vmul.f32 v25, v25  }
0x53: {  	v18 =	vadd.f32 v19, v18;
	v19 =	vadd.f32 v21, v20  }
0x54: {  	v20 =	vadd.f32 v23, v22;
	v21 =	vadd.f32 v25, v24;
	_ =	sdelay $0x1  }
0x55: {  	v18 =	vadd.f32 v19, v18;
	v19 =	vadd.f32 v21, v20;
	_ =	sdelay $0x1  }
0x56: {  	v18 =	vadd.f32 v19, v18;
	_ =	sdelay $0x1  }
0x57: {  	[tilespmem:s0+$0x18C00] =	vst v18;
	s0 =	sshra.s32 s3, $0x2  }
0x58: {  	v18 =	vld.idx.msk [tilespmem:v16+s0+$0xFFFFFF90 ss:$0x1], $0xffff  }
0x59: {  	v19 =	vld.idx.msk [tilespmem:v17+s0+$0xFFFFFFC0 ss:$0x1], $0xffff  }
0x5a: {  	v20 =	vld.idx.msk [tilespmem:v17+s0+$0x0 ss:$0x1], $0xffff  }
0x5b: {  	v22 =	vld.idx.msk [tilespmem:v16+s0+$0xFFFFFFD0 ss:$0x1], $0xffff  }
0x5c: {  	v23 =	vld.idx.msk [tilespmem:v17+s0+$0xFFFFFFD0 ss:$0x1], $0xffff  }
0x5d: {  	v26 =	vld.idx.msk [tilespmem:v16+s0+$0xFFFFFFA0 ss:$0x1], $0xffff  }
0x5e: {  	v21 =	vld.idx.msk [tilespmem:v17+s0+$0x10 ss:$0x1], $0xffff  }
0x5f: {  	v25 =	vld.idx.msk [tilespmem:v16+s0+$0xFFFFFFE0 ss:$0x1], $0xffff  }
0x60: {  	v24 =	vld.idx.msk [tilespmem:v17+s0+$0xFFFFFFE0 ss:$0x1], $0xffff  }
0x61: {  	v27 =	vld.idx.msk [tilespmem:v16+s0+$0xFFFFFFB0 ss:$0x1], $0xffff  }
.Ltmp0:
0x62: {  	v28 =	vld.idx.msk [tilespmem:v17+s0+$0x20 ss:$0x1], $0xffff;
	(pc) =	sbr.rel @p0 .LBB2_3-.Ltmp0, $4  }
0x63: {  	v29 =	vld.idx.msk [tilespmem:v16+s0+$0xFFFFFFF0 ss:$0x1], $0xffff  }
0x64: {  	v30 =	vld.idx.msk [tilespmem:v17+s0+$0xFFFFFFF0 ss:$0x1], $0xffff  }
0x65: {  	v32 =	vld.idx.msk [tilespmem:v16+s0+$0xFFFFFFC0 ss:$0x1], $0xffff  }
0x66: {  	s3 =	sadd.s32 $0x200, s3;
	v31 =	vld.idx.msk [tilespmem:v17+s0+$0x30 ss:$0x1], $0xffff  }
0x67: {  	_ =	sdelay $0x3  }
0x68: {  	v16 =	vld.idx.msk [tilespmem:v16+s0+$0x0 ss:$0x1], $0xffff  }
0x69: {  	v17 =	vsub.f32 v19, v18  }
0x6a: {  	v44 =	vsub.f32 v20, v22;
	v45 =	vsub.f32 v23, v26  }
0x6b: {  	v46 =	vsub.f32 v21, v25;
	v47 =	vsub.f32 v24, v27;
	v17 =	vmul.f32 v17, v17  }
0x6c: {  	v48 =	vsub.f32 v28, v29;
	v18 =	vmul.f32 v44, v44;
	v19 =	vmul.f32 v45, v45  }
0x6d: {  	v20 =	vmul.f32 v46, v46;
	v49 =	vsub.f32 v30, v32;
	v16 =	vsub.f32 v31, v16  }
0x6e: {  	v21 =	vmul.f32 v47, v47;
	v22 =	vmul.f32 v48, v48  }
0x6f: {  	v23 =	vmul.f32 v49, v49;
	v16 =	vmul.f32 v16, v16  }
0x70: {  	v17 =	vadd.f32 v18, v17;
	v50 =	vadd.f32 v20, v19  }
0x71: {  	v51 =	vadd.f32 v22, v21;
	v16 =	vadd.f32 v16, v23;
	_ =	sdelay $0x1  }
0x72: {  	v17 =	vadd.f32 v50, v17;
	v16 =	vadd.f32 v16, v51;
	_ =	sdelay $0x1  }
0x73: {  	v16 =	vadd.f32 v16, v17;
	_ =	sdelay $0x1  }
0x74: {  	[tilespmem:s0+$0x18C00] =	vst v16  }
0x75: {  	v16 =	vld.idx.msk [tilespmem:v0+s28+$0x0], $0xffff;
	_ =	sdelay $0x1  }
0x76: {  	v17 =	vld.idx.msk [tilespmem:v1+s28+$0x0], $0xffff;
	_ =	sdelay $0x1  }
0x77: {  	v52 =	vld.idx.msk [tilespmem:v2+s28+$0x0], $0xffff  }
0x78: {  	v16 =	vadd.f32 $0.0e+00, v16  }
0x79: {  	v53 =	vld.idx.msk [tilespmem:v3+s28+$0x0], $0xffff  }
0x7a: {  	v16 =	vadd.f32 v17, v16  }
0x7b: {  	v17 =	vld.idx.msk [tilespmem:v4+s28+$0x0], $0xffff  }
0x7c: {  	v16 =	vadd.f32 v52, v16  }
0x7d: {  	v54 =	vld.idx.msk [tilespmem:v5+s28+$0x0], $0xffff  }
0x7e: {  	v16 =	vadd.f32 v53, v16  }
0x7f: {  	v55 =	vld.idx.msk [tilespmem:v6+s28+$0x0], $0xffff  }
0x80: {  	v16 =	vadd.f32 v17, v16  }
0x81: {  	v17 =	vld.idx.msk [tilespmem:v7+s28+$0x0], $0xffff  }
0x82: {  	v16 =	vadd.f32 v54, v16  }
0x83: {  	v56 =	vld.idx.msk [tilespmem:v8+s28+$0x0], $0xffff  }
0x84: {  	v16 =	vadd.f32 v55, v16  }
0x85: {  	v57 =	vld.idx.msk [tilespmem:v9+s28+$0x0], $0xffff  }
0x86: {  	v16 =	vadd.f32 v17, v16  }
0x87: {  	v17 =	vld.idx.msk [tilespmem:v10+s28+$0x0], $0xffff  }
0x88: {  	v16 =	vadd.f32 v56, v16  }
0x89: {  	v58 =	vld.idx.msk [tilespmem:v11+s28+$0x0], $0xffff  }
0x8a: {  	v16 =	vadd.f32 v57, v16  }
0x8b: {  	v59 =	vld.idx.msk [tilespmem:v12+s28+$0x0], $0xffff  }
0x8c: {  	v16 =	vadd.f32 v17, v16  }
0x8d: {  	v17 =	vld.idx.msk [tilespmem:v13+s28+$0x0], $0xffff  }
0x8e: {  	v16 =	vadd.f32 v58, v16  }
0x8f: {  	v60 =	vld.idx.msk [tilespmem:v14+s28+$0x0], $0xffff  }
0x90: {  	v16 =	vadd.f32 v59, v16  }
0x91: {  	v61 =	vld.idx.msk [tilespmem:v15+s28+$0x0], $0xffff  }
0x92: {  	v16 =	vadd.f32 v17, v16;
	_ =	sdelay $0x1  }
0x93: {  	v16 =	vadd.f32 v60, v16;
	_ =	sdelay $0x1  }
0x94: {  	v16 =	vadd.f32 v61, v16;
	_ =	sdelay $0x1  }
0x95: {  	v16 =	vmax.f32 v16, $1.000000000e-30  }
0x96: {  	v17 =	vshra.s32 v16, $0x1;
	v62 =	vmul.f32 $5.000000000e-01, v16  }
0x97: {  	v17 =	vsub.s32 $0x5F3759DF, v17  }
0x98: {  	v63 =	vmul.f32 v17, v62;
	_ =	sdelay $0x1  }
0x99: {  	v19 =	vmul.f32 v17, v63;
	_ =	sdelay $0x1  }
0x9a: {  	v19 =	vsub.f32 $1.500000000e+00, v19;
	_ =	sdelay $0x1  }
0x9b: {  	v17 =	vmul.f32 v17, v19;
	_ =	sdelay $0x1  }
0x9c: {  	v19 =	vmul.f32 v17, v62;
	_ =	sdelay $0x1  }
0x9d: {  	v19 =	vmul.f32 v19, v17;
	_ =	sdelay $0x1  }
0x9e: {  	v19 =	vsub.f32 $1.500000000e+00, v19;
	_ =	sdelay $0x1  }
0x9f: {  	v17 =	vmul.f32 v19, v17;
	_ =	sdelay $0x1  }
0xa0: {  	v18 =	vmul.f32 v17, v62;
	_ =	sdelay $0x1  }
0xa1: {  	v18 =	vmul.f32 v18, v17;
	_ =	sdelay $0x1  }
0xa2: {  	s3 =	sshll.u32 s30, $0x4;
	s30 =	sadd.s32 $0x1, s30;
	v18 =	vsub.f32 $1.500000000e+00, v18  }
0xa3: {  	p0 =	sne.s32 s30, $0x8  }
.Ltmp1:
0xa4: {  	v17 =	vmul.f32 v18, v17;
	(pc) =	sbr.rel @p0 .LBB2_2-.Ltmp1, $4  }
0xa5: {  	_ = 	snop  }
0xa6: {  	v16 =	vmul.f32 v17, v16  }
0xa7: {  	s0 =	sand.u32 $0x3FFFFFF0, s3  }
0xa8: {  	s23 =	sadd.s32 $0x800, s23;
	s25 =	sadd.s32 $0x800, s25;
	[tilespmem:s0+$0x19400] =	vst v16  }
0xa9: {  	_ =	swait.ge [sflag:s29], $0x4000  }
0xaa: {  	[sflag:s29] =	ssyncset.done $0x0  }
0xab: {  	s0 =	simm.s32 $0x500;
	[sflag:s29] =	ssyncadd.s32 $0xFFFFC000  }
0xac: {  	[tilespmem:s24], [sflag:$0x3] =	stream.indirect.gather.add.f32 [hbm:s2], $0x80, s0, s13, $0xb8;
	[tilespmem:$0x19800] =	vst v63  }
0xad: {  	_ =	swait.ge [sflag:s20], $0x4000  }
0xae: {  	[sflag:s20] =	ssyncset.done $0x0  }
0xaf: {  	[sflag:s20] =	ssyncadd.s32 $0xFFFFC000  }
0xb0: {  	_ =	swait.ge [sflag:s31], $0x4000  }
0xb1: {  	[sflag:s31] =	ssyncset.done $0x0  }
0xb2: {  	s23 =	simm.s32 $0xC00;
	s25 =	simm.s32 $0x180;
	[sflag:s31] =	ssyncadd.s32 $0xFFFFC000  }
0xb3: {  	[tilespmem:s23], [sflag:$0x1] =	stream.indirect.gather [hbm4b:s1+s13], $0x80, s25, s13, $0xb8;
	[tilespmem:$0x19800] =	vst v63  }
0xb4: {  	s3 =	simm.s32 $0x980;
	s30 =	simm.s32 $0x0;
	s25 =	simm.s32 $0xCC00  }
0xb5: {  	[tilespmem:s25], [sflag:$0x4] =	stream.indirect.gather [hbm4b:s1+s13], $0x80, s3, s13, $0xb8;
	[tilespmem:$0x19800] =	vst v63  }
.LBB2_6:
0xb6: {  	v16 =	vmov s25  }
0xb7: {  	v17 =	vmov s23;
	_ =	sdelay $0x2  }
0xb8: {  	s0 =	simm.s32 $0x0  }
0xb9: {  	v18 =	vld.idx.msk [tilespmem:v16+s0+$0x4000 ss:$0x1], $0xffff  }
0xba: {  	v19 =	vld.idx.msk [tilespmem:v17+s0+$0x4000 ss:$0x1], $0xffff  }
0xbb: {  	v20 =	vld.idx.msk [tilespmem:v17+s0+$0x4040 ss:$0x1], $0xffff  }
0xbc: {  	v22 =	vld.idx.msk [tilespmem:v16+s0+$0x4040 ss:$0x1], $0xffff  }
0xbd: {  	v23 =	vld.idx.msk [tilespmem:v17+s0+$0x4010 ss:$0x1], $0xffff  }
0xbe: {  	v26 =	vld.idx.msk [tilespmem:v16+s0+$0x4010 ss:$0x1], $0xffff  }
0xbf: {  	v21 =	vld.idx.msk [tilespmem:v17+s0+$0x4050 ss:$0x1], $0xffff  }
0xc0: {  	v25 =	vld.idx.msk [tilespmem:v16+s0+$0x4050 ss:$0x1], $0xffff  }
0xc1: {  	v24 =	vld.idx.msk [tilespmem:v17+s0+$0x4020 ss:$0x1], $0xffff  }
0xc2: {  	v27 =	vld.idx.msk [tilespmem:v16+s0+$0x4020 ss:$0x1], $0xffff  }
0xc3: {  	v28 =	vld.idx.msk [tilespmem:v17+s0+$0x4060 ss:$0x1], $0xffff  }
0xc4: {  	v29 =	vld.idx.msk [tilespmem:v16+s0+$0x4060 ss:$0x1], $0xffff  }
0xc5: {  	v30 =	vld.idx.msk [tilespmem:v17+s0+$0x4030 ss:$0x1], $0xffff  }
0xc6: {  	v32 =	vld.idx.msk [tilespmem:v16+s0+$0x4030 ss:$0x1], $0xffff  }
0xc7: {  	s3 =	simm.s32 $0x200;
	v31 =	vld.idx.msk [tilespmem:v17+s0+$0x4070 ss:$0x1], $0xffff  }
.LBB2_7:
0xc8: {  	p0 =	sne.s32 s3, $0x1E00;
	v33 =	vld.idx.msk [tilespmem:v16+s0+$0x4070 ss:$0x1], $0xffff;
	_ =	sdelay $0x1  }
0xc9: {  	v18 =	vsub.f32 v19, v18;
	v19 =	vsub.f32 v20, v22  }
0xca: {  	v20 =	vsub.f32 v23, v26  }
0xcb: {  	v21 =	vsub.f32 v21, v25;
	v18 =	vmul.f32 v18, v18;
	v19 =	vmul.f32 v19, v19  }
0xcc: {  	v22 =	vsub.f32 v24, v27;
	v23 =	vsub.f32 v28, v29;
	v20 =	vmul.f32 v20, v20  }
0xcd: {  	v21 =	vmul.f32 v21, v21;
	v24 =	vsub.f32 v30, v32;
	v25 =	vsub.f32 v31, v33  }
0xce: {  	v22 =	vmul.f32 v22, v22;
	v23 =	vmul.f32 v23, v23  }
0xcf: {  	v24 =	vmul.f32 v24, v24;
	v25 =	vmul.f32 v25, v25  }
0xd0: {  	v18 =	vadd.f32 v19, v18;
	v19 =	vadd.f32 v21, v20  }
0xd1: {  	v20 =	vadd.f32 v23, v22;
	v21 =	vadd.f32 v25, v24;
	_ =	sdelay $0x1  }
0xd2: {  	v18 =	vadd.f32 v19, v18;
	v19 =	vadd.f32 v21, v20;
	_ =	sdelay $0x1  }
0xd3: {  	v18 =	vadd.f32 v19, v18;
	_ =	sdelay $0x1  }
0xd4: {  	[tilespmem:s0+$0x18C00] =	vst v18;
	s0 =	sshra.s32 s3, $0x2  }
0xd5: {  	v18 =	vld.idx.msk [tilespmem:v16+s0+$0x4000 ss:$0x1], $0xffff  }
0xd6: {  	v19 =	vld.idx.msk [tilespmem:v17+s0+$0x4000 ss:$0x1], $0xffff  }
0xd7: {  	v20 =	vld.idx.msk [tilespmem:v17+s0+$0x4040 ss:$0x1], $0xffff  }
0xd8: {  	v22 =	vld.idx.msk [tilespmem:v16+s0+$0x4040 ss:$0x1], $0xffff  }
0xd9: {  	v23 =	vld.idx.msk [tilespmem:v17+s0+$0x4010 ss:$0x1], $0xffff  }
0xda: {  	v26 =	vld.idx.msk [tilespmem:v16+s0+$0x4010 ss:$0x1], $0xffff  }
0xdb: {  	v21 =	vld.idx.msk [tilespmem:v17+s0+$0x4050 ss:$0x1], $0xffff  }
0xdc: {  	v25 =	vld.idx.msk [tilespmem:v16+s0+$0x4050 ss:$0x1], $0xffff  }
0xdd: {  	v24 =	vld.idx.msk [tilespmem:v17+s0+$0x4020 ss:$0x1], $0xffff  }
0xde: {  	v27 =	vld.idx.msk [tilespmem:v16+s0+$0x4020 ss:$0x1], $0xffff  }
.Ltmp2:
0xdf: {  	v28 =	vld.idx.msk [tilespmem:v17+s0+$0x4060 ss:$0x1], $0xffff;
	(pc) =	sbr.rel @p0 .LBB2_7-.Ltmp2, $4  }
0xe0: {  	v29 =	vld.idx.msk [tilespmem:v16+s0+$0x4060 ss:$0x1], $0xffff  }
0xe1: {  	v30 =	vld.idx.msk [tilespmem:v17+s0+$0x4030 ss:$0x1], $0xffff  }
0xe2: {  	v32 =	vld.idx.msk [tilespmem:v16+s0+$0x4030 ss:$0x1], $0xffff  }
0xe3: {  	s3 =	sadd.s32 $0x200, s3;
	v31 =	vld.idx.msk [tilespmem:v17+s0+$0x4070 ss:$0x1], $0xffff  }
0xe4: {  	_ =	sdelay $0x3  }
0xe5: {  	v16 =	vld.idx.msk [tilespmem:v16+s0+$0x4070 ss:$0x1], $0xffff  }
0xe6: {  	v17 =	vsub.f32 v19, v18  }
0xe7: {  	v44 =	vsub.f32 v20, v22;
	v45 =	vsub.f32 v23, v26  }
0xe8: {  	v46 =	vsub.f32 v21, v25;
	v47 =	vsub.f32 v24, v27;
	v17 =	vmul.f32 v17, v17  }
0xe9: {  	v48 =	vsub.f32 v28, v29;
	v18 =	vmul.f32 v44, v44;
	v19 =	vmul.f32 v45, v45  }
0xea: {  	v20 =	vmul.f32 v46, v46;
	v49 =	vsub.f32 v30, v32;
	v16 =	vsub.f32 v31, v16  }
0xeb: {  	v21 =	vmul.f32 v47, v47;
	v22 =	vmul.f32 v48, v48  }
0xec: {  	v23 =	vmul.f32 v49, v49;
	v16 =	vmul.f32 v16, v16  }
0xed: {  	v17 =	vadd.f32 v18, v17;
	v50 =	vadd.f32 v20, v19  }
0xee: {  	v51 =	vadd.f32 v22, v21;
	v16 =	vadd.f32 v16, v23;
	_ =	sdelay $0x1  }
0xef: {  	v17 =	vadd.f32 v50, v17;
	v16 =	vadd.f32 v16, v51;
	_ =	sdelay $0x1  }
0xf0: {  	v16 =	vadd.f32 v16, v17;
	_ =	sdelay $0x1  }
0xf1: {  	[tilespmem:s0+$0x18C00] =	vst v16  }
0xf2: {  	v16 =	vld.idx.msk [tilespmem:v0+s28+$0x0], $0xffff;
	_ =	sdelay $0x1  }
0xf3: {  	v17 =	vld.idx.msk [tilespmem:v1+s28+$0x0], $0xffff;
	_ =	sdelay $0x1  }
0xf4: {  	v52 =	vld.idx.msk [tilespmem:v2+s28+$0x0], $0xffff  }
0xf5: {  	v16 =	vadd.f32 $0.0e+00, v16  }
0xf6: {  	v53 =	vld.idx.msk [tilespmem:v3+s28+$0x0], $0xffff  }
0xf7: {  	v16 =	vadd.f32 v17, v16  }
0xf8: {  	v17 =	vld.idx.msk [tilespmem:v4+s28+$0x0], $0xffff  }
0xf9: {  	v16 =	vadd.f32 v52, v16  }
0xfa: {  	v54 =	vld.idx.msk [tilespmem:v5+s28+$0x0], $0xffff  }
0xfb: {  	v16 =	vadd.f32 v53, v16  }
0xfc: {  	v55 =	vld.idx.msk [tilespmem:v6+s28+$0x0], $0xffff  }
0xfd: {  	v16 =	vadd.f32 v17, v16  }
0xfe: {  	v17 =	vld.idx.msk [tilespmem:v7+s28+$0x0], $0xffff  }
0xff: {  	v16 =	vadd.f32 v54, v16  }
0x100: {  	v56 =	vld.idx.msk [tilespmem:v8+s28+$0x0], $0xffff  }
0x101: {  	v16 =	vadd.f32 v55, v16  }
0x102: {  	v57 =	vld.idx.msk [tilespmem:v9+s28+$0x0], $0xffff  }
0x103: {  	v16 =	vadd.f32 v17, v16  }
0x104: {  	v17 =	vld.idx.msk [tilespmem:v10+s28+$0x0], $0xffff  }
0x105: {  	v16 =	vadd.f32 v56, v16  }
0x106: {  	v58 =	vld.idx.msk [tilespmem:v11+s28+$0x0], $0xffff  }
0x107: {  	v16 =	vadd.f32 v57, v16  }
0x108: {  	v59 =	vld.idx.msk [tilespmem:v12+s28+$0x0], $0xffff  }
0x109: {  	v16 =	vadd.f32 v17, v16  }
0x10a: {  	v17 =	vld.idx.msk [tilespmem:v13+s28+$0x0], $0xffff  }
0x10b: {  	v16 =	vadd.f32 v58, v16  }
0x10c: {  	v60 =	vld.idx.msk [tilespmem:v14+s28+$0x0], $0xffff  }
0x10d: {  	v16 =	vadd.f32 v59, v16  }
0x10e: {  	v61 =	vld.idx.msk [tilespmem:v15+s28+$0x0], $0xffff  }
0x10f: {  	v16 =	vadd.f32 v17, v16;
	_ =	sdelay $0x1  }
0x110: {  	v16 =	vadd.f32 v60, v16;
	_ =	sdelay $0x1  }
0x111: {  	v16 =	vadd.f32 v61, v16;
	_ =	sdelay $0x1  }
0x112: {  	v16 =	vmax.f32 v16, $1.000000000e-30  }
0x113: {  	v17 =	vshra.s32 v16, $0x1;
	v62 =	vmul.f32 $5.000000000e-01, v16  }
0x114: {  	v17 =	vsub.s32 $0x5F3759DF, v17  }
0x115: {  	v63 =	vmul.f32 v17, v62;
	_ =	sdelay $0x1  }
0x116: {  	v19 =	vmul.f32 v17, v63;
	_ =	sdelay $0x1  }
0x117: {  	v19 =	vsub.f32 $1.500000000e+00, v19;
	_ =	sdelay $0x1  }
0x118: {  	v17 =	vmul.f32 v17, v19;
	_ =	sdelay $0x1  }
0x119: {  	v19 =	vmul.f32 v17, v62;
	_ =	sdelay $0x1  }
0x11a: {  	v19 =	vmul.f32 v19, v17;
	_ =	sdelay $0x1  }
0x11b: {  	v19 =	vsub.f32 $1.500000000e+00, v19;
	_ =	sdelay $0x1  }
0x11c: {  	v17 =	vmul.f32 v19, v17;
	_ =	sdelay $0x1  }
0x11d: {  	v18 =	vmul.f32 v17, v62;
	_ =	sdelay $0x1  }
0x11e: {  	v18 =	vmul.f32 v18, v17;
	_ =	sdelay $0x1  }
0x11f: {  	s3 =	sshll.u32 s30, $0x4;
	s30 =	sadd.s32 $0x1, s30;
	v18 =	vsub.f32 $1.500000000e+00, v18  }
0x120: {  	p0 =	sne.s32 s30, $0x8  }
.Ltmp3:
0x121: {  	v17 =	vmul.f32 v18, v17;
	(pc) =	sbr.rel @p0 .LBB2_6-.Ltmp3, $4  }
0x122: {  	_ = 	snop  }
0x123: {  	v16 =	vmul.f32 v17, v16  }
0x124: {  	s0 =	sand.u32 $0x3FFFFFF0, s3  }
0x125: {  	s23 =	sadd.s32 $0x800, s23;
	s25 =	sadd.s32 $0x800, s25;
	[tilespmem:s0+$0x19480] =	vst v16  }
0x126: {  	_ =	swait.ge [sflag:s19], $0x4000  }
0x127: {  	[sflag:s19] =	ssyncset.done $0x0  }
0x128: {  	s23 =	simm.s32 $0xC00;
	s0 =	simm.s32 $0x580;
	[sflag:s19] =	ssyncadd.s32 $0xFFFFC000  }
0x129: {  	[tilespmem:s23], [sflag:$0x1] =	stream.indirect.gather.add.f32 [hbm:s2], $0x80, s0, s13, $0xb8;
	[tilespmem:$0x19800] =	vst v63  }
0x12a: {  	_ =	swait.ge [sflag:s29], $0x4000  }
0x12b: {  	[sflag:s29] =	ssyncset.done $0x0  }
0x12c: {  	[sflag:s29] =	ssyncadd.s32 $0xFFFFC000  }
0x12d: {  	_ =	swait.ge [sflag:s17], $0x4000  }
0x12e: {  	[sflag:s17] =	ssyncset.done $0x0  }
0x12f: {  	s3 =	simm.s32 $0x200;
	[sflag:s17] =	ssyncadd.s32 $0xFFFFC000  }
0x130: {  	[tilespmem:s16], [sflag:$0x2] =	stream.indirect.gather [hbm4b:s1+s13], $0x80, s3, s13, $0xb8;
	[tilespmem:$0x19800] =	vst v63  }
0x131: {  	s25 =	simm.s32 $0xA00  }
0x132: {  	[tilespmem:s18], [sflag:$0x5] =	stream.indirect.gather [hbm4b:s1+s13], $0x80, s25, s13, $0xb8;
	[tilespmem:$0x19800] =	vst v63  }
0x133: {  	s30 =	simm.s32 $0xCC00;
	s25 =	simm.s32 $0x0  }
.LBB2_10:
0x134: {  	v16 =	vmov s30  }
0x135: {  	v17 =	vmov s23;
	_ =	sdelay $0x2  }
0x136: {  	s0 =	simm.s32 $0x0  }
0x137: {  	v18 =	vld.idx.msk [tilespmem:v16+s0+$0x8000 ss:$0x1], $0xffff  }
0x138: {  	v19 =	vld.idx.msk [tilespmem:v17+s0+$0x8000 ss:$0x1], $0xffff  }
0x139: {  	v20 =	vld.idx.msk [tilespmem:v17+s0+$0x8040 ss:$0x1], $0xffff  }
0x13a: {  	v22 =	vld.idx.msk [tilespmem:v16+s0+$0x8040 ss:$0x1], $0xffff  }
0x13b: {  	v23 =	vld.idx.msk [tilespmem:v17+s0+$0x8010 ss:$0x1], $0xffff  }
0x13c: {  	v26 =	vld.idx.msk [tilespmem:v16+s0+$0x8010 ss:$0x1], $0xffff  }
0x13d: {  	v21 =	vld.idx.msk [tilespmem:v17+s0+$0x8050 ss:$0x1], $0xffff  }
0x13e: {  	v25 =	vld.idx.msk [tilespmem:v16+s0+$0x8050 ss:$0x1], $0xffff  }
0x13f: {  	v24 =	vld.idx.msk [tilespmem:v17+s0+$0x8020 ss:$0x1], $0xffff  }
0x140: {  	v27 =	vld.idx.msk [tilespmem:v16+s0+$0x8020 ss:$0x1], $0xffff  }
0x141: {  	v28 =	vld.idx.msk [tilespmem:v17+s0+$0x8060 ss:$0x1], $0xffff  }
0x142: {  	v29 =	vld.idx.msk [tilespmem:v16+s0+$0x8060 ss:$0x1], $0xffff  }
0x143: {  	v30 =	vld.idx.msk [tilespmem:v17+s0+$0x8030 ss:$0x1], $0xffff  }
0x144: {  	v32 =	vld.idx.msk [tilespmem:v16+s0+$0x8030 ss:$0x1], $0xffff  }
0x145: {  	s3 =	simm.s32 $0x200;
	v31 =	vld.idx.msk [tilespmem:v17+s0+$0x8070 ss:$0x1], $0xffff  }
.LBB2_11:
0x146: {  	p0 =	sne.s32 s3, $0x1E00;
	v33 =	vld.idx.msk [tilespmem:v16+s0+$0x8070 ss:$0x1], $0xffff;
	_ =	sdelay $0x1  }
0x147: {  	v18 =	vsub.f32 v19, v18;
	v19 =	vsub.f32 v20, v22  }
0x148: {  	v20 =	vsub.f32 v23, v26  }
0x149: {  	v21 =	vsub.f32 v21, v25;
	v18 =	vmul.f32 v18, v18;
	v19 =	vmul.f32 v19, v19  }
0x14a: {  	v22 =	vsub.f32 v24, v27;
	v23 =	vsub.f32 v28, v29;
	v20 =	vmul.f32 v20, v20  }
0x14b: {  	v21 =	vmul.f32 v21, v21;
	v24 =	vsub.f32 v30, v32;
	v25 =	vsub.f32 v31, v33  }
0x14c: {  	v22 =	vmul.f32 v22, v22;
	v23 =	vmul.f32 v23, v23  }
0x14d: {  	v24 =	vmul.f32 v24, v24;
	v25 =	vmul.f32 v25, v25  }
0x14e: {  	v18 =	vadd.f32 v19, v18;
	v19 =	vadd.f32 v21, v20  }
0x14f: {  	v20 =	vadd.f32 v23, v22;
	v21 =	vadd.f32 v25, v24;
	_ =	sdelay $0x1  }
0x150: {  	v18 =	vadd.f32 v19, v18;
	v19 =	vadd.f32 v21, v20;
	_ =	sdelay $0x1  }
0x151: {  	v18 =	vadd.f32 v19, v18;
	_ =	sdelay $0x1  }
0x152: {  	[tilespmem:s0+$0x18C00] =	vst v18;
	s0 =	sshra.s32 s3, $0x2  }
0x153: {  	v18 =	vld.idx.msk [tilespmem:v16+s0+$0x8000 ss:$0x1], $0xffff  }
0x154: {  	v19 =	vld.idx.msk [tilespmem:v17+s0+$0x8000 ss:$0x1], $0xffff  }
0x155: {  	v20 =	vld.idx.msk [tilespmem:v17+s0+$0x8040 ss:$0x1], $0xffff  }
0x156: {  	v22 =	vld.idx.msk [tilespmem:v16+s0+$0x8040 ss:$0x1], $0xffff  }
0x157: {  	v23 =	vld.idx.msk [tilespmem:v17+s0+$0x8010 ss:$0x1], $0xffff  }
0x158: {  	v26 =	vld.idx.msk [tilespmem:v16+s0+$0x8010 ss:$0x1], $0xffff  }
0x159: {  	v21 =	vld.idx.msk [tilespmem:v17+s0+$0x8050 ss:$0x1], $0xffff  }
0x15a: {  	v25 =	vld.idx.msk [tilespmem:v16+s0+$0x8050 ss:$0x1], $0xffff  }
0x15b: {  	v24 =	vld.idx.msk [tilespmem:v17+s0+$0x8020 ss:$0x1], $0xffff  }
0x15c: {  	v27 =	vld.idx.msk [tilespmem:v16+s0+$0x8020 ss:$0x1], $0xffff  }
.Ltmp4:
0x15d: {  	v28 =	vld.idx.msk [tilespmem:v17+s0+$0x8060 ss:$0x1], $0xffff;
	(pc) =	sbr.rel @p0 .LBB2_11-.Ltmp4, $4  }
0x15e: {  	v29 =	vld.idx.msk [tilespmem:v16+s0+$0x8060 ss:$0x1], $0xffff  }
0x15f: {  	v30 =	vld.idx.msk [tilespmem:v17+s0+$0x8030 ss:$0x1], $0xffff  }
0x160: {  	v32 =	vld.idx.msk [tilespmem:v16+s0+$0x8030 ss:$0x1], $0xffff  }
0x161: {  	s3 =	sadd.s32 $0x200, s3;
	v31 =	vld.idx.msk [tilespmem:v17+s0+$0x8070 ss:$0x1], $0xffff  }
0x162: {  	_ =	sdelay $0x3  }
0x163: {  	v16 =	vld.idx.msk [tilespmem:v16+s0+$0x8070 ss:$0x1], $0xffff  }
0x164: {  	v17 =	vsub.f32 v19, v18  }
0x165: {  	v44 =	vsub.f32 v20, v22;
	v45 =	vsub.f32 v23, v26  }
0x166: {  	v46 =	vsub.f32 v21, v25;
	v47 =	vsub.f32 v24, v27;
	v17 =	vmul.f32 v17, v17  }
0x167: {  	v48 =	vsub.f32 v28, v29;
	v18 =	vmul.f32 v44, v44;
	v19 =	vmul.f32 v45, v45  }
0x168: {  	v20 =	vmul.f32 v46, v46;
	v49 =	vsub.f32 v30, v32;
	v16 =	vsub.f32 v31, v16  }
0x169: {  	v21 =	vmul.f32 v47, v47;
	v22 =	vmul.f32 v48, v48  }
0x16a: {  	v23 =	vmul.f32 v49, v49;
	v16 =	vmul.f32 v16, v16  }
0x16b: {  	v17 =	vadd.f32 v18, v17;
	v50 =	vadd.f32 v20, v19  }
0x16c: {  	v51 =	vadd.f32 v22, v21;
	v16 =	vadd.f32 v16, v23;
	_ =	sdelay $0x1  }
0x16d: {  	v17 =	vadd.f32 v50, v17;
	v16 =	vadd.f32 v16, v51;
	_ =	sdelay $0x1  }
0x16e: {  	v16 =	vadd.f32 v16, v17;
	_ =	sdelay $0x1  }
0x16f: {  	[tilespmem:s0+$0x18C00] =	vst v16  }
0x170: {  	v16 =	vld.idx.msk [tilespmem:v0+s28+$0x0], $0xffff;
	_ =	sdelay $0x1  }
0x171: {  	v17 =	vld.idx.msk [tilespmem:v1+s28+$0x0], $0xffff;
	_ =	sdelay $0x1  }
0x172: {  	v52 =	vld.idx.msk [tilespmem:v2+s28+$0x0], $0xffff  }
0x173: {  	v16 =	vadd.f32 $0.0e+00, v16  }
0x174: {  	v53 =	vld.idx.msk [tilespmem:v3+s28+$0x0], $0xffff  }
0x175: {  	v16 =	vadd.f32 v17, v16  }
0x176: {  	v17 =	vld.idx.msk [tilespmem:v4+s28+$0x0], $0xffff  }
0x177: {  	v16 =	vadd.f32 v52, v16  }
0x178: {  	v54 =	vld.idx.msk [tilespmem:v5+s28+$0x0], $0xffff  }
0x179: {  	v16 =	vadd.f32 v53, v16  }
0x17a: {  	v55 =	vld.idx.msk [tilespmem:v6+s28+$0x0], $0xffff  }
0x17b: {  	v16 =	vadd.f32 v17, v16  }
0x17c: {  	v17 =	vld.idx.msk [tilespmem:v7+s28+$0x0], $0xffff  }
0x17d: {  	v16 =	vadd.f32 v54, v16  }
0x17e: {  	v56 =	vld.idx.msk [tilespmem:v8+s28+$0x0], $0xffff  }
0x17f: {  	v16 =	vadd.f32 v55, v16  }
0x180: {  	v57 =	vld.idx.msk [tilespmem:v9+s28+$0x0], $0xffff  }
0x181: {  	v16 =	vadd.f32 v17, v16  }
0x182: {  	v17 =	vld.idx.msk [tilespmem:v10+s28+$0x0], $0xffff  }
0x183: {  	v16 =	vadd.f32 v56, v16  }
0x184: {  	v58 =	vld.idx.msk [tilespmem:v11+s28+$0x0], $0xffff  }
0x185: {  	v16 =	vadd.f32 v57, v16  }
0x186: {  	v59 =	vld.idx.msk [tilespmem:v12+s28+$0x0], $0xffff  }
0x187: {  	v16 =	vadd.f32 v17, v16  }
0x188: {  	v17 =	vld.idx.msk [tilespmem:v13+s28+$0x0], $0xffff  }
0x189: {  	v16 =	vadd.f32 v58, v16  }
0x18a: {  	v60 =	vld.idx.msk [tilespmem:v14+s28+$0x0], $0xffff  }
0x18b: {  	v16 =	vadd.f32 v59, v16  }
0x18c: {  	v61 =	vld.idx.msk [tilespmem:v15+s28+$0x0], $0xffff  }
0x18d: {  	v16 =	vadd.f32 v17, v16;
	_ =	sdelay $0x1  }
0x18e: {  	v16 =	vadd.f32 v60, v16;
	_ =	sdelay $0x1  }
0x18f: {  	v16 =	vadd.f32 v61, v16;
	_ =	sdelay $0x1  }
0x190: {  	v16 =	vmax.f32 v16, $1.000000000e-30  }
0x191: {  	v17 =	vshra.s32 v16, $0x1;
	v62 =	vmul.f32 $5.000000000e-01, v16  }
0x192: {  	v17 =	vsub.s32 $0x5F3759DF, v17  }
0x193: {  	v63 =	vmul.f32 v17, v62;
	_ =	sdelay $0x1  }
0x194: {  	v19 =	vmul.f32 v17, v63;
	_ =	sdelay $0x1  }
0x195: {  	v19 =	vsub.f32 $1.500000000e+00, v19;
	_ =	sdelay $0x1  }
0x196: {  	v17 =	vmul.f32 v17, v19;
	_ =	sdelay $0x1  }
0x197: {  	v19 =	vmul.f32 v17, v62;
	_ =	sdelay $0x1  }
0x198: {  	v19 =	vmul.f32 v19, v17;
	_ =	sdelay $0x1  }
0x199: {  	v19 =	vsub.f32 $1.500000000e+00, v19;
	_ =	sdelay $0x1  }
0x19a: {  	v17 =	vmul.f32 v19, v17;
	_ =	sdelay $0x1  }
0x19b: {  	v18 =	vmul.f32 v17, v62;
	_ =	sdelay $0x1  }
0x19c: {  	v18 =	vmul.f32 v18, v17;
	_ =	sdelay $0x1  }
0x19d: {  	s3 =	sshll.u32 s25, $0x4;
	s25 =	sadd.s32 $0x1, s25;
	v18 =	vsub.f32 $1.500000000e+00, v18  }
0x19e: {  	p0 =	sne.s32 s25, $0x8  }
.Ltmp5:
0x19f: {  	v17 =	vmul.f32 v18, v17;
	(pc) =	sbr.rel @p0 .LBB2_10-.Ltmp5, $4  }
0x1a0: {  	_ = 	snop  }
0x1a1: {  	v16 =	vmul.f32 v17, v16  }
0x1a2: {  	s0 =	sand.u32 $0x3FFFFFF0, s3  }
0x1a3: {  	s23 =	sadd.s32 $0x800, s23;
	s30 =	sadd.s32 $0x800, s30;
	[tilespmem:s0+$0x19500] =	vst v16  }
0x1a4: {  	_ =	swait.ge [sflag:s20], $0x4000  }
0x1a5: {  	[sflag:s20] =	ssyncset.done $0x0  }
0x1a6: {  	s0 =	simm.s32 $0x600;
	[sflag:s20] =	ssyncadd.s32 $0xFFFFC000  }
0x1a7: {  	[tilespmem:s16], [sflag:$0x2] =	stream.indirect.gather.add.f32 [hbm:s2], $0x80, s0, s13, $0xb8;
	[tilespmem:$0x19800] =	vst v63  }
0x1a8: {  	_ =	swait.ge [sflag:s19], $0x4000  }
0x1a9: {  	[sflag:s19] =	ssyncset.done $0x0  }
0x1aa: {  	[sflag:s19] =	ssyncadd.s32 $0xFFFFC000  }
0x1ab: {  	_ =	swait.ge [sflag:s22], $0x4000  }
0x1ac: {  	[sflag:s22] =	ssyncset.done $0x0  }
0x1ad: {  	s23 =	simm.s32 $0x280;
	[sflag:s22] =	ssyncadd.s32 $0xFFFFC000  }
0x1ae: {  	[tilespmem:s24], [sflag:$0x3] =	stream.indirect.gather [hbm4b:s1+s13], $0x80, s23, s13, $0xb8;
	[tilespmem:$0x19800] =	vst v63  }
0x1af: {  	s25 =	simm.s32 $0xA80  }
0x1b0: {  	[tilespmem:s26], [sflag:$0x6] =	stream.indirect.gather [hbm4b:s1+s13], $0x80, s25, s13, $0xb8;
	[tilespmem:$0x19800] =	vst v63  }
0x1b1: {  	s30 =	simm.s32 $0xCC70;
	s23 =	simm.s32 $0x0;
	s25 =	simm.s32 $0xC40  }
.LBB2_14:
0x1b2: {  	v16 =	vmov s30  }
0x1b3: {  	v17 =	vmov s25;
	_ =	sdelay $0x2  }
0x1b4: {  	s0 =	simm.s32 $0x0  }
0x1b5: {  	v18 =	vld.idx.msk [tilespmem:v16+s0+$0xFFFFFF90 ss:$0x1], $0xffff  }
0x1b6: {  	v19 =	vld.idx.msk [tilespmem:v17+s0+$0xFFFFFFC0 ss:$0x1], $0xffff  }
0x1b7: {  	v20 =	vld.idx.msk [tilespmem:v17+s0+$0x0 ss:$0x1], $0xffff  }
0x1b8: {  	v22 =	vld.idx.msk [tilespmem:v16+s0+$0xFFFFFFD0 ss:$0x1], $0xffff  }
0x1b9: {  	v23 =	vld.idx.msk [tilespmem:v17+s0+$0xFFFFFFD0 ss:$0x1], $0xffff  }
0x1ba: {  	v26 =	vld.idx.msk [tilespmem:v16+s0+$0xFFFFFFA0 ss:$0x1], $0xffff  }
0x1bb: {  	v21 =	vld.idx.msk [tilespmem:v17+s0+$0x10 ss:$0x1], $0xffff  }
0x1bc: {  	v25 =	vld.idx.msk [tilespmem:v16+s0+$0xFFFFFFE0 ss:$0x1], $0xffff  }
0x1bd: {  	v24 =	vld.idx.msk [tilespmem:v17+s0+$0xFFFFFFE0 ss:$0x1], $0xffff  }
0x1be: {  	v27 =	vld.idx.msk [tilespmem:v16+s0+$0xFFFFFFB0 ss:$0x1], $0xffff  }
0x1bf: {  	v28 =	vld.idx.msk [tilespmem:v17+s0+$0x20 ss:$0x1], $0xffff  }
0x1c0: {  	v29 =	vld.idx.msk [tilespmem:v16+s0+$0xFFFFFFF0 ss:$0x1], $0xffff  }
0x1c1: {  	v30 =	vld.idx.msk [tilespmem:v17+s0+$0xFFFFFFF0 ss:$0x1], $0xffff  }
0x1c2: {  	v32 =	vld.idx.msk [tilespmem:v16+s0+$0xFFFFFFC0 ss:$0x1], $0xffff  }
0x1c3: {  	s3 =	simm.s32 $0x200;
	v31 =	vld.idx.msk [tilespmem:v17+s0+$0x30 ss:$0x1], $0xffff  }
.LBB2_15:
0x1c4: {  	p0 =	sne.s32 s3, $0x1E00;
	v33 =	vld.idx.msk [tilespmem:v16+s0+$0x0 ss:$0x1], $0xffff;
	_ =	sdelay $0x1  }
0x1c5: {  	v18 =	vsub.f32 v19, v18;
	v19 =	vsub.f32 v20, v22  }
0x1c6: {  	v20 =	vsub.f32 v23, v26  }
0x1c7: {  	v21 =	vsub.f32 v21, v25;
	v18 =	vmul.f32 v18, v18;
	v19 =	vmul.f32 v19, v19  }
0x1c8: {  	v22 =	vsub.f32 v24, v27;
	v23 =	vsub.f32 v28, v29;
	v20 =	vmul.f32 v20, v20  }
0x1c9: {  	v21 =	vmul.f32 v21, v21;
	v24 =	vsub.f32 v30, v32;
	v25 =	vsub.f32 v31, v33  }
0x1ca: {  	v22 =	vmul.f32 v22, v22;
	v23 =	vmul.f32 v23, v23  }
0x1cb: {  	v24 =	vmul.f32 v24, v24;
	v25 =	vmul.f32 v25, v25  }
0x1cc: {  	v18 =	vadd.f32 v19, v18;
	v19 =	vadd.f32 v21, v20  }
0x1cd: {  	v20 =	vadd.f32 v23, v22;
	v21 =	vadd.f32 v25, v24;
	_ =	sdelay $0x1  }
0x1ce: {  	v18 =	vadd.f32 v19, v18;
	v19 =	vadd.f32 v21, v20;
	_ =	sdelay $0x1  }
0x1cf: {  	v18 =	vadd.f32 v19, v18;
	_ =	sdelay $0x1  }
0x1d0: {  	[tilespmem:s0+$0x18C00] =	vst v18;
	s0 =	sshra.s32 s3, $0x2  }
0x1d1: {  	v18 =	vld.idx.msk [tilespmem:v16+s0+$0xFFFFFF90 ss:$0x1], $0xffff  }
0x1d2: {  	v19 =	vld.idx.msk [tilespmem:v17+s0+$0xFFFFFFC0 ss:$0x1], $0xffff  }
0x1d3: {  	v20 =	vld.idx.msk [tilespmem:v17+s0+$0x0 ss:$0x1], $0xffff  }
0x1d4: {  	v22 =	vld.idx.msk [tilespmem:v16+s0+$0xFFFFFFD0 ss:$0x1], $0xffff  }
0x1d5: {  	v23 =	vld.idx.msk [tilespmem:v17+s0+$0xFFFFFFD0 ss:$0x1], $0xffff  }
0x1d6: {  	v26 =	vld.idx.msk [tilespmem:v16+s0+$0xFFFFFFA0 ss:$0x1], $0xffff  }
0x1d7: {  	v21 =	vld.idx.msk [tilespmem:v17+s0+$0x10 ss:$0x1], $0xffff  }
0x1d8: {  	v25 =	vld.idx.msk [tilespmem:v16+s0+$0xFFFFFFE0 ss:$0x1], $0xffff  }
0x1d9: {  	v24 =	vld.idx.msk [tilespmem:v17+s0+$0xFFFFFFE0 ss:$0x1], $0xffff  }
0x1da: {  	v27 =	vld.idx.msk [tilespmem:v16+s0+$0xFFFFFFB0 ss:$0x1], $0xffff  }
.Ltmp6:
0x1db: {  	v28 =	vld.idx.msk [tilespmem:v17+s0+$0x20 ss:$0x1], $0xffff;
	(pc) =	sbr.rel @p0 .LBB2_15-.Ltmp6, $4  }
0x1dc: {  	v29 =	vld.idx.msk [tilespmem:v16+s0+$0xFFFFFFF0 ss:$0x1], $0xffff  }
0x1dd: {  	v30 =	vld.idx.msk [tilespmem:v17+s0+$0xFFFFFFF0 ss:$0x1], $0xffff  }
0x1de: {  	v32 =	vld.idx.msk [tilespmem:v16+s0+$0xFFFFFFC0 ss:$0x1], $0xffff  }
0x1df: {  	s3 =	sadd.s32 $0x200, s3;
	v31 =	vld.idx.msk [tilespmem:v17+s0+$0x30 ss:$0x1], $0xffff  }
0x1e0: {  	_ =	sdelay $0x3  }
0x1e1: {  	v16 =	vld.idx.msk [tilespmem:v16+s0+$0x0 ss:$0x1], $0xffff  }
0x1e2: {  	v17 =	vsub.f32 v19, v18  }
0x1e3: {  	v44 =	vsub.f32 v20, v22;
	v45 =	vsub.f32 v23, v26  }
0x1e4: {  	v46 =	vsub.f32 v21, v25;
	v47 =	vsub.f32 v24, v27;
	v17 =	vmul.f32 v17, v17  }
0x1e5: {  	v48 =	vsub.f32 v28, v29;
	v18 =	vmul.f32 v44, v44;
	v19 =	vmul.f32 v45, v45  }
0x1e6: {  	v20 =	vmul.f32 v46, v46;
	v49 =	vsub.f32 v30, v32;
	v16 =	vsub.f32 v31, v16  }
0x1e7: {  	v21 =	vmul.f32 v47, v47;
	v22 =	vmul.f32 v48, v48  }
0x1e8: {  	v23 =	vmul.f32 v49, v49;
	v16 =	vmul.f32 v16, v16  }
0x1e9: {  	v17 =	vadd.f32 v18, v17;
	v50 =	vadd.f32 v20, v19  }
0x1ea: {  	v51 =	vadd.f32 v22, v21;
	v16 =	vadd.f32 v16, v23;
	_ =	sdelay $0x1  }
0x1eb: {  	v17 =	vadd.f32 v50, v17;
	v16 =	vadd.f32 v16, v51;
	_ =	sdelay $0x1  }
0x1ec: {  	v16 =	vadd.f32 v16, v17;
	_ =	sdelay $0x1  }
0x1ed: {  	[tilespmem:s0+$0x18C00] =	vst v16  }
0x1ee: {  	v16 =	vld.idx.msk [tilespmem:v0+s28+$0x0], $0xffff;
	_ =	sdelay $0x1  }
0x1ef: {  	v17 =	vld.idx.msk [tilespmem:v1+s28+$0x0], $0xffff;
	_ =	sdelay $0x1  }
0x1f0: {  	v52 =	vld.idx.msk [tilespmem:v2+s28+$0x0], $0xffff  }
0x1f1: {  	v16 =	vadd.f32 $0.0e+00, v16  }
0x1f2: {  	v53 =	vld.idx.msk [tilespmem:v3+s28+$0x0], $0xffff  }
0x1f3: {  	v16 =	vadd.f32 v17, v16  }
0x1f4: {  	v17 =	vld.idx.msk [tilespmem:v4+s28+$0x0], $0xffff  }
0x1f5: {  	v16 =	vadd.f32 v52, v16  }
0x1f6: {  	v54 =	vld.idx.msk [tilespmem:v5+s28+$0x0], $0xffff  }
0x1f7: {  	v16 =	vadd.f32 v53, v16  }
0x1f8: {  	v55 =	vld.idx.msk [tilespmem:v6+s28+$0x0], $0xffff  }
0x1f9: {  	v16 =	vadd.f32 v17, v16  }
0x1fa: {  	v17 =	vld.idx.msk [tilespmem:v7+s28+$0x0], $0xffff  }
0x1fb: {  	v16 =	vadd.f32 v54, v16  }
0x1fc: {  	v56 =	vld.idx.msk [tilespmem:v8+s28+$0x0], $0xffff  }
0x1fd: {  	v16 =	vadd.f32 v55, v16  }
0x1fe: {  	v57 =	vld.idx.msk [tilespmem:v9+s28+$0x0], $0xffff  }
0x1ff: {  	v16 =	vadd.f32 v17, v16  }
0x200: {  	v17 =	vld.idx.msk [tilespmem:v10+s28+$0x0], $0xffff  }
0x201: {  	v16 =	vadd.f32 v56, v16  }
0x202: {  	v58 =	vld.idx.msk [tilespmem:v11+s28+$0x0], $0xffff  }
0x203: {  	v16 =	vadd.f32 v57, v16  }
0x204: {  	v59 =	vld.idx.msk [tilespmem:v12+s28+$0x0], $0xffff  }
0x205: {  	v16 =	vadd.f32 v17, v16  }
0x206: {  	v17 =	vld.idx.msk [tilespmem:v13+s28+$0x0], $0xffff  }
0x207: {  	v16 =	vadd.f32 v58, v16  }
0x208: {  	v60 =	vld.idx.msk [tilespmem:v14+s28+$0x0], $0xffff  }
0x209: {  	v16 =	vadd.f32 v59, v16  }
0x20a: {  	v61 =	vld.idx.msk [tilespmem:v15+s28+$0x0], $0xffff  }
0x20b: {  	v16 =	vadd.f32 v17, v16;
	_ =	sdelay $0x1  }
0x20c: {  	v16 =	vadd.f32 v60, v16;
	_ =	sdelay $0x1  }
0x20d: {  	v16 =	vadd.f32 v61, v16;
	_ =	sdelay $0x1  }
0x20e: {  	v16 =	vmax.f32 v16, $1.000000000e-30  }
0x20f: {  	v17 =	vshra.s32 v16, $0x1;
	v62 =	vmul.f32 $5.000000000e-01, v16  }
0x210: {  	v17 =	vsub.s32 $0x5F3759DF, v17  }
0x211: {  	v63 =	vmul.f32 v17, v62;
	_ =	sdelay $0x1  }
0x212: {  	v19 =	vmul.f32 v17, v63;
	_ =	sdelay $0x1  }
0x213: {  	v19 =	vsub.f32 $1.500000000e+00, v19;
	_ =	sdelay $0x1  }
0x214: {  	v17 =	vmul.f32 v17, v19;
	_ =	sdelay $0x1  }
0x215: {  	v19 =	vmul.f32 v17, v62;
	_ =	sdelay $0x1  }
0x216: {  	v19 =	vmul.f32 v19, v17;
	_ =	sdelay $0x1  }
0x217: {  	v19 =	vsub.f32 $1.500000000e+00, v19;
	_ =	sdelay $0x1  }
0x218: {  	v17 =	vmul.f32 v19, v17;
	_ =	sdelay $0x1  }
0x219: {  	v18 =	vmul.f32 v17, v62;
	_ =	sdelay $0x1  }
0x21a: {  	v18 =	vmul.f32 v18, v17;
	_ =	sdelay $0x1  }
0x21b: {  	s3 =	sshll.u32 s23, $0x4;
	s23 =	sadd.s32 $0x1, s23;
	v18 =	vsub.f32 $1.500000000e+00, v18  }
0x21c: {  	p0 =	sne.s32 s23, $0x8  }
.Ltmp7:
0x21d: {  	v17 =	vmul.f32 v18, v17;
	(pc) =	sbr.rel @p0 .LBB2_14-.Ltmp7, $4  }
0x21e: {  	_ = 	snop  }
0x21f: {  	v16 =	vmul.f32 v17, v16  }
0x220: {  	s0 =	sand.u32 $0x3FFFFFF0, s3  }
0x221: {  	s25 =	sadd.s32 $0x800, s25;
	s30 =	sadd.s32 $0x800, s30;
	[tilespmem:s0+$0x19580] =	vst v16  }
0x222: {  	_ =	swait.ge [sflag:s29], $0x4000  }
0x223: {  	[sflag:s29] =	ssyncset.done $0x0  }
0x224: {  	s0 =	simm.s32 $0x680;
	[sflag:s29] =	ssyncadd.s32 $0xFFFFC000  }
0x225: {  	[tilespmem:s24], [sflag:$0x3] =	stream.indirect.gather.add.f32 [hbm:s2], $0x80, s0, s13, $0xb8;
	[tilespmem:$0x19800] =	vst v63  }
0x226: {  	_ =	swait.ge [sflag:s20], $0x4000  }
0x227: {  	[sflag:s20] =	ssyncset.done $0x0  }
0x228: {  	[sflag:s20] =	ssyncadd.s32 $0xFFFFC000  }
0x229: {  	_ =	swait.ge [sflag:s31], $0x4000  }
0x22a: {  	[sflag:s31] =	ssyncset.done $0x0  }
0x22b: {  	s23 =	simm.s32 $0xC00;
	s25 =	simm.s32 $0x300;
	[sflag:s31] =	ssyncadd.s32 $0xFFFFC000  }
0x22c: {  	[tilespmem:s23], [sflag:$0x1] =	stream.indirect.gather [hbm4b:s1+s13], $0x80, s25, s13, $0xb8;
	[tilespmem:$0x19800] =	vst v63  }
0x22d: {  	s3 =	simm.s32 $0xB00;
	s30 =	simm.s32 $0x0;
	s25 =	simm.s32 $0xCC00  }
0x22e: {  	[tilespmem:s25], [sflag:$0x4] =	stream.indirect.gather [hbm4b:s1+s13], $0x80, s3, s13, $0xb8;
	[tilespmem:$0x19800] =	vst v63  }
.LBB2_18:
0x22f: {  	v16 =	vmov s25  }
0x230: {  	v17 =	vmov s23;
	_ =	sdelay $0x2  }
0x231: {  	s0 =	simm.s32 $0x0  }
0x232: {  	v18 =	vld.idx.msk [tilespmem:v16+s0+$0x4000 ss:$0x1], $0xffff  }
0x233: {  	v19 =	vld.idx.msk [tilespmem:v17+s0+$0x4000 ss:$0x1], $0xffff  }
0x234: {  	v20 =	vld.idx.msk [tilespmem:v17+s0+$0x4040 ss:$0x1], $0xffff  }
0x235: {  	v22 =	vld.idx.msk [tilespmem:v16+s0+$0x4040 ss:$0x1], $0xffff  }
0x236: {  	v23 =	vld.idx.msk [tilespmem:v17+s0+$0x4010 ss:$0x1], $0xffff  }
0x237: {  	v26 =	vld.idx.msk [tilespmem:v16+s0+$0x4010 ss:$0x1], $0xffff  }
0x238: {  	v21 =	vld.idx.msk [tilespmem:v17+s0+$0x4050 ss:$0x1], $0xffff  }
0x239: {  	v25 =	vld.idx.msk [tilespmem:v16+s0+$0x4050 ss:$0x1], $0xffff  }
0x23a: {  	v24 =	vld.idx.msk [tilespmem:v17+s0+$0x4020 ss:$0x1], $0xffff  }
0x23b: {  	v27 =	vld.idx.msk [tilespmem:v16+s0+$0x4020 ss:$0x1], $0xffff  }
0x23c: {  	v28 =	vld.idx.msk [tilespmem:v17+s0+$0x4060 ss:$0x1], $0xffff  }
0x23d: {  	v29 =	vld.idx.msk [tilespmem:v16+s0+$0x4060 ss:$0x1], $0xffff  }
0x23e: {  	v30 =	vld.idx.msk [tilespmem:v17+s0+$0x4030 ss:$0x1], $0xffff  }
0x23f: {  	v32 =	vld.idx.msk [tilespmem:v16+s0+$0x4030 ss:$0x1], $0xffff  }
0x240: {  	s3 =	simm.s32 $0x200;
	v31 =	vld.idx.msk [tilespmem:v17+s0+$0x4070 ss:$0x1], $0xffff  }
.LBB2_19:
0x241: {  	p0 =	sne.s32 s3, $0x1E00;
	v33 =	vld.idx.msk [tilespmem:v16+s0+$0x4070 ss:$0x1], $0xffff;
	_ =	sdelay $0x1  }
0x242: {  	v18 =	vsub.f32 v19, v18;
	v19 =	vsub.f32 v20, v22  }
0x243: {  	v20 =	vsub.f32 v23, v26  }
0x244: {  	v21 =	vsub.f32 v21, v25;
	v18 =	vmul.f32 v18, v18;
	v19 =	vmul.f32 v19, v19  }
0x245: {  	v22 =	vsub.f32 v24, v27;
	v23 =	vsub.f32 v28, v29;
	v20 =	vmul.f32 v20, v20  }
0x246: {  	v21 =	vmul.f32 v21, v21;
	v24 =	vsub.f32 v30, v32;
	v25 =	vsub.f32 v31, v33  }
0x247: {  	v22 =	vmul.f32 v22, v22;
	v23 =	vmul.f32 v23, v23  }
0x248: {  	v24 =	vmul.f32 v24, v24;
	v25 =	vmul.f32 v25, v25  }
0x249: {  	v18 =	vadd.f32 v19, v18;
	v19 =	vadd.f32 v21, v20  }
0x24a: {  	v20 =	vadd.f32 v23, v22;
	v21 =	vadd.f32 v25, v24;
	_ =	sdelay $0x1  }
0x24b: {  	v18 =	vadd.f32 v19, v18;
	v19 =	vadd.f32 v21, v20;
	_ =	sdelay $0x1  }
0x24c: {  	v18 =	vadd.f32 v19, v18;
	_ =	sdelay $0x1  }
0x24d: {  	[tilespmem:s0+$0x18C00] =	vst v18;
	s0 =	sshra.s32 s3, $0x2  }
0x24e: {  	v18 =	vld.idx.msk [tilespmem:v16+s0+$0x4000 ss:$0x1], $0xffff  }
0x24f: {  	v19 =	vld.idx.msk [tilespmem:v17+s0+$0x4000 ss:$0x1], $0xffff  }
0x250: {  	v20 =	vld.idx.msk [tilespmem:v17+s0+$0x4040 ss:$0x1], $0xffff  }
0x251: {  	v22 =	vld.idx.msk [tilespmem:v16+s0+$0x4040 ss:$0x1], $0xffff  }
0x252: {  	v23 =	vld.idx.msk [tilespmem:v17+s0+$0x4010 ss:$0x1], $0xffff  }
0x253: {  	v26 =	vld.idx.msk [tilespmem:v16+s0+$0x4010 ss:$0x1], $0xffff  }
0x254: {  	v21 =	vld.idx.msk [tilespmem:v17+s0+$0x4050 ss:$0x1], $0xffff  }
0x255: {  	v25 =	vld.idx.msk [tilespmem:v16+s0+$0x4050 ss:$0x1], $0xffff  }
0x256: {  	v24 =	vld.idx.msk [tilespmem:v17+s0+$0x4020 ss:$0x1], $0xffff  }
0x257: {  	v27 =	vld.idx.msk [tilespmem:v16+s0+$0x4020 ss:$0x1], $0xffff  }
.Ltmp8:
0x258: {  	v28 =	vld.idx.msk [tilespmem:v17+s0+$0x4060 ss:$0x1], $0xffff;
	(pc) =	sbr.rel @p0 .LBB2_19-.Ltmp8, $4  }
0x259: {  	v29 =	vld.idx.msk [tilespmem:v16+s0+$0x4060 ss:$0x1], $0xffff  }
0x25a: {  	v30 =	vld.idx.msk [tilespmem:v17+s0+$0x4030 ss:$0x1], $0xffff  }
0x25b: {  	v32 =	vld.idx.msk [tilespmem:v16+s0+$0x4030 ss:$0x1], $0xffff  }
0x25c: {  	s3 =	sadd.s32 $0x200, s3;
	v31 =	vld.idx.msk [tilespmem:v17+s0+$0x4070 ss:$0x1], $0xffff  }
0x25d: {  	_ =	sdelay $0x3  }
0x25e: {  	v16 =	vld.idx.msk [tilespmem:v16+s0+$0x4070 ss:$0x1], $0xffff  }
0x25f: {  	v17 =	vsub.f32 v19, v18  }
0x260: {  	v44 =	vsub.f32 v20, v22;
	v45 =	vsub.f32 v23, v26  }
0x261: {  	v46 =	vsub.f32 v21, v25;
	v47 =	vsub.f32 v24, v27;
	v17 =	vmul.f32 v17, v17  }
0x262: {  	v48 =	vsub.f32 v28, v29;
	v18 =	vmul.f32 v44, v44;
	v19 =	vmul.f32 v45, v45  }
0x263: {  	v20 =	vmul.f32 v46, v46;
	v49 =	vsub.f32 v30, v32;
	v16 =	vsub.f32 v31, v16  }
0x264: {  	v21 =	vmul.f32 v47, v47;
	v22 =	vmul.f32 v48, v48  }
0x265: {  	v23 =	vmul.f32 v49, v49;
	v16 =	vmul.f32 v16, v16  }
0x266: {  	v17 =	vadd.f32 v18, v17;
	v50 =	vadd.f32 v20, v19  }
0x267: {  	v51 =	vadd.f32 v22, v21;
	v16 =	vadd.f32 v16, v23;
	_ =	sdelay $0x1  }
0x268: {  	v17 =	vadd.f32 v50, v17;
	v16 =	vadd.f32 v16, v51;
	_ =	sdelay $0x1  }
0x269: {  	v16 =	vadd.f32 v16, v17;
	_ =	sdelay $0x1  }
0x26a: {  	[tilespmem:s0+$0x18C00] =	vst v16  }
0x26b: {  	v16 =	vld.idx.msk [tilespmem:v0+s28+$0x0], $0xffff;
	_ =	sdelay $0x1  }
0x26c: {  	v17 =	vld.idx.msk [tilespmem:v1+s28+$0x0], $0xffff;
	_ =	sdelay $0x1  }
0x26d: {  	v52 =	vld.idx.msk [tilespmem:v2+s28+$0x0], $0xffff  }
0x26e: {  	v16 =	vadd.f32 $0.0e+00, v16  }
0x26f: {  	v53 =	vld.idx.msk [tilespmem:v3+s28+$0x0], $0xffff  }
0x270: {  	v16 =	vadd.f32 v17, v16  }
0x271: {  	v17 =	vld.idx.msk [tilespmem:v4+s28+$0x0], $0xffff  }
0x272: {  	v16 =	vadd.f32 v52, v16  }
0x273: {  	v54 =	vld.idx.msk [tilespmem:v5+s28+$0x0], $0xffff  }
0x274: {  	v16 =	vadd.f32 v53, v16  }
0x275: {  	v55 =	vld.idx.msk [tilespmem:v6+s28+$0x0], $0xffff  }
0x276: {  	v16 =	vadd.f32 v17, v16  }
0x277: {  	v17 =	vld.idx.msk [tilespmem:v7+s28+$0x0], $0xffff  }
0x278: {  	v16 =	vadd.f32 v54, v16  }
0x279: {  	v56 =	vld.idx.msk [tilespmem:v8+s28+$0x0], $0xffff  }
0x27a: {  	v16 =	vadd.f32 v55, v16  }
0x27b: {  	v57 =	vld.idx.msk [tilespmem:v9+s28+$0x0], $0xffff  }
0x27c: {  	v16 =	vadd.f32 v17, v16  }
0x27d: {  	v17 =	vld.idx.msk [tilespmem:v10+s28+$0x0], $0xffff  }
0x27e: {  	v16 =	vadd.f32 v56, v16  }
0x27f: {  	v58 =	vld.idx.msk [tilespmem:v11+s28+$0x0], $0xffff  }
0x280: {  	v16 =	vadd.f32 v57, v16  }
0x281: {  	v59 =	vld.idx.msk [tilespmem:v12+s28+$0x0], $0xffff  }
0x282: {  	v16 =	vadd.f32 v17, v16  }
0x283: {  	v17 =	vld.idx.msk [tilespmem:v13+s28+$0x0], $0xffff  }
0x284: {  	v16 =	vadd.f32 v58, v16  }
0x285: {  	v60 =	vld.idx.msk [tilespmem:v14+s28+$0x0], $0xffff  }
0x286: {  	v16 =	vadd.f32 v59, v16  }
0x287: {  	v61 =	vld.idx.msk [tilespmem:v15+s28+$0x0], $0xffff  }
0x288: {  	v16 =	vadd.f32 v17, v16;
	_ =	sdelay $0x1  }
0x289: {  	v16 =	vadd.f32 v60, v16;
	_ =	sdelay $0x1  }
0x28a: {  	v16 =	vadd.f32 v61, v16;
	_ =	sdelay $0x1  }
0x28b: {  	v16 =	vmax.f32 v16, $1.000000000e-30  }
0x28c: {  	v17 =	vshra.s32 v16, $0x1;
	v62 =	vmul.f32 $5.000000000e-01, v16  }
0x28d: {  	v17 =	vsub.s32 $0x5F3759DF, v17  }
0x28e: {  	v63 =	vmul.f32 v17, v62;
	_ =	sdelay $0x1  }
0x28f: {  	v19 =	vmul.f32 v17, v63;
	_ =	sdelay $0x1  }
0x290: {  	v19 =	vsub.f32 $1.500000000e+00, v19;
	_ =	sdelay $0x1  }
0x291: {  	v17 =	vmul.f32 v17, v19;
	_ =	sdelay $0x1  }
0x292: {  	v19 =	vmul.f32 v17, v62;
	_ =	sdelay $0x1  }
0x293: {  	v19 =	vmul.f32 v19, v17;
	_ =	sdelay $0x1  }
0x294: {  	v19 =	vsub.f32 $1.500000000e+00, v19;
	_ =	sdelay $0x1  }
0x295: {  	v17 =	vmul.f32 v19, v17;
	_ =	sdelay $0x1  }
0x296: {  	v18 =	vmul.f32 v17, v62;
	_ =	sdelay $0x1  }
0x297: {  	v18 =	vmul.f32 v18, v17;
	_ =	sdelay $0x1  }
0x298: {  	s3 =	sshll.u32 s30, $0x4;
	s30 =	sadd.s32 $0x1, s30;
	v18 =	vsub.f32 $1.500000000e+00, v18  }
0x299: {  	p0 =	sne.s32 s30, $0x8  }
.Ltmp9:
0x29a: {  	v17 =	vmul.f32 v18, v17;
	(pc) =	sbr.rel @p0 .LBB2_18-.Ltmp9, $4  }
0x29b: {  	_ = 	snop  }
0x29c: {  	v16 =	vmul.f32 v17, v16  }
0x29d: {  	s0 =	sand.u32 $0x3FFFFFF0, s3  }
0x29e: {  	s23 =	sadd.s32 $0x800, s23;
	s25 =	sadd.s32 $0x800, s25;
	[tilespmem:s0+$0x19600] =	vst v16  }
0x29f: {  	_ =	swait.ge [sflag:s19], $0x4000  }
0x2a0: {  	[sflag:s19] =	ssyncset.done $0x0  }
0x2a1: {  	s23 =	simm.s32 $0xC00;
	s0 =	simm.s32 $0x700;
	[sflag:s19] =	ssyncadd.s32 $0xFFFFC000  }
0x2a2: {  	[tilespmem:s23], [sflag:$0x1] =	stream.indirect.gather.add.f32 [hbm:s2], $0x80, s0, s13, $0xb8;
	[tilespmem:$0x19800] =	vst v63  }
0x2a3: {  	_ =	swait.ge [sflag:s29], $0x4000  }
0x2a4: {  	[sflag:s29] =	ssyncset.done $0x0  }
0x2a5: {  	[sflag:s29] =	ssyncadd.s32 $0xFFFFC000  }
0x2a6: {  	_ =	swait.ge [sflag:s17], $0x4000  }
0x2a7: {  	[sflag:s17] =	ssyncset.done $0x0  }
0x2a8: {  	s3 =	simm.s32 $0x380;
	[sflag:s17] =	ssyncadd.s32 $0xFFFFC000  }
0x2a9: {  	[tilespmem:s16], [sflag:$0x2] =	stream.indirect.gather [hbm4b:s1+s13], $0x80, s3, s13, $0xb8;
	[tilespmem:$0x19800] =	vst v63  }
0x2aa: {  	s25 =	simm.s32 $0xB80  }
0x2ab: {  	[tilespmem:s18], [sflag:$0x5] =	stream.indirect.gather [hbm4b:s1+s13], $0x80, s25, s13, $0xb8;
	[tilespmem:$0x19800] =	vst v63  }
0x2ac: {  	s30 =	simm.s32 $0xCC00;
	s25 =	simm.s32 $0x0  }
.LBB2_22:
0x2ad: {  	v16 =	vmov s30  }
0x2ae: {  	v17 =	vmov s23;
	_ =	sdelay $0x2  }
0x2af: {  	s0 =	simm.s32 $0x0  }
0x2b0: {  	v18 =	vld.idx.msk [tilespmem:v16+s0+$0x8000 ss:$0x1], $0xffff  }
0x2b1: {  	v19 =	vld.idx.msk [tilespmem:v17+s0+$0x8000 ss:$0x1], $0xffff  }
0x2b2: {  	v20 =	vld.idx.msk [tilespmem:v17+s0+$0x8040 ss:$0x1], $0xffff  }
0x2b3: {  	v22 =	vld.idx.msk [tilespmem:v16+s0+$0x8040 ss:$0x1], $0xffff  }
0x2b4: {  	v23 =	vld.idx.msk [tilespmem:v17+s0+$0x8010 ss:$0x1], $0xffff  }
0x2b5: {  	v26 =	vld.idx.msk [tilespmem:v16+s0+$0x8010 ss:$0x1], $0xffff  }
0x2b6: {  	v21 =	vld.idx.msk [tilespmem:v17+s0+$0x8050 ss:$0x1], $0xffff  }
0x2b7: {  	v25 =	vld.idx.msk [tilespmem:v16+s0+$0x8050 ss:$0x1], $0xffff  }
0x2b8: {  	v24 =	vld.idx.msk [tilespmem:v17+s0+$0x8020 ss:$0x1], $0xffff  }
0x2b9: {  	v27 =	vld.idx.msk [tilespmem:v16+s0+$0x8020 ss:$0x1], $0xffff  }
0x2ba: {  	v28 =	vld.idx.msk [tilespmem:v17+s0+$0x8060 ss:$0x1], $0xffff  }
0x2bb: {  	v29 =	vld.idx.msk [tilespmem:v16+s0+$0x8060 ss:$0x1], $0xffff  }
0x2bc: {  	v30 =	vld.idx.msk [tilespmem:v17+s0+$0x8030 ss:$0x1], $0xffff  }
0x2bd: {  	v32 =	vld.idx.msk [tilespmem:v16+s0+$0x8030 ss:$0x1], $0xffff  }
0x2be: {  	s3 =	simm.s32 $0x200;
	v31 =	vld.idx.msk [tilespmem:v17+s0+$0x8070 ss:$0x1], $0xffff  }
.LBB2_23:
0x2bf: {  	p0 =	sne.s32 s3, $0x1E00;
	v33 =	vld.idx.msk [tilespmem:v16+s0+$0x8070 ss:$0x1], $0xffff;
	_ =	sdelay $0x1  }
0x2c0: {  	v18 =	vsub.f32 v19, v18;
	v19 =	vsub.f32 v20, v22  }
0x2c1: {  	v20 =	vsub.f32 v23, v26  }
0x2c2: {  	v21 =	vsub.f32 v21, v25;
	v18 =	vmul.f32 v18, v18;
	v19 =	vmul.f32 v19, v19  }
0x2c3: {  	v22 =	vsub.f32 v24, v27;
	v23 =	vsub.f32 v28, v29;
	v20 =	vmul.f32 v20, v20  }
0x2c4: {  	v21 =	vmul.f32 v21, v21;
	v24 =	vsub.f32 v30, v32;
	v25 =	vsub.f32 v31, v33  }
0x2c5: {  	v22 =	vmul.f32 v22, v22;
	v23 =	vmul.f32 v23, v23  }
0x2c6: {  	v24 =	vmul.f32 v24, v24;
	v25 =	vmul.f32 v25, v25  }
0x2c7: {  	v18 =	vadd.f32 v19, v18;
	v19 =	vadd.f32 v21, v20  }
0x2c8: {  	v20 =	vadd.f32 v23, v22;
	v21 =	vadd.f32 v25, v24;
	_ =	sdelay $0x1  }
0x2c9: {  	v18 =	vadd.f32 v19, v18;
	v19 =	vadd.f32 v21, v20;
	_ =	sdelay $0x1  }
0x2ca: {  	v18 =	vadd.f32 v19, v18;
	_ =	sdelay $0x1  }
0x2cb: {  	[tilespmem:s0+$0x18C00] =	vst v18;
	s0 =	sshra.s32 s3, $0x2  }
0x2cc: {  	v18 =	vld.idx.msk [tilespmem:v16+s0+$0x8000 ss:$0x1], $0xffff  }
0x2cd: {  	v19 =	vld.idx.msk [tilespmem:v17+s0+$0x8000 ss:$0x1], $0xffff  }
0x2ce: {  	v20 =	vld.idx.msk [tilespmem:v17+s0+$0x8040 ss:$0x1], $0xffff  }
0x2cf: {  	v22 =	vld.idx.msk [tilespmem:v16+s0+$0x8040 ss:$0x1], $0xffff  }
0x2d0: {  	v23 =	vld.idx.msk [tilespmem:v17+s0+$0x8010 ss:$0x1], $0xffff  }
0x2d1: {  	v26 =	vld.idx.msk [tilespmem:v16+s0+$0x8010 ss:$0x1], $0xffff  }
0x2d2: {  	v21 =	vld.idx.msk [tilespmem:v17+s0+$0x8050 ss:$0x1], $0xffff  }
0x2d3: {  	v25 =	vld.idx.msk [tilespmem:v16+s0+$0x8050 ss:$0x1], $0xffff  }
0x2d4: {  	v24 =	vld.idx.msk [tilespmem:v17+s0+$0x8020 ss:$0x1], $0xffff  }
0x2d5: {  	v27 =	vld.idx.msk [tilespmem:v16+s0+$0x8020 ss:$0x1], $0xffff  }
.Ltmp10:
0x2d6: {  	v28 =	vld.idx.msk [tilespmem:v17+s0+$0x8060 ss:$0x1], $0xffff;
	(pc) =	sbr.rel @p0 .LBB2_23-.Ltmp10, $4  }
0x2d7: {  	v29 =	vld.idx.msk [tilespmem:v16+s0+$0x8060 ss:$0x1], $0xffff  }
0x2d8: {  	v30 =	vld.idx.msk [tilespmem:v17+s0+$0x8030 ss:$0x1], $0xffff  }
0x2d9: {  	v32 =	vld.idx.msk [tilespmem:v16+s0+$0x8030 ss:$0x1], $0xffff  }
0x2da: {  	s3 =	sadd.s32 $0x200, s3;
	v31 =	vld.idx.msk [tilespmem:v17+s0+$0x8070 ss:$0x1], $0xffff  }
0x2db: {  	_ =	sdelay $0x3  }
0x2dc: {  	v16 =	vld.idx.msk [tilespmem:v16+s0+$0x8070 ss:$0x1], $0xffff  }
0x2dd: {  	v17 =	vsub.f32 v19, v18  }
0x2de: {  	v44 =	vsub.f32 v20, v22;
	v45 =	vsub.f32 v23, v26  }
0x2df: {  	v46 =	vsub.f32 v21, v25;
	v47 =	vsub.f32 v24, v27;
	v17 =	vmul.f32 v17, v17  }
0x2e0: {  	v48 =	vsub.f32 v28, v29;
	v18 =	vmul.f32 v44, v44;
	v19 =	vmul.f32 v45, v45  }
0x2e1: {  	v20 =	vmul.f32 v46, v46;
	v49 =	vsub.f32 v30, v32;
	v16 =	vsub.f32 v31, v16  }
0x2e2: {  	v21 =	vmul.f32 v47, v47;
	v22 =	vmul.f32 v48, v48  }
0x2e3: {  	v23 =	vmul.f32 v49, v49;
	v16 =	vmul.f32 v16, v16  }
0x2e4: {  	v17 =	vadd.f32 v18, v17;
	v50 =	vadd.f32 v20, v19  }
0x2e5: {  	v51 =	vadd.f32 v22, v21;
	v16 =	vadd.f32 v16, v23;
	_ =	sdelay $0x1  }
0x2e6: {  	v17 =	vadd.f32 v50, v17;
	v16 =	vadd.f32 v16, v51;
	_ =	sdelay $0x1  }
0x2e7: {  	v16 =	vadd.f32 v16, v17;
	_ =	sdelay $0x1  }
0x2e8: {  	[tilespmem:s0+$0x18C00] =	vst v16  }
0x2e9: {  	v16 =	vld.idx.msk [tilespmem:v0+s28+$0x0], $0xffff;
	_ =	sdelay $0x1  }
0x2ea: {  	v17 =	vld.idx.msk [tilespmem:v1+s28+$0x0], $0xffff;
	_ =	sdelay $0x1  }
0x2eb: {  	v52 =	vld.idx.msk [tilespmem:v2+s28+$0x0], $0xffff  }
0x2ec: {  	v16 =	vadd.f32 $0.0e+00, v16  }
0x2ed: {  	v53 =	vld.idx.msk [tilespmem:v3+s28+$0x0], $0xffff  }
0x2ee: {  	v16 =	vadd.f32 v17, v16  }
0x2ef: {  	v17 =	vld.idx.msk [tilespmem:v4+s28+$0x0], $0xffff  }
0x2f0: {  	v16 =	vadd.f32 v52, v16  }
0x2f1: {  	v54 =	vld.idx.msk [tilespmem:v5+s28+$0x0], $0xffff  }
0x2f2: {  	v16 =	vadd.f32 v53, v16  }
0x2f3: {  	v55 =	vld.idx.msk [tilespmem:v6+s28+$0x0], $0xffff  }
0x2f4: {  	v16 =	vadd.f32 v17, v16  }
0x2f5: {  	v17 =	vld.idx.msk [tilespmem:v7+s28+$0x0], $0xffff  }
0x2f6: {  	v16 =	vadd.f32 v54, v16  }
0x2f7: {  	v56 =	vld.idx.msk [tilespmem:v8+s28+$0x0], $0xffff  }
0x2f8: {  	v16 =	vadd.f32 v55, v16  }
0x2f9: {  	v57 =	vld.idx.msk [tilespmem:v9+s28+$0x0], $0xffff  }
0x2fa: {  	v16 =	vadd.f32 v17, v16  }
0x2fb: {  	v17 =	vld.idx.msk [tilespmem:v10+s28+$0x0], $0xffff  }
0x2fc: {  	v16 =	vadd.f32 v56, v16  }
0x2fd: {  	v58 =	vld.idx.msk [tilespmem:v11+s28+$0x0], $0xffff  }
0x2fe: {  	v16 =	vadd.f32 v57, v16  }
0x2ff: {  	v59 =	vld.idx.msk [tilespmem:v12+s28+$0x0], $0xffff  }
0x300: {  	v16 =	vadd.f32 v17, v16  }
0x301: {  	v17 =	vld.idx.msk [tilespmem:v13+s28+$0x0], $0xffff  }
0x302: {  	v16 =	vadd.f32 v58, v16  }
0x303: {  	v60 =	vld.idx.msk [tilespmem:v14+s28+$0x0], $0xffff  }
0x304: {  	v16 =	vadd.f32 v59, v16  }
0x305: {  	v61 =	vld.idx.msk [tilespmem:v15+s28+$0x0], $0xffff  }
0x306: {  	v16 =	vadd.f32 v17, v16;
	_ =	sdelay $0x1  }
0x307: {  	v16 =	vadd.f32 v60, v16;
	_ =	sdelay $0x1  }
0x308: {  	v16 =	vadd.f32 v61, v16;
	_ =	sdelay $0x1  }
0x309: {  	v16 =	vmax.f32 v16, $1.000000000e-30  }
0x30a: {  	v17 =	vshra.s32 v16, $0x1;
	v62 =	vmul.f32 $5.000000000e-01, v16  }
0x30b: {  	v17 =	vsub.s32 $0x5F3759DF, v17  }
0x30c: {  	v63 =	vmul.f32 v17, v62;
	_ =	sdelay $0x1  }
0x30d: {  	v19 =	vmul.f32 v17, v63;
	_ =	sdelay $0x1  }
0x30e: {  	v19 =	vsub.f32 $1.500000000e+00, v19;
	_ =	sdelay $0x1  }
0x30f: {  	v17 =	vmul.f32 v17, v19;
	_ =	sdelay $0x1  }
0x310: {  	v19 =	vmul.f32 v17, v62;
	_ =	sdelay $0x1  }
0x311: {  	v19 =	vmul.f32 v19, v17;
	_ =	sdelay $0x1  }
0x312: {  	v19 =	vsub.f32 $1.500000000e+00, v19;
	_ =	sdelay $0x1  }
0x313: {  	v17 =	vmul.f32 v19, v17;
	_ =	sdelay $0x1  }
0x314: {  	v18 =	vmul.f32 v17, v62;
	_ =	sdelay $0x1  }
0x315: {  	v18 =	vmul.f32 v18, v17;
	_ =	sdelay $0x1  }
0x316: {  	s3 =	sshll.u32 s25, $0x4;
	s25 =	sadd.s32 $0x1, s25;
	v18 =	vsub.f32 $1.500000000e+00, v18  }
0x317: {  	p0 =	sne.s32 s25, $0x8  }
.Ltmp11:
0x318: {  	v17 =	vmul.f32 v18, v17;
	(pc) =	sbr.rel @p0 .LBB2_22-.Ltmp11, $4  }
0x319: {  	_ = 	snop  }
0x31a: {  	v16 =	vmul.f32 v17, v16  }
0x31b: {  	s0 =	sand.u32 $0x3FFFFFF0, s3  }
0x31c: {  	s23 =	sadd.s32 $0x800, s23;
	s30 =	sadd.s32 $0x800, s30;
	[tilespmem:s0+$0x19680] =	vst v16  }
0x31d: {  	_ =	swait.ge [sflag:s20], $0x4000  }
0x31e: {  	[sflag:s20] =	ssyncset.done $0x0  }
0x31f: {  	s0 =	simm.s32 $0x780;
	[sflag:s20] =	ssyncadd.s32 $0xFFFFC000  }
0x320: {  	[tilespmem:s16], [sflag:$0x2] =	stream.indirect.gather.add.f32 [hbm:s2], $0x80, s0, s13, $0xb8;
	[tilespmem:$0x19800] =	vst v63  }
0x321: {  	_ =	swait.ge [sflag:s19], $0x4000  }
0x322: {  	[sflag:s19] =	ssyncset.done $0x0  }
0x323: {  	[sflag:s19] =	ssyncadd.s32 $0xFFFFC000  }
0x324: {  	_ =	swait.ge [sflag:s22], $0x4000  }
0x325: {  	s23 =	simm.s32 $0x0;
	[sflag:s22] =	ssyncset.done $0x0  }
0x326: {  	s25 =	simm.s32 $0xC40;
	s30 =	simm.s32 $0xCC70;
	[sflag:s22] =	ssyncadd.s32 $0xFFFFC000  }
.LBB2_26:
0x327: {  	v16 =	vmov s30  }
0x328: {  	v17 =	vmov s25;
	_ =	sdelay $0x2  }
0x329: {  	s0 =	simm.s32 $0x0  }
0x32a: {  	v18 =	vld.idx.msk [tilespmem:v16+s0+$0xFFFFFF90 ss:$0x1], $0xffff  }
0x32b: {  	v19 =	vld.idx.msk [tilespmem:v17+s0+$0xFFFFFFC0 ss:$0x1], $0xffff  }
0x32c: {  	v20 =	vld.idx.msk [tilespmem:v17+s0+$0x0 ss:$0x1], $0xffff  }
0x32d: {  	v22 =	vld.idx.msk [tilespmem:v16+s0+$0xFFFFFFD0 ss:$0x1], $0xffff  }
0x32e: {  	v23 =	vld.idx.msk [tilespmem:v17+s0+$0xFFFFFFD0 ss:$0x1], $0xffff  }
0x32f: {  	v26 =	vld.idx.msk [tilespmem:v16+s0+$0xFFFFFFA0 ss:$0x1], $0xffff  }
0x330: {  	v21 =	vld.idx.msk [tilespmem:v17+s0+$0x10 ss:$0x1], $0xffff  }
0x331: {  	v25 =	vld.idx.msk [tilespmem:v16+s0+$0xFFFFFFE0 ss:$0x1], $0xffff  }
0x332: {  	v24 =	vld.idx.msk [tilespmem:v17+s0+$0xFFFFFFE0 ss:$0x1], $0xffff  }
0x333: {  	v27 =	vld.idx.msk [tilespmem:v16+s0+$0xFFFFFFB0 ss:$0x1], $0xffff  }
0x334: {  	v28 =	vld.idx.msk [tilespmem:v17+s0+$0x20 ss:$0x1], $0xffff  }
0x335: {  	v29 =	vld.idx.msk [tilespmem:v16+s0+$0xFFFFFFF0 ss:$0x1], $0xffff  }
0x336: {  	v30 =	vld.idx.msk [tilespmem:v17+s0+$0xFFFFFFF0 ss:$0x1], $0xffff  }
0x337: {  	v32 =	vld.idx.msk [tilespmem:v16+s0+$0xFFFFFFC0 ss:$0x1], $0xffff  }
0x338: {  	s3 =	simm.s32 $0x200;
	v31 =	vld.idx.msk [tilespmem:v17+s0+$0x30 ss:$0x1], $0xffff  }
.LBB2_27:
0x339: {  	p0 =	sne.s32 s3, $0x1E00;
	v33 =	vld.idx.msk [tilespmem:v16+s0+$0x0 ss:$0x1], $0xffff;
	_ =	sdelay $0x1  }
0x33a: {  	v18 =	vsub.f32 v19, v18;
	v19 =	vsub.f32 v20, v22  }
0x33b: {  	v20 =	vsub.f32 v23, v26  }
0x33c: {  	v21 =	vsub.f32 v21, v25;
	v18 =	vmul.f32 v18, v18;
	v19 =	vmul.f32 v19, v19  }
0x33d: {  	v22 =	vsub.f32 v24, v27;
	v23 =	vsub.f32 v28, v29;
	v20 =	vmul.f32 v20, v20  }
0x33e: {  	v21 =	vmul.f32 v21, v21;
	v24 =	vsub.f32 v30, v32;
	v25 =	vsub.f32 v31, v33  }
0x33f: {  	v22 =	vmul.f32 v22, v22;
	v23 =	vmul.f32 v23, v23  }
0x340: {  	v24 =	vmul.f32 v24, v24;
	v25 =	vmul.f32 v25, v25  }
0x341: {  	v18 =	vadd.f32 v19, v18;
	v19 =	vadd.f32 v21, v20  }
0x342: {  	v20 =	vadd.f32 v23, v22;
	v21 =	vadd.f32 v25, v24;
	_ =	sdelay $0x1  }
0x343: {  	v18 =	vadd.f32 v19, v18;
	v19 =	vadd.f32 v21, v20;
	_ =	sdelay $0x1  }
0x344: {  	v18 =	vadd.f32 v19, v18;
	_ =	sdelay $0x1  }
0x345: {  	[tilespmem:s0+$0x18C00] =	vst v18;
	s0 =	sshra.s32 s3, $0x2  }
0x346: {  	v18 =	vld.idx.msk [tilespmem:v16+s0+$0xFFFFFF90 ss:$0x1], $0xffff  }
0x347: {  	v19 =	vld.idx.msk [tilespmem:v17+s0+$0xFFFFFFC0 ss:$0x1], $0xffff  }
0x348: {  	v20 =	vld.idx.msk [tilespmem:v17+s0+$0x0 ss:$0x1], $0xffff  }
0x349: {  	v22 =	vld.idx.msk [tilespmem:v16+s0+$0xFFFFFFD0 ss:$0x1], $0xffff  }
0x34a: {  	v23 =	vld.idx.msk [tilespmem:v17+s0+$0xFFFFFFD0 ss:$0x1], $0xffff  }
0x34b: {  	v26 =	vld.idx.msk [tilespmem:v16+s0+$0xFFFFFFA0 ss:$0x1], $0xffff  }
0x34c: {  	v21 =	vld.idx.msk [tilespmem:v17+s0+$0x10 ss:$0x1], $0xffff  }
0x34d: {  	v25 =	vld.idx.msk [tilespmem:v16+s0+$0xFFFFFFE0 ss:$0x1], $0xffff  }
0x34e: {  	v24 =	vld.idx.msk [tilespmem:v17+s0+$0xFFFFFFE0 ss:$0x1], $0xffff  }
0x34f: {  	v27 =	vld.idx.msk [tilespmem:v16+s0+$0xFFFFFFB0 ss:$0x1], $0xffff  }
.Ltmp12:
0x350: {  	v28 =	vld.idx.msk [tilespmem:v17+s0+$0x20 ss:$0x1], $0xffff;
	(pc) =	sbr.rel @p0 .LBB2_27-.Ltmp12, $4  }
0x351: {  	v29 =	vld.idx.msk [tilespmem:v16+s0+$0xFFFFFFF0 ss:$0x1], $0xffff  }
0x352: {  	v30 =	vld.idx.msk [tilespmem:v17+s0+$0xFFFFFFF0 ss:$0x1], $0xffff  }
0x353: {  	v32 =	vld.idx.msk [tilespmem:v16+s0+$0xFFFFFFC0 ss:$0x1], $0xffff  }
0x354: {  	s3 =	sadd.s32 $0x200, s3;
	v31 =	vld.idx.msk [tilespmem:v17+s0+$0x30 ss:$0x1], $0xffff  }
0x355: {  	_ =	sdelay $0x3  }
0x356: {  	v16 =	vld.idx.msk [tilespmem:v16+s0+$0x0 ss:$0x1], $0xffff  }
0x357: {  	v17 =	vsub.f32 v19, v18  }
0x358: {  	v44 =	vsub.f32 v20, v22;
	v45 =	vsub.f32 v23, v26  }
0x359: {  	v46 =	vsub.f32 v21, v25;
	v47 =	vsub.f32 v24, v27;
	v17 =	vmul.f32 v17, v17  }
0x35a: {  	v48 =	vsub.f32 v28, v29;
	v18 =	vmul.f32 v44, v44;
	v19 =	vmul.f32 v45, v45  }
0x35b: {  	v20 =	vmul.f32 v46, v46;
	v49 =	vsub.f32 v30, v32;
	v16 =	vsub.f32 v31, v16  }
0x35c: {  	v21 =	vmul.f32 v47, v47;
	v22 =	vmul.f32 v48, v48  }
0x35d: {  	v23 =	vmul.f32 v49, v49;
	v16 =	vmul.f32 v16, v16  }
0x35e: {  	v17 =	vadd.f32 v18, v17;
	v50 =	vadd.f32 v20, v19  }
0x35f: {  	v51 =	vadd.f32 v22, v21;
	v16 =	vadd.f32 v16, v23;
	_ =	sdelay $0x1  }
0x360: {  	v17 =	vadd.f32 v50, v17;
	v16 =	vadd.f32 v16, v51;
	_ =	sdelay $0x1  }
0x361: {  	v16 =	vadd.f32 v16, v17;
	_ =	sdelay $0x1  }
0x362: {  	[tilespmem:s0+$0x18C00] =	vst v16  }
0x363: {  	v16 =	vld.idx.msk [tilespmem:v0+s28+$0x0], $0xffff;
	_ =	sdelay $0x1  }
0x364: {  	v17 =	vld.idx.msk [tilespmem:v1+s28+$0x0], $0xffff;
	_ =	sdelay $0x1  }
0x365: {  	v52 =	vld.idx.msk [tilespmem:v2+s28+$0x0], $0xffff  }
0x366: {  	v16 =	vadd.f32 $0.0e+00, v16  }
0x367: {  	v53 =	vld.idx.msk [tilespmem:v3+s28+$0x0], $0xffff  }
0x368: {  	v16 =	vadd.f32 v17, v16  }
0x369: {  	v17 =	vld.idx.msk [tilespmem:v4+s28+$0x0], $0xffff  }
0x36a: {  	v16 =	vadd.f32 v52, v16  }
0x36b: {  	v54 =	vld.idx.msk [tilespmem:v5+s28+$0x0], $0xffff  }
0x36c: {  	v16 =	vadd.f32 v53, v16  }
0x36d: {  	v55 =	vld.idx.msk [tilespmem:v6+s28+$0x0], $0xffff  }
0x36e: {  	v16 =	vadd.f32 v17, v16  }
0x36f: {  	v17 =	vld.idx.msk [tilespmem:v7+s28+$0x0], $0xffff  }
0x370: {  	v16 =	vadd.f32 v54, v16  }
0x371: {  	v56 =	vld.idx.msk [tilespmem:v8+s28+$0x0], $0xffff  }
0x372: {  	v16 =	vadd.f32 v55, v16  }
0x373: {  	v57 =	vld.idx.msk [tilespmem:v9+s28+$0x0], $0xffff  }
0x374: {  	v16 =	vadd.f32 v17, v16  }
0x375: {  	v17 =	vld.idx.msk [tilespmem:v10+s28+$0x0], $0xffff  }
0x376: {  	v16 =	vadd.f32 v56, v16  }
0x377: {  	v58 =	vld.idx.msk [tilespmem:v11+s28+$0x0], $0xffff  }
0x378: {  	v16 =	vadd.f32 v57, v16  }
0x379: {  	v59 =	vld.idx.msk [tilespmem:v12+s28+$0x0], $0xffff  }
0x37a: {  	v16 =	vadd.f32 v17, v16  }
0x37b: {  	v17 =	vld.idx.msk [tilespmem:v13+s28+$0x0], $0xffff  }
0x37c: {  	v16 =	vadd.f32 v58, v16  }
0x37d: {  	v60 =	vld.idx.msk [tilespmem:v14+s28+$0x0], $0xffff  }
0x37e: {  	v16 =	vadd.f32 v59, v16  }
0x37f: {  	v61 =	vld.idx.msk [tilespmem:v15+s28+$0x0], $0xffff  }
0x380: {  	v16 =	vadd.f32 v17, v16;
	_ =	sdelay $0x1  }
0x381: {  	v16 =	vadd.f32 v60, v16;
	_ =	sdelay $0x1  }
0x382: {  	v16 =	vadd.f32 v61, v16;
	_ =	sdelay $0x1  }
0x383: {  	v16 =	vmax.f32 v16, $1.000000000e-30  }
0x384: {  	v17 =	vshra.s32 v16, $0x1;
	v62 =	vmul.f32 $5.000000000e-01, v16  }
0x385: {  	v17 =	vsub.s32 $0x5F3759DF, v17  }
0x386: {  	v63 =	vmul.f32 v17, v62;
	_ =	sdelay $0x1  }
0x387: {  	v19 =	vmul.f32 v17, v63;
	_ =	sdelay $0x1  }
0x388: {  	v19 =	vsub.f32 $1.500000000e+00, v19;
	_ =	sdelay $0x1  }
0x389: {  	v17 =	vmul.f32 v17, v19;
	_ =	sdelay $0x1  }
0x38a: {  	v19 =	vmul.f32 v17, v62;
	_ =	sdelay $0x1  }
0x38b: {  	v19 =	vmul.f32 v19, v17;
	_ =	sdelay $0x1  }
0x38c: {  	v19 =	vsub.f32 $1.500000000e+00, v19;
	_ =	sdelay $0x1  }
0x38d: {  	v17 =	vmul.f32 v19, v17;
	_ =	sdelay $0x1  }
0x38e: {  	v18 =	vmul.f32 v17, v62;
	_ =	sdelay $0x1  }
0x38f: {  	v18 =	vmul.f32 v18, v17;
	_ =	sdelay $0x1  }
0x390: {  	s3 =	sshll.u32 s23, $0x4;
	s23 =	sadd.s32 $0x1, s23;
	v18 =	vsub.f32 $1.500000000e+00, v18  }
0x391: {  	p0 =	sne.s32 s23, $0x8  }
.Ltmp13:
0x392: {  	v17 =	vmul.f32 v18, v17;
	(pc) =	sbr.rel @p0 .LBB2_26-.Ltmp13, $4  }
0x393: {  	_ = 	snop  }
0x394: {  	v16 =	vmul.f32 v17, v16  }
0x395: {  	s0 =	sand.u32 $0x3FFFFFF0, s3  }
0x396: {  	s25 =	sadd.s32 $0x800, s25;
	s30 =	sadd.s32 $0x800, s30;
	[tilespmem:s0+$0x19700] =	vst v16  }
0x397: {  	_ =	swait.ge [sflag:s20], $0x4000  }
0x398: {  	[sflag:s20] =	ssyncset.done $0x0  }
0x399: {  	[sflag:s20] =	ssyncadd.s32 $0xFFFFC000  }
0x39a: {  	_ =	swait.ge [sflag:s31], $0x4000  }
0x39b: {  	s23 =	simm.s32 $0x0;
	[sflag:s31] =	ssyncset.done $0x0  }
0x39c: {  	s25 =	simm.s32 $0xC00;
	s30 =	simm.s32 $0xCC00;
	[sflag:s31] =	ssyncadd.s32 $0xFFFFC000  }
.LBB2_30:
0x39d: {  	v16 =	vmov s30  }
0x39e: {  	v17 =	vmov s25;
	_ =	sdelay $0x2  }
0x39f: {  	s0 =	simm.s32 $0x0  }
0x3a0: {  	v18 =	vld.idx.msk [tilespmem:v16+s0+$0x4000 ss:$0x1], $0xffff  }
0x3a1: {  	v19 =	vld.idx.msk [tilespmem:v17+s0+$0x4000 ss:$0x1], $0xffff  }
0x3a2: {  	v20 =	vld.idx.msk [tilespmem:v17+s0+$0x4040 ss:$0x1], $0xffff  }
0x3a3: {  	v22 =	vld.idx.msk [tilespmem:v16+s0+$0x4040 ss:$0x1], $0xffff  }
0x3a4: {  	v23 =	vld.idx.msk [tilespmem:v17+s0+$0x4010 ss:$0x1], $0xffff  }
0x3a5: {  	v26 =	vld.idx.msk [tilespmem:v16+s0+$0x4010 ss:$0x1], $0xffff  }
0x3a6: {  	v21 =	vld.idx.msk [tilespmem:v17+s0+$0x4050 ss:$0x1], $0xffff  }
0x3a7: {  	v25 =	vld.idx.msk [tilespmem:v16+s0+$0x4050 ss:$0x1], $0xffff  }
0x3a8: {  	v24 =	vld.idx.msk [tilespmem:v17+s0+$0x4020 ss:$0x1], $0xffff  }
0x3a9: {  	v27 =	vld.idx.msk [tilespmem:v16+s0+$0x4020 ss:$0x1], $0xffff  }
0x3aa: {  	v28 =	vld.idx.msk [tilespmem:v17+s0+$0x4060 ss:$0x1], $0xffff  }
0x3ab: {  	v29 =	vld.idx.msk [tilespmem:v16+s0+$0x4060 ss:$0x1], $0xffff  }
0x3ac: {  	v30 =	vld.idx.msk [tilespmem:v17+s0+$0x4030 ss:$0x1], $0xffff  }
0x3ad: {  	v32 =	vld.idx.msk [tilespmem:v16+s0+$0x4030 ss:$0x1], $0xffff  }
0x3ae: {  	s3 =	simm.s32 $0x200;
	v31 =	vld.idx.msk [tilespmem:v17+s0+$0x4070 ss:$0x1], $0xffff  }
.LBB2_31:
0x3af: {  	p0 =	sne.s32 s3, $0x1E00;
	v33 =	vld.idx.msk [tilespmem:v16+s0+$0x4070 ss:$0x1], $0xffff;
	_ =	sdelay $0x1  }
0x3b0: {  	v18 =	vsub.f32 v19, v18;
	v19 =	vsub.f32 v20, v22  }
0x3b1: {  	v20 =	vsub.f32 v23, v26  }
0x3b2: {  	v21 =	vsub.f32 v21, v25;
	v18 =	vmul.f32 v18, v18;
	v19 =	vmul.f32 v19, v19  }
0x3b3: {  	v22 =	vsub.f32 v24, v27;
	v23 =	vsub.f32 v28, v29;
	v20 =	vmul.f32 v20, v20  }
0x3b4: {  	v21 =	vmul.f32 v21, v21;
	v24 =	vsub.f32 v30, v32;
	v25 =	vsub.f32 v31, v33  }
0x3b5: {  	v22 =	vmul.f32 v22, v22;
	v23 =	vmul.f32 v23, v23  }
0x3b6: {  	v24 =	vmul.f32 v24, v24;
	v25 =	vmul.f32 v25, v25  }
0x3b7: {  	v18 =	vadd.f32 v19, v18;
	v19 =	vadd.f32 v21, v20  }
0x3b8: {  	v20 =	vadd.f32 v23, v22;
	v21 =	vadd.f32 v25, v24;
	_ =	sdelay $0x1  }
0x3b9: {  	v18 =	vadd.f32 v19, v18;
	v19 =	vadd.f32 v21, v20;
	_ =	sdelay $0x1  }
0x3ba: {  	v18 =	vadd.f32 v19, v18;
	_ =	sdelay $0x1  }
0x3bb: {  	[tilespmem:s0+$0x18C00] =	vst v18;
	s0 =	sshra.s32 s3, $0x2  }
0x3bc: {  	v18 =	vld.idx.msk [tilespmem:v16+s0+$0x4000 ss:$0x1], $0xffff  }
0x3bd: {  	v19 =	vld.idx.msk [tilespmem:v17+s0+$0x4000 ss:$0x1], $0xffff  }
0x3be: {  	v20 =	vld.idx.msk [tilespmem:v17+s0+$0x4040 ss:$0x1], $0xffff  }
0x3bf: {  	v22 =	vld.idx.msk [tilespmem:v16+s0+$0x4040 ss:$0x1], $0xffff  }
0x3c0: {  	v23 =	vld.idx.msk [tilespmem:v17+s0+$0x4010 ss:$0x1], $0xffff  }
0x3c1: {  	v26 =	vld.idx.msk [tilespmem:v16+s0+$0x4010 ss:$0x1], $0xffff  }
0x3c2: {  	v21 =	vld.idx.msk [tilespmem:v17+s0+$0x4050 ss:$0x1], $0xffff  }
0x3c3: {  	v25 =	vld.idx.msk [tilespmem:v16+s0+$0x4050 ss:$0x1], $0xffff  }
0x3c4: {  	v24 =	vld.idx.msk [tilespmem:v17+s0+$0x4020 ss:$0x1], $0xffff  }
0x3c5: {  	v27 =	vld.idx.msk [tilespmem:v16+s0+$0x4020 ss:$0x1], $0xffff  }
.Ltmp14:
0x3c6: {  	v28 =	vld.idx.msk [tilespmem:v17+s0+$0x4060 ss:$0x1], $0xffff;
	(pc) =	sbr.rel @p0 .LBB2_31-.Ltmp14, $4  }
0x3c7: {  	v29 =	vld.idx.msk [tilespmem:v16+s0+$0x4060 ss:$0x1], $0xffff  }
0x3c8: {  	v30 =	vld.idx.msk [tilespmem:v17+s0+$0x4030 ss:$0x1], $0xffff  }
0x3c9: {  	v32 =	vld.idx.msk [tilespmem:v16+s0+$0x4030 ss:$0x1], $0xffff  }
0x3ca: {  	s3 =	sadd.s32 $0x200, s3;
	v31 =	vld.idx.msk [tilespmem:v17+s0+$0x4070 ss:$0x1], $0xffff  }
0x3cb: {  	_ =	sdelay $0x3  }
0x3cc: {  	v16 =	vld.idx.msk [tilespmem:v16+s0+$0x4070 ss:$0x1], $0xffff  }
0x3cd: {  	v17 =	vsub.f32 v19, v18  }
0x3ce: {  	v44 =	vsub.f32 v20, v22;
	v45 =	vsub.f32 v23, v26  }
0x3cf: {  	v46 =	vsub.f32 v21, v25;
	v47 =	vsub.f32 v24, v27;
	v17 =	vmul.f32 v17, v17  }
0x3d0: {  	v48 =	vsub.f32 v28, v29;
	v18 =	vmul.f32 v44, v44;
	v19 =	vmul.f32 v45, v45  }
0x3d1: {  	v20 =	vmul.f32 v46, v46;
	v49 =	vsub.f32 v30, v32;
	v16 =	vsub.f32 v31, v16  }
0x3d2: {  	v21 =	vmul.f32 v47, v47;
	v22 =	vmul.f32 v48, v48  }
0x3d3: {  	v23 =	vmul.f32 v49, v49;
	v16 =	vmul.f32 v16, v16  }
0x3d4: {  	v17 =	vadd.f32 v18, v17;
	v50 =	vadd.f32 v20, v19  }
0x3d5: {  	v51 =	vadd.f32 v22, v21;
	v16 =	vadd.f32 v16, v23;
	_ =	sdelay $0x1  }
0x3d6: {  	v17 =	vadd.f32 v50, v17;
	v16 =	vadd.f32 v16, v51;
	_ =	sdelay $0x1  }
0x3d7: {  	v16 =	vadd.f32 v16, v17;
	_ =	sdelay $0x1  }
0x3d8: {  	[tilespmem:s0+$0x18C00] =	vst v16  }
0x3d9: {  	v16 =	vld.idx.msk [tilespmem:v0+s28+$0x0], $0xffff;
	_ =	sdelay $0x1  }
0x3da: {  	v17 =	vld.idx.msk [tilespmem:v1+s28+$0x0], $0xffff;
	_ =	sdelay $0x1  }
0x3db: {  	v52 =	vld.idx.msk [tilespmem:v2+s28+$0x0], $0xffff  }
0x3dc: {  	v16 =	vadd.f32 $0.0e+00, v16  }
0x3dd: {  	v53 =	vld.idx.msk [tilespmem:v3+s28+$0x0], $0xffff  }
0x3de: {  	v16 =	vadd.f32 v17, v16  }
0x3df: {  	v17 =	vld.idx.msk [tilespmem:v4+s28+$0x0], $0xffff  }
0x3e0: {  	v16 =	vadd.f32 v52, v16  }
0x3e1: {  	v54 =	vld.idx.msk [tilespmem:v5+s28+$0x0], $0xffff  }
0x3e2: {  	v16 =	vadd.f32 v53, v16  }
0x3e3: {  	v55 =	vld.idx.msk [tilespmem:v6+s28+$0x0], $0xffff  }
0x3e4: {  	v16 =	vadd.f32 v17, v16  }
0x3e5: {  	v17 =	vld.idx.msk [tilespmem:v7+s28+$0x0], $0xffff  }
0x3e6: {  	v16 =	vadd.f32 v54, v16  }
0x3e7: {  	v56 =	vld.idx.msk [tilespmem:v8+s28+$0x0], $0xffff  }
0x3e8: {  	v16 =	vadd.f32 v55, v16  }
0x3e9: {  	v57 =	vld.idx.msk [tilespmem:v9+s28+$0x0], $0xffff  }
0x3ea: {  	v16 =	vadd.f32 v17, v16  }
0x3eb: {  	v17 =	vld.idx.msk [tilespmem:v10+s28+$0x0], $0xffff  }
0x3ec: {  	v16 =	vadd.f32 v56, v16  }
0x3ed: {  	v58 =	vld.idx.msk [tilespmem:v11+s28+$0x0], $0xffff  }
0x3ee: {  	v16 =	vadd.f32 v57, v16  }
0x3ef: {  	v59 =	vld.idx.msk [tilespmem:v12+s28+$0x0], $0xffff  }
0x3f0: {  	v16 =	vadd.f32 v17, v16  }
0x3f1: {  	v17 =	vld.idx.msk [tilespmem:v13+s28+$0x0], $0xffff  }
0x3f2: {  	v16 =	vadd.f32 v58, v16  }
0x3f3: {  	v60 =	vld.idx.msk [tilespmem:v14+s28+$0x0], $0xffff  }
0x3f4: {  	v16 =	vadd.f32 v59, v16  }
0x3f5: {  	v61 =	vld.idx.msk [tilespmem:v15+s28+$0x0], $0xffff  }
0x3f6: {  	v16 =	vadd.f32 v17, v16;
	_ =	sdelay $0x1  }
0x3f7: {  	v16 =	vadd.f32 v60, v16;
	_ =	sdelay $0x1  }
0x3f8: {  	v16 =	vadd.f32 v61, v16;
	_ =	sdelay $0x1  }
0x3f9: {  	v16 =	vmax.f32 v16, $1.000000000e-30  }
0x3fa: {  	v17 =	vshra.s32 v16, $0x1;
	v62 =	vmul.f32 $5.000000000e-01, v16  }
0x3fb: {  	v17 =	vsub.s32 $0x5F3759DF, v17  }
0x3fc: {  	v63 =	vmul.f32 v17, v62;
	_ =	sdelay $0x1  }
0x3fd: {  	v19 =	vmul.f32 v17, v63;
	_ =	sdelay $0x1  }
0x3fe: {  	v19 =	vsub.f32 $1.500000000e+00, v19;
	_ =	sdelay $0x1  }
0x3ff: {  	v17 =	vmul.f32 v17, v19;
	_ =	sdelay $0x1  }
0x400: {  	v19 =	vmul.f32 v17, v62;
	_ =	sdelay $0x1  }
0x401: {  	v19 =	vmul.f32 v19, v17;
	_ =	sdelay $0x1  }
0x402: {  	v19 =	vsub.f32 $1.500000000e+00, v19;
	_ =	sdelay $0x1  }
0x403: {  	v17 =	vmul.f32 v19, v17;
	_ =	sdelay $0x1  }
0x404: {  	v18 =	vmul.f32 v17, v62;
	_ =	sdelay $0x1  }
0x405: {  	v18 =	vmul.f32 v18, v17;
	_ =	sdelay $0x1  }
0x406: {  	s3 =	sshll.u32 s23, $0x4;
	s23 =	sadd.s32 $0x1, s23;
	v18 =	vsub.f32 $1.500000000e+00, v18  }
0x407: {  	p0 =	sne.s32 s23, $0x8  }
.Ltmp15:
0x408: {  	v17 =	vmul.f32 v18, v17;
	(pc) =	sbr.rel @p0 .LBB2_30-.Ltmp15, $4  }
0x409: {  	_ = 	snop  }
0x40a: {  	v16 =	vmul.f32 v17, v16  }
0x40b: {  	s0 =	sand.u32 $0x3FFFFFF0, s3  }
0x40c: {  	s25 =	sadd.s32 $0x800, s25;
	s30 =	sadd.s32 $0x800, s30;
	[tilespmem:s0+$0x19780] =	vst v16  }
0x40d: {  	s21 =	sadd.s32 $0x1, s21  }
0x40e: {  	p0 =	sne.s32 s21, s9  }
.Ltmp16:
0x40f: {  	s0 =	simm.s32 $0x19400;
	(pc) =	sbr.rel @p0 .LBB2_1-.Ltmp16, $4  }
0x410: {  	[hbm4b:s8+s4] =	stream.linear.scatter [tilespmem:s0], [sflag:$0x8], $0x400, $0x38;
	[tilespmem:$0x19800] =	vst v63  }
0x411: {  	_ =	swait.ge [sflag:s15], $0x400  }
0x412: {  	[sflag:s15] =	ssyncset.done $0x0  }
0x413: {  	[sflag:s15] =	ssyncadd.s32 $0xFFFFFC00  }
0x414: {  	_ =	sfence.sel $0x180000  }
0x415: {  	[bflag:$0x0] =	sbarrier.arrive $0xFFFF  }
0x416: {  	_ =	strace $0x90000047  }
0x417: {  	s0 =	stileid.u32;
	[bflag:$0x2] =	sbarrier.arrive $0xFFFF  }
0x418: {  	p0 =	sne.s32 s0, $0x0;
	s0 =	rddreg [dreg:$0x6]  }
0x419: {  	s0 =	sadd.s32 @!p0 $0x100000, s0  }
0x41a: {  	[sflag:s0] =	ssyncadd.tile.s32 @!p0 $0x1;
	_ =	shalt  }
.Lfunc_end2:
_tile_overlayer_lowered:
.L_overlay_start_2:
0x41b: {  	(tag) =	ssettag $0x2  }
0x41c: {  	s0 =	rddreg [dreg:$0x0];
	s2 =	stileid.u32  }
0x41d: {  	s1 =	rddreg [dreg:$0x1];
	p0 =	sne.s32 s2, $0x0  }
0x41e: {  	s3 =	rddreg [dreg:$0x2];
	[bflag:$0x3] =	sbarrier.arrive $0xFFFF;
	s2 =	simm.s32 @!p0 $0x1C08  }
0x41f: {  	[timem:s3], [sflag:s2] =	dma.local @!p0 [hbm:s0], s1  }
0x420: {  	s0 =	simm.s32 @!p0 $0x8  }
0x421: {  	_ =	swait.ge @!p0 [sflag:s0], s1  }
0x422: {  	s1 =	ssub.s32 @!p0 $0x0, s1;
	[sflag:s0] =	ssyncset.done @!p0 $0x0  }
0x423: {  	[sflag:s0] =	ssyncadd.s32 @!p0 s1  }
0x424: {  	[bflag:$0x3] =	sbarrier.arrive $0xFFFF  }
0x425: {  	_ =	shalt  }

</sc_bundles>
